<compile_context>
chip_gen: v7x
topology: tpu7x:2x2x1
jax: 0.10.2.dev20260603
libtpu: 0.0.44.dev20260713+nightly
codegen_flags: <defaults>
</compile_context>

<pallas_src>
import functools

import jax
import jax.numpy as jnp
from jax import lax
from jax.experimental import pallas as pl
from jax.experimental.pallas import tpu as pltpu
from jax.experimental.pallas import tpu_sc as plsc

N = 100000
EMB_DIM = 64
D_FEAT = 128
OUT_DIM = EMB_DIM + D_FEAT
BM = 2048
HB = BM // 2
NG = -(-N // BM)
NP = NG * BM
PP = NP // 2

RP = 256
NW = 32
DEPTH = 3
CHUNKS = [5, 11, 11, 11, 11]


def _sc_gather_body(b0, nbp, maxj, ids_hbm, table_hbm, emb2_hbm,
                    idx_v, lo_v, hi_v, *sems):
    NBP, MAXJ = nbp, maxj
    wid = lax.axis_index("s") * 2 + lax.axis_index("c")

    def sem(p, k):
        return sems[p * 5 + k]

    def blk(j):
        return wid + j * NW

    def lo_base(j):
        g = b0 * (HB // RP) + blk(j)
        return (g // (HB // RP)) * BM + (g % (HB // RP)) * RP

    def front(j):
        p = j % DEPTH

        @pl.when(blk(j) < NBP)
        def _():
            lob = lo_base(j)
            pltpu.make_async_copy(
                ids_hbm.at[pl.ds(lob, RP)], idx_v.at[p, pl.ds(0, RP)],
                sem(p, 0)).start()
            pltpu.make_async_copy(
                ids_hbm.at[pl.ds(lob + HB, RP)], idx_v.at[p, pl.ds(RP, RP)],
                sem(p, 0)).start()

    def mid(j):
        p = j % DEPTH

        @pl.when(blk(j) < NBP)
        def _():
            lob = lo_base(j)
            pltpu.make_async_copy(
                ids_hbm.at[pl.ds(lob, RP)], idx_v.at[p, pl.ds(0, RP)],
                sem(p, 0)).wait()
            pltpu.make_async_copy(
                ids_hbm.at[pl.ds(lob + HB, RP)], idx_v.at[p, pl.ds(RP, RP)],
                sem(p, 0)).wait()
            pltpu.make_async_copy(
                table_hbm.at[idx_v.at[p, pl.ds(0, RP)]],
                lo_v.at[p], sem(p, 1)).start()
            pltpu.make_async_copy(
                table_hbm.at[idx_v.at[p, pl.ds(RP, RP)]],
                hi_v.at[p], sem(p, 2)).start()

    def back(j):
        p = j % DEPTH

        @pl.when(blk(j) < NBP)
        def _():
            base = blk(j) * RP
            pltpu.make_async_copy(
                table_hbm.at[idx_v.at[p, pl.ds(0, RP)]],
                lo_v.at[p], sem(p, 1)).wait()
            pltpu.make_async_copy(
                table_hbm.at[idx_v.at[p, pl.ds(RP, RP)]],
                hi_v.at[p], sem(p, 2)).wait()
            pltpu.make_async_copy(
                lo_v.at[p],
                emb2_hbm.at[pl.ds(base, RP), pl.ds(0, EMB_DIM)],
                sem(p, 3)).start()
            pltpu.make_async_copy(
                hi_v.at[p],
                emb2_hbm.at[pl.ds(base, RP), pl.ds(EMB_DIM, EMB_DIM)],
                sem(p, 4)).start()

    def drain(j):
        p = j % DEPTH

        @pl.when(blk(j) < NBP)
        def _():
            base = blk(j) * RP
            pltpu.make_async_copy(
                lo_v.at[p],
                emb2_hbm.at[pl.ds(base, RP), pl.ds(0, EMB_DIM)],
                sem(p, 3)).wait()
            pltpu.make_async_copy(
                hi_v.at[p],
                emb2_hbm.at[pl.ds(base, RP), pl.ds(EMB_DIM, EMB_DIM)],
                sem(p, 4)).wait()

    for step in range(MAXJ + DEPTH):
        jd = step - DEPTH
        if 0 <= jd < MAXJ:
            drain(jd)
        if step < MAXJ:
            front(step)
        jm = step - 1
        if 0 <= jm < MAXJ:
            mid(jm)
        jb = step - 2
        if 0 <= jb < MAXJ:
            back(jb)


def _sc_gather(b0, nb, ids_p, embed_weight):
    pp = nb * HB
    nbp = pp // RP
    maxj = -(-nbp // NW)
    mesh = plsc.VectorSubcoreMesh(core_axis_name="c", subcore_axis_name="s")
    return pl.kernel(
        functools.partial(_sc_gather_body, b0, nbp, maxj),
        mesh=mesh,
        out_type=jax.ShapeDtypeStruct((pp, 2 * EMB_DIM), jnp.float32),
        scratch_types=[
            pltpu.VMEM((DEPTH, 2 * RP), jnp.int32),
            pltpu.VMEM((DEPTH, RP, EMB_DIM), jnp.float32),
            pltpu.VMEM((DEPTH, RP, EMB_DIM), jnp.float32),
        ] + [pltpu.SemaphoreType.DMA] * (DEPTH * 5),
        compiler_params=pltpu.CompilerParams(use_tc_tiling_on_sc=False),
    )(ids_p, embed_weight)


def _tc_concat_body(emb2_ref, feats_ref, *rest):
    out_ref = rest[-1]
    e = emb2_ref[...]
    f = feats_ref[...]
    et = e.T
    emb_part = jnp.concatenate(
        [et[:EMB_DIM, :], et[EMB_DIM:, :]], axis=1)
    out_ref[...] = jnp.concatenate(
        [emb_part, f.T], axis=0)


def _tc_concat(b0, nb, emb2_c, feats, out_prev):
    in_specs = [
        pl.BlockSpec((HB, 2 * EMB_DIM), lambda i: (i, 0)),
        pl.BlockSpec((BM, D_FEAT), lambda i: (b0 + i, 0)),
    ]
    args = [emb2_c, feats]
    alias = {}
    if out_prev is not None:
        in_specs.append(pl.BlockSpec(memory_space=pl.ANY))
        args.append(out_prev)
        alias = {2: 0}
    return pl.pallas_call(
        _tc_concat_body,
        grid=(nb,),
        in_specs=in_specs,
        out_specs=pl.BlockSpec((OUT_DIM, BM), lambda i: (0, b0 + i)),
        out_shape=jax.ShapeDtypeStruct((OUT_DIM, N), jnp.float32),
        input_output_aliases=alias,
    )(*args)


@jax.jit
def _feature_prep(ids, feats, embed_weight):
    ids_p = jnp.pad(ids, (0, NP - N))
    emb2 = []
    b0 = 0
    for nb in CHUNKS:
        emb2.append(_sc_gather(b0, nb, ids_p, embed_weight))
        b0 += nb
    out_t = None
    b0 = 0
    for c, nb in enumerate(CHUNKS):
        out_t = _tc_concat(b0, nb, emb2[c], feats, out_t)
        b0 += nb
    return out_t.T


def kernel(ids, feats, embed_weight):
    return _feature_prep(ids.astype(jnp.int32), feats, embed_weight)

# --- scband reference (transcript-rebuilt; emitter-appended) ---
"""Pipeline reference for scband-feature-prep-23244363006054 (READ-ONLY COPY).

The authoritative reference and input builder live on the scoring server;
editing this copy changes nothing except your own understanding.
"""

import jax, jax.numpy as jnp
import numpy as np

NUM_TYPES = 1000
EMB_DIM = 64
N = 100000
D_FEAT = 128

def setup_inputs(seed: int = 0) -> dict:
    key = jax.random.key(seed)
    k1, k2, k3 = jax.random.split(key, 3)
    ids = jax.random.randint(k1, (N,), 0, NUM_TYPES, dtype=jnp.int64)
    feats = jax.random.normal(k2, (N, D_FEAT), dtype=jnp.float32)
    # nn.Embedding default init: N(0, 1)
    embed_weight = jax.random.normal(k3, (NUM_TYPES, EMB_DIM), dtype=jnp.float32)
    return {"ids": ids, "feats": feats, "embed_weight": embed_weight}

def reference(ids, feats, embed_weight):
    emb = jnp.take(embed_weight, ids, axis=0)
    return jnp.concatenate([emb, feats], axis=-1)

if __name__ == "__main__":
    import jax
    _d = setup_inputs()
    print(jax.jit(kernel)(*tuple(_d.values())))

</pallas_src>

<mosaic_0001>
#map = affine_map<(d0, d1) -> (0)>
#map1 = affine_map<(d0, d1) -> (0, 0)>
module attributes {stable_mosaic.version = 14 : i64} {
  func.func @_sc_gather_body(%arg0: i32, %arg1: i32, %arg2: memref<100352xi32, #tpu.memory_space<hbm>>, %arg3: memref<1000x64xf32, #tpu.memory_space<hbm>>, %arg4: memref<11264x128xf32, #tpu.memory_space<hbm>>, %arg5: memref<3x512xi32, #tpu.memory_space<vmem>>, %arg6: memref<3x256x64xf32, #tpu.memory_space<vmem>>, %arg7: memref<3x256x64xf32, #tpu.memory_space<vmem>>, %arg8: memref<!tpu.dma_semaphore, #tpu.memory_space<semaphore_mem>>, %arg9: memref<!tpu.dma_semaphore, #tpu.memory_space<semaphore_mem>>, %arg10: memref<!tpu.dma_semaphore, #tpu.memory_space<semaphore_mem>>, %arg11: memref<!tpu.dma_semaphore, #tpu.memory_space<semaphore_mem>>, %arg12: memref<!tpu.dma_semaphore, #tpu.memory_space<semaphore_mem>>, %arg13: memref<!tpu.dma_semaphore, #tpu.memory_space<semaphore_mem>>, %arg14: memref<!tpu.dma_semaphore, #tpu.memory_space<semaphore_mem>>, %arg15: memref<!tpu.dma_semaphore, #tpu.memory_space<semaphore_mem>>, %arg16: memref<!tpu.dma_semaphore, #tpu.memory_space<semaphore_mem>>, %arg17: memref<!tpu.dma_semaphore, #tpu.memory_space<semaphore_mem>>, %arg18: memref<!tpu.dma_semaphore, #tpu.memory_space<semaphore_mem>>, %arg19: memref<!tpu.dma_semaphore, #tpu.memory_space<semaphore_mem>>, %arg20: memref<!tpu.dma_semaphore, #tpu.memory_space<semaphore_mem>>, %arg21: memref<!tpu.dma_semaphore, #tpu.memory_space<semaphore_mem>>, %arg22: memref<!tpu.dma_semaphore, #tpu.memory_space<semaphore_mem>>) attributes {dimension_semantics = [#tpu.dimension_semantics<core_parallel>, #tpu.dimension_semantics<subcore_parallel>], iteration_bounds = array<i64: 2, 16>, scalar_prefetch = 0 : i64, scratch_operands = 18 : i64, tpu.core_type = #tpu.core_type<sc_vector_subcore>, window_params = [{transform_indices = #map}, {transform_indices = #map1}, {transform_indices = #map1}]} {
    %mul3A = arith.constant 2 : i32
    %mul3A_0 = arith.muli %arg1, %mul3A : i32
    %add3A = arith.addi %mul3A_0, %arg0 : i32
    %add3A_1 = arith.constant 0 : i32
    %add3A_2 = arith.addi %add3A, %add3A_1 : i32
    %lt3A = arith.constant 44 : i32
    %lt3A_3 = arith.cmpi slt, %add3A_2, %lt3A : i32
    %convert_element_type3A = arith.extui %lt3A_3 : i1 to i32
    %cond3A = arith.constant 0 : i32
    %cond3A_4 = arith.cmpi ne, %convert_element_type3A, %cond3A : i32
    scf.if %cond3A_4 {
      %add3A_54 = arith.constant 0 : i32
      %add3A_55 = arith.addi %add3A, %add3A_54 : i32
      %add3A_56 = arith.constant 108 : i32
      %add3A_57 = arith.addi %add3A_56, %add3A_55 : i32
      %jit3A = arith.constant 4 : i32
      %div3A = arith.divsi %add3A_57, %jit3A : i32
      %sign3A = arith.constant 0 : i32
      %sign3A_58 = arith.cmpi sgt, %add3A_57, %sign3A : i32
      %sign3A_59 = arith.extui %sign3A_58 : i1 to i32
      %sign3A_60 = arith.constant 0 : i32
      %sign3A_61 = arith.cmpi slt, %add3A_57, %sign3A_60 : i32
      %sign3A_62 = arith.extui %sign3A_61 : i1 to i32
      %sign3A_63 = arith.subi %sign3A_59, %sign3A_62 : i32
      %sign3A_64 = arith.constant 0 : i32
      %sign3A_65 = arith.cmpi sgt, %jit3A, %sign3A_64 : i32
      %sign3A_66 = arith.extui %sign3A_65 : i1 to i32
      %sign3A_67 = arith.constant 0 : i32
      %sign3A_68 = arith.cmpi slt, %jit3A, %sign3A_67 : i32
      %sign3A_69 = arith.extui %sign3A_68 : i1 to i32
      %sign3A_70 = arith.subi %sign3A_66, %sign3A_69 : i32
      %ne3A = arith.cmpi ne, %sign3A_63, %sign3A_70 : i32
      %rem3A = arith.remsi %add3A_57, %jit3A : i32
      %ne3A_71 = arith.constant 0 : i32
      %ne3A_72 = arith.cmpi ne, %rem3A, %ne3A_71 : i32
      %and3A = arith.andi %ne3A, %ne3A_72 : i1
      %sub3A = arith.constant 1 : i32
      %sub3A_73 = arith.subi %div3A, %sub3A : i32
      %select_n3A = arith.select %and3A, %sub3A_73, %div3A : i32
      %mul3A_74 = arith.constant 2048 : i32
      %mul3A_75 = arith.muli %select_n3A, %mul3A_74 : i32
      %jit3A_76 = arith.constant 4 : i32
      %eq3A = arith.constant 0 : i32
      %eq3A_77 = arith.cmpi eq, %jit3A_76, %eq3A : i32
      %jit3A_78 = arith.constant 1 : i32
      %select_n3A_79 = arith.select %eq3A_77, %jit3A_78, %jit3A_76 : i32
      %rem3A_80 = arith.remsi %add3A_57, %select_n3A_79 : i32
      %ne3A_81 = arith.constant 0 : i32
      %ne3A_82 = arith.cmpi ne, %rem3A_80, %ne3A_81 : i32
      %lt3A_83 = arith.constant 0 : i32
      %lt3A_84 = arith.cmpi slt, %rem3A_80, %lt3A_83 : i32
      %lt3A_85 = arith.constant 0 : i32
      %lt3A_86 = arith.cmpi slt, %select_n3A_79, %lt3A_85 : i32
      %ne3A_87 = arith.xori %lt3A_84, %lt3A_86 : i1
      %and3A_88 = arith.andi %ne3A_87, %ne3A_82 : i1
      %add3A_89 = arith.addi %rem3A_80, %select_n3A_79 : i32
      %select_n3A_90 = arith.select %and3A_88, %add3A_89, %rem3A_80 : i32
      %mul3A_91 = arith.constant 256 : i32
      %mul3A_92 = arith.muli %select_n3A_90, %mul3A_91 : i32
      %add3A_93 = arith.addi %mul3A_75, %mul3A_92 : i32
      %dma_start3A = arith.constant 0 : i32
      %dma_start3A_94 = arith.constant 0 : i32
      %dma_start3A_95 = tpu.memref_slice %arg5[%dma_start3A, %dma_start3A_94] : memref<3x512xi32, #tpu.memory_space<vmem>> -> memref<1x256xi32, #tpu.memory_space<vmem>>
      %dma_start3A_96 = tpu.memref_squeeze %dma_start3A_95 : memref<1x256xi32, #tpu.memory_space<vmem>> -> memref<256xi32, #tpu.memory_space<vmem>>
      %dma_start3A_97 = tpu.memref_slice %arg2[%add3A_93] : memref<100352xi32, #tpu.memory_space<hbm>> -> memref<256xi32, #tpu.memory_space<hbm>>
      %dma_start3A_98 = arith.constant 0 : i32
      %dma_start3A_99 = tpu.memref_slice %arg5[%dma_start3A, %dma_start3A_98] : memref<3x512xi32, #tpu.memory_space<vmem>> -> memref<1x256xi32, #tpu.memory_space<vmem>>
      %dma_start3A_100 = tpu.memref_squeeze %dma_start3A_99 : memref<1x256xi32, #tpu.memory_space<vmem>> -> memref<256xi32, #tpu.memory_space<vmem>>
      %dma_start3A_101 = tpu.memref_slice %arg2[%add3A_93] : memref<100352xi32, #tpu.memory_space<hbm>> -> memref<256xi32, #tpu.memory_space<hbm>>
      tpu.enqueue_dma source(%dma_start3A_101 : memref<256xi32, #tpu.memory_space<hbm>>) target(%dma_start3A_100 : memref<256xi32, #tpu.memory_space<vmem>>) target_semaphore(%arg8 : memref<!tpu.dma_semaphore, #tpu.memory_space<semaphore_mem>>)
      %add3A_102 = arith.constant 1024 : i32
      %add3A_103 = arith.addi %add3A_93, %add3A_102 : i32
      %dma_start3A_104 = arith.constant 0 : i32
      %dma_start3A_105 = arith.constant 256 : i32
      %dma_start3A_106 = tpu.memref_slice %arg5[%dma_start3A_104, %dma_start3A_105] : memref<3x512xi32, #tpu.memory_space<vmem>> -> memref<1x256xi32, #tpu.memory_space<vmem>>
      %dma_start3A_107 = tpu.memref_squeeze %dma_start3A_106 : memref<1x256xi32, #tpu.memory_space<vmem>> -> memref<256xi32, #tpu.memory_space<vmem>>
      %dma_start3A_108 = tpu.memref_slice %arg2[%add3A_103] : memref<100352xi32, #tpu.memory_space<hbm>> -> memref<256xi32, #tpu.memory_space<hbm>>
      %dma_start3A_109 = arith.constant 256 : i32
      %dma_start3A_110 = tpu.memref_slice %arg5[%dma_start3A_104, %dma_start3A_109] : memref<3x512xi32, #tpu.memory_space<vmem>> -> memref<1x256xi32, #tpu.memory_space<vmem>>
      %dma_start3A_111 = tpu.memref_squeeze %dma_start3A_110 : memref<1x256xi32, #tpu.memory_space<vmem>> -> memref<256xi32, #tpu.memory_space<vmem>>
      %dma_start3A_112 = tpu.memref_slice %arg2[%add3A_103] : memref<100352xi32, #tpu.memory_space<hbm>> -> memref<256xi32, #tpu.memory_space<hbm>>
      tpu.enqueue_dma source(%dma_start3A_112 : memref<256xi32, #tpu.memory_space<hbm>>) target(%dma_start3A_111 : memref<256xi32, #tpu.memory_space<vmem>>) target_semaphore(%arg8 : memref<!tpu.dma_semaphore, #tpu.memory_space<semaphore_mem>>)
    } else {
    }
    %add3A_5 = arith.constant 32 : i32
    %add3A_6 = arith.addi %add3A, %add3A_5 : i32
    %lt3A_7 = arith.constant 44 : i32
    %lt3A_8 = arith.cmpi slt, %add3A_6, %lt3A_7 : i32
    %convert_element_type3A_9 = arith.extui %lt3A_8 : i1 to i32
    %cond3A_10 = arith.constant 0 : i32
    %cond3A_11 = arith.cmpi ne, %convert_element_type3A_9, %cond3A_10 : i32
    scf.if %cond3A_11 {
      %add3A_54 = arith.constant 32 : i32
      %add3A_55 = arith.addi %add3A, %add3A_54 : i32
      %add3A_56 = arith.constant 108 : i32
      %add3A_57 = arith.addi %add3A_56, %add3A_55 : i32
      %jit3A = arith.constant 4 : i32
      %div3A = arith.divsi %add3A_57, %jit3A : i32
      %sign3A = arith.constant 0 : i32
      %sign3A_58 = arith.cmpi sgt, %add3A_57, %sign3A : i32
      %sign3A_59 = arith.extui %sign3A_58 : i1 to i32
      %sign3A_60 = arith.constant 0 : i32
      %sign3A_61 = arith.cmpi slt, %add3A_57, %sign3A_60 : i32
      %sign3A_62 = arith.extui %sign3A_61 : i1 to i32
      %sign3A_63 = arith.subi %sign3A_59, %sign3A_62 : i32
      %sign3A_64 = arith.constant 0 : i32
      %sign3A_65 = arith.cmpi sgt, %jit3A, %sign3A_64 : i32
      %sign3A_66 = arith.extui %sign3A_65 : i1 to i32
      %sign3A_67 = arith.constant 0 : i32
      %sign3A_68 = arith.cmpi slt, %jit3A, %sign3A_67 : i32
      %sign3A_69 = arith.extui %sign3A_68 : i1 to i32
      %sign3A_70 = arith.subi %sign3A_66, %sign3A_69 : i32
      %ne3A = arith.cmpi ne, %sign3A_63, %sign3A_70 : i32
      %rem3A = arith.remsi %add3A_57, %jit3A : i32
      %ne3A_71 = arith.constant 0 : i32
      %ne3A_72 = arith.cmpi ne, %rem3A, %ne3A_71 : i32
      %and3A = arith.andi %ne3A, %ne3A_72 : i1
      %sub3A = arith.constant 1 : i32
      %sub3A_73 = arith.subi %div3A, %sub3A : i32
      %select_n3A = arith.select %and3A, %sub3A_73, %div3A : i32
      %mul3A_74 = arith.constant 2048 : i32
      %mul3A_75 = arith.muli %select_n3A, %mul3A_74 : i32
      %jit3A_76 = arith.constant 4 : i32
      %eq3A = arith.constant 0 : i32
      %eq3A_77 = arith.cmpi eq, %jit3A_76, %eq3A : i32
      %jit3A_78 = arith.constant 1 : i32
      %select_n3A_79 = arith.select %eq3A_77, %jit3A_78, %jit3A_76 : i32
      %rem3A_80 = arith.remsi %add3A_57, %select_n3A_79 : i32
      %ne3A_81 = arith.constant 0 : i32
      %ne3A_82 = arith.cmpi ne, %rem3A_80, %ne3A_81 : i32
      %lt3A_83 = arith.constant 0 : i32
      %lt3A_84 = arith.cmpi slt, %rem3A_80, %lt3A_83 : i32
      %lt3A_85 = arith.constant 0 : i32
      %lt3A_86 = arith.cmpi slt, %select_n3A_79, %lt3A_85 : i32
      %ne3A_87 = arith.xori %lt3A_84, %lt3A_86 : i1
      %and3A_88 = arith.andi %ne3A_87, %ne3A_82 : i1
      %add3A_89 = arith.addi %rem3A_80, %select_n3A_79 : i32
      %select_n3A_90 = arith.select %and3A_88, %add3A_89, %rem3A_80 : i32
      %mul3A_91 = arith.constant 256 : i32
      %mul3A_92 = arith.muli %select_n3A_90, %mul3A_91 : i32
      %add3A_93 = arith.addi %mul3A_75, %mul3A_92 : i32
      %dma_start3A = arith.constant 1 : i32
      %dma_start3A_94 = arith.constant 0 : i32
      %dma_start3A_95 = tpu.memref_slice %arg5[%dma_start3A, %dma_start3A_94] : memref<3x512xi32, #tpu.memory_space<vmem>> -> memref<1x256xi32, #tpu.memory_space<vmem>>
      %dma_start3A_96 = tpu.memref_squeeze %dma_start3A_95 : memref<1x256xi32, #tpu.memory_space<vmem>> -> memref<256xi32, #tpu.memory_space<vmem>>
      %dma_start3A_97 = tpu.memref_slice %arg2[%add3A_93] : memref<100352xi32, #tpu.memory_space<hbm>> -> memref<256xi32, #tpu.memory_space<hbm>>
      %dma_start3A_98 = arith.constant 0 : i32
      %dma_start3A_99 = tpu.memref_slice %arg5[%dma_start3A, %dma_start3A_98] : memref<3x512xi32, #tpu.memory_space<vmem>> -> memref<1x256xi32, #tpu.memory_space<vmem>>
      %dma_start3A_100 = tpu.memref_squeeze %dma_start3A_99 : memref<1x256xi32, #tpu.memory_space<vmem>> -> memref<256xi32, #tpu.memory_space<vmem>>
      %dma_start3A_101 = tpu.memref_slice %arg2[%add3A_93] : memref<100352xi32, #tpu.memory_space<hbm>> -> memref<256xi32, #tpu.memory_space<hbm>>
      tpu.enqueue_dma source(%dma_start3A_101 : memref<256xi32, #tpu.memory_space<hbm>>) target(%dma_start3A_100 : memref<256xi32, #tpu.memory_space<vmem>>) target_semaphore(%arg13 : memref<!tpu.dma_semaphore, #tpu.memory_space<semaphore_mem>>)
      %add3A_102 = arith.constant 1024 : i32
      %add3A_103 = arith.addi %add3A_93, %add3A_102 : i32
      %dma_start3A_104 = arith.constant 1 : i32
      %dma_start3A_105 = arith.constant 256 : i32
      %dma_start3A_106 = tpu.memref_slice %arg5[%dma_start3A_104, %dma_start3A_105] : memref<3x512xi32, #tpu.memory_space<vmem>> -> memref<1x256xi32, #tpu.memory_space<vmem>>
      %dma_start3A_107 = tpu.memref_squeeze %dma_start3A_106 : memref<1x256xi32, #tpu.memory_space<vmem>> -> memref<256xi32, #tpu.memory_space<vmem>>
      %dma_start3A_108 = tpu.memref_slice %arg2[%add3A_103] : memref<100352xi32, #tpu.memory_space<hbm>> -> memref<256xi32, #tpu.memory_space<hbm>>
      %dma_start3A_109 = arith.constant 256 : i32
      %dma_start3A_110 = tpu.memref_slice %arg5[%dma_start3A_104, %dma_start3A_109] : memref<3x512xi32, #tpu.memory_space<vmem>> -> memref<1x256xi32, #tpu.memory_space<vmem>>
      %dma_start3A_111 = tpu.memref_squeeze %dma_start3A_110 : memref<1x256xi32, #tpu.memory_space<vmem>> -> memref<256xi32, #tpu.memory_space<vmem>>
      %dma_start3A_112 = tpu.memref_slice %arg2[%add3A_103] : memref<100352xi32, #tpu.memory_space<hbm>> -> memref<256xi32, #tpu.memory_space<hbm>>
      tpu.enqueue_dma source(%dma_start3A_112 : memref<256xi32, #tpu.memory_space<hbm>>) target(%dma_start3A_111 : memref<256xi32, #tpu.memory_space<vmem>>) target_semaphore(%arg13 : memref<!tpu.dma_semaphore, #tpu.memory_space<semaphore_mem>>)
    } else {
    }
    %add3A_12 = arith.constant 0 : i32
    %add3A_13 = arith.addi %add3A, %add3A_12 : i32
    %lt3A_14 = arith.constant 44 : i32
    %lt3A_15 = arith.cmpi slt, %add3A_13, %lt3A_14 : i32
    %convert_element_type3A_16 = arith.extui %lt3A_15 : i1 to i32
    %cond3A_17 = arith.constant 0 : i32
    %cond3A_18 = arith.cmpi ne, %convert_element_type3A_16, %cond3A_17 : i32
    scf.if %cond3A_18 {
      %add3A_54 = arith.constant 0 : i32
      %add3A_55 = arith.addi %add3A, %add3A_54 : i32
      %add3A_56 = arith.constant 108 : i32
      %add3A_57 = arith.addi %add3A_56, %add3A_55 : i32
      %jit3A = arith.constant 4 : i32
      %div3A = arith.divsi %add3A_57, %jit3A : i32
      %sign3A = arith.constant 0 : i32
      %sign3A_58 = arith.cmpi sgt, %add3A_57, %sign3A : i32
      %sign3A_59 = arith.extui %sign3A_58 : i1 to i32
      %sign3A_60 = arith.constant 0 : i32
      %sign3A_61 = arith.cmpi slt, %add3A_57, %sign3A_60 : i32
      %sign3A_62 = arith.extui %sign3A_61 : i1 to i32
      %sign3A_63 = arith.subi %sign3A_59, %sign3A_62 : i32
      %sign3A_64 = arith.constant 0 : i32
      %sign3A_65 = arith.cmpi sgt, %jit3A, %sign3A_64 : i32
      %sign3A_66 = arith.extui %sign3A_65 : i1 to i32
      %sign3A_67 = arith.constant 0 : i32
      %sign3A_68 = arith.cmpi slt, %jit3A, %sign3A_67 : i32
      %sign3A_69 = arith.extui %sign3A_68 : i1 to i32
      %sign3A_70 = arith.subi %sign3A_66, %sign3A_69 : i32
      %ne3A = arith.cmpi ne, %sign3A_63, %sign3A_70 : i32
      %rem3A = arith.remsi %add3A_57, %jit3A : i32
      %ne3A_71 = arith.constant 0 : i32
      %ne3A_72 = arith.cmpi ne, %rem3A, %ne3A_71 : i32
      %and3A = arith.andi %ne3A, %ne3A_72 : i1
      %sub3A = arith.constant 1 : i32
      %sub3A_73 = arith.subi %div3A, %sub3A : i32
      %select_n3A = arith.select %and3A, %sub3A_73, %div3A : i32
      %mul3A_74 = arith.constant 2048 : i32
      %mul3A_75 = arith.muli %select_n3A, %mul3A_74 : i32
      %jit3A_76 = arith.constant 4 : i32
      %eq3A = arith.constant 0 : i32
      %eq3A_77 = arith.cmpi eq, %jit3A_76, %eq3A : i32
      %jit3A_78 = arith.constant 1 : i32
      %select_n3A_79 = arith.select %eq3A_77, %jit3A_78, %jit3A_76 : i32
      %rem3A_80 = arith.remsi %add3A_57, %select_n3A_79 : i32
      %ne3A_81 = arith.constant 0 : i32
      %ne3A_82 = arith.cmpi ne, %rem3A_80, %ne3A_81 : i32
      %lt3A_83 = arith.constant 0 : i32
      %lt3A_84 = arith.cmpi slt, %rem3A_80, %lt3A_83 : i32
      %lt3A_85 = arith.constant 0 : i32
      %lt3A_86 = arith.cmpi slt, %select_n3A_79, %lt3A_85 : i32
      %ne3A_87 = arith.xori %lt3A_84, %lt3A_86 : i1
      %and3A_88 = arith.andi %ne3A_87, %ne3A_82 : i1
      %add3A_89 = arith.addi %rem3A_80, %select_n3A_79 : i32
      %select_n3A_90 = arith.select %and3A_88, %add3A_89, %rem3A_80 : i32
      %mul3A_91 = arith.constant 256 : i32
      %mul3A_92 = arith.muli %select_n3A_90, %mul3A_91 : i32
      %add3A_93 = arith.addi %mul3A_75, %mul3A_92 : i32
      %dma_wait3A = arith.constant 0 : i32
      %dma_wait3A_94 = arith.constant 0 : i32
      %dma_wait3A_95 = tpu.memref_slice %arg5[%dma_wait3A, %dma_wait3A_94] : memref<3x512xi32, #tpu.memory_space<vmem>> -> memref<1x256xi32, #tpu.memory_space<vmem>>
      %dma_wait3A_96 = tpu.memref_squeeze %dma_wait3A_95 : memref<1x256xi32, #tpu.memory_space<vmem>> -> memref<256xi32, #tpu.memory_space<vmem>>
      %dma_wait3A_97 = tpu.memref_slice %arg2[%add3A_93] : memref<100352xi32, #tpu.memory_space<hbm>> -> memref<256xi32, #tpu.memory_space<hbm>>
      %dma_wait3A_98 = arith.constant 0 : i32
      %dma_wait3A_99 = tpu.memref_slice %arg5[%dma_wait3A, %dma_wait3A_98] : memref<3x512xi32, #tpu.memory_space<vmem>> -> memref<1x256xi32, #tpu.memory_space<vmem>>
      %dma_wait3A_100 = tpu.memref_squeeze %dma_wait3A_99 : memref<1x256xi32, #tpu.memory_space<vmem>> -> memref<256xi32, #tpu.memory_space<vmem>>
      %dma_wait3A_101 = tpu.memref_slice %arg2[%add3A_93] : memref<100352xi32, #tpu.memory_space<hbm>> -> memref<256xi32, #tpu.memory_space<hbm>>
      tpu.wait_dma2 semaphore(%arg8 : memref<!tpu.dma_semaphore, #tpu.memory_space<semaphore_mem>>) src(%dma_wait3A_101 : memref<256xi32, #tpu.memory_space<hbm>>) dst(%dma_wait3A_100 : memref<256xi32, #tpu.memory_space<vmem>>)
      %add3A_102 = arith.constant 1024 : i32
      %add3A_103 = arith.addi %add3A_93, %add3A_102 : i32
      %dma_wait3A_104 = arith.constant 0 : i32
      %dma_wait3A_105 = arith.constant 256 : i32
      %dma_wait3A_106 = tpu.memref_slice %arg5[%dma_wait3A_104, %dma_wait3A_105] : memref<3x512xi32, #tpu.memory_space<vmem>> -> memref<1x256xi32, #tpu.memory_space<vmem>>
      %dma_wait3A_107 = tpu.memref_squeeze %dma_wait3A_106 : memref<1x256xi32, #tpu.memory_space<vmem>> -> memref<256xi32, #tpu.memory_space<vmem>>
      %dma_wait3A_108 = tpu.memref_slice %arg2[%add3A_103] : memref<100352xi32, #tpu.memory_space<hbm>> -> memref<256xi32, #tpu.memory_space<hbm>>
      %dma_wait3A_109 = arith.constant 256 : i32
      %dma_wait3A_110 = tpu.memref_slice %arg5[%dma_wait3A_104, %dma_wait3A_109] : memref<3x512xi32, #tpu.memory_space<vmem>> -> memref<1x256xi32, #tpu.memory_space<vmem>>
      %dma_wait3A_111 = tpu.memref_squeeze %dma_wait3A_110 : memref<1x256xi32, #tpu.memory_space<vmem>> -> memref<256xi32, #tpu.memory_space<vmem>>
      %dma_wait3A_112 = tpu.memref_slice %arg2[%add3A_103] : memref<100352xi32, #tpu.memory_space<hbm>> -> memref<256xi32, #tpu.memory_space<hbm>>
      tpu.wait_dma2 semaphore(%arg8 : memref<!tpu.dma_semaphore, #tpu.memory_space<semaphore_mem>>) src(%dma_wait3A_112 : memref<256xi32, #tpu.memory_space<hbm>>) dst(%dma_wait3A_111 : memref<256xi32, #tpu.memory_space<vmem>>)
      %dma_start3A = arith.constant 0 : i32
      %dma_start3A_113 = arith.constant 0 : i32
      %dma_start3A_114 = arith.constant 0 : i32
      %dma_start3A_115 = arith.constant 0 : i32
      %dma_start3A_116 = tpu.memref_slice %arg6[%dma_start3A_113, %dma_start3A_114, %dma_start3A_115] : memref<3x256x64xf32, #tpu.memory_space<vmem>> -> memref<1x256x64xf32, #tpu.memory_space<vmem>>
      %dma_start3A_117 = tpu.memref_squeeze %dma_start3A_116 : memref<1x256x64xf32, #tpu.memory_space<vmem>> -> memref<256x64xf32, #tpu.memory_space<vmem>>
      %dma_start3A_118 = arith.constant 0 : i32
      %dma_start3A_119 = tpu.memref_slice %arg5[%dma_start3A, %dma_start3A_118] : memref<3x512xi32, #tpu.memory_space<vmem>> -> memref<1x256xi32, #tpu.memory_space<vmem>>
      %dma_start3A_120 = tpu.memref_squeeze %dma_start3A_119 : memref<1x256xi32, #tpu.memory_space<vmem>> -> memref<256xi32, #tpu.memory_space<vmem>>
      %dma_start3A_121 = arith.constant 0 : i32
      %dma_start3A_122 = arith.constant 0 : i32
      %dma_start3A_123 = tpu.memref_slice %arg3[%dma_start3A_121, %dma_start3A_122] : memref<1000x64xf32, #tpu.memory_space<hbm>> -> memref<1000x64xf32, #tpu.memory_space<hbm>>
      tpu.enqueue_indirect_dma source(%dma_start3A_123 : memref<1000x64xf32, #tpu.memory_space<hbm>>) target(%dma_start3A_117 : memref<256x64xf32, #tpu.memory_space<vmem>>) offsets(%dma_start3A_120 : memref<256xi32, #tpu.memory_space<vmem>>) semaphore(%arg9 : memref<!tpu.dma_semaphore, #tpu.memory_space<semaphore_mem>>)
      %dma_start3A_124 = arith.constant 0 : i32
      %dma_start3A_125 = arith.constant 0 : i32
      %dma_start3A_126 = arith.constant 0 : i32
      %dma_start3A_127 = arith.constant 0 : i32
      %dma_start3A_128 = tpu.memref_slice %arg7[%dma_start3A_125, %dma_start3A_126, %dma_start3A_127] : memref<3x256x64xf32, #tpu.memory_space<vmem>> -> memref<1x256x64xf32, #tpu.memory_space<vmem>>
      %dma_start3A_129 = tpu.memref_squeeze %dma_start3A_128 : memref<1x256x64xf32, #tpu.memory_space<vmem>> -> memref<256x64xf32, #tpu.memory_space<vmem>>
      %dma_start3A_130 = arith.constant 256 : i32
      %dma_start3A_131 = tpu.memref_slice %arg5[%dma_start3A_124, %dma_start3A_130] : memref<3x512xi32, #tpu.memory_space<vmem>> -> memref<1x256xi32, #tpu.memory_space<vmem>>
      %dma_start3A_132 = tpu.memref_squeeze %dma_start3A_131 : memref<1x256xi32, #tpu.memory_space<vmem>> -> memref<256xi32, #tpu.memory_space<vmem>>
      %dma_start3A_133 = arith.constant 0 : i32
      %dma_start3A_134 = arith.constant 0 : i32
      %dma_start3A_135 = tpu.memref_slice %arg3[%dma_start3A_133, %dma_start3A_134] : memref<1000x64xf32, #tpu.memory_space<hbm>> -> memref<1000x64xf32, #tpu.memory_space<hbm>>
      tpu.enqueue_indirect_dma source(%dma_start3A_135 : memref<1000x64xf32, #tpu.memory_space<hbm>>) target(%dma_start3A_129 : memref<256x64xf32, #tpu.memory_space<vmem>>) offsets(%dma_start3A_132 : memref<256xi32, #tpu.memory_space<vmem>>) semaphore(%arg10 : memref<!tpu.dma_semaphore, #tpu.memory_space<semaphore_mem>>)
    } else {
    }
    %add3A_19 = arith.constant 32 : i32
    %add3A_20 = arith.addi %add3A, %add3A_19 : i32
    %lt3A_21 = arith.constant 44 : i32
    %lt3A_22 = arith.cmpi slt, %add3A_20, %lt3A_21 : i32
    %convert_element_type3A_23 = arith.extui %lt3A_22 : i1 to i32
    %cond3A_24 = arith.constant 0 : i32
    %cond3A_25 = arith.cmpi ne, %convert_element_type3A_23, %cond3A_24 : i32
    scf.if %cond3A_25 {
      %add3A_54 = arith.constant 32 : i32
      %add3A_55 = arith.addi %add3A, %add3A_54 : i32
      %add3A_56 = arith.constant 108 : i32
      %add3A_57 = arith.addi %add3A_56, %add3A_55 : i32
      %jit3A = arith.constant 4 : i32
      %div3A = arith.divsi %add3A_57, %jit3A : i32
      %sign3A = arith.constant 0 : i32
      %sign3A_58 = arith.cmpi sgt, %add3A_57, %sign3A : i32
      %sign3A_59 = arith.extui %sign3A_58 : i1 to i32
      %sign3A_60 = arith.constant 0 : i32
      %sign3A_61 = arith.cmpi slt, %add3A_57, %sign3A_60 : i32
      %sign3A_62 = arith.extui %sign3A_61 : i1 to i32
      %sign3A_63 = arith.subi %sign3A_59, %sign3A_62 : i32
      %sign3A_64 = arith.constant 0 : i32
      %sign3A_65 = arith.cmpi sgt, %jit3A, %sign3A_64 : i32
      %sign3A_66 = arith.extui %sign3A_65 : i1 to i32
      %sign3A_67 = arith.constant 0 : i32
      %sign3A_68 = arith.cmpi slt, %jit3A, %sign3A_67 : i32
      %sign3A_69 = arith.extui %sign3A_68 : i1 to i32
      %sign3A_70 = arith.subi %sign3A_66, %sign3A_69 : i32
      %ne3A = arith.cmpi ne, %sign3A_63, %sign3A_70 : i32
      %rem3A = arith.remsi %add3A_57, %jit3A : i32
      %ne3A_71 = arith.constant 0 : i32
      %ne3A_72 = arith.cmpi ne, %rem3A, %ne3A_71 : i32
      %and3A = arith.andi %ne3A, %ne3A_72 : i1
      %sub3A = arith.constant 1 : i32
      %sub3A_73 = arith.subi %div3A, %sub3A : i32
      %select_n3A = arith.select %and3A, %sub3A_73, %div3A : i32
      %mul3A_74 = arith.constant 2048 : i32
      %mul3A_75 = arith.muli %select_n3A, %mul3A_74 : i32
      %jit3A_76 = arith.constant 4 : i32
      %eq3A = arith.constant 0 : i32
      %eq3A_77 = arith.cmpi eq, %jit3A_76, %eq3A : i32
      %jit3A_78 = arith.constant 1 : i32
      %select_n3A_79 = arith.select %eq3A_77, %jit3A_78, %jit3A_76 : i32
      %rem3A_80 = arith.remsi %add3A_57, %select_n3A_79 : i32
      %ne3A_81 = arith.constant 0 : i32
      %ne3A_82 = arith.cmpi ne, %rem3A_80, %ne3A_81 : i32
      %lt3A_83 = arith.constant 0 : i32
      %lt3A_84 = arith.cmpi slt, %rem3A_80, %lt3A_83 : i32
      %lt3A_85 = arith.constant 0 : i32
      %lt3A_86 = arith.cmpi slt, %select_n3A_79, %lt3A_85 : i32
      %ne3A_87 = arith.xori %lt3A_84, %lt3A_86 : i1
      %and3A_88 = arith.andi %ne3A_87, %ne3A_82 : i1
      %add3A_89 = arith.addi %rem3A_80, %select_n3A_79 : i32
      %select_n3A_90 = arith.select %and3A_88, %add3A_89, %rem3A_80 : i32
      %mul3A_91 = arith.constant 256 : i32
      %mul3A_92 = arith.muli %select_n3A_90, %mul3A_91 : i32
      %add3A_93 = arith.addi %mul3A_75, %mul3A_92 : i32
      %dma_wait3A = arith.constant 1 : i32
      %dma_wait3A_94 = arith.constant 0 : i32
      %dma_wait3A_95 = tpu.memref_slice %arg5[%dma_wait3A, %dma_wait3A_94] : memref<3x512xi32, #tpu.memory_space<vmem>> -> memref<1x256xi32, #tpu.memory_space<vmem>>
      %dma_wait3A_96 = tpu.memref_squeeze %dma_wait3A_95 : memref<1x256xi32, #tpu.memory_space<vmem>> -> memref<256xi32, #tpu.memory_space<vmem>>
      %dma_wait3A_97 = tpu.memref_slice %arg2[%add3A_93] : memref<100352xi32, #tpu.memory_space<hbm>> -> memref<256xi32, #tpu.memory_space<hbm>>
      %dma_wait3A_98 = arith.constant 0 : i32
      %dma_wait3A_99 = tpu.memref_slice %arg5[%dma_wait3A, %dma_wait3A_98] : memref<3x512xi32, #tpu.memory_space<vmem>> -> memref<1x256xi32, #tpu.memory_space<vmem>>
      %dma_wait3A_100 = tpu.memref_squeeze %dma_wait3A_99 : memref<1x256xi32, #tpu.memory_space<vmem>> -> memref<256xi32, #tpu.memory_space<vmem>>
      %dma_wait3A_101 = tpu.memref_slice %arg2[%add3A_93] : memref<100352xi32, #tpu.memory_space<hbm>> -> memref<256xi32, #tpu.memory_space<hbm>>
      tpu.wait_dma2 semaphore(%arg13 : memref<!tpu.dma_semaphore, #tpu.memory_space<semaphore_mem>>) src(%dma_wait3A_101 : memref<256xi32, #tpu.memory_space<hbm>>) dst(%dma_wait3A_100 : memref<256xi32, #tpu.memory_space<vmem>>)
      %add3A_102 = arith.constant 1024 : i32
      %add3A_103 = arith.addi %add3A_93, %add3A_102 : i32
      %dma_wait3A_104 = arith.constant 1 : i32
      %dma_wait3A_105 = arith.constant 256 : i32
      %dma_wait3A_106 = tpu.memref_slice %arg5[%dma_wait3A_104, %dma_wait3A_105] : memref<3x512xi32, #tpu.memory_space<vmem>> -> memref<1x256xi32, #tpu.memory_space<vmem>>
      %dma_wait3A_107 = tpu.memref_squeeze %dma_wait3A_106 : memref<1x256xi32, #tpu.memory_space<vmem>> -> memref<256xi32, #tpu.memory_space<vmem>>
      %dma_wait3A_108 = tpu.memref_slice %arg2[%add3A_103] : memref<100352xi32, #tpu.memory_space<hbm>> -> memref<256xi32, #tpu.memory_space<hbm>>
      %dma_wait3A_109 = arith.constant 256 : i32
      %dma_wait3A_110 = tpu.memref_slice %arg5[%dma_wait3A_104, %dma_wait3A_109] : memref<3x512xi32, #tpu.memory_space<vmem>> -> memref<1x256xi32, #tpu.memory_space<vmem>>
      %dma_wait3A_111 = tpu.memref_squeeze %dma_wait3A_110 : memref<1x256xi32, #tpu.memory_space<vmem>> -> memref<256xi32, #tpu.memory_space<vmem>>
      %dma_wait3A_112 = tpu.memref_slice %arg2[%add3A_103] : memref<100352xi32, #tpu.memory_space<hbm>> -> memref<256xi32, #tpu.memory_space<hbm>>
      tpu.wait_dma2 semaphore(%arg13 : memref<!tpu.dma_semaphore, #tpu.memory_space<semaphore_mem>>) src(%dma_wait3A_112 : memref<256xi32, #tpu.memory_space<hbm>>) dst(%dma_wait3A_111 : memref<256xi32, #tpu.memory_space<vmem>>)
      %dma_start3A = arith.constant 1 : i32
      %dma_start3A_113 = arith.constant 1 : i32
      %dma_start3A_114 = arith.constant 0 : i32
      %dma_start3A_115 = arith.constant 0 : i32
      %dma_start3A_116 = tpu.memref_slice %arg6[%dma_start3A_113, %dma_start3A_114, %dma_start3A_115] : memref<3x256x64xf32, #tpu.memory_space<vmem>> -> memref<1x256x64xf32, #tpu.memory_space<vmem>>
      %dma_start3A_117 = tpu.memref_squeeze %dma_start3A_116 : memref<1x256x64xf32, #tpu.memory_space<vmem>> -> memref<256x64xf32, #tpu.memory_space<vmem>>
      %dma_start3A_118 = arith.constant 0 : i32
      %dma_start3A_119 = tpu.memref_slice %arg5[%dma_start3A, %dma_start3A_118] : memref<3x512xi32, #tpu.memory_space<vmem>> -> memref<1x256xi32, #tpu.memory_space<vmem>>
      %dma_start3A_120 = tpu.memref_squeeze %dma_start3A_119 : memref<1x256xi32, #tpu.memory_space<vmem>> -> memref<256xi32, #tpu.memory_space<vmem>>
      %dma_start3A_121 = arith.constant 0 : i32
      %dma_start3A_122 = arith.constant 0 : i32
      %dma_start3A_123 = tpu.memref_slice %arg3[%dma_start3A_121, %dma_start3A_122] : memref<1000x64xf32, #tpu.memory_space<hbm>> -> memref<1000x64xf32, #tpu.memory_space<hbm>>
      tpu.enqueue_indirect_dma source(%dma_start3A_123 : memref<1000x64xf32, #tpu.memory_space<hbm>>) target(%dma_start3A_117 : memref<256x64xf32, #tpu.memory_space<vmem>>) offsets(%dma_start3A_120 : memref<256xi32, #tpu.memory_space<vmem>>) semaphore(%arg14 : memref<!tpu.dma_semaphore, #tpu.memory_space<semaphore_mem>>)
      %dma_start3A_124 = arith.constant 1 : i32
      %dma_start3A_125 = arith.constant 1 : i32
      %dma_start3A_126 = arith.constant 0 : i32
      %dma_start3A_127 = arith.constant 0 : i32
      %dma_start3A_128 = tpu.memref_slice %arg7[%dma_start3A_125, %dma_start3A_126, %dma_start3A_127] : memref<3x256x64xf32, #tpu.memory_space<vmem>> -> memref<1x256x64xf32, #tpu.memory_space<vmem>>
      %dma_start3A_129 = tpu.memref_squeeze %dma_start3A_128 : memref<1x256x64xf32, #tpu.memory_space<vmem>> -> memref<256x64xf32, #tpu.memory_space<vmem>>
      %dma_start3A_130 = arith.constant 256 : i32
      %dma_start3A_131 = tpu.memref_slice %arg5[%dma_start3A_124, %dma_start3A_130] : memref<3x512xi32, #tpu.memory_space<vmem>> -> memref<1x256xi32, #tpu.memory_space<vmem>>
      %dma_start3A_132 = tpu.memref_squeeze %dma_start3A_131 : memref<1x256xi32, #tpu.memory_space<vmem>> -> memref<256xi32, #tpu.memory_space<vmem>>
      %dma_start3A_133 = arith.constant 0 : i32
      %dma_start3A_134 = arith.constant 0 : i32
      %dma_start3A_135 = tpu.memref_slice %arg3[%dma_start3A_133, %dma_start3A_134] : memref<1000x64xf32, #tpu.memory_space<hbm>> -> memref<1000x64xf32, #tpu.memory_space<hbm>>
      tpu.enqueue_indirect_dma source(%dma_start3A_135 : memref<1000x64xf32, #tpu.memory_space<hbm>>) target(%dma_start3A_129 : memref<256x64xf32, #tpu.memory_space<vmem>>) offsets(%dma_start3A_132 : memref<256xi32, #tpu.memory_space<vmem>>) semaphore(%arg15 : memref<!tpu.dma_semaphore, #tpu.memory_space<semaphore_mem>>)
    } else {
    }
    %add3A_26 = arith.constant 0 : i32
    %add3A_27 = arith.addi %add3A, %add3A_26 : i32
    %lt3A_28 = arith.constant 44 : i32
    %lt3A_29 = arith.cmpi slt, %add3A_27, %lt3A_28 : i32
    %convert_element_type3A_30 = arith.extui %lt3A_29 : i1 to i32
    %cond3A_31 = arith.constant 0 : i32
    %cond3A_32 = arith.cmpi ne, %convert_element_type3A_30, %cond3A_31 : i32
    scf.if %cond3A_32 {
      %add3A_54 = arith.constant 0 : i32
      %add3A_55 = arith.addi %add3A, %add3A_54 : i32
      %mul3A_56 = arith.constant 256 : i32
      %mul3A_57 = arith.muli %add3A_55, %mul3A_56 : i32
      %dma_wait3A = arith.constant 0 : i32
      %dma_wait3A_58 = arith.constant 0 : i32
      %dma_wait3A_59 = arith.constant 0 : i32
      %dma_wait3A_60 = arith.constant 0 : i32
      %dma_wait3A_61 = tpu.memref_slice %arg6[%dma_wait3A_58, %dma_wait3A_59, %dma_wait3A_60] : memref<3x256x64xf32, #tpu.memory_space<vmem>> -> memref<1x256x64xf32, #tpu.memory_space<vmem>>
      %dma_wait3A_62 = tpu.memref_squeeze %dma_wait3A_61 : memref<1x256x64xf32, #tpu.memory_space<vmem>> -> memref<256x64xf32, #tpu.memory_space<vmem>>
      %dma_wait3A_63 = arith.constant 0 : i32
      %dma_wait3A_64 = tpu.memref_slice %arg5[%dma_wait3A, %dma_wait3A_63] : memref<3x512xi32, #tpu.memory_space<vmem>> -> memref<1x256xi32, #tpu.memory_space<vmem>>
      %dma_wait3A_65 = tpu.memref_squeeze %dma_wait3A_64 : memref<1x256xi32, #tpu.memory_space<vmem>> -> memref<256xi32, #tpu.memory_space<vmem>>
      %dma_wait3A_66 = arith.constant 0 : i32
      %dma_wait3A_67 = arith.constant 0 : i32
      %dma_wait3A_68 = tpu.memref_slice %arg3[%dma_wait3A_66, %dma_wait3A_67] : memref<1000x64xf32, #tpu.memory_space<hbm>> -> memref<1000x64xf32, #tpu.memory_space<hbm>>
      tpu.wait_indirect_dma semaphore(%arg9 : memref<!tpu.dma_semaphore, #tpu.memory_space<semaphore_mem>>) src(%dma_wait3A_68 : memref<1000x64xf32, #tpu.memory_space<hbm>>) dst(%dma_wait3A_62 : memref<256x64xf32, #tpu.memory_space<vmem>>)
      %dma_wait3A_69 = arith.constant 0 : i32
      %dma_wait3A_70 = arith.constant 0 : i32
      %dma_wait3A_71 = arith.constant 0 : i32
      %dma_wait3A_72 = arith.constant 0 : i32
      %dma_wait3A_73 = tpu.memref_slice %arg7[%dma_wait3A_70, %dma_wait3A_71, %dma_wait3A_72] : memref<3x256x64xf32, #tpu.memory_space<vmem>> -> memref<1x256x64xf32, #tpu.memory_space<vmem>>
      %dma_wait3A_74 = tpu.memref_squeeze %dma_wait3A_73 : memref<1x256x64xf32, #tpu.memory_space<vmem>> -> memref<256x64xf32, #tpu.memory_space<vmem>>
      %dma_wait3A_75 = arith.constant 256 : i32
      %dma_wait3A_76 = tpu.memref_slice %arg5[%dma_wait3A_69, %dma_wait3A_75] : memref<3x512xi32, #tpu.memory_space<vmem>> -> memref<1x256xi32, #tpu.memory_space<vmem>>
      %dma_wait3A_77 = tpu.memref_squeeze %dma_wait3A_76 : memref<1x256xi32, #tpu.memory_space<vmem>> -> memref<256xi32, #tpu.memory_space<vmem>>
      %dma_wait3A_78 = arith.constant 0 : i32
      %dma_wait3A_79 = arith.constant 0 : i32
      %dma_wait3A_80 = tpu.memref_slice %arg3[%dma_wait3A_78, %dma_wait3A_79] : memref<1000x64xf32, #tpu.memory_space<hbm>> -> memref<1000x64xf32, #tpu.memory_space<hbm>>
      tpu.wait_indirect_dma semaphore(%arg10 : memref<!tpu.dma_semaphore, #tpu.memory_space<semaphore_mem>>) src(%dma_wait3A_80 : memref<1000x64xf32, #tpu.memory_space<hbm>>) dst(%dma_wait3A_74 : memref<256x64xf32, #tpu.memory_space<vmem>>)
      %dma_start3A = arith.constant 0 : i32
      %dma_start3A_81 = arith.constant 0 : i32
      %dma_start3A_82 = arith.constant 0 : i32
      %dma_start3A_83 = tpu.memref_slice %arg6[%dma_start3A, %dma_start3A_81, %dma_start3A_82] : memref<3x256x64xf32, #tpu.memory_space<vmem>> -> memref<1x256x64xf32, #tpu.memory_space<vmem>>
      %dma_start3A_84 = tpu.memref_squeeze %dma_start3A_83 : memref<1x256x64xf32, #tpu.memory_space<vmem>> -> memref<256x64xf32, #tpu.memory_space<vmem>>
      %dma_start3A_85 = arith.constant 0 : i32
      %dma_start3A_86 = tpu.memref_slice %arg4[%mul3A_57, %dma_start3A_85] : memref<11264x128xf32, #tpu.memory_space<hbm>> -> memref<256x64xf32, #tpu.memory_space<hbm>>
      %dma_start3A_87 = arith.constant 0 : i32
      %dma_start3A_88 = tpu.memref_slice %arg4[%mul3A_57, %dma_start3A_87] : memref<11264x128xf32, #tpu.memory_space<hbm>> -> memref<256x64xf32, #tpu.memory_space<hbm>>
      %dma_start3A_89 = arith.constant 0 : i32
      %dma_start3A_90 = arith.constant 0 : i32
      %dma_start3A_91 = tpu.memref_slice %arg6[%dma_start3A, %dma_start3A_89, %dma_start3A_90] : memref<3x256x64xf32, #tpu.memory_space<vmem>> -> memref<1x256x64xf32, #tpu.memory_space<vmem>>
      %dma_start3A_92 = tpu.memref_squeeze %dma_start3A_91 : memref<1x256x64xf32, #tpu.memory_space<vmem>> -> memref<256x64xf32, #tpu.memory_space<vmem>>
      tpu.enqueue_dma source(%dma_start3A_92 : memref<256x64xf32, #tpu.memory_space<vmem>>) target(%dma_start3A_88 : memref<256x64xf32, #tpu.memory_space<hbm>>) target_semaphore(%arg11 : memref<!tpu.dma_semaphore, #tpu.memory_space<semaphore_mem>>)
      %dma_start3A_93 = arith.constant 0 : i32
      %dma_start3A_94 = arith.constant 0 : i32
      %dma_start3A_95 = arith.constant 0 : i32
      %dma_start3A_96 = tpu.memref_slice %arg7[%dma_start3A_93, %dma_start3A_94, %dma_start3A_95] : memref<3x256x64xf32, #tpu.memory_space<vmem>> -> memref<1x256x64xf32, #tpu.memory_space<vmem>>
      %dma_start3A_97 = tpu.memref_squeeze %dma_start3A_96 : memref<1x256x64xf32, #tpu.memory_space<vmem>> -> memref<256x64xf32, #tpu.memory_space<vmem>>
      %dma_start3A_98 = arith.constant 64 : i32
      %dma_start3A_99 = tpu.memref_slice %arg4[%mul3A_57, %dma_start3A_98] : memref<11264x128xf32, #tpu.memory_space<hbm>> -> memref<256x64xf32, #tpu.memory_space<hbm>>
      %dma_start3A_100 = arith.constant 64 : i32
      %dma_start3A_101 = tpu.memref_slice %arg4[%mul3A_57, %dma_start3A_100] : memref<11264x128xf32, #tpu.memory_space<hbm>> -> memref<256x64xf32, #tpu.memory_space<hbm>>
      %dma_start3A_102 = arith.constant 0 : i32
      %dma_start3A_103 = arith.constant 0 : i32
      %dma_start3A_104 = tpu.memref_slice %arg7[%dma_start3A_93, %dma_start3A_102, %dma_start3A_103] : memref<3x256x64xf32, #tpu.memory_space<vmem>> -> memref<1x256x64xf32, #tpu.memory_space<vmem>>
      %dma_start3A_105 = tpu.memref_squeeze %dma_start3A_104 : memref<1x256x64xf32, #tpu.memory_space<vmem>> -> memref<256x64xf32, #tpu.memory_space<vmem>>
      tpu.enqueue_dma source(%dma_start3A_105 : memref<256x64xf32, #tpu.memory_space<vmem>>) target(%dma_start3A_101 : memref<256x64xf32, #tpu.memory_space<hbm>>) target_semaphore(%arg12 : memref<!tpu.dma_semaphore, #tpu.memory_space<semaphore_mem>>)
    } else {
    }
    %add3A_33 = arith.constant 0 : i32
    %add3A_34 = arith.addi %add3A, %add3A_33 : i32
    %lt3A_35 = arith.constant 44 : i32
    %lt3A_36 = arith.cmpi slt, %add3A_34, %lt3A_35 : i32
    %convert_element_type3A_37 = arith.extui %lt3A_36 : i1 to i32
    %cond3A_38 = arith.constant 0 : i32
    %cond3A_39 = arith.cmpi ne, %convert_element_type3A_37, %cond3A_38 : i32
    scf.if %cond3A_39 {
      %add3A_54 = arith.constant 0 : i32
      %add3A_55 = arith.addi %add3A, %add3A_54 : i32
      %mul3A_56 = arith.constant 256 : i32
      %mul3A_57 = arith.muli %add3A_55, %mul3A_56 : i32
      %dma_wait3A = arith.constant 0 : i32
      %dma_wait3A_58 = arith.constant 0 : i32
      %dma_wait3A_59 = arith.constant 0 : i32
      %dma_wait3A_60 = tpu.memref_slice %arg6[%dma_wait3A, %dma_wait3A_58, %dma_wait3A_59] : memref<3x256x64xf32, #tpu.memory_space<vmem>> -> memref<1x256x64xf32, #tpu.memory_space<vmem>>
      %dma_wait3A_61 = tpu.memref_squeeze %dma_wait3A_60 : memref<1x256x64xf32, #tpu.memory_space<vmem>> -> memref<256x64xf32, #tpu.memory_space<vmem>>
      %dma_wait3A_62 = arith.constant 0 : i32
      %dma_wait3A_63 = tpu.memref_slice %arg4[%mul3A_57, %dma_wait3A_62] : memref<11264x128xf32, #tpu.memory_space<hbm>> -> memref<256x64xf32, #tpu.memory_space<hbm>>
      %dma_wait3A_64 = arith.constant 0 : i32
      %dma_wait3A_65 = tpu.memref_slice %arg4[%mul3A_57, %dma_wait3A_64] : memref<11264x128xf32, #tpu.memory_space<hbm>> -> memref<256x64xf32, #tpu.memory_space<hbm>>
      %dma_wait3A_66 = arith.constant 0 : i32
      %dma_wait3A_67 = arith.constant 0 : i32
      %dma_wait3A_68 = tpu.memref_slice %arg6[%dma_wait3A, %dma_wait3A_66, %dma_wait3A_67] : memref<3x256x64xf32, #tpu.memory_space<vmem>> -> memref<1x256x64xf32, #tpu.memory_space<vmem>>
      %dma_wait3A_69 = tpu.memref_squeeze %dma_wait3A_68 : memref<1x256x64xf32, #tpu.memory_space<vmem>> -> memref<256x64xf32, #tpu.memory_space<vmem>>
      tpu.wait_dma2 semaphore(%arg11 : memref<!tpu.dma_semaphore, #tpu.memory_space<semaphore_mem>>) src(%dma_wait3A_69 : memref<256x64xf32, #tpu.memory_space<vmem>>) dst(%dma_wait3A_65 : memref<256x64xf32, #tpu.memory_space<hbm>>)
      %dma_wait3A_70 = arith.constant 0 : i32
      %dma_wait3A_71 = arith.constant 0 : i32
      %dma_wait3A_72 = arith.constant 0 : i32
      %dma_wait3A_73 = tpu.memref_slice %arg7[%dma_wait3A_70, %dma_wait3A_71, %dma_wait3A_72] : memref<3x256x64xf32, #tpu.memory_space<vmem>> -> memref<1x256x64xf32, #tpu.memory_space<vmem>>
      %dma_wait3A_74 = tpu.memref_squeeze %dma_wait3A_73 : memref<1x256x64xf32, #tpu.memory_space<vmem>> -> memref<256x64xf32, #tpu.memory_space<vmem>>
      %dma_wait3A_75 = arith.constant 64 : i32
      %dma_wait3A_76 = tpu.memref_slice %arg4[%mul3A_57, %dma_wait3A_75] : memref<11264x128xf32, #tpu.memory_space<hbm>> -> memref<256x64xf32, #tpu.memory_space<hbm>>
      %dma_wait3A_77 = arith.constant 64 : i32
      %dma_wait3A_78 = tpu.memref_slice %arg4[%mul3A_57, %dma_wait3A_77] : memref<11264x128xf32, #tpu.memory_space<hbm>> -> memref<256x64xf32, #tpu.memory_space<hbm>>
      %dma_wait3A_79 = arith.constant 0 : i32
      %dma_wait3A_80 = arith.constant 0 : i32
      %dma_wait3A_81 = tpu.memref_slice %arg7[%dma_wait3A_70, %dma_wait3A_79, %dma_wait3A_80] : memref<3x256x64xf32, #tpu.memory_space<vmem>> -> memref<1x256x64xf32, #tpu.memory_space<vmem>>
      %dma_wait3A_82 = tpu.memref_squeeze %dma_wait3A_81 : memref<1x256x64xf32, #tpu.memory_space<vmem>> -> memref<256x64xf32, #tpu.memory_space<vmem>>
      tpu.wait_dma2 semaphore(%arg12 : memref<!tpu.dma_semaphore, #tpu.memory_space<semaphore_mem>>) src(%dma_wait3A_82 : memref<256x64xf32, #tpu.memory_space<vmem>>) dst(%dma_wait3A_78 : memref<256x64xf32, #tpu.memory_space<hbm>>)
    } else {
    }
    %add3A_40 = arith.constant 32 : i32
    %add3A_41 = arith.addi %add3A, %add3A_40 : i32
    %lt3A_42 = arith.constant 44 : i32
    %lt3A_43 = arith.cmpi slt, %add3A_41, %lt3A_42 : i32
    %convert_element_type3A_44 = arith.extui %lt3A_43 : i1 to i32
    %cond3A_45 = arith.constant 0 : i32
    %cond3A_46 = arith.cmpi ne, %convert_element_type3A_44, %cond3A_45 : i32
    scf.if %cond3A_46 {
      %add3A_54 = arith.constant 32 : i32
      %add3A_55 = arith.addi %add3A, %add3A_54 : i32
      %mul3A_56 = arith.constant 256 : i32
      %mul3A_57 = arith.muli %add3A_55, %mul3A_56 : i32
      %dma_wait3A = arith.constant 1 : i32
      %dma_wait3A_58 = arith.constant 1 : i32
      %dma_wait3A_59 = arith.constant 0 : i32
      %dma_wait3A_60 = arith.constant 0 : i32
      %dma_wait3A_61 = tpu.memref_slice %arg6[%dma_wait3A_58, %dma_wait3A_59, %dma_wait3A_60] : memref<3x256x64xf32, #tpu.memory_space<vmem>> -> memref<1x256x64xf32, #tpu.memory_space<vmem>>
      %dma_wait3A_62 = tpu.memref_squeeze %dma_wait3A_61 : memref<1x256x64xf32, #tpu.memory_space<vmem>> -> memref<256x64xf32, #tpu.memory_space<vmem>>
      %dma_wait3A_63 = arith.constant 0 : i32
      %dma_wait3A_64 = tpu.memref_slice %arg5[%dma_wait3A, %dma_wait3A_63] : memref<3x512xi32, #tpu.memory_space<vmem>> -> memref<1x256xi32, #tpu.memory_space<vmem>>
      %dma_wait3A_65 = tpu.memref_squeeze %dma_wait3A_64 : memref<1x256xi32, #tpu.memory_space<vmem>> -> memref<256xi32, #tpu.memory_space<vmem>>
      %dma_wait3A_66 = arith.constant 0 : i32
      %dma_wait3A_67 = arith.constant 0 : i32
      %dma_wait3A_68 = tpu.memref_slice %arg3[%dma_wait3A_66, %dma_wait3A_67] : memref<1000x64xf32, #tpu.memory_space<hbm>> -> memref<1000x64xf32, #tpu.memory_space<hbm>>
      tpu.wait_indirect_dma semaphore(%arg14 : memref<!tpu.dma_semaphore, #tpu.memory_space<semaphore_mem>>) src(%dma_wait3A_68 : memref<1000x64xf32, #tpu.memory_space<hbm>>) dst(%dma_wait3A_62 : memref<256x64xf32, #tpu.memory_space<vmem>>)
      %dma_wait3A_69 = arith.constant 1 : i32
      %dma_wait3A_70 = arith.constant 1 : i32
      %dma_wait3A_71 = arith.constant 0 : i32
      %dma_wait3A_72 = arith.constant 0 : i32
      %dma_wait3A_73 = tpu.memref_slice %arg7[%dma_wait3A_70, %dma_wait3A_71, %dma_wait3A_72] : memref<3x256x64xf32, #tpu.memory_space<vmem>> -> memref<1x256x64xf32, #tpu.memory_space<vmem>>
      %dma_wait3A_74 = tpu.memref_squeeze %dma_wait3A_73 : memref<1x256x64xf32, #tpu.memory_space<vmem>> -> memref<256x64xf32, #tpu.memory_space<vmem>>
      %dma_wait3A_75 = arith.constant 256 : i32
      %dma_wait3A_76 = tpu.memref_slice %arg5[%dma_wait3A_69, %dma_wait3A_75] : memref<3x512xi32, #tpu.memory_space<vmem>> -> memref<1x256xi32, #tpu.memory_space<vmem>>
      %dma_wait3A_77 = tpu.memref_squeeze %dma_wait3A_76 : memref<1x256xi32, #tpu.memory_space<vmem>> -> memref<256xi32, #tpu.memory_space<vmem>>
      %dma_wait3A_78 = arith.constant 0 : i32
      %dma_wait3A_79 = arith.constant 0 : i32
      %dma_wait3A_80 = tpu.memref_slice %arg3[%dma_wait3A_78, %dma_wait3A_79] : memref<1000x64xf32, #tpu.memory_space<hbm>> -> memref<1000x64xf32, #tpu.memory_space<hbm>>
      tpu.wait_indirect_dma semaphore(%arg15 : memref<!tpu.dma_semaphore, #tpu.memory_space<semaphore_mem>>) src(%dma_wait3A_80 : memref<1000x64xf32, #tpu.memory_space<hbm>>) dst(%dma_wait3A_74 : memref<256x64xf32, #tpu.memory_space<vmem>>)
      %dma_start3A = arith.constant 1 : i32
      %dma_start3A_81 = arith.constant 0 : i32
      %dma_start3A_82 = arith.constant 0 : i32
      %dma_start3A_83 = tpu.memref_slice %arg6[%dma_start3A, %dma_start3A_81, %dma_start3A_82] : memref<3x256x64xf32, #tpu.memory_space<vmem>> -> memref<1x256x64xf32, #tpu.memory_space<vmem>>
      %dma_start3A_84 = tpu.memref_squeeze %dma_start3A_83 : memref<1x256x64xf32, #tpu.memory_space<vmem>> -> memref<256x64xf32, #tpu.memory_space<vmem>>
      %dma_start3A_85 = arith.constant 0 : i32
      %dma_start3A_86 = tpu.memref_slice %arg4[%mul3A_57, %dma_start3A_85] : memref<11264x128xf32, #tpu.memory_space<hbm>> -> memref<256x64xf32, #tpu.memory_space<hbm>>
      %dma_start3A_87 = arith.constant 0 : i32
      %dma_start3A_88 = tpu.memref_slice %arg4[%mul3A_57, %dma_start3A_87] : memref<11264x128xf32, #tpu.memory_space<hbm>> -> memref<256x64xf32, #tpu.memory_space<hbm>>
      %dma_start3A_89 = arith.constant 0 : i32
      %dma_start3A_90 = arith.constant 0 : i32
      %dma_start3A_91 = tpu.memref_slice %arg6[%dma_start3A, %dma_start3A_89, %dma_start3A_90] : memref<3x256x64xf32, #tpu.memory_space<vmem>> -> memref<1x256x64xf32, #tpu.memory_space<vmem>>
      %dma_start3A_92 = tpu.memref_squeeze %dma_start3A_91 : memref<1x256x64xf32, #tpu.memory_space<vmem>> -> memref<256x64xf32, #tpu.memory_space<vmem>>
      tpu.enqueue_dma source(%dma_start3A_92 : memref<256x64xf32, #tpu.memory_space<vmem>>) target(%dma_start3A_88 : memref<256x64xf32, #tpu.memory_space<hbm>>) target_semaphore(%arg16 : memref<!tpu.dma_semaphore, #tpu.memory_space<semaphore_mem>>)
      %dma_start3A_93 = arith.constant 1 : i32
      %dma_start3A_94 = arith.constant 0 : i32
      %dma_start3A_95 = arith.constant 0 : i32
      %dma_start3A_96 = tpu.memref_slice %arg7[%dma_start3A_93, %dma_start3A_94, %dma_start3A_95] : memref<3x256x64xf32, #tpu.memory_space<vmem>> -> memref<1x256x64xf32, #tpu.memory_space<vmem>>
      %dma_start3A_97 = tpu.memref_squeeze %dma_start3A_96 : memref<1x256x64xf32, #tpu.memory_space<vmem>> -> memref<256x64xf32, #tpu.memory_space<vmem>>
      %dma_start3A_98 = arith.constant 64 : i32
      %dma_start3A_99 = tpu.memref_slice %arg4[%mul3A_57, %dma_start3A_98] : memref<11264x128xf32, #tpu.memory_space<hbm>> -> memref<256x64xf32, #tpu.memory_space<hbm>>
      %dma_start3A_100 = arith.constant 64 : i32
      %dma_start3A_101 = tpu.memref_slice %arg4[%mul3A_57, %dma_start3A_100] : memref<11264x128xf32, #tpu.memory_space<hbm>> -> memref<256x64xf32, #tpu.memory_space<hbm>>
      %dma_start3A_102 = arith.constant 0 : i32
      %dma_start3A_103 = arith.constant 0 : i32
      %dma_start3A_104 = tpu.memref_slice %arg7[%dma_start3A_93, %dma_start3A_102, %dma_start3A_103] : memref<3x256x64xf32, #tpu.memory_space<vmem>> -> memref<1x256x64xf32, #tpu.memory_space<vmem>>
      %dma_start3A_105 = tpu.memref_squeeze %dma_start3A_104 : memref<1x256x64xf32, #tpu.memory_space<vmem>> -> memref<256x64xf32, #tpu.memory_space<vmem>>
      tpu.enqueue_dma source(%dma_start3A_105 : memref<256x64xf32, #tpu.memory_space<vmem>>) target(%dma_start3A_101 : memref<256x64xf32, #tpu.memory_space<hbm>>) target_semaphore(%arg17 : memref<!tpu.dma_semaphore, #tpu.memory_space<semaphore_mem>>)
    } else {
    }
    %add3A_47 = arith.constant 32 : i32
    %add3A_48 = arith.addi %add3A, %add3A_47 : i32
    %lt3A_49 = arith.constant 44 : i32
    %lt3A_50 = arith.cmpi slt, %add3A_48, %lt3A_49 : i32
    %convert_element_type3A_51 = arith.extui %lt3A_50 : i1 to i32
    %cond3A_52 = arith.constant 0 : i32
    %cond3A_53 = arith.cmpi ne, %convert_element_type3A_51, %cond3A_52 : i32
    scf.if %cond3A_53 {
      %add3A_54 = arith.constant 32 : i32
      %add3A_55 = arith.addi %add3A, %add3A_54 : i32
      %mul3A_56 = arith.constant 256 : i32
      %mul3A_57 = arith.muli %add3A_55, %mul3A_56 : i32
      %dma_wait3A = arith.constant 1 : i32
      %dma_wait3A_58 = arith.constant 0 : i32
      %dma_wait3A_59 = arith.constant 0 : i32
      %dma_wait3A_60 = tpu.memref_slice %arg6[%dma_wait3A, %dma_wait3A_58, %dma_wait3A_59] : memref<3x256x64xf32, #tpu.memory_space<vmem>> -> memref<1x256x64xf32, #tpu.memory_space<vmem>>
      %dma_wait3A_61 = tpu.memref_squeeze %dma_wait3A_60 : memref<1x256x64xf32, #tpu.memory_space<vmem>> -> memref<256x64xf32, #tpu.memory_space<vmem>>
      %dma_wait3A_62 = arith.constant 0 : i32
      %dma_wait3A_63 = tpu.memref_slice %arg4[%mul3A_57, %dma_wait3A_62] : memref<11264x128xf32, #tpu.memory_space<hbm>> -> memref<256x64xf32, #tpu.memory_space<hbm>>
      %dma_wait3A_64 = arith.constant 0 : i32
      %dma_wait3A_65 = tpu.memref_slice %arg4[%mul3A_57, %dma_wait3A_64] : memref<11264x128xf32, #tpu.memory_space<hbm>> -> memref<256x64xf32, #tpu.memory_space<hbm>>
      %dma_wait3A_66 = arith.constant 0 : i32
      %dma_wait3A_67 = arith.constant 0 : i32
      %dma_wait3A_68 = tpu.memref_slice %arg6[%dma_wait3A, %dma_wait3A_66, %dma_wait3A_67] : memref<3x256x64xf32, #tpu.memory_space<vmem>> -> memref<1x256x64xf32, #tpu.memory_space<vmem>>
      %dma_wait3A_69 = tpu.memref_squeeze %dma_wait3A_68 : memref<1x256x64xf32, #tpu.memory_space<vmem>> -> memref<256x64xf32, #tpu.memory_space<vmem>>
      tpu.wait_dma2 semaphore(%arg16 : memref<!tpu.dma_semaphore, #tpu.memory_space<semaphore_mem>>) src(%dma_wait3A_69 : memref<256x64xf32, #tpu.memory_space<vmem>>) dst(%dma_wait3A_65 : memref<256x64xf32, #tpu.memory_space<hbm>>)
      %dma_wait3A_70 = arith.constant 1 : i32
      %dma_wait3A_71 = arith.constant 0 : i32
      %dma_wait3A_72 = arith.constant 0 : i32
      %dma_wait3A_73 = tpu.memref_slice %arg7[%dma_wait3A_70, %dma_wait3A_71, %dma_wait3A_72] : memref<3x256x64xf32, #tpu.memory_space<vmem>> -> memref<1x256x64xf32, #tpu.memory_space<vmem>>
      %dma_wait3A_74 = tpu.memref_squeeze %dma_wait3A_73 : memref<1x256x64xf32, #tpu.memory_space<vmem>> -> memref<256x64xf32, #tpu.memory_space<vmem>>
      %dma_wait3A_75 = arith.constant 64 : i32
      %dma_wait3A_76 = tpu.memref_slice %arg4[%mul3A_57, %dma_wait3A_75] : memref<11264x128xf32, #tpu.memory_space<hbm>> -> memref<256x64xf32, #tpu.memory_space<hbm>>
      %dma_wait3A_77 = arith.constant 64 : i32
      %dma_wait3A_78 = tpu.memref_slice %arg4[%mul3A_57, %dma_wait3A_77] : memref<11264x128xf32, #tpu.memory_space<hbm>> -> memref<256x64xf32, #tpu.memory_space<hbm>>
      %dma_wait3A_79 = arith.constant 0 : i32
      %dma_wait3A_80 = arith.constant 0 : i32
      %dma_wait3A_81 = tpu.memref_slice %arg7[%dma_wait3A_70, %dma_wait3A_79, %dma_wait3A_80] : memref<3x256x64xf32, #tpu.memory_space<vmem>> -> memref<1x256x64xf32, #tpu.memory_space<vmem>>
      %dma_wait3A_82 = tpu.memref_squeeze %dma_wait3A_81 : memref<1x256x64xf32, #tpu.memory_space<vmem>> -> memref<256x64xf32, #tpu.memory_space<vmem>>
      tpu.wait_dma2 semaphore(%arg17 : memref<!tpu.dma_semaphore, #tpu.memory_space<semaphore_mem>>) src(%dma_wait3A_82 : memref<256x64xf32, #tpu.memory_space<vmem>>) dst(%dma_wait3A_78 : memref<256x64xf32, #tpu.memory_space<hbm>>)
    } else {
    }
    return
  }
}

#map = affine_map<(d0, d1) -> (0)>
#map1 = affine_map<(d0, d1) -> (0, 0)>
module attributes {stable_mosaic.version = 14 : i64} {
  func.func @_sc_gather_body(%arg0: i32, %arg1: i32, %arg2: memref<100352xi32, #tpu.memory_space<hbm>>, %arg3: memref<1000x64xf32, #tpu.memory_space<hbm>>, %arg4: memref<11264x128xf32, #tpu.memory_space<hbm>>, %arg5: memref<3x512xi32, #tpu.memory_space<vmem>>, %arg6: memref<3x256x64xf32, #tpu.memory_space<vmem>>, %arg7: memref<3x256x64xf32, #tpu.memory_space<vmem>>, %arg8: memref<!tpu.dma_semaphore, #tpu.memory_space<semaphore_mem>>, %arg9: memref<!tpu.dma_semaphore, #tpu.memory_space<semaphore_mem>>, %arg10: memref<!tpu.dma_semaphore, #tpu.memory_space<semaphore_mem>>, %arg11: memref<!tpu.dma_semaphore, #tpu.memory_space<semaphore_mem>>, %arg12: memref<!tpu.dma_semaphore, #tpu.memory_space<semaphore_mem>>, %arg13: memref<!tpu.dma_semaphore, #tpu.memory_space<semaphore_mem>>, %arg14: memref<!tpu.dma_semaphore, #tpu.memory_space<semaphore_mem>>, %arg15: memref<!tpu.dma_semaphore, #tpu.memory_space<semaphore_mem>>, %arg16: memref<!tpu.dma_semaphore, #tpu.memory_space<semaphore_mem>>, %arg17: memref<!tpu.dma_semaphore, #tpu.memory_space<semaphore_mem>>, %arg18: memref<!tpu.dma_semaphore, #tpu.memory_space<semaphore_mem>>, %arg19: memref<!tpu.dma_semaphore, #tpu.memory_space<semaphore_mem>>, %arg20: memref<!tpu.dma_semaphore, #tpu.memory_space<semaphore_mem>>, %arg21: memref<!tpu.dma_semaphore, #tpu.memory_space<semaphore_mem>>, %arg22: memref<!tpu.dma_semaphore, #tpu.memory_space<semaphore_mem>>) attributes {dimension_semantics = [#tpu.dimension_semantics<core_parallel>, #tpu.dimension_semantics<subcore_parallel>], iteration_bounds = array<i64: 2, 16>, scalar_prefetch = 0 : i64, scratch_operands = 18 : i64, tpu.core_type = #tpu.core_type<sc_vector_subcore>, window_params = [{transform_indices = #map}, {transform_indices = #map1}, {transform_indices = #map1}]} {
    %mul3A = arith.constant 2 : i32
    %mul3A_0 = arith.muli %arg1, %mul3A : i32
    %add3A = arith.addi %mul3A_0, %arg0 : i32
    %add3A_1 = arith.constant 0 : i32
    %add3A_2 = arith.addi %add3A, %add3A_1 : i32
    %lt3A = arith.constant 44 : i32
    %lt3A_3 = arith.cmpi slt, %add3A_2, %lt3A : i32
    %convert_element_type3A = arith.extui %lt3A_3 : i1 to i32
    %cond3A = arith.constant 0 : i32
    %cond3A_4 = arith.cmpi ne, %convert_element_type3A, %cond3A : i32
    scf.if %cond3A_4 {
      %add3A_54 = arith.constant 0 : i32
      %add3A_55 = arith.addi %add3A, %add3A_54 : i32
      %add3A_56 = arith.constant 20 : i32
      %add3A_57 = arith.addi %add3A_56, %add3A_55 : i32
      %jit3A = arith.constant 4 : i32
      %div3A = arith.divsi %add3A_57, %jit3A : i32
      %sign3A = arith.constant 0 : i32
      %sign3A_58 = arith.cmpi sgt, %add3A_57, %sign3A : i32
      %sign3A_59 = arith.extui %sign3A_58 : i1 to i32
      %sign3A_60 = arith.constant 0 : i32
      %sign3A_61 = arith.cmpi slt, %add3A_57, %sign3A_60 : i32
      %sign3A_62 = arith.extui %sign3A_61 : i1 to i32
      %sign3A_63 = arith.subi %sign3A_59, %sign3A_62 : i32
      %sign3A_64 = arith.constant 0 : i32
      %sign3A_65 = arith.cmpi sgt, %jit3A, %sign3A_64 : i32
      %sign3A_66 = arith.extui %sign3A_65 : i1 to i32
      %sign3A_67 = arith.constant 0 : i32
      %sign3A_68 = arith.cmpi slt, %jit3A, %sign3A_67 : i32
      %sign3A_69 = arith.extui %sign3A_68 : i1 to i32
      %sign3A_70 = arith.subi %sign3A_66, %sign3A_69 : i32
      %ne3A = arith.cmpi ne, %sign3A_63, %sign3A_70 : i32
      %rem3A = arith.remsi %add3A_57, %jit3A : i32
      %ne3A_71 = arith.constant 0 : i32
      %ne3A_72 = arith.cmpi ne, %rem3A, %ne3A_71 : i32
      %and3A = arith.andi %ne3A, %ne3A_72 : i1
      %sub3A = arith.constant 1 : i32
      %sub3A_73 = arith.subi %div3A, %sub3A : i32
      %select_n3A = arith.select %and3A, %sub3A_73, %div3A : i32
      %mul3A_74 = arith.constant 2048 : i32
      %mul3A_75 = arith.muli %select_n3A, %mul3A_74 : i32
      %jit3A_76 = arith.constant 4 : i32
      %eq3A = arith.constant 0 : i32
      %eq3A_77 = arith.cmpi eq, %jit3A_76, %eq3A : i32
      %jit3A_78 = arith.constant 1 : i32
      %select_n3A_79 = arith.select %eq3A_77, %jit3A_78, %jit3A_76 : i32
      %rem3A_80 = arith.remsi %add3A_57, %select_n3A_79 : i32
      %ne3A_81 = arith.constant 0 : i32
      %ne3A_82 = arith.cmpi ne, %rem3A_80, %ne3A_81 : i32
      %lt3A_83 = arith.constant 0 : i32
      %lt3A_84 = arith.cmpi slt, %rem3A_80, %lt3A_83 : i32
      %lt3A_85 = arith.constant 0 : i32
      %lt3A_86 = arith.cmpi slt, %select_n3A_79, %lt3A_85 : i32
      %ne3A_87 = arith.xori %lt3A_84, %lt3A_86 : i1
      %and3A_88 = arith.andi %ne3A_87, %ne3A_82 : i1
      %add3A_89 = arith.addi %rem3A_80, %select_n3A_79 : i32
      %select_n3A_90 = arith.select %and3A_88, %add3A_89, %rem3A_80 : i32
      %mul3A_91 = arith.constant 256 : i32
      %mul3A_92 = arith.muli %select_n3A_90, %mul3A_91 : i32
      %add3A_93 = arith.addi %mul3A_75, %mul3A_92 : i32
      %dma_start3A = arith.constant 0 : i32
      %dma_start3A_94 = arith.constant 0 : i32
      %dma_start3A_95 = tpu.memref_slice %arg5[%dma_start3A, %dma_start3A_94] : memref<3x512xi32, #tpu.memory_space<vmem>> -> memref<1x256xi32, #tpu.memory_space<vmem>>
      %dma_start3A_96 = tpu.memref_squeeze %dma_start3A_95 : memref<1x256xi32, #tpu.memory_space<vmem>> -> memref<256xi32, #tpu.memory_space<vmem>>
      %dma_start3A_97 = tpu.memref_slice %arg2[%add3A_93] : memref<100352xi32, #tpu.memory_space<hbm>> -> memref<256xi32, #tpu.memory_space<hbm>>
      %dma_start3A_98 = arith.constant 0 : i32
      %dma_start3A_99 = tpu.memref_slice %arg5[%dma_start3A, %dma_start3A_98] : memref<3x512xi32, #tpu.memory_space<vmem>> -> memref<1x256xi32, #tpu.memory_space<vmem>>
      %dma_start3A_100 = tpu.memref_squeeze %dma_start3A_99 : memref<1x256xi32, #tpu.memory_space<vmem>> -> memref<256xi32, #tpu.memory_space<vmem>>
      %dma_start3A_101 = tpu.memref_slice %arg2[%add3A_93] : memref<100352xi32, #tpu.memory_space<hbm>> -> memref<256xi32, #tpu.memory_space<hbm>>
      tpu.enqueue_dma source(%dma_start3A_101 : memref<256xi32, #tpu.memory_space<hbm>>) target(%dma_start3A_100 : memref<256xi32, #tpu.memory_space<vmem>>) target_semaphore(%arg8 : memref<!tpu.dma_semaphore, #tpu.memory_space<semaphore_mem>>)
      %add3A_102 = arith.constant 1024 : i32
      %add3A_103 = arith.addi %add3A_93, %add3A_102 : i32
      %dma_start3A_104 = arith.constant 0 : i32
      %dma_start3A_105 = arith.constant 256 : i32
      %dma_start3A_106 = tpu.memref_slice %arg5[%dma_start3A_104, %dma_start3A_105] : memref<3x512xi32, #tpu.memory_space<vmem>> -> memref<1x256xi32, #tpu.memory_space<vmem>>
      %dma_start3A_107 = tpu.memref_squeeze %dma_start3A_106 : memref<1x256xi32, #tpu.memory_space<vmem>> -> memref<256xi32, #tpu.memory_space<vmem>>
      %dma_start3A_108 = tpu.memref_slice %arg2[%add3A_103] : memref<100352xi32, #tpu.memory_space<hbm>> -> memref<256xi32, #tpu.memory_space<hbm>>
      %dma_start3A_109 = arith.constant 256 : i32
      %dma_start3A_110 = tpu.memref_slice %arg5[%dma_start3A_104, %dma_start3A_109] : memref<3x512xi32, #tpu.memory_space<vmem>> -> memref<1x256xi32, #tpu.memory_space<vmem>>
      %dma_start3A_111 = tpu.memref_squeeze %dma_start3A_110 : memref<1x256xi32, #tpu.memory_space<vmem>> -> memref<256xi32, #tpu.memory_space<vmem>>
      %dma_start3A_112 = tpu.memref_slice %arg2[%add3A_103] : memref<100352xi32, #tpu.memory_space<hbm>> -> memref<256xi32, #tpu.memory_space<hbm>>
      tpu.enqueue_dma source(%dma_start3A_112 : memref<256xi32, #tpu.memory_space<hbm>>) target(%dma_start3A_111 : memref<256xi32, #tpu.memory_space<vmem>>) target_semaphore(%arg8 : memref<!tpu.dma_semaphore, #tpu.memory_space<semaphore_mem>>)
    } else {
    }
    %add3A_5 = arith.constant 32 : i32
    %add3A_6 = arith.addi %add3A, %add3A_5 : i32
    %lt3A_7 = arith.constant 44 : i32
    %lt3A_8 = arith.cmpi slt, %add3A_6, %lt3A_7 : i32
    %convert_element_type3A_9 = arith.extui %lt3A_8 : i1 to i32
    %cond3A_10 = arith.constant 0 : i32
    %cond3A_11 = arith.cmpi ne, %convert_element_type3A_9, %cond3A_10 : i32
    scf.if %cond3A_11 {
      %add3A_54 = arith.constant 32 : i32
      %add3A_55 = arith.addi %add3A, %add3A_54 : i32
      %add3A_56 = arith.constant 20 : i32
      %add3A_57 = arith.addi %add3A_56, %add3A_55 : i32
      %jit3A = arith.constant 4 : i32
      %div3A = arith.divsi %add3A_57, %jit3A : i32
      %sign3A = arith.constant 0 : i32
      %sign3A_58 = arith.cmpi sgt, %add3A_57, %sign3A : i32
      %sign3A_59 = arith.extui %sign3A_58 : i1 to i32
      %sign3A_60 = arith.constant 0 : i32
      %sign3A_61 = arith.cmpi slt, %add3A_57, %sign3A_60 : i32
      %sign3A_62 = arith.extui %sign3A_61 : i1 to i32
      %sign3A_63 = arith.subi %sign3A_59, %sign3A_62 : i32
      %sign3A_64 = arith.constant 0 : i32
      %sign3A_65 = arith.cmpi sgt, %jit3A, %sign3A_64 : i32
      %sign3A_66 = arith.extui %sign3A_65 : i1 to i32
      %sign3A_67 = arith.constant 0 : i32
      %sign3A_68 = arith.cmpi slt, %jit3A, %sign3A_67 : i32
      %sign3A_69 = arith.extui %sign3A_68 : i1 to i32
      %sign3A_70 = arith.subi %sign3A_66, %sign3A_69 : i32
      %ne3A = arith.cmpi ne, %sign3A_63, %sign3A_70 : i32
      %rem3A = arith.remsi %add3A_57, %jit3A : i32
      %ne3A_71 = arith.constant 0 : i32
      %ne3A_72 = arith.cmpi ne, %rem3A, %ne3A_71 : i32
      %and3A = arith.andi %ne3A, %ne3A_72 : i1
      %sub3A = arith.constant 1 : i32
      %sub3A_73 = arith.subi %div3A, %sub3A : i32
      %select_n3A = arith.select %and3A, %sub3A_73, %div3A : i32
      %mul3A_74 = arith.constant 2048 : i32
      %mul3A_75 = arith.muli %select_n3A, %mul3A_74 : i32
      %jit3A_76 = arith.constant 4 : i32
      %eq3A = arith.constant 0 : i32
      %eq3A_77 = arith.cmpi eq, %jit3A_76, %eq3A : i32
      %jit3A_78 = arith.constant 1 : i32
      %select_n3A_79 = arith.select %eq3A_77, %jit3A_78, %jit3A_76 : i32
      %rem3A_80 = arith.remsi %add3A_57, %select_n3A_79 : i32
      %ne3A_81 = arith.constant 0 : i32
      %ne3A_82 = arith.cmpi ne, %rem3A_80, %ne3A_81 : i32
      %lt3A_83 = arith.constant 0 : i32
      %lt3A_84 = arith.cmpi slt, %rem3A_80, %lt3A_83 : i32
      %lt3A_85 = arith.constant 0 : i32
      %lt3A_86 = arith.cmpi slt, %select_n3A_79, %lt3A_85 : i32
      %ne3A_87 = arith.xori %lt3A_84, %lt3A_86 : i1
      %and3A_88 = arith.andi %ne3A_87, %ne3A_82 : i1
      %add3A_89 = arith.addi %rem3A_80, %select_n3A_79 : i32
      %select_n3A_90 = arith.select %and3A_88, %add3A_89, %rem3A_80 : i32
      %mul3A_91 = arith.constant 256 : i32
      %mul3A_92 = arith.muli %select_n3A_90, %mul3A_91 : i32
      %add3A_93 = arith.addi %mul3A_75, %mul3A_92 : i32
      %dma_start3A = arith.constant 1 : i32
      %dma_start3A_94 = arith.constant 0 : i32
      %dma_start3A_95 = tpu.memref_slice %arg5[%dma_start3A, %dma_start3A_94] : memref<3x512xi32, #tpu.memory_space<vmem>> -> memref<1x256xi32, #tpu.memory_space<vmem>>
      %dma_start3A_96 = tpu.memref_squeeze %dma_start3A_95 : memref<1x256xi32, #tpu.memory_space<vmem>> -> memref<256xi32, #tpu.memory_space<vmem>>
      %dma_start3A_97 = tpu.memref_slice %arg2[%add3A_93] : memref<100352xi32, #tpu.memory_space<hbm>> -> memref<256xi32, #tpu.memory_space<hbm>>
      %dma_start3A_98 = arith.constant 0 : i32
      %dma_start3A_99 = tpu.memref_slice %arg5[%dma_start3A, %dma_start3A_98] : memref<3x512xi32, #tpu.memory_space<vmem>> -> memref<1x256xi32, #tpu.memory_space<vmem>>
      %dma_start3A_100 = tpu.memref_squeeze %dma_start3A_99 : memref<1x256xi32, #tpu.memory_space<vmem>> -> memref<256xi32, #tpu.memory_space<vmem>>
      %dma_start3A_101 = tpu.memref_slice %arg2[%add3A_93] : memref<100352xi32, #tpu.memory_space<hbm>> -> memref<256xi32, #tpu.memory_space<hbm>>
      tpu.enqueue_dma source(%dma_start3A_101 : memref<256xi32, #tpu.memory_space<hbm>>) target(%dma_start3A_100 : memref<256xi32, #tpu.memory_space<vmem>>) target_semaphore(%arg13 : memref<!tpu.dma_semaphore, #tpu.memory_space<semaphore_mem>>)
      %add3A_102 = arith.constant 1024 : i32
      %add3A_103 = arith.addi %add3A_93, %add3A_102 : i32
      %dma_start3A_104 = arith.constant 1 : i32
      %dma_start3A_105 = arith.constant 256 : i32
      %dma_start3A_106 = tpu.memref_slice %arg5[%dma_start3A_104, %dma_start3A_105] : memref<3x512xi32, #tpu.memory_space<vmem>> -> memref<1x256xi32, #tpu.memory_space<vmem>>
      %dma_start3A_107 = tpu.memref_squeeze %dma_start3A_106 : memref<1x256xi32, #tpu.memory_space<vmem>> -> memref<256xi32, #tpu.memory_space<vmem>>
      %dma_start3A_108 = tpu.memref_slice %arg2[%add3A_103] : memref<100352xi32, #tpu.memory_space<hbm>> -> memref<256xi32, #tpu.memory_space<hbm>>
      %dma_start3A_109 = arith.constant 256 : i32
      %dma_start3A_110 = tpu.memref_slice %arg5[%dma_start3A_104, %dma_start3A_109] : memref<3x512xi32, #tpu.memory_space<vmem>> -> memref<1x256xi32, #tpu.memory_space<vmem>>
      %dma_start3A_111 = tpu.memref_squeeze %dma_start3A_110 : memref<1x256xi32, #tpu.memory_space<vmem>> -> memref<256xi32, #tpu.memory_space<vmem>>
      %dma_start3A_112 = tpu.memref_slice %arg2[%add3A_103] : memref<100352xi32, #tpu.memory_space<hbm>> -> memref<256xi32, #tpu.memory_space<hbm>>
      tpu.enqueue_dma source(%dma_start3A_112 : memref<256xi32, #tpu.memory_space<hbm>>) target(%dma_start3A_111 : memref<256xi32, #tpu.memory_space<vmem>>) target_semaphore(%arg13 : memref<!tpu.dma_semaphore, #tpu.memory_space<semaphore_mem>>)
    } else {
    }
    %add3A_12 = arith.constant 0 : i32
    %add3A_13 = arith.addi %add3A, %add3A_12 : i32
    %lt3A_14 = arith.constant 44 : i32
    %lt3A_15 = arith.cmpi slt, %add3A_13, %lt3A_14 : i32
    %convert_element_type3A_16 = arith.extui %lt3A_15 : i1 to i32
    %cond3A_17 = arith.constant 0 : i32
    %cond3A_18 = arith.cmpi ne, %convert_element_type3A_16, %cond3A_17 : i32
    scf.if %cond3A_18 {
      %add3A_54 = arith.constant 0 : i32
      %add3A_55 = arith.addi %add3A, %add3A_54 : i32
      %add3A_56 = arith.constant 20 : i32
      %add3A_57 = arith.addi %add3A_56, %add3A_55 : i32
      %jit3A = arith.constant 4 : i32
      %div3A = arith.divsi %add3A_57, %jit3A : i32
      %sign3A = arith.constant 0 : i32
      %sign3A_58 = arith.cmpi sgt, %add3A_57, %sign3A : i32
      %sign3A_59 = arith.extui %sign3A_58 : i1 to i32
      %sign3A_60 = arith.constant 0 : i32
      %sign3A_61 = arith.cmpi slt, %add3A_57, %sign3A_60 : i32
      %sign3A_62 = arith.extui %sign3A_61 : i1 to i32
      %sign3A_63 = arith.subi %sign3A_59, %sign3A_62 : i32
      %sign3A_64 = arith.constant 0 : i32
      %sign3A_65 = arith.cmpi sgt, %jit3A, %sign3A_64 : i32
      %sign3A_66 = arith.extui %sign3A_65 : i1 to i32
      %sign3A_67 = arith.constant 0 : i32
      %sign3A_68 = arith.cmpi slt, %jit3A, %sign3A_67 : i32
      %sign3A_69 = arith.extui %sign3A_68 : i1 to i32
      %sign3A_70 = arith.subi %sign3A_66, %sign3A_69 : i32
      %ne3A = arith.cmpi ne, %sign3A_63, %sign3A_70 : i32
      %rem3A = arith.remsi %add3A_57, %jit3A : i32
      %ne3A_71 = arith.constant 0 : i32
      %ne3A_72 = arith.cmpi ne, %rem3A, %ne3A_71 : i32
      %and3A = arith.andi %ne3A, %ne3A_72 : i1
      %sub3A = arith.constant 1 : i32
      %sub3A_73 = arith.subi %div3A, %sub3A : i32
      %select_n3A = arith.select %and3A, %sub3A_73, %div3A : i32
      %mul3A_74 = arith.constant 2048 : i32
      %mul3A_75 = arith.muli %select_n3A, %mul3A_74 : i32
      %jit3A_76 = arith.constant 4 : i32
      %eq3A = arith.constant 0 : i32
      %eq3A_77 = arith.cmpi eq, %jit3A_76, %eq3A : i32
      %jit3A_78 = arith.constant 1 : i32
      %select_n3A_79 = arith.select %eq3A_77, %jit3A_78, %jit3A_76 : i32
      %rem3A_80 = arith.remsi %add3A_57, %select_n3A_79 : i32
      %ne3A_81 = arith.constant 0 : i32
      %ne3A_82 = arith.cmpi ne, %rem3A_80, %ne3A_81 : i32
      %lt3A_83 = arith.constant 0 : i32
      %lt3A_84 = arith.cmpi slt, %rem3A_80, %lt3A_83 : i32
      %lt3A_85 = arith.constant 0 : i32
      %lt3A_86 = arith.cmpi slt, %select_n3A_79, %lt3A_85 : i32
      %ne3A_87 = arith.xori %lt3A_84, %lt3A_86 : i1
      %and3A_88 = arith.andi %ne3A_87, %ne3A_82 : i1
      %add3A_89 = arith.addi %rem3A_80, %select_n3A_79 : i32
      %select_n3A_90 = arith.select %and3A_88, %add3A_89, %rem3A_80 : i32
      %mul3A_91 = arith.constant 256 : i32
      %mul3A_92 = arith.muli %select_n3A_90, %mul3A_91 : i32
      %add3A_93 = arith.addi %mul3A_75, %mul3A_92 : i32
      %dma_wait3A = arith.constant 0 : i32
      %dma_wait3A_94 = arith.constant 0 : i32
      %dma_wait3A_95 = tpu.memref_slice %arg5[%dma_wait3A, %dma_wait3A_94] : memref<3x512xi32, #tpu.memory_space<vmem>> -> memref<1x256xi32, #tpu.memory_space<vmem>>
      %dma_wait3A_96 = tpu.memref_squeeze %dma_wait3A_95 : memref<1x256xi32, #tpu.memory_space<vmem>> -> memref<256xi32, #tpu.memory_space<vmem>>
      %dma_wait3A_97 = tpu.memref_slice %arg2[%add3A_93] : memref<100352xi32, #tpu.memory_space<hbm>> -> memref<256xi32, #tpu.memory_space<hbm>>
      %dma_wait3A_98 = arith.constant 0 : i32
      %dma_wait3A_99 = tpu.memref_slice %arg5[%dma_wait3A, %dma_wait3A_98] : memref<3x512xi32, #tpu.memory_space<vmem>> -> memref<1x256xi32, #tpu.memory_space<vmem>>
      %dma_wait3A_100 = tpu.memref_squeeze %dma_wait3A_99 : memref<1x256xi32, #tpu.memory_space<vmem>> -> memref<256xi32, #tpu.memory_space<vmem>>
      %dma_wait3A_101 = tpu.memref_slice %arg2[%add3A_93] : memref<100352xi32, #tpu.memory_space<hbm>> -> memref<256xi32, #tpu.memory_space<hbm>>
      tpu.wait_dma2 semaphore(%arg8 : memref<!tpu.dma_semaphore, #tpu.memory_space<semaphore_mem>>) src(%dma_wait3A_101 : memref<256xi32, #tpu.memory_space<hbm>>) dst(%dma_wait3A_100 : memref<256xi32, #tpu.memory_space<vmem>>)
      %add3A_102 = arith.constant 1024 : i32
      %add3A_103 = arith.addi %add3A_93, %add3A_102 : i32
      %dma_wait3A_104 = arith.constant 0 : i32
      %dma_wait3A_105 = arith.constant 256 : i32
      %dma_wait3A_106 = tpu.memref_slice %arg5[%dma_wait3A_104, %dma_wait3A_105] : memref<3x512xi32, #tpu.memory_space<vmem>> -> memref<1x256xi32, #tpu.memory_space<vmem>>
      %dma_wait3A_107 = tpu.memref_squeeze %dma_wait3A_106 : memref<1x256xi32, #tpu.memory_space<vmem>> -> memref<256xi32, #tpu.memory_space<vmem>>
      %dma_wait3A_108 = tpu.memref_slice %arg2[%add3A_103] : memref<100352xi32, #tpu.memory_space<hbm>> -> memref<256xi32, #tpu.memory_space<hbm>>
      %dma_wait3A_109 = arith.constant 256 : i32
      %dma_wait3A_110 = tpu.memref_slice %arg5[%dma_wait3A_104, %dma_wait3A_109] : memref<3x512xi32, #tpu.memory_space<vmem>> -> memref<1x256xi32, #tpu.memory_space<vmem>>
      %dma_wait3A_111 = tpu.memref_squeeze %dma_wait3A_110 : memref<1x256xi32, #tpu.memory_space<vmem>> -> memref<256xi32, #tpu.memory_space<vmem>>
      %dma_wait3A_112 = tpu.memref_slice %arg2[%add3A_103] : memref<100352xi32, #tpu.memory_space<hbm>> -> memref<256xi32, #tpu.memory_space<hbm>>
      tpu.wait_dma2 semaphore(%arg8 : memref<!tpu.dma_semaphore, #tpu.memory_space<semaphore_mem>>) src(%dma_wait3A_112 : memref<256xi32, #tpu.memory_space<hbm>>) dst(%dma_wait3A_111 : memref<256xi32, #tpu.memory_space<vmem>>)
      %dma_start3A = arith.constant 0 : i32
      %dma_start3A_113 = arith.constant 0 : i32
      %dma_start3A_114 = arith.constant 0 : i32
      %dma_start3A_115 = arith.constant 0 : i32
      %dma_start3A_116 = tpu.memref_slice %arg6[%dma_start3A_113, %dma_start3A_114, %dma_start3A_115] : memref<3x256x64xf32, #tpu.memory_space<vmem>> -> memref<1x256x64xf32, #tpu.memory_space<vmem>>
      %dma_start3A_117 = tpu.memref_squeeze %dma_start3A_116 : memref<1x256x64xf32, #tpu.memory_space<vmem>> -> memref<256x64xf32, #tpu.memory_space<vmem>>
      %dma_start3A_118 = arith.constant 0 : i32
      %dma_start3A_119 = tpu.memref_slice %arg5[%dma_start3A, %dma_start3A_118] : memref<3x512xi32, #tpu.memory_space<vmem>> -> memref<1x256xi32, #tpu.memory_space<vmem>>
      %dma_start3A_120 = tpu.memref_squeeze %dma_start3A_119 : memref<1x256xi32, #tpu.memory_space<vmem>> -> memref<256xi32, #tpu.memory_space<vmem>>
      %dma_start3A_121 = arith.constant 0 : i32
      %dma_start3A_122 = arith.constant 0 : i32
      %dma_start3A_123 = tpu.memref_slice %arg3[%dma_start3A_121, %dma_start3A_122] : memref<1000x64xf32, #tpu.memory_space<hbm>> -> memref<1000x64xf32, #tpu.memory_space<hbm>>
      tpu.enqueue_indirect_dma source(%dma_start3A_123 : memref<1000x64xf32, #tpu.memory_space<hbm>>) target(%dma_start3A_117 : memref<256x64xf32, #tpu.memory_space<vmem>>) offsets(%dma_start3A_120 : memref<256xi32, #tpu.memory_space<vmem>>) semaphore(%arg9 : memref<!tpu.dma_semaphore, #tpu.memory_space<semaphore_mem>>)
      %dma_start3A_124 = arith.constant 0 : i32
      %dma_start3A_125 = arith.constant 0 : i32
      %dma_start3A_126 = arith.constant 0 : i32
      %dma_start3A_127 = arith.constant 0 : i32
      %dma_start3A_128 = tpu.memref_slice %arg7[%dma_start3A_125, %dma_start3A_126, %dma_start3A_127] : memref<3x256x64xf32, #tpu.memory_space<vmem>> -> memref<1x256x64xf32, #tpu.memory_space<vmem>>
      %dma_start3A_129 = tpu.memref_squeeze %dma_start3A_128 : memref<1x256x64xf32, #tpu.memory_space<vmem>> -> memref<256x64xf32, #tpu.memory_space<vmem>>
      %dma_start3A_130 = arith.constant 256 : i32
      %dma_start3A_131 = tpu.memref_slice %arg5[%dma_start3A_124, %dma_start3A_130] : memref<3x512xi32, #tpu.memory_space<vmem>> -> memref<1x256xi32, #tpu.memory_space<vmem>>
      %dma_start3A_132 = tpu.memref_squeeze %dma_start3A_131 : memref<1x256xi32, #tpu.memory_space<vmem>> -> memref<256xi32, #tpu.memory_space<vmem>>
      %dma_start3A_133 = arith.constant 0 : i32
      %dma_start3A_134 = arith.constant 0 : i32
      %dma_start3A_135 = tpu.memref_slice %arg3[%dma_start3A_133, %dma_start3A_134] : memref<1000x64xf32, #tpu.memory_space<hbm>> -> memref<1000x64xf32, #tpu.memory_space<hbm>>
      tpu.enqueue_indirect_dma source(%dma_start3A_135 : memref<1000x64xf32, #tpu.memory_space<hbm>>) target(%dma_start3A_129 : memref<256x64xf32, #tpu.memory_space<vmem>>) offsets(%dma_start3A_132 : memref<256xi32, #tpu.memory_space<vmem>>) semaphore(%arg10 : memref<!tpu.dma_semaphore, #tpu.memory_space<semaphore_mem>>)
    } else {
    }
    %add3A_19 = arith.constant 32 : i32
    %add3A_20 = arith.addi %add3A, %add3A_19 : i32
    %lt3A_21 = arith.constant 44 : i32
    %lt3A_22 = arith.cmpi slt, %add3A_20, %lt3A_21 : i32
    %convert_element_type3A_23 = arith.extui %lt3A_22 : i1 to i32
    %cond3A_24 = arith.constant 0 : i32
    %cond3A_25 = arith.cmpi ne, %convert_element_type3A_23, %cond3A_24 : i32
    scf.if %cond3A_25 {
      %add3A_54 = arith.constant 32 : i32
      %add3A_55 = arith.addi %add3A, %add3A_54 : i32
      %add3A_56 = arith.constant 20 : i32
      %add3A_57 = arith.addi %add3A_56, %add3A_55 : i32
      %jit3A = arith.constant 4 : i32
      %div3A = arith.divsi %add3A_57, %jit3A : i32
      %sign3A = arith.constant 0 : i32
      %sign3A_58 = arith.cmpi sgt, %add3A_57, %sign3A : i32
      %sign3A_59 = arith.extui %sign3A_58 : i1 to i32
      %sign3A_60 = arith.constant 0 : i32
      %sign3A_61 = arith.cmpi slt, %add3A_57, %sign3A_60 : i32
      %sign3A_62 = arith.extui %sign3A_61 : i1 to i32
      %sign3A_63 = arith.subi %sign3A_59, %sign3A_62 : i32
      %sign3A_64 = arith.constant 0 : i32
      %sign3A_65 = arith.cmpi sgt, %jit3A, %sign3A_64 : i32
      %sign3A_66 = arith.extui %sign3A_65 : i1 to i32
      %sign3A_67 = arith.constant 0 : i32
      %sign3A_68 = arith.cmpi slt, %jit3A, %sign3A_67 : i32
      %sign3A_69 = arith.extui %sign3A_68 : i1 to i32
      %sign3A_70 = arith.subi %sign3A_66, %sign3A_69 : i32
      %ne3A = arith.cmpi ne, %sign3A_63, %sign3A_70 : i32
      %rem3A = arith.remsi %add3A_57, %jit3A : i32
      %ne3A_71 = arith.constant 0 : i32
      %ne3A_72 = arith.cmpi ne, %rem3A, %ne3A_71 : i32
      %and3A = arith.andi %ne3A, %ne3A_72 : i1
      %sub3A = arith.constant 1 : i32
      %sub3A_73 = arith.subi %div3A, %sub3A : i32
      %select_n3A = arith.select %and3A, %sub3A_73, %div3A : i32
      %mul3A_74 = arith.constant 2048 : i32
      %mul3A_75 = arith.muli %select_n3A, %mul3A_74 : i32
      %jit3A_76 = arith.constant 4 : i32
      %eq3A = arith.constant 0 : i32
      %eq3A_77 = arith.cmpi eq, %jit3A_76, %eq3A : i32
      %jit3A_78 = arith.constant 1 : i32
      %select_n3A_79 = arith.select %eq3A_77, %jit3A_78, %jit3A_76 : i32
      %rem3A_80 = arith.remsi %add3A_57, %select_n3A_79 : i32
      %ne3A_81 = arith.constant 0 : i32
      %ne3A_82 = arith.cmpi ne, %rem3A_80, %ne3A_81 : i32
      %lt3A_83 = arith.constant 0 : i32
      %lt3A_84 = arith.cmpi slt, %rem3A_80, %lt3A_83 : i32
      %lt3A_85 = arith.constant 0 : i32
      %lt3A_86 = arith.cmpi slt, %select_n3A_79, %lt3A_85 : i32
      %ne3A_87 = arith.xori %lt3A_84, %lt3A_86 : i1
      %and3A_88 = arith.andi %ne3A_87, %ne3A_82 : i1
      %add3A_89 = arith.addi %rem3A_80, %select_n3A_79 : i32
      %select_n3A_90 = arith.select %and3A_88, %add3A_89, %rem3A_80 : i32
      %mul3A_91 = arith.constant 256 : i32
      %mul3A_92 = arith.muli %select_n3A_90, %mul3A_91 : i32
      %add3A_93 = arith.addi %mul3A_75, %mul3A_92 : i32
      %dma_wait3A = arith.constant 1 : i32
      %dma_wait3A_94 = arith.constant 0 : i32
      %dma_wait3A_95 = tpu.memref_slice %arg5[%dma_wait3A, %dma_wait3A_94] : memref<3x512xi32, #tpu.memory_space<vmem>> -> memref<1x256xi32, #tpu.memory_space<vmem>>
      %dma_wait3A_96 = tpu.memref_squeeze %dma_wait3A_95 : memref<1x256xi32, #tpu.memory_space<vmem>> -> memref<256xi32, #tpu.memory_space<vmem>>
      %dma_wait3A_97 = tpu.memref_slice %arg2[%add3A_93] : memref<100352xi32, #tpu.memory_space<hbm>> -> memref<256xi32, #tpu.memory_space<hbm>>
      %dma_wait3A_98 = arith.constant 0 : i32
      %dma_wait3A_99 = tpu.memref_slice %arg5[%dma_wait3A, %dma_wait3A_98] : memref<3x512xi32, #tpu.memory_space<vmem>> -> memref<1x256xi32, #tpu.memory_space<vmem>>
      %dma_wait3A_100 = tpu.memref_squeeze %dma_wait3A_99 : memref<1x256xi32, #tpu.memory_space<vmem>> -> memref<256xi32, #tpu.memory_space<vmem>>
      %dma_wait3A_101 = tpu.memref_slice %arg2[%add3A_93] : memref<100352xi32, #tpu.memory_space<hbm>> -> memref<256xi32, #tpu.memory_space<hbm>>
      tpu.wait_dma2 semaphore(%arg13 : memref<!tpu.dma_semaphore, #tpu.memory_space<semaphore_mem>>) src(%dma_wait3A_101 : memref<256xi32, #tpu.memory_space<hbm>>) dst(%dma_wait3A_100 : memref<256xi32, #tpu.memory_space<vmem>>)
      %add3A_102 = arith.constant 1024 : i32
      %add3A_103 = arith.addi %add3A_93, %add3A_102 : i32
      %dma_wait3A_104 = arith.constant 1 : i32
      %dma_wait3A_105 = arith.constant 256 : i32
      %dma_wait3A_106 = tpu.memref_slice %arg5[%dma_wait3A_104, %dma_wait3A_105] : memref<3x512xi32, #tpu.memory_space<vmem>> -> memref<1x256xi32, #tpu.memory_space<vmem>>
      %dma_wait3A_107 = tpu.memref_squeeze %dma_wait3A_106 : memref<1x256xi32, #tpu.memory_space<vmem>> -> memref<256xi32, #tpu.memory_space<vmem>>
      %dma_wait3A_108 = tpu.memref_slice %arg2[%add3A_103] : memref<100352xi32, #tpu.memory_space<hbm>> -> memref<256xi32, #tpu.memory_space<hbm>>
      %dma_wait3A_109 = arith.constant 256 : i32
      %dma_wait3A_110 = tpu.memref_slice %arg5[%dma_wait3A_104, %dma_wait3A_109] : memref<3x512xi32, #tpu.memory_space<vmem>> -> memref<1x256xi32, #tpu.memory_space<vmem>>
      %dma_wait3A_111 = tpu.memref_squeeze %dma_wait3A_110 : memref<1x256xi32, #tpu.memory_space<vmem>> -> memref<256xi32, #tpu.memory_space<vmem>>
      %dma_wait3A_112 = tpu.memref_slice %arg2[%add3A_103] : memref<100352xi32, #tpu.memory_space<hbm>> -> memref<256xi32, #tpu.memory_space<hbm>>
      tpu.wait_dma2 semaphore(%arg13 : memref<!tpu.dma_semaphore, #tpu.memory_space<semaphore_mem>>) src(%dma_wait3A_112 : memref<256xi32, #tpu.memory_space<hbm>>) dst(%dma_wait3A_111 : memref<256xi32, #tpu.memory_space<vmem>>)
      %dma_start3A = arith.constant 1 : i32
      %dma_start3A_113 = arith.constant 1 : i32
      %dma_start3A_114 = arith.constant 0 : i32
      %dma_start3A_115 = arith.constant 0 : i32
      %dma_start3A_116 = tpu.memref_slice %arg6[%dma_start3A_113, %dma_start3A_114, %dma_start3A_115] : memref<3x256x64xf32, #tpu.memory_space<vmem>> -> memref<1x256x64xf32, #tpu.memory_space<vmem>>
      %dma_start3A_117 = tpu.memref_squeeze %dma_start3A_116 : memref<1x256x64xf32, #tpu.memory_space<vmem>> -> memref<256x64xf32, #tpu.memory_space<vmem>>
      %dma_start3A_118 = arith.constant 0 : i32
      %dma_start3A_119 = tpu.memref_slice %arg5[%dma_start3A, %dma_start3A_118] : memref<3x512xi32, #tpu.memory_space<vmem>> -> memref<1x256xi32, #tpu.memory_space<vmem>>
      %dma_start3A_120 = tpu.memref_squeeze %dma_start3A_119 : memref<1x256xi32, #tpu.memory_space<vmem>> -> memref<256xi32, #tpu.memory_space<vmem>>
      %dma_start3A_121 = arith.constant 0 : i32
      %dma_start3A_122 = arith.constant 0 : i32
      %dma_start3A_123 = tpu.memref_slice %arg3[%dma_start3A_121, %dma_start3A_122] : memref<1000x64xf32, #tpu.memory_space<hbm>> -> memref<1000x64xf32, #tpu.memory_space<hbm>>
      tpu.enqueue_indirect_dma source(%dma_start3A_123 : memref<1000x64xf32, #tpu.memory_space<hbm>>) target(%dma_start3A_117 : memref<256x64xf32, #tpu.memory_space<vmem>>) offsets(%dma_start3A_120 : memref<256xi32, #tpu.memory_space<vmem>>) semaphore(%arg14 : memref<!tpu.dma_semaphore, #tpu.memory_space<semaphore_mem>>)
      %dma_start3A_124 = arith.constant 1 : i32
      %dma_start3A_125 = arith.constant 1 : i32
      %dma_start3A_126 = arith.constant 0 : i32
      %dma_start3A_127 = arith.constant 0 : i32
      %dma_start3A_128 = tpu.memref_slice %arg7[%dma_start3A_125, %dma_start3A_126, %dma_start3A_127] : memref<3x256x64xf32, #tpu.memory_space<vmem>> -> memref<1x256x64xf32, #tpu.memory_space<vmem>>
      %dma_start3A_129 = tpu.memref_squeeze %dma_start3A_128 : memref<1x256x64xf32, #tpu.memory_space<vmem>> -> memref<256x64xf32, #tpu.memory_space<vmem>>
      %dma_start3A_130 = arith.constant 256 : i32
      %dma_start3A_131 = tpu.memref_slice %arg5[%dma_start3A_124, %dma_start3A_130] : memref<3x512xi32, #tpu.memory_space<vmem>> -> memref<1x256xi32, #tpu.memory_space<vmem>>
      %dma_start3A_132 = tpu.memref_squeeze %dma_start3A_131 : memref<1x256xi32, #tpu.memory_space<vmem>> -> memref<256xi32, #tpu.memory_space<vmem>>
      %dma_start3A_133 = arith.constant 0 : i32
      %dma_start3A_134 = arith.constant 0 : i32
      %dma_start3A_135 = tpu.memref_slice %arg3[%dma_start3A_133, %dma_start3A_134] : memref<1000x64xf32, #tpu.memory_space<hbm>> -> memref<1000x64xf32, #tpu.memory_space<hbm>>
      tpu.enqueue_indirect_dma source(%dma_start3A_135 : memref<1000x64xf32, #tpu.memory_space<hbm>>) target(%dma_start3A_129 : memref<256x64xf32, #tpu.memory_space<vmem>>) offsets(%dma_start3A_132 : memref<256xi32, #tpu.memory_space<vmem>>) semaphore(%arg15 : memref<!tpu.dma_semaphore, #tpu.memory_space<semaphore_mem>>)
    } else {
    }
    %add3A_26 = arith.constant 0 : i32
    %add3A_27 = arith.addi %add3A, %add3A_26 : i32
    %lt3A_28 = arith.constant 44 : i32
    %lt3A_29 = arith.cmpi slt, %add3A_27, %lt3A_28 : i32
    %convert_element_type3A_30 = arith.extui %lt3A_29 : i1 to i32
    %cond3A_31 = arith.constant 0 : i32
    %cond3A_32 = arith.cmpi ne, %convert_element_type3A_30, %cond3A_31 : i32
    scf.if %cond3A_32 {
      %add3A_54 = arith.constant 0 : i32
      %add3A_55 = arith.addi %add3A, %add3A_54 : i32
      %mul3A_56 = arith.constant 256 : i32
      %mul3A_57 = arith.muli %add3A_55, %mul3A_56 : i32
      %dma_wait3A = arith.constant 0 : i32
      %dma_wait3A_58 = arith.constant 0 : i32
      %dma_wait3A_59 = arith.constant 0 : i32
      %dma_wait3A_60 = arith.constant 0 : i32
      %dma_wait3A_61 = tpu.memref_slice %arg6[%dma_wait3A_58, %dma_wait3A_59, %dma_wait3A_60] : memref<3x256x64xf32, #tpu.memory_space<vmem>> -> memref<1x256x64xf32, #tpu.memory_space<vmem>>
      %dma_wait3A_62 = tpu.memref_squeeze %dma_wait3A_61 : memref<1x256x64xf32, #tpu.memory_space<vmem>> -> memref<256x64xf32, #tpu.memory_space<vmem>>
      %dma_wait3A_63 = arith.constant 0 : i32
      %dma_wait3A_64 = tpu.memref_slice %arg5[%dma_wait3A, %dma_wait3A_63] : memref<3x512xi32, #tpu.memory_space<vmem>> -> memref<1x256xi32, #tpu.memory_space<vmem>>
      %dma_wait3A_65 = tpu.memref_squeeze %dma_wait3A_64 : memref<1x256xi32, #tpu.memory_space<vmem>> -> memref<256xi32, #tpu.memory_space<vmem>>
      %dma_wait3A_66 = arith.constant 0 : i32
      %dma_wait3A_67 = arith.constant 0 : i32
      %dma_wait3A_68 = tpu.memref_slice %arg3[%dma_wait3A_66, %dma_wait3A_67] : memref<1000x64xf32, #tpu.memory_space<hbm>> -> memref<1000x64xf32, #tpu.memory_space<hbm>>
      tpu.wait_indirect_dma semaphore(%arg9 : memref<!tpu.dma_semaphore, #tpu.memory_space<semaphore_mem>>) src(%dma_wait3A_68 : memref<1000x64xf32, #tpu.memory_space<hbm>>) dst(%dma_wait3A_62 : memref<256x64xf32, #tpu.memory_space<vmem>>)
      %dma_wait3A_69 = arith.constant 0 : i32
      %dma_wait3A_70 = arith.constant 0 : i32
      %dma_wait3A_71 = arith.constant 0 : i32
      %dma_wait3A_72 = arith.constant 0 : i32
      %dma_wait3A_73 = tpu.memref_slice %arg7[%dma_wait3A_70, %dma_wait3A_71, %dma_wait3A_72] : memref<3x256x64xf32, #tpu.memory_space<vmem>> -> memref<1x256x64xf32, #tpu.memory_space<vmem>>
      %dma_wait3A_74 = tpu.memref_squeeze %dma_wait3A_73 : memref<1x256x64xf32, #tpu.memory_space<vmem>> -> memref<256x64xf32, #tpu.memory_space<vmem>>
      %dma_wait3A_75 = arith.constant 256 : i32
      %dma_wait3A_76 = tpu.memref_slice %arg5[%dma_wait3A_69, %dma_wait3A_75] : memref<3x512xi32, #tpu.memory_space<vmem>> -> memref<1x256xi32, #tpu.memory_space<vmem>>
      %dma_wait3A_77 = tpu.memref_squeeze %dma_wait3A_76 : memref<1x256xi32, #tpu.memory_space<vmem>> -> memref<256xi32, #tpu.memory_space<vmem>>
      %dma_wait3A_78 = arith.constant 0 : i32
      %dma_wait3A_79 = arith.constant 0 : i32
      %dma_wait3A_80 = tpu.memref_slice %arg3[%dma_wait3A_78, %dma_wait3A_79] : memref<1000x64xf32, #tpu.memory_space<hbm>> -> memref<1000x64xf32, #tpu.memory_space<hbm>>
      tpu.wait_indirect_dma semaphore(%arg10 : memref<!tpu.dma_semaphore, #tpu.memory_space<semaphore_mem>>) src(%dma_wait3A_80 : memref<1000x64xf32, #tpu.memory_space<hbm>>) dst(%dma_wait3A_74 : memref<256x64xf32, #tpu.memory_space<vmem>>)
      %dma_start3A = arith.constant 0 : i32
      %dma_start3A_81 = arith.constant 0 : i32
      %dma_start3A_82 = arith.constant 0 : i32
      %dma_start3A_83 = tpu.memref_slice %arg6[%dma_start3A, %dma_start3A_81, %dma_start3A_82] : memref<3x256x64xf32, #tpu.memory_space<vmem>> -> memref<1x256x64xf32, #tpu.memory_space<vmem>>
      %dma_start3A_84 = tpu.memref_squeeze %dma_start3A_83 : memref<1x256x64xf32, #tpu.memory_space<vmem>> -> memref<256x64xf32, #tpu.memory_space<vmem>>
      %dma_start3A_85 = arith.constant 0 : i32
      %dma_start3A_86 = tpu.memref_slice %arg4[%mul3A_57, %dma_start3A_85] : memref<11264x128xf32, #tpu.memory_space<hbm>> -> memref<256x64xf32, #tpu.memory_space<hbm>>
      %dma_start3A_87 = arith.constant 0 : i32
      %dma_start3A_88 = tpu.memref_slice %arg4[%mul3A_57, %dma_start3A_87] : memref<11264x128xf32, #tpu.memory_space<hbm>> -> memref<256x64xf32, #tpu.memory_space<hbm>>
      %dma_start3A_89 = arith.constant 0 : i32
      %dma_start3A_90 = arith.constant 0 : i32
      %dma_start3A_91 = tpu.memref_slice %arg6[%dma_start3A, %dma_start3A_89, %dma_start3A_90] : memref<3x256x64xf32, #tpu.memory_space<vmem>> -> memref<1x256x64xf32, #tpu.memory_space<vmem>>
      %dma_start3A_92 = tpu.memref_squeeze %dma_start3A_91 : memref<1x256x64xf32, #tpu.memory_space<vmem>> -> memref<256x64xf32, #tpu.memory_space<vmem>>
      tpu.enqueue_dma source(%dma_start3A_92 : memref<256x64xf32, #tpu.memory_space<vmem>>) target(%dma_start3A_88 : memref<256x64xf32, #tpu.memory_space<hbm>>) target_semaphore(%arg11 : memref<!tpu.dma_semaphore, #tpu.memory_space<semaphore_mem>>)
      %dma_start3A_93 = arith.constant 0 : i32
      %dma_start3A_94 = arith.constant 0 : i32
      %dma_start3A_95 = arith.constant 0 : i32
      %dma_start3A_96 = tpu.memref_slice %arg7[%dma_start3A_93, %dma_start3A_94, %dma_start3A_95] : memref<3x256x64xf32, #tpu.memory_space<vmem>> -> memref<1x256x64xf32, #tpu.memory_space<vmem>>
      %dma_start3A_97 = tpu.memref_squeeze %dma_start3A_96 : memref<1x256x64xf32, #tpu.memory_space<vmem>> -> memref<256x64xf32, #tpu.memory_space<vmem>>
      %dma_start3A_98 = arith.constant 64 : i32
      %dma_start3A_99 = tpu.memref_slice %arg4[%mul3A_57, %dma_start3A_98] : memref<11264x128xf32, #tpu.memory_space<hbm>> -> memref<256x64xf32, #tpu.memory_space<hbm>>
      %dma_start3A_100 = arith.constant 64 : i32
      %dma_start3A_101 = tpu.memref_slice %arg4[%mul3A_57, %dma_start3A_100] : memref<11264x128xf32, #tpu.memory_space<hbm>> -> memref<256x64xf32, #tpu.memory_space<hbm>>
      %dma_start3A_102 = arith.constant 0 : i32
      %dma_start3A_103 = arith.constant 0 : i32
      %dma_start3A_104 = tpu.memref_slice %arg7[%dma_start3A_93, %dma_start3A_102, %dma_start3A_103] : memref<3x256x64xf32, #tpu.memory_space<vmem>> -> memref<1x256x64xf32, #tpu.memory_space<vmem>>
      %dma_start3A_105 = tpu.memref_squeeze %dma_start3A_104 : memref<1x256x64xf32, #tpu.memory_space<vmem>> -> memref<256x64xf32, #tpu.memory_space<vmem>>
      tpu.enqueue_dma source(%dma_start3A_105 : memref<256x64xf32, #tpu.memory_space<vmem>>) target(%dma_start3A_101 : memref<256x64xf32, #tpu.memory_space<hbm>>) target_semaphore(%arg12 : memref<!tpu.dma_semaphore, #tpu.memory_space<semaphore_mem>>)
    } else {
    }
    %add3A_33 = arith.constant 0 : i32
    %add3A_34 = arith.addi %add3A, %add3A_33 : i32
    %lt3A_35 = arith.constant 44 : i32
    %lt3A_36 = arith.cmpi slt, %add3A_34, %lt3A_35 : i32
    %convert_element_type3A_37 = arith.extui %lt3A_36 : i1 to i32
    %cond3A_38 = arith.constant 0 : i32
    %cond3A_39 = arith.cmpi ne, %convert_element_type3A_37, %cond3A_38 : i32
    scf.if %cond3A_39 {
      %add3A_54 = arith.constant 0 : i32
      %add3A_55 = arith.addi %add3A, %add3A_54 : i32
      %mul3A_56 = arith.constant 256 : i32
      %mul3A_57 = arith.muli %add3A_55, %mul3A_56 : i32
      %dma_wait3A = arith.constant 0 : i32
      %dma_wait3A_58 = arith.constant 0 : i32
      %dma_wait3A_59 = arith.constant 0 : i32
      %dma_wait3A_60 = tpu.memref_slice %arg6[%dma_wait3A, %dma_wait3A_58, %dma_wait3A_59] : memref<3x256x64xf32, #tpu.memory_space<vmem>> -> memref<1x256x64xf32, #tpu.memory_space<vmem>>
      %dma_wait3A_61 = tpu.memref_squeeze %dma_wait3A_60 : memref<1x256x64xf32, #tpu.memory_space<vmem>> -> memref<256x64xf32, #tpu.memory_space<vmem>>
      %dma_wait3A_62 = arith.constant 0 : i32
      %dma_wait3A_63 = tpu.memref_slice %arg4[%mul3A_57, %dma_wait3A_62] : memref<11264x128xf32, #tpu.memory_space<hbm>> -> memref<256x64xf32, #tpu.memory_space<hbm>>
      %dma_wait3A_64 = arith.constant 0 : i32
      %dma_wait3A_65 = tpu.memref_slice %arg4[%mul3A_57, %dma_wait3A_64] : memref<11264x128xf32, #tpu.memory_space<hbm>> -> memref<256x64xf32, #tpu.memory_space<hbm>>
      %dma_wait3A_66 = arith.constant 0 : i32
      %dma_wait3A_67 = arith.constant 0 : i32
      %dma_wait3A_68 = tpu.memref_slice %arg6[%dma_wait3A, %dma_wait3A_66, %dma_wait3A_67] : memref<3x256x64xf32, #tpu.memory_space<vmem>> -> memref<1x256x64xf32, #tpu.memory_space<vmem>>
      %dma_wait3A_69 = tpu.memref_squeeze %dma_wait3A_68 : memref<1x256x64xf32, #tpu.memory_space<vmem>> -> memref<256x64xf32, #tpu.memory_space<vmem>>
      tpu.wait_dma2 semaphore(%arg11 : memref<!tpu.dma_semaphore, #tpu.memory_space<semaphore_mem>>) src(%dma_wait3A_69 : memref<256x64xf32, #tpu.memory_space<vmem>>) dst(%dma_wait3A_65 : memref<256x64xf32, #tpu.memory_space<hbm>>)
      %dma_wait3A_70 = arith.constant 0 : i32
      %dma_wait3A_71 = arith.constant 0 : i32
      %dma_wait3A_72 = arith.constant 0 : i32
      %dma_wait3A_73 = tpu.memref_slice %arg7[%dma_wait3A_70, %dma_wait3A_71, %dma_wait3A_72] : memref<3x256x64xf32, #tpu.memory_space<vmem>> -> memref<1x256x64xf32, #tpu.memory_space<vmem>>
      %dma_wait3A_74 = tpu.memref_squeeze %dma_wait3A_73 : memref<1x256x64xf32, #tpu.memory_space<vmem>> -> memref<256x64xf32, #tpu.memory_space<vmem>>
      %dma_wait3A_75 = arith.constant 64 : i32
      %dma_wait3A_76 = tpu.memref_slice %arg4[%mul3A_57, %dma_wait3A_75] : memref<11264x128xf32, #tpu.memory_space<hbm>> -> memref<256x64xf32, #tpu.memory_space<hbm>>
      %dma_wait3A_77 = arith.constant 64 : i32
      %dma_wait3A_78 = tpu.memref_slice %arg4[%mul3A_57, %dma_wait3A_77] : memref<11264x128xf32, #tpu.memory_space<hbm>> -> memref<256x64xf32, #tpu.memory_space<hbm>>
      %dma_wait3A_79 = arith.constant 0 : i32
      %dma_wait3A_80 = arith.constant 0 : i32
      %dma_wait3A_81 = tpu.memref_slice %arg7[%dma_wait3A_70, %dma_wait3A_79, %dma_wait3A_80] : memref<3x256x64xf32, #tpu.memory_space<vmem>> -> memref<1x256x64xf32, #tpu.memory_space<vmem>>
      %dma_wait3A_82 = tpu.memref_squeeze %dma_wait3A_81 : memref<1x256x64xf32, #tpu.memory_space<vmem>> -> memref<256x64xf32, #tpu.memory_space<vmem>>
      tpu.wait_dma2 semaphore(%arg12 : memref<!tpu.dma_semaphore, #tpu.memory_space<semaphore_mem>>) src(%dma_wait3A_82 : memref<256x64xf32, #tpu.memory_space<vmem>>) dst(%dma_wait3A_78 : memref<256x64xf32, #tpu.memory_space<hbm>>)
    } else {
    }
    %add3A_40 = arith.constant 32 : i32
    %add3A_41 = arith.addi %add3A, %add3A_40 : i32
    %lt3A_42 = arith.constant 44 : i32
    %lt3A_43 = arith.cmpi slt, %add3A_41, %lt3A_42 : i32
    %convert_element_type3A_44 = arith.extui %lt3A_43 : i1 to i32
    %cond3A_45 = arith.constant 0 : i32
    %cond3A_46 = arith.cmpi ne, %convert_element_type3A_44, %cond3A_45 : i32
    scf.if %cond3A_46 {
      %add3A_54 = arith.constant 32 : i32
      %add3A_55 = arith.addi %add3A, %add3A_54 : i32
      %mul3A_56 = arith.constant 256 : i32
      %mul3A_57 = arith.muli %add3A_55, %mul3A_56 : i32
      %dma_wait3A = arith.constant 1 : i32
      %dma_wait3A_58 = arith.constant 1 : i32
      %dma_wait3A_59 = arith.constant 0 : i32
      %dma_wait3A_60 = arith.constant 0 : i32
      %dma_wait3A_61 = tpu.memref_slice %arg6[%dma_wait3A_58, %dma_wait3A_59, %dma_wait3A_60] : memref<3x256x64xf32, #tpu.memory_space<vmem>> -> memref<1x256x64xf32, #tpu.memory_space<vmem>>
      %dma_wait3A_62 = tpu.memref_squeeze %dma_wait3A_61 : memref<1x256x64xf32, #tpu.memory_space<vmem>> -> memref<256x64xf32, #tpu.memory_space<vmem>>
      %dma_wait3A_63 = arith.constant 0 : i32
      %dma_wait3A_64 = tpu.memref_slice %arg5[%dma_wait3A, %dma_wait3A_63] : memref<3x512xi32, #tpu.memory_space<vmem>> -> memref<1x256xi32, #tpu.memory_space<vmem>>
      %dma_wait3A_65 = tpu.memref_squeeze %dma_wait3A_64 : memref<1x256xi32, #tpu.memory_space<vmem>> -> memref<256xi32, #tpu.memory_space<vmem>>
      %dma_wait3A_66 = arith.constant 0 : i32
      %dma_wait3A_67 = arith.constant 0 : i32
      %dma_wait3A_68 = tpu.memref_slice %arg3[%dma_wait3A_66, %dma_wait3A_67] : memref<1000x64xf32, #tpu.memory_space<hbm>> -> memref<1000x64xf32, #tpu.memory_space<hbm>>
      tpu.wait_indirect_dma semaphore(%arg14 : memref<!tpu.dma_semaphore, #tpu.memory_space<semaphore_mem>>) src(%dma_wait3A_68 : memref<1000x64xf32, #tpu.memory_space<hbm>>) dst(%dma_wait3A_62 : memref<256x64xf32, #tpu.memory_space<vmem>>)
      %dma_wait3A_69 = arith.constant 1 : i32
      %dma_wait3A_70 = arith.constant 1 : i32
      %dma_wait3A_71 = arith.constant 0 : i32
      %dma_wait3A_72 = arith.constant 0 : i32
      %dma_wait3A_73 = tpu.memref_slice %arg7[%dma_wait3A_70, %dma_wait3A_71, %dma_wait3A_72] : memref<3x256x64xf32, #tpu.memory_space<vmem>> -> memref<1x256x64xf32, #tpu.memory_space<vmem>>
      %dma_wait3A_74 = tpu.memref_squeeze %dma_wait3A_73 : memref<1x256x64xf32, #tpu.memory_space<vmem>> -> memref<256x64xf32, #tpu.memory_space<vmem>>
      %dma_wait3A_75 = arith.constant 256 : i32
      %dma_wait3A_76 = tpu.memref_slice %arg5[%dma_wait3A_69, %dma_wait3A_75] : memref<3x512xi32, #tpu.memory_space<vmem>> -> memref<1x256xi32, #tpu.memory_space<vmem>>
      %dma_wait3A_77 = tpu.memref_squeeze %dma_wait3A_76 : memref<1x256xi32, #tpu.memory_space<vmem>> -> memref<256xi32, #tpu.memory_space<vmem>>
      %dma_wait3A_78 = arith.constant 0 : i32
      %dma_wait3A_79 = arith.constant 0 : i32
      %dma_wait3A_80 = tpu.memref_slice %arg3[%dma_wait3A_78, %dma_wait3A_79] : memref<1000x64xf32, #tpu.memory_space<hbm>> -> memref<1000x64xf32, #tpu.memory_space<hbm>>
      tpu.wait_indirect_dma semaphore(%arg15 : memref<!tpu.dma_semaphore, #tpu.memory_space<semaphore_mem>>) src(%dma_wait3A_80 : memref<1000x64xf32, #tpu.memory_space<hbm>>) dst(%dma_wait3A_74 : memref<256x64xf32, #tpu.memory_space<vmem>>)
      %dma_start3A = arith.constant 1 : i32
      %dma_start3A_81 = arith.constant 0 : i32
      %dma_start3A_82 = arith.constant 0 : i32
      %dma_start3A_83 = tpu.memref_slice %arg6[%dma_start3A, %dma_start3A_81, %dma_start3A_82] : memref<3x256x64xf32, #tpu.memory_space<vmem>> -> memref<1x256x64xf32, #tpu.memory_space<vmem>>
      %dma_start3A_84 = tpu.memref_squeeze %dma_start3A_83 : memref<1x256x64xf32, #tpu.memory_space<vmem>> -> memref<256x64xf32, #tpu.memory_space<vmem>>
      %dma_start3A_85 = arith.constant 0 : i32
      %dma_start3A_86 = tpu.memref_slice %arg4[%mul3A_57, %dma_start3A_85] : memref<11264x128xf32, #tpu.memory_space<hbm>> -> memref<256x64xf32, #tpu.memory_space<hbm>>
      %dma_start3A_87 = arith.constant 0 : i32
      %dma_start3A_88 = tpu.memref_slice %arg4[%mul3A_57, %dma_start3A_87] : memref<11264x128xf32, #tpu.memory_space<hbm>> -> memref<256x64xf32, #tpu.memory_space<hbm>>
      %dma_start3A_89 = arith.constant 0 : i32
      %dma_start3A_90 = arith.constant 0 : i32
      %dma_start3A_91 = tpu.memref_slice %arg6[%dma_start3A, %dma_start3A_89, %dma_start3A_90] : memref<3x256x64xf32, #tpu.memory_space<vmem>> -> memref<1x256x64xf32, #tpu.memory_space<vmem>>
      %dma_start3A_92 = tpu.memref_squeeze %dma_start3A_91 : memref<1x256x64xf32, #tpu.memory_space<vmem>> -> memref<256x64xf32, #tpu.memory_space<vmem>>
      tpu.enqueue_dma source(%dma_start3A_92 : memref<256x64xf32, #tpu.memory_space<vmem>>) target(%dma_start3A_88 : memref<256x64xf32, #tpu.memory_space<hbm>>) target_semaphore(%arg16 : memref<!tpu.dma_semaphore, #tpu.memory_space<semaphore_mem>>)
      %dma_start3A_93 = arith.constant 1 : i32
      %dma_start3A_94 = arith.constant 0 : i32
      %dma_start3A_95 = arith.constant 0 : i32
      %dma_start3A_96 = tpu.memref_slice %arg7[%dma_start3A_93, %dma_start3A_94, %dma_start3A_95] : memref<3x256x64xf32, #tpu.memory_space<vmem>> -> memref<1x256x64xf32, #tpu.memory_space<vmem>>
      %dma_start3A_97 = tpu.memref_squeeze %dma_start3A_96 : memref<1x256x64xf32, #tpu.memory_space<vmem>> -> memref<256x64xf32, #tpu.memory_space<vmem>>
      %dma_start3A_98 = arith.constant 64 : i32
      %dma_start3A_99 = tpu.memref_slice %arg4[%mul3A_57, %dma_start3A_98] : memref<11264x128xf32, #tpu.memory_space<hbm>> -> memref<256x64xf32, #tpu.memory_space<hbm>>
      %dma_start3A_100 = arith.constant 64 : i32
      %dma_start3A_101 = tpu.memref_slice %arg4[%mul3A_57, %dma_start3A_100] : memref<11264x128xf32, #tpu.memory_space<hbm>> -> memref<256x64xf32, #tpu.memory_space<hbm>>
      %dma_start3A_102 = arith.constant 0 : i32
      %dma_start3A_103 = arith.constant 0 : i32
      %dma_start3A_104 = tpu.memref_slice %arg7[%dma_start3A_93, %dma_start3A_102, %dma_start3A_103] : memref<3x256x64xf32, #tpu.memory_space<vmem>> -> memref<1x256x64xf32, #tpu.memory_space<vmem>>
      %dma_start3A_105 = tpu.memref_squeeze %dma_start3A_104 : memref<1x256x64xf32, #tpu.memory_space<vmem>> -> memref<256x64xf32, #tpu.memory_space<vmem>>
      tpu.enqueue_dma source(%dma_start3A_105 : memref<256x64xf32, #tpu.memory_space<vmem>>) target(%dma_start3A_101 : memref<256x64xf32, #tpu.memory_space<hbm>>) target_semaphore(%arg17 : memref<!tpu.dma_semaphore, #tpu.memory_space<semaphore_mem>>)
    } else {
    }
    %add3A_47 = arith.constant 32 : i32
    %add3A_48 = arith.addi %add3A, %add3A_47 : i32
    %lt3A_49 = arith.constant 44 : i32
    %lt3A_50 = arith.cmpi slt, %add3A_48, %lt3A_49 : i32
    %convert_element_type3A_51 = arith.extui %lt3A_50 : i1 to i32
    %cond3A_52 = arith.constant 0 : i32
    %cond3A_53 = arith.cmpi ne, %convert_element_type3A_51, %cond3A_52 : i32
    scf.if %cond3A_53 {
      %add3A_54 = arith.constant 32 : i32
      %add3A_55 = arith.addi %add3A, %add3A_54 : i32
      %mul3A_56 = arith.constant 256 : i32
      %mul3A_57 = arith.muli %add3A_55, %mul3A_56 : i32
      %dma_wait3A = arith.constant 1 : i32
      %dma_wait3A_58 = arith.constant 0 : i32
      %dma_wait3A_59 = arith.constant 0 : i32
      %dma_wait3A_60 = tpu.memref_slice %arg6[%dma_wait3A, %dma_wait3A_58, %dma_wait3A_59] : memref<3x256x64xf32, #tpu.memory_space<vmem>> -> memref<1x256x64xf32, #tpu.memory_space<vmem>>
      %dma_wait3A_61 = tpu.memref_squeeze %dma_wait3A_60 : memref<1x256x64xf32, #tpu.memory_space<vmem>> -> memref<256x64xf32, #tpu.memory_space<vmem>>
      %dma_wait3A_62 = arith.constant 0 : i32
      %dma_wait3A_63 = tpu.memref_slice %arg4[%mul3A_57, %dma_wait3A_62] : memref<11264x128xf32, #tpu.memory_space<hbm>> -> memref<256x64xf32, #tpu.memory_space<hbm>>
      %dma_wait3A_64 = arith.constant 0 : i32
      %dma_wait3A_65 = tpu.memref_slice %arg4[%mul3A_57, %dma_wait3A_64] : memref<11264x128xf32, #tpu.memory_space<hbm>> -> memref<256x64xf32, #tpu.memory_space<hbm>>
      %dma_wait3A_66 = arith.constant 0 : i32
      %dma_wait3A_67 = arith.constant 0 : i32
      %dma_wait3A_68 = tpu.memref_slice %arg6[%dma_wait3A, %dma_wait3A_66, %dma_wait3A_67] : memref<3x256x64xf32, #tpu.memory_space<vmem>> -> memref<1x256x64xf32, #tpu.memory_space<vmem>>
      %dma_wait3A_69 = tpu.memref_squeeze %dma_wait3A_68 : memref<1x256x64xf32, #tpu.memory_space<vmem>> -> memref<256x64xf32, #tpu.memory_space<vmem>>
      tpu.wait_dma2 semaphore(%arg16 : memref<!tpu.dma_semaphore, #tpu.memory_space<semaphore_mem>>) src(%dma_wait3A_69 : memref<256x64xf32, #tpu.memory_space<vmem>>) dst(%dma_wait3A_65 : memref<256x64xf32, #tpu.memory_space<hbm>>)
      %dma_wait3A_70 = arith.constant 1 : i32
      %dma_wait3A_71 = arith.constant 0 : i32
      %dma_wait3A_72 = arith.constant 0 : i32
      %dma_wait3A_73 = tpu.memref_slice %arg7[%dma_wait3A_70, %dma_wait3A_71, %dma_wait3A_72] : memref<3x256x64xf32, #tpu.memory_space<vmem>> -> memref<1x256x64xf32, #tpu.memory_space<vmem>>
      %dma_wait3A_74 = tpu.memref_squeeze %dma_wait3A_73 : memref<1x256x64xf32, #tpu.memory_space<vmem>> -> memref<256x64xf32, #tpu.memory_space<vmem>>
      %dma_wait3A_75 = arith.constant 64 : i32
      %dma_wait3A_76 = tpu.memref_slice %arg4[%mul3A_57, %dma_wait3A_75] : memref<11264x128xf32, #tpu.memory_space<hbm>> -> memref<256x64xf32, #tpu.memory_space<hbm>>
      %dma_wait3A_77 = arith.constant 64 : i32
      %dma_wait3A_78 = tpu.memref_slice %arg4[%mul3A_57, %dma_wait3A_77] : memref<11264x128xf32, #tpu.memory_space<hbm>> -> memref<256x64xf32, #tpu.memory_space<hbm>>
      %dma_wait3A_79 = arith.constant 0 : i32
      %dma_wait3A_80 = arith.constant 0 : i32
      %dma_wait3A_81 = tpu.memref_slice %arg7[%dma_wait3A_70, %dma_wait3A_79, %dma_wait3A_80] : memref<3x256x64xf32, #tpu.memory_space<vmem>> -> memref<1x256x64xf32, #tpu.memory_space<vmem>>
      %dma_wait3A_82 = tpu.memref_squeeze %dma_wait3A_81 : memref<1x256x64xf32, #tpu.memory_space<vmem>> -> memref<256x64xf32, #tpu.memory_space<vmem>>
      tpu.wait_dma2 semaphore(%arg17 : memref<!tpu.dma_semaphore, #tpu.memory_space<semaphore_mem>>) src(%dma_wait3A_82 : memref<256x64xf32, #tpu.memory_space<vmem>>) dst(%dma_wait3A_78 : memref<256x64xf32, #tpu.memory_space<hbm>>)
    } else {
    }
    return
  }
}

#map = affine_map<(d0, d1) -> (0)>
#map1 = affine_map<(d0, d1) -> (0, 0)>
module attributes {stable_mosaic.version = 14 : i64} {
  func.func @_sc_gather_body(%arg0: i32, %arg1: i32, %arg2: memref<100352xi32, #tpu.memory_space<hbm>>, %arg3: memref<1000x64xf32, #tpu.memory_space<hbm>>, %arg4: memref<11264x128xf32, #tpu.memory_space<hbm>>, %arg5: memref<3x512xi32, #tpu.memory_space<vmem>>, %arg6: memref<3x256x64xf32, #tpu.memory_space<vmem>>, %arg7: memref<3x256x64xf32, #tpu.memory_space<vmem>>, %arg8: memref<!tpu.dma_semaphore, #tpu.memory_space<semaphore_mem>>, %arg9: memref<!tpu.dma_semaphore, #tpu.memory_space<semaphore_mem>>, %arg10: memref<!tpu.dma_semaphore, #tpu.memory_space<semaphore_mem>>, %arg11: memref<!tpu.dma_semaphore, #tpu.memory_space<semaphore_mem>>, %arg12: memref<!tpu.dma_semaphore, #tpu.memory_space<semaphore_mem>>, %arg13: memref<!tpu.dma_semaphore, #tpu.memory_space<semaphore_mem>>, %arg14: memref<!tpu.dma_semaphore, #tpu.memory_space<semaphore_mem>>, %arg15: memref<!tpu.dma_semaphore, #tpu.memory_space<semaphore_mem>>, %arg16: memref<!tpu.dma_semaphore, #tpu.memory_space<semaphore_mem>>, %arg17: memref<!tpu.dma_semaphore, #tpu.memory_space<semaphore_mem>>, %arg18: memref<!tpu.dma_semaphore, #tpu.memory_space<semaphore_mem>>, %arg19: memref<!tpu.dma_semaphore, #tpu.memory_space<semaphore_mem>>, %arg20: memref<!tpu.dma_semaphore, #tpu.memory_space<semaphore_mem>>, %arg21: memref<!tpu.dma_semaphore, #tpu.memory_space<semaphore_mem>>, %arg22: memref<!tpu.dma_semaphore, #tpu.memory_space<semaphore_mem>>) attributes {dimension_semantics = [#tpu.dimension_semantics<core_parallel>, #tpu.dimension_semantics<subcore_parallel>], iteration_bounds = array<i64: 2, 16>, scalar_prefetch = 0 : i64, scratch_operands = 18 : i64, tpu.core_type = #tpu.core_type<sc_vector_subcore>, window_params = [{transform_indices = #map}, {transform_indices = #map1}, {transform_indices = #map1}]} {
    %mul3A = arith.constant 2 : i32
    %mul3A_0 = arith.muli %arg1, %mul3A : i32
    %add3A = arith.addi %mul3A_0, %arg0 : i32
    %add3A_1 = arith.constant 0 : i32
    %add3A_2 = arith.addi %add3A, %add3A_1 : i32
    %lt3A = arith.constant 44 : i32
    %lt3A_3 = arith.cmpi slt, %add3A_2, %lt3A : i32
    %convert_element_type3A = arith.extui %lt3A_3 : i1 to i32
    %cond3A = arith.constant 0 : i32
    %cond3A_4 = arith.cmpi ne, %convert_element_type3A, %cond3A : i32
    scf.if %cond3A_4 {
      %add3A_54 = arith.constant 0 : i32
      %add3A_55 = arith.addi %add3A, %add3A_54 : i32
      %add3A_56 = arith.constant 64 : i32
      %add3A_57 = arith.addi %add3A_56, %add3A_55 : i32
      %jit3A = arith.constant 4 : i32
      %div3A = arith.divsi %add3A_57, %jit3A : i32
      %sign3A = arith.constant 0 : i32
      %sign3A_58 = arith.cmpi sgt, %add3A_57, %sign3A : i32
      %sign3A_59 = arith.extui %sign3A_58 : i1 to i32
      %sign3A_60 = arith.constant 0 : i32
      %sign3A_61 = arith.cmpi slt, %add3A_57, %sign3A_60 : i32
      %sign3A_62 = arith.extui %sign3A_61 : i1 to i32
      %sign3A_63 = arith.subi %sign3A_59, %sign3A_62 : i32
      %sign3A_64 = arith.constant 0 : i32
      %sign3A_65 = arith.cmpi sgt, %jit3A, %sign3A_64 : i32
      %sign3A_66 = arith.extui %sign3A_65 : i1 to i32
      %sign3A_67 = arith.constant 0 : i32
      %sign3A_68 = arith.cmpi slt, %jit3A, %sign3A_67 : i32
      %sign3A_69 = arith.extui %sign3A_68 : i1 to i32
      %sign3A_70 = arith.subi %sign3A_66, %sign3A_69 : i32
      %ne3A = arith.cmpi ne, %sign3A_63, %sign3A_70 : i32
      %rem3A = arith.remsi %add3A_57, %jit3A : i32
      %ne3A_71 = arith.constant 0 : i32
      %ne3A_72 = arith.cmpi ne, %rem3A, %ne3A_71 : i32
      %and3A = arith.andi %ne3A, %ne3A_72 : i1
      %sub3A = arith.constant 1 : i32
      %sub3A_73 = arith.subi %div3A, %sub3A : i32
      %select_n3A = arith.select %and3A, %sub3A_73, %div3A : i32
      %mul3A_74 = arith.constant 2048 : i32
      %mul3A_75 = arith.muli %select_n3A, %mul3A_74 : i32
      %jit3A_76 = arith.constant 4 : i32
      %eq3A = arith.constant 0 : i32
      %eq3A_77 = arith.cmpi eq, %jit3A_76, %eq3A : i32
      %jit3A_78 = arith.constant 1 : i32
      %select_n3A_79 = arith.select %eq3A_77, %jit3A_78, %jit3A_76 : i32
      %rem3A_80 = arith.remsi %add3A_57, %select_n3A_79 : i32
      %ne3A_81 = arith.constant 0 : i32
      %ne3A_82 = arith.cmpi ne, %rem3A_80, %ne3A_81 : i32
      %lt3A_83 = arith.constant 0 : i32
      %lt3A_84 = arith.cmpi slt, %rem3A_80, %lt3A_83 : i32
      %lt3A_85 = arith.constant 0 : i32
      %lt3A_86 = arith.cmpi slt, %select_n3A_79, %lt3A_85 : i32
      %ne3A_87 = arith.xori %lt3A_84, %lt3A_86 : i1
      %and3A_88 = arith.andi %ne3A_87, %ne3A_82 : i1
      %add3A_89 = arith.addi %rem3A_80, %select_n3A_79 : i32
      %select_n3A_90 = arith.select %and3A_88, %add3A_89, %rem3A_80 : i32
      %mul3A_91 = arith.constant 256 : i32
      %mul3A_92 = arith.muli %select_n3A_90, %mul3A_91 : i32
      %add3A_93 = arith.addi %mul3A_75, %mul3A_92 : i32
      %dma_start3A = arith.constant 0 : i32
      %dma_start3A_94 = arith.constant 0 : i32
      %dma_start3A_95 = tpu.memref_slice %arg5[%dma_start3A, %dma_start3A_94] : memref<3x512xi32, #tpu.memory_space<vmem>> -> memref<1x256xi32, #tpu.memory_space<vmem>>
      %dma_start3A_96 = tpu.memref_squeeze %dma_start3A_95 : memref<1x256xi32, #tpu.memory_space<vmem>> -> memref<256xi32, #tpu.memory_space<vmem>>
      %dma_start3A_97 = tpu.memref_slice %arg2[%add3A_93] : memref<100352xi32, #tpu.memory_space<hbm>> -> memref<256xi32, #tpu.memory_space<hbm>>
      %dma_start3A_98 = arith.constant 0 : i32
      %dma_start3A_99 = tpu.memref_slice %arg5[%dma_start3A, %dma_start3A_98] : memref<3x512xi32, #tpu.memory_space<vmem>> -> memref<1x256xi32, #tpu.memory_space<vmem>>
      %dma_start3A_100 = tpu.memref_squeeze %dma_start3A_99 : memref<1x256xi32, #tpu.memory_space<vmem>> -> memref<256xi32, #tpu.memory_space<vmem>>
      %dma_start3A_101 = tpu.memref_slice %arg2[%add3A_93] : memref<100352xi32, #tpu.memory_space<hbm>> -> memref<256xi32, #tpu.memory_space<hbm>>
      tpu.enqueue_dma source(%dma_start3A_101 : memref<256xi32, #tpu.memory_space<hbm>>) target(%dma_start3A_100 : memref<256xi32, #tpu.memory_space<vmem>>) target_semaphore(%arg8 : memref<!tpu.dma_semaphore, #tpu.memory_space<semaphore_mem>>)
      %add3A_102 = arith.constant 1024 : i32
      %add3A_103 = arith.addi %add3A_93, %add3A_102 : i32
      %dma_start3A_104 = arith.constant 0 : i32
      %dma_start3A_105 = arith.constant 256 : i32
      %dma_start3A_106 = tpu.memref_slice %arg5[%dma_start3A_104, %dma_start3A_105] : memref<3x512xi32, #tpu.memory_space<vmem>> -> memref<1x256xi32, #tpu.memory_space<vmem>>
      %dma_start3A_107 = tpu.memref_squeeze %dma_start3A_106 : memref<1x256xi32, #tpu.memory_space<vmem>> -> memref<256xi32, #tpu.memory_space<vmem>>
      %dma_start3A_108 = tpu.memref_slice %arg2[%add3A_103] : memref<100352xi32, #tpu.memory_space<hbm>> -> memref<256xi32, #tpu.memory_space<hbm>>
      %dma_start3A_109 = arith.constant 256 : i32
      %dma_start3A_110 = tpu.memref_slice %arg5[%dma_start3A_104, %dma_start3A_109] : memref<3x512xi32, #tpu.memory_space<vmem>> -> memref<1x256xi32, #tpu.memory_space<vmem>>
      %dma_start3A_111 = tpu.memref_squeeze %dma_start3A_110 : memref<1x256xi32, #tpu.memory_space<vmem>> -> memref<256xi32, #tpu.memory_space<vmem>>
      %dma_start3A_112 = tpu.memref_slice %arg2[%add3A_103] : memref<100352xi32, #tpu.memory_space<hbm>> -> memref<256xi32, #tpu.memory_space<hbm>>
      tpu.enqueue_dma source(%dma_start3A_112 : memref<256xi32, #tpu.memory_space<hbm>>) target(%dma_start3A_111 : memref<256xi32, #tpu.memory_space<vmem>>) target_semaphore(%arg8 : memref<!tpu.dma_semaphore, #tpu.memory_space<semaphore_mem>>)
    } else {
    }
    %add3A_5 = arith.constant 32 : i32
    %add3A_6 = arith.addi %add3A, %add3A_5 : i32
    %lt3A_7 = arith.constant 44 : i32
    %lt3A_8 = arith.cmpi slt, %add3A_6, %lt3A_7 : i32
    %convert_element_type3A_9 = arith.extui %lt3A_8 : i1 to i32
    %cond3A_10 = arith.constant 0 : i32
    %cond3A_11 = arith.cmpi ne, %convert_element_type3A_9, %cond3A_10 : i32
    scf.if %cond3A_11 {
      %add3A_54 = arith.constant 32 : i32
      %add3A_55 = arith.addi %add3A, %add3A_54 : i32
      %add3A_56 = arith.constant 64 : i32
      %add3A_57 = arith.addi %add3A_56, %add3A_55 : i32
      %jit3A = arith.constant 4 : i32
      %div3A = arith.divsi %add3A_57, %jit3A : i32
      %sign3A = arith.constant 0 : i32
      %sign3A_58 = arith.cmpi sgt, %add3A_57, %sign3A : i32
      %sign3A_59 = arith.extui %sign3A_58 : i1 to i32
      %sign3A_60 = arith.constant 0 : i32
      %sign3A_61 = arith.cmpi slt, %add3A_57, %sign3A_60 : i32
      %sign3A_62 = arith.extui %sign3A_61 : i1 to i32
      %sign3A_63 = arith.subi %sign3A_59, %sign3A_62 : i32
      %sign3A_64 = arith.constant 0 : i32
      %sign3A_65 = arith.cmpi sgt, %jit3A, %sign3A_64 : i32
      %sign3A_66 = arith.extui %sign3A_65 : i1 to i32
      %sign3A_67 = arith.constant 0 : i32
      %sign3A_68 = arith.cmpi slt, %jit3A, %sign3A_67 : i32
      %sign3A_69 = arith.extui %sign3A_68 : i1 to i32
      %sign3A_70 = arith.subi %sign3A_66, %sign3A_69 : i32
      %ne3A = arith.cmpi ne, %sign3A_63, %sign3A_70 : i32
      %rem3A = arith.remsi %add3A_57, %jit3A : i32
      %ne3A_71 = arith.constant 0 : i32
      %ne3A_72 = arith.cmpi ne, %rem3A, %ne3A_71 : i32
      %and3A = arith.andi %ne3A, %ne3A_72 : i1
      %sub3A = arith.constant 1 : i32
      %sub3A_73 = arith.subi %div3A, %sub3A : i32
      %select_n3A = arith.select %and3A, %sub3A_73, %div3A : i32
      %mul3A_74 = arith.constant 2048 : i32
      %mul3A_75 = arith.muli %select_n3A, %mul3A_74 : i32
      %jit3A_76 = arith.constant 4 : i32
      %eq3A = arith.constant 0 : i32
      %eq3A_77 = arith.cmpi eq, %jit3A_76, %eq3A : i32
      %jit3A_78 = arith.constant 1 : i32
      %select_n3A_79 = arith.select %eq3A_77, %jit3A_78, %jit3A_76 : i32
      %rem3A_80 = arith.remsi %add3A_57, %select_n3A_79 : i32
      %ne3A_81 = arith.constant 0 : i32
      %ne3A_82 = arith.cmpi ne, %rem3A_80, %ne3A_81 : i32
      %lt3A_83 = arith.constant 0 : i32
      %lt3A_84 = arith.cmpi slt, %rem3A_80, %lt3A_83 : i32
      %lt3A_85 = arith.constant 0 : i32
      %lt3A_86 = arith.cmpi slt, %select_n3A_79, %lt3A_85 : i32
      %ne3A_87 = arith.xori %lt3A_84, %lt3A_86 : i1
      %and3A_88 = arith.andi %ne3A_87, %ne3A_82 : i1
      %add3A_89 = arith.addi %rem3A_80, %select_n3A_79 : i32
      %select_n3A_90 = arith.select %and3A_88, %add3A_89, %rem3A_80 : i32
      %mul3A_91 = arith.constant 256 : i32
      %mul3A_92 = arith.muli %select_n3A_90, %mul3A_91 : i32
      %add3A_93 = arith.addi %mul3A_75, %mul3A_92 : i32
      %dma_start3A = arith.constant 1 : i32
      %dma_start3A_94 = arith.constant 0 : i32
      %dma_start3A_95 = tpu.memref_slice %arg5[%dma_start3A, %dma_start3A_94] : memref<3x512xi32, #tpu.memory_space<vmem>> -> memref<1x256xi32, #tpu.memory_space<vmem>>
      %dma_start3A_96 = tpu.memref_squeeze %dma_start3A_95 : memref<1x256xi32, #tpu.memory_space<vmem>> -> memref<256xi32, #tpu.memory_space<vmem>>
      %dma_start3A_97 = tpu.memref_slice %arg2[%add3A_93] : memref<100352xi32, #tpu.memory_space<hbm>> -> memref<256xi32, #tpu.memory_space<hbm>>
      %dma_start3A_98 = arith.constant 0 : i32
      %dma_start3A_99 = tpu.memref_slice %arg5[%dma_start3A, %dma_start3A_98] : memref<3x512xi32, #tpu.memory_space<vmem>> -> memref<1x256xi32, #tpu.memory_space<vmem>>
      %dma_start3A_100 = tpu.memref_squeeze %dma_start3A_99 : memref<1x256xi32, #tpu.memory_space<vmem>> -> memref<256xi32, #tpu.memory_space<vmem>>
      %dma_start3A_101 = tpu.memref_slice %arg2[%add3A_93] : memref<100352xi32, #tpu.memory_space<hbm>> -> memref<256xi32, #tpu.memory_space<hbm>>
      tpu.enqueue_dma source(%dma_start3A_101 : memref<256xi32, #tpu.memory_space<hbm>>) target(%dma_start3A_100 : memref<256xi32, #tpu.memory_space<vmem>>) target_semaphore(%arg13 : memref<!tpu.dma_semaphore, #tpu.memory_space<semaphore_mem>>)
      %add3A_102 = arith.constant 1024 : i32
      %add3A_103 = arith.addi %add3A_93, %add3A_102 : i32
      %dma_start3A_104 = arith.constant 1 : i32
      %dma_start3A_105 = arith.constant 256 : i32
      %dma_start3A_106 = tpu.memref_slice %arg5[%dma_start3A_104, %dma_start3A_105] : memref<3x512xi32, #tpu.memory_space<vmem>> -> memref<1x256xi32, #tpu.memory_space<vmem>>
      %dma_start3A_107 = tpu.memref_squeeze %dma_start3A_106 : memref<1x256xi32, #tpu.memory_space<vmem>> -> memref<256xi32, #tpu.memory_space<vmem>>
      %dma_start3A_108 = tpu.memref_slice %arg2[%add3A_103] : memref<100352xi32, #tpu.memory_space<hbm>> -> memref<256xi32, #tpu.memory_space<hbm>>
      %dma_start3A_109 = arith.constant 256 : i32
      %dma_start3A_110 = tpu.memref_slice %arg5[%dma_start3A_104, %dma_start3A_109] : memref<3x512xi32, #tpu.memory_space<vmem>> -> memref<1x256xi32, #tpu.memory_space<vmem>>
      %dma_start3A_111 = tpu.memref_squeeze %dma_start3A_110 : memref<1x256xi32, #tpu.memory_space<vmem>> -> memref<256xi32, #tpu.memory_space<vmem>>
      %dma_start3A_112 = tpu.memref_slice %arg2[%add3A_103] : memref<100352xi32, #tpu.memory_space<hbm>> -> memref<256xi32, #tpu.memory_space<hbm>>
      tpu.enqueue_dma source(%dma_start3A_112 : memref<256xi32, #tpu.memory_space<hbm>>) target(%dma_start3A_111 : memref<256xi32, #tpu.memory_space<vmem>>) target_semaphore(%arg13 : memref<!tpu.dma_semaphore, #tpu.memory_space<semaphore_mem>>)
    } else {
    }
    %add3A_12 = arith.constant 0 : i32
    %add3A_13 = arith.addi %add3A, %add3A_12 : i32
    %lt3A_14 = arith.constant 44 : i32
    %lt3A_15 = arith.cmpi slt, %add3A_13, %lt3A_14 : i32
    %convert_element_type3A_16 = arith.extui %lt3A_15 : i1 to i32
    %cond3A_17 = arith.constant 0 : i32
    %cond3A_18 = arith.cmpi ne, %convert_element_type3A_16, %cond3A_17 : i32
    scf.if %cond3A_18 {
      %add3A_54 = arith.constant 0 : i32
      %add3A_55 = arith.addi %add3A, %add3A_54 : i32
      %add3A_56 = arith.constant 64 : i32
      %add3A_57 = arith.addi %add3A_56, %add3A_55 : i32
      %jit3A = arith.constant 4 : i32
      %div3A = arith.divsi %add3A_57, %jit3A : i32
      %sign3A = arith.constant 0 : i32
      %sign3A_58 = arith.cmpi sgt, %add3A_57, %sign3A : i32
      %sign3A_59 = arith.extui %sign3A_58 : i1 to i32
      %sign3A_60 = arith.constant 0 : i32
      %sign3A_61 = arith.cmpi slt, %add3A_57, %sign3A_60 : i32
      %sign3A_62 = arith.extui %sign3A_61 : i1 to i32
      %sign3A_63 = arith.subi %sign3A_59, %sign3A_62 : i32
      %sign3A_64 = arith.constant 0 : i32
      %sign3A_65 = arith.cmpi sgt, %jit3A, %sign3A_64 : i32
      %sign3A_66 = arith.extui %sign3A_65 : i1 to i32
      %sign3A_67 = arith.constant 0 : i32
      %sign3A_68 = arith.cmpi slt, %jit3A, %sign3A_67 : i32
      %sign3A_69 = arith.extui %sign3A_68 : i1 to i32
      %sign3A_70 = arith.subi %sign3A_66, %sign3A_69 : i32
      %ne3A = arith.cmpi ne, %sign3A_63, %sign3A_70 : i32
      %rem3A = arith.remsi %add3A_57, %jit3A : i32
      %ne3A_71 = arith.constant 0 : i32
      %ne3A_72 = arith.cmpi ne, %rem3A, %ne3A_71 : i32
      %and3A = arith.andi %ne3A, %ne3A_72 : i1
      %sub3A = arith.constant 1 : i32
      %sub3A_73 = arith.subi %div3A, %sub3A : i32
      %select_n3A = arith.select %and3A, %sub3A_73, %div3A : i32
      %mul3A_74 = arith.constant 2048 : i32
      %mul3A_75 = arith.muli %select_n3A, %mul3A_74 : i32
      %jit3A_76 = arith.constant 4 : i32
      %eq3A = arith.constant 0 : i32
      %eq3A_77 = arith.cmpi eq, %jit3A_76, %eq3A : i32
      %jit3A_78 = arith.constant 1 : i32
      %select_n3A_79 = arith.select %eq3A_77, %jit3A_78, %jit3A_76 : i32
      %rem3A_80 = arith.remsi %add3A_57, %select_n3A_79 : i32
      %ne3A_81 = arith.constant 0 : i32
      %ne3A_82 = arith.cmpi ne, %rem3A_80, %ne3A_81 : i32
      %lt3A_83 = arith.constant 0 : i32
      %lt3A_84 = arith.cmpi slt, %rem3A_80, %lt3A_83 : i32
      %lt3A_85 = arith.constant 0 : i32
      %lt3A_86 = arith.cmpi slt, %select_n3A_79, %lt3A_85 : i32
      %ne3A_87 = arith.xori %lt3A_84, %lt3A_86 : i1
      %and3A_88 = arith.andi %ne3A_87, %ne3A_82 : i1
      %add3A_89 = arith.addi %rem3A_80, %select_n3A_79 : i32
      %select_n3A_90 = arith.select %and3A_88, %add3A_89, %rem3A_80 : i32
      %mul3A_91 = arith.constant 256 : i32
      %mul3A_92 = arith.muli %select_n3A_90, %mul3A_91 : i32
      %add3A_93 = arith.addi %mul3A_75, %mul3A_92 : i32
      %dma_wait3A = arith.constant 0 : i32
      %dma_wait3A_94 = arith.constant 0 : i32
      %dma_wait3A_95 = tpu.memref_slice %arg5[%dma_wait3A, %dma_wait3A_94] : memref<3x512xi32, #tpu.memory_space<vmem>> -> memref<1x256xi32, #tpu.memory_space<vmem>>
      %dma_wait3A_96 = tpu.memref_squeeze %dma_wait3A_95 : memref<1x256xi32, #tpu.memory_space<vmem>> -> memref<256xi32, #tpu.memory_space<vmem>>
      %dma_wait3A_97 = tpu.memref_slice %arg2[%add3A_93] : memref<100352xi32, #tpu.memory_space<hbm>> -> memref<256xi32, #tpu.memory_space<hbm>>
      %dma_wait3A_98 = arith.constant 0 : i32
      %dma_wait3A_99 = tpu.memref_slice %arg5[%dma_wait3A, %dma_wait3A_98] : memref<3x512xi32, #tpu.memory_space<vmem>> -> memref<1x256xi32, #tpu.memory_space<vmem>>
      %dma_wait3A_100 = tpu.memref_squeeze %dma_wait3A_99 : memref<1x256xi32, #tpu.memory_space<vmem>> -> memref<256xi32, #tpu.memory_space<vmem>>
      %dma_wait3A_101 = tpu.memref_slice %arg2[%add3A_93] : memref<100352xi32, #tpu.memory_space<hbm>> -> memref<256xi32, #tpu.memory_space<hbm>>
      tpu.wait_dma2 semaphore(%arg8 : memref<!tpu.dma_semaphore, #tpu.memory_space<semaphore_mem>>) src(%dma_wait3A_101 : memref<256xi32, #tpu.memory_space<hbm>>) dst(%dma_wait3A_100 : memref<256xi32, #tpu.memory_space<vmem>>)
      %add3A_102 = arith.constant 1024 : i32
      %add3A_103 = arith.addi %add3A_93, %add3A_102 : i32
      %dma_wait3A_104 = arith.constant 0 : i32
      %dma_wait3A_105 = arith.constant 256 : i32
      %dma_wait3A_106 = tpu.memref_slice %arg5[%dma_wait3A_104, %dma_wait3A_105] : memref<3x512xi32, #tpu.memory_space<vmem>> -> memref<1x256xi32, #tpu.memory_space<vmem>>
      %dma_wait3A_107 = tpu.memref_squeeze %dma_wait3A_106 : memref<1x256xi32, #tpu.memory_space<vmem>> -> memref<256xi32, #tpu.memory_space<vmem>>
      %dma_wait3A_108 = tpu.memref_slice %arg2[%add3A_103] : memref<100352xi32, #tpu.memory_space<hbm>> -> memref<256xi32, #tpu.memory_space<hbm>>
      %dma_wait3A_109 = arith.constant 256 : i32
      %dma_wait3A_110 = tpu.memref_slice %arg5[%dma_wait3A_104, %dma_wait3A_109] : memref<3x512xi32, #tpu.memory_space<vmem>> -> memref<1x256xi32, #tpu.memory_space<vmem>>
      %dma_wait3A_111 = tpu.memref_squeeze %dma_wait3A_110 : memref<1x256xi32, #tpu.memory_space<vmem>> -> memref<256xi32, #tpu.memory_space<vmem>>
      %dma_wait3A_112 = tpu.memref_slice %arg2[%add3A_103] : memref<100352xi32, #tpu.memory_space<hbm>> -> memref<256xi32, #tpu.memory_space<hbm>>
      tpu.wait_dma2 semaphore(%arg8 : memref<!tpu.dma_semaphore, #tpu.memory_space<semaphore_mem>>) src(%dma_wait3A_112 : memref<256xi32, #tpu.memory_space<hbm>>) dst(%dma_wait3A_111 : memref<256xi32, #tpu.memory_space<vmem>>)
      %dma_start3A = arith.constant 0 : i32
      %dma_start3A_113 = arith.constant 0 : i32
      %dma_start3A_114 = arith.constant 0 : i32
      %dma_start3A_115 = arith.constant 0 : i32
      %dma_start3A_116 = tpu.memref_slice %arg6[%dma_start3A_113, %dma_start3A_114, %dma_start3A_115] : memref<3x256x64xf32, #tpu.memory_space<vmem>> -> memref<1x256x64xf32, #tpu.memory_space<vmem>>
      %dma_start3A_117 = tpu.memref_squeeze %dma_start3A_116 : memref<1x256x64xf32, #tpu.memory_space<vmem>> -> memref<256x64xf32, #tpu.memory_space<vmem>>
      %dma_start3A_118 = arith.constant 0 : i32
      %dma_start3A_119 = tpu.memref_slice %arg5[%dma_start3A, %dma_start3A_118] : memref<3x512xi32, #tpu.memory_space<vmem>> -> memref<1x256xi32, #tpu.memory_space<vmem>>
      %dma_start3A_120 = tpu.memref_squeeze %dma_start3A_119 : memref<1x256xi32, #tpu.memory_space<vmem>> -> memref<256xi32, #tpu.memory_space<vmem>>
      %dma_start3A_121 = arith.constant 0 : i32
      %dma_start3A_122 = arith.constant 0 : i32
      %dma_start3A_123 = tpu.memref_slice %arg3[%dma_start3A_121, %dma_start3A_122] : memref<1000x64xf32, #tpu.memory_space<hbm>> -> memref<1000x64xf32, #tpu.memory_space<hbm>>
      tpu.enqueue_indirect_dma source(%dma_start3A_123 : memref<1000x64xf32, #tpu.memory_space<hbm>>) target(%dma_start3A_117 : memref<256x64xf32, #tpu.memory_space<vmem>>) offsets(%dma_start3A_120 : memref<256xi32, #tpu.memory_space<vmem>>) semaphore(%arg9 : memref<!tpu.dma_semaphore, #tpu.memory_space<semaphore_mem>>)
      %dma_start3A_124 = arith.constant 0 : i32
      %dma_start3A_125 = arith.constant 0 : i32
      %dma_start3A_126 = arith.constant 0 : i32
      %dma_start3A_127 = arith.constant 0 : i32
      %dma_start3A_128 = tpu.memref_slice %arg7[%dma_start3A_125, %dma_start3A_126, %dma_start3A_127] : memref<3x256x64xf32, #tpu.memory_space<vmem>> -> memref<1x256x64xf32, #tpu.memory_space<vmem>>
      %dma_start3A_129 = tpu.memref_squeeze %dma_start3A_128 : memref<1x256x64xf32, #tpu.memory_space<vmem>> -> memref<256x64xf32, #tpu.memory_space<vmem>>
      %dma_start3A_130 = arith.constant 256 : i32
      %dma_start3A_131 = tpu.memref_slice %arg5[%dma_start3A_124, %dma_start3A_130] : memref<3x512xi32, #tpu.memory_space<vmem>> -> memref<1x256xi32, #tpu.memory_space<vmem>>
      %dma_start3A_132 = tpu.memref_squeeze %dma_start3A_131 : memref<1x256xi32, #tpu.memory_space<vmem>> -> memref<256xi32, #tpu.memory_space<vmem>>
      %dma_start3A_133 = arith.constant 0 : i32
      %dma_start3A_134 = arith.constant 0 : i32
      %dma_start3A_135 = tpu.memref_slice %arg3[%dma_start3A_133, %dma_start3A_134] : memref<1000x64xf32, #tpu.memory_space<hbm>> -> memref<1000x64xf32, #tpu.memory_space<hbm>>
      tpu.enqueue_indirect_dma source(%dma_start3A_135 : memref<1000x64xf32, #tpu.memory_space<hbm>>) target(%dma_start3A_129 : memref<256x64xf32, #tpu.memory_space<vmem>>) offsets(%dma_start3A_132 : memref<256xi32, #tpu.memory_space<vmem>>) semaphore(%arg10 : memref<!tpu.dma_semaphore, #tpu.memory_space<semaphore_mem>>)
    } else {
    }
    %add3A_19 = arith.constant 32 : i32
    %add3A_20 = arith.addi %add3A, %add3A_19 : i32
    %lt3A_21 = arith.constant 44 : i32
    %lt3A_22 = arith.cmpi slt, %add3A_20, %lt3A_21 : i32
    %convert_element_type3A_23 = arith.extui %lt3A_22 : i1 to i32
    %cond3A_24 = arith.constant 0 : i32
    %cond3A_25 = arith.cmpi ne, %convert_element_type3A_23, %cond3A_24 : i32
    scf.if %cond3A_25 {
      %add3A_54 = arith.constant 32 : i32
      %add3A_55 = arith.addi %add3A, %add3A_54 : i32
      %add3A_56 = arith.constant 64 : i32
      %add3A_57 = arith.addi %add3A_56, %add3A_55 : i32
      %jit3A = arith.constant 4 : i32
      %div3A = arith.divsi %add3A_57, %jit3A : i32
      %sign3A = arith.constant 0 : i32
      %sign3A_58 = arith.cmpi sgt, %add3A_57, %sign3A : i32
      %sign3A_59 = arith.extui %sign3A_58 : i1 to i32
      %sign3A_60 = arith.constant 0 : i32
      %sign3A_61 = arith.cmpi slt, %add3A_57, %sign3A_60 : i32
      %sign3A_62 = arith.extui %sign3A_61 : i1 to i32
      %sign3A_63 = arith.subi %sign3A_59, %sign3A_62 : i32
      %sign3A_64 = arith.constant 0 : i32
      %sign3A_65 = arith.cmpi sgt, %jit3A, %sign3A_64 : i32
      %sign3A_66 = arith.extui %sign3A_65 : i1 to i32
      %sign3A_67 = arith.constant 0 : i32
      %sign3A_68 = arith.cmpi slt, %jit3A, %sign3A_67 : i32
      %sign3A_69 = arith.extui %sign3A_68 : i1 to i32
      %sign3A_70 = arith.subi %sign3A_66, %sign3A_69 : i32
      %ne3A = arith.cmpi ne, %sign3A_63, %sign3A_70 : i32
      %rem3A = arith.remsi %add3A_57, %jit3A : i32
      %ne3A_71 = arith.constant 0 : i32
      %ne3A_72 = arith.cmpi ne, %rem3A, %ne3A_71 : i32
      %and3A = arith.andi %ne3A, %ne3A_72 : i1
      %sub3A = arith.constant 1 : i32
      %sub3A_73 = arith.subi %div3A, %sub3A : i32
      %select_n3A = arith.select %and3A, %sub3A_73, %div3A : i32
      %mul3A_74 = arith.constant 2048 : i32
      %mul3A_75 = arith.muli %select_n3A, %mul3A_74 : i32
      %jit3A_76 = arith.constant 4 : i32
      %eq3A = arith.constant 0 : i32
      %eq3A_77 = arith.cmpi eq, %jit3A_76, %eq3A : i32
      %jit3A_78 = arith.constant 1 : i32
      %select_n3A_79 = arith.select %eq3A_77, %jit3A_78, %jit3A_76 : i32
      %rem3A_80 = arith.remsi %add3A_57, %select_n3A_79 : i32
      %ne3A_81 = arith.constant 0 : i32
      %ne3A_82 = arith.cmpi ne, %rem3A_80, %ne3A_81 : i32
      %lt3A_83 = arith.constant 0 : i32
      %lt3A_84 = arith.cmpi slt, %rem3A_80, %lt3A_83 : i32
      %lt3A_85 = arith.constant 0 : i32
      %lt3A_86 = arith.cmpi slt, %select_n3A_79, %lt3A_85 : i32
      %ne3A_87 = arith.xori %lt3A_84, %lt3A_86 : i1
      %and3A_88 = arith.andi %ne3A_87, %ne3A_82 : i1
      %add3A_89 = arith.addi %rem3A_80, %select_n3A_79 : i32
      %select_n3A_90 = arith.select %and3A_88, %add3A_89, %rem3A_80 : i32
      %mul3A_91 = arith.constant 256 : i32
      %mul3A_92 = arith.muli %select_n3A_90, %mul3A_91 : i32
      %add3A_93 = arith.addi %mul3A_75, %mul3A_92 : i32
      %dma_wait3A = arith.constant 1 : i32
      %dma_wait3A_94 = arith.constant 0 : i32
      %dma_wait3A_95 = tpu.memref_slice %arg5[%dma_wait3A, %dma_wait3A_94] : memref<3x512xi32, #tpu.memory_space<vmem>> -> memref<1x256xi32, #tpu.memory_space<vmem>>
      %dma_wait3A_96 = tpu.memref_squeeze %dma_wait3A_95 : memref<1x256xi32, #tpu.memory_space<vmem>> -> memref<256xi32, #tpu.memory_space<vmem>>
      %dma_wait3A_97 = tpu.memref_slice %arg2[%add3A_93] : memref<100352xi32, #tpu.memory_space<hbm>> -> memref<256xi32, #tpu.memory_space<hbm>>
      %dma_wait3A_98 = arith.constant 0 : i32
      %dma_wait3A_99 = tpu.memref_slice %arg5[%dma_wait3A, %dma_wait3A_98] : memref<3x512xi32, #tpu.memory_space<vmem>> -> memref<1x256xi32, #tpu.memory_space<vmem>>
      %dma_wait3A_100 = tpu.memref_squeeze %dma_wait3A_99 : memref<1x256xi32, #tpu.memory_space<vmem>> -> memref<256xi32, #tpu.memory_space<vmem>>
      %dma_wait3A_101 = tpu.memref_slice %arg2[%add3A_93] : memref<100352xi32, #tpu.memory_space<hbm>> -> memref<256xi32, #tpu.memory_space<hbm>>
      tpu.wait_dma2 semaphore(%arg13 : memref<!tpu.dma_semaphore, #tpu.memory_space<semaphore_mem>>) src(%dma_wait3A_101 : memref<256xi32, #tpu.memory_space<hbm>>) dst(%dma_wait3A_100 : memref<256xi32, #tpu.memory_space<vmem>>)
      %add3A_102 = arith.constant 1024 : i32
      %add3A_103 = arith.addi %add3A_93, %add3A_102 : i32
      %dma_wait3A_104 = arith.constant 1 : i32
      %dma_wait3A_105 = arith.constant 256 : i32
      %dma_wait3A_106 = tpu.memref_slice %arg5[%dma_wait3A_104, %dma_wait3A_105] : memref<3x512xi32, #tpu.memory_space<vmem>> -> memref<1x256xi32, #tpu.memory_space<vmem>>
      %dma_wait3A_107 = tpu.memref_squeeze %dma_wait3A_106 : memref<1x256xi32, #tpu.memory_space<vmem>> -> memref<256xi32, #tpu.memory_space<vmem>>
      %dma_wait3A_108 = tpu.memref_slice %arg2[%add3A_103] : memref<100352xi32, #tpu.memory_space<hbm>> -> memref<256xi32, #tpu.memory_space<hbm>>
      %dma_wait3A_109 = arith.constant 256 : i32
      %dma_wait3A_110 = tpu.memref_slice %arg5[%dma_wait3A_104, %dma_wait3A_109] : memref<3x512xi32, #tpu.memory_space<vmem>> -> memref<1x256xi32, #tpu.memory_space<vmem>>
      %dma_wait3A_111 = tpu.memref_squeeze %dma_wait3A_110 : memref<1x256xi32, #tpu.memory_space<vmem>> -> memref<256xi32, #tpu.memory_space<vmem>>
      %dma_wait3A_112 = tpu.memref_slice %arg2[%add3A_103] : memref<100352xi32, #tpu.memory_space<hbm>> -> memref<256xi32, #tpu.memory_space<hbm>>
      tpu.wait_dma2 semaphore(%arg13 : memref<!tpu.dma_semaphore, #tpu.memory_space<semaphore_mem>>) src(%dma_wait3A_112 : memref<256xi32, #tpu.memory_space<hbm>>) dst(%dma_wait3A_111 : memref<256xi32, #tpu.memory_space<vmem>>)
      %dma_start3A = arith.constant 1 : i32
      %dma_start3A_113 = arith.constant 1 : i32
      %dma_start3A_114 = arith.constant 0 : i32
      %dma_start3A_115 = arith.constant 0 : i32
      %dma_start3A_116 = tpu.memref_slice %arg6[%dma_start3A_113, %dma_start3A_114, %dma_start3A_115] : memref<3x256x64xf32, #tpu.memory_space<vmem>> -> memref<1x256x64xf32, #tpu.memory_space<vmem>>
      %dma_start3A_117 = tpu.memref_squeeze %dma_start3A_116 : memref<1x256x64xf32, #tpu.memory_space<vmem>> -> memref<256x64xf32, #tpu.memory_space<vmem>>
      %dma_start3A_118 = arith.constant 0 : i32
      %dma_start3A_119 = tpu.memref_slice %arg5[%dma_start3A, %dma_start3A_118] : memref<3x512xi32, #tpu.memory_space<vmem>> -> memref<1x256xi32, #tpu.memory_space<vmem>>
      %dma_start3A_120 = tpu.memref_squeeze %dma_start3A_119 : memref<1x256xi32, #tpu.memory_space<vmem>> -> memref<256xi32, #tpu.memory_space<vmem>>
      %dma_start3A_121 = arith.constant 0 : i32
      %dma_start3A_122 = arith.constant 0 : i32
      %dma_start3A_123 = tpu.memref_slice %arg3[%dma_start3A_121, %dma_start3A_122] : memref<1000x64xf32, #tpu.memory_space<hbm>> -> memref<1000x64xf32, #tpu.memory_space<hbm>>
      tpu.enqueue_indirect_dma source(%dma_start3A_123 : memref<1000x64xf32, #tpu.memory_space<hbm>>) target(%dma_start3A_117 : memref<256x64xf32, #tpu.memory_space<vmem>>) offsets(%dma_start3A_120 : memref<256xi32, #tpu.memory_space<vmem>>) semaphore(%arg14 : memref<!tpu.dma_semaphore, #tpu.memory_space<semaphore_mem>>)
      %dma_start3A_124 = arith.constant 1 : i32
      %dma_start3A_125 = arith.constant 1 : i32
      %dma_start3A_126 = arith.constant 0 : i32
      %dma_start3A_127 = arith.constant 0 : i32
      %dma_start3A_128 = tpu.memref_slice %arg7[%dma_start3A_125, %dma_start3A_126, %dma_start3A_127] : memref<3x256x64xf32, #tpu.memory_space<vmem>> -> memref<1x256x64xf32, #tpu.memory_space<vmem>>
      %dma_start3A_129 = tpu.memref_squeeze %dma_start3A_128 : memref<1x256x64xf32, #tpu.memory_space<vmem>> -> memref<256x64xf32, #tpu.memory_space<vmem>>
      %dma_start3A_130 = arith.constant 256 : i32
      %dma_start3A_131 = tpu.memref_slice %arg5[%dma_start3A_124, %dma_start3A_130] : memref<3x512xi32, #tpu.memory_space<vmem>> -> memref<1x256xi32, #tpu.memory_space<vmem>>
      %dma_start3A_132 = tpu.memref_squeeze %dma_start3A_131 : memref<1x256xi32, #tpu.memory_space<vmem>> -> memref<256xi32, #tpu.memory_space<vmem>>
      %dma_start3A_133 = arith.constant 0 : i32
      %dma_start3A_134 = arith.constant 0 : i32
      %dma_start3A_135 = tpu.memref_slice %arg3[%dma_start3A_133, %dma_start3A_134] : memref<1000x64xf32, #tpu.memory_space<hbm>> -> memref<1000x64xf32, #tpu.memory_space<hbm>>
      tpu.enqueue_indirect_dma source(%dma_start3A_135 : memref<1000x64xf32, #tpu.memory_space<hbm>>) target(%dma_start3A_129 : memref<256x64xf32, #tpu.memory_space<vmem>>) offsets(%dma_start3A_132 : memref<256xi32, #tpu.memory_space<vmem>>) semaphore(%arg15 : memref<!tpu.dma_semaphore, #tpu.memory_space<semaphore_mem>>)
    } else {
    }
    %add3A_26 = arith.constant 0 : i32
    %add3A_27 = arith.addi %add3A, %add3A_26 : i32
    %lt3A_28 = arith.constant 44 : i32
    %lt3A_29 = arith.cmpi slt, %add3A_27, %lt3A_28 : i32
    %convert_element_type3A_30 = arith.extui %lt3A_29 : i1 to i32
    %cond3A_31 = arith.constant 0 : i32
    %cond3A_32 = arith.cmpi ne, %convert_element_type3A_30, %cond3A_31 : i32
    scf.if %cond3A_32 {
      %add3A_54 = arith.constant 0 : i32
      %add3A_55 = arith.addi %add3A, %add3A_54 : i32
      %mul3A_56 = arith.constant 256 : i32
      %mul3A_57 = arith.muli %add3A_55, %mul3A_56 : i32
      %dma_wait3A = arith.constant 0 : i32
      %dma_wait3A_58 = arith.constant 0 : i32
      %dma_wait3A_59 = arith.constant 0 : i32
      %dma_wait3A_60 = arith.constant 0 : i32
      %dma_wait3A_61 = tpu.memref_slice %arg6[%dma_wait3A_58, %dma_wait3A_59, %dma_wait3A_60] : memref<3x256x64xf32, #tpu.memory_space<vmem>> -> memref<1x256x64xf32, #tpu.memory_space<vmem>>
      %dma_wait3A_62 = tpu.memref_squeeze %dma_wait3A_61 : memref<1x256x64xf32, #tpu.memory_space<vmem>> -> memref<256x64xf32, #tpu.memory_space<vmem>>
      %dma_wait3A_63 = arith.constant 0 : i32
      %dma_wait3A_64 = tpu.memref_slice %arg5[%dma_wait3A, %dma_wait3A_63] : memref<3x512xi32, #tpu.memory_space<vmem>> -> memref<1x256xi32, #tpu.memory_space<vmem>>
      %dma_wait3A_65 = tpu.memref_squeeze %dma_wait3A_64 : memref<1x256xi32, #tpu.memory_space<vmem>> -> memref<256xi32, #tpu.memory_space<vmem>>
      %dma_wait3A_66 = arith.constant 0 : i32
      %dma_wait3A_67 = arith.constant 0 : i32
      %dma_wait3A_68 = tpu.memref_slice %arg3[%dma_wait3A_66, %dma_wait3A_67] : memref<1000x64xf32, #tpu.memory_space<hbm>> -> memref<1000x64xf32, #tpu.memory_space<hbm>>
      tpu.wait_indirect_dma semaphore(%arg9 : memref<!tpu.dma_semaphore, #tpu.memory_space<semaphore_mem>>) src(%dma_wait3A_68 : memref<1000x64xf32, #tpu.memory_space<hbm>>) dst(%dma_wait3A_62 : memref<256x64xf32, #tpu.memory_space<vmem>>)
      %dma_wait3A_69 = arith.constant 0 : i32
      %dma_wait3A_70 = arith.constant 0 : i32
      %dma_wait3A_71 = arith.constant 0 : i32
      %dma_wait3A_72 = arith.constant 0 : i32
      %dma_wait3A_73 = tpu.memref_slice %arg7[%dma_wait3A_70, %dma_wait3A_71, %dma_wait3A_72] : memref<3x256x64xf32, #tpu.memory_space<vmem>> -> memref<1x256x64xf32, #tpu.memory_space<vmem>>
      %dma_wait3A_74 = tpu.memref_squeeze %dma_wait3A_73 : memref<1x256x64xf32, #tpu.memory_space<vmem>> -> memref<256x64xf32, #tpu.memory_space<vmem>>
      %dma_wait3A_75 = arith.constant 256 : i32
      %dma_wait3A_76 = tpu.memref_slice %arg5[%dma_wait3A_69, %dma_wait3A_75] : memref<3x512xi32, #tpu.memory_space<vmem>> -> memref<1x256xi32, #tpu.memory_space<vmem>>
      %dma_wait3A_77 = tpu.memref_squeeze %dma_wait3A_76 : memref<1x256xi32, #tpu.memory_space<vmem>> -> memref<256xi32, #tpu.memory_space<vmem>>
      %dma_wait3A_78 = arith.constant 0 : i32
      %dma_wait3A_79 = arith.constant 0 : i32
      %dma_wait3A_80 = tpu.memref_slice %arg3[%dma_wait3A_78, %dma_wait3A_79] : memref<1000x64xf32, #tpu.memory_space<hbm>> -> memref<1000x64xf32, #tpu.memory_space<hbm>>
      tpu.wait_indirect_dma semaphore(%arg10 : memref<!tpu.dma_semaphore, #tpu.memory_space<semaphore_mem>>) src(%dma_wait3A_80 : memref<1000x64xf32, #tpu.memory_space<hbm>>) dst(%dma_wait3A_74 : memref<256x64xf32, #tpu.memory_space<vmem>>)
      %dma_start3A = arith.constant 0 : i32
      %dma_start3A_81 = arith.constant 0 : i32
      %dma_start3A_82 = arith.constant 0 : i32
      %dma_start3A_83 = tpu.memref_slice %arg6[%dma_start3A, %dma_start3A_81, %dma_start3A_82] : memref<3x256x64xf32, #tpu.memory_space<vmem>> -> memref<1x256x64xf32, #tpu.memory_space<vmem>>
      %dma_start3A_84 = tpu.memref_squeeze %dma_start3A_83 : memref<1x256x64xf32, #tpu.memory_space<vmem>> -> memref<256x64xf32, #tpu.memory_space<vmem>>
      %dma_start3A_85 = arith.constant 0 : i32
      %dma_start3A_86 = tpu.memref_slice %arg4[%mul3A_57, %dma_start3A_85] : memref<11264x128xf32, #tpu.memory_space<hbm>> -> memref<256x64xf32, #tpu.memory_space<hbm>>
      %dma_start3A_87 = arith.constant 0 : i32
      %dma_start3A_88 = tpu.memref_slice %arg4[%mul3A_57, %dma_start3A_87] : memref<11264x128xf32, #tpu.memory_space<hbm>> -> memref<256x64xf32, #tpu.memory_space<hbm>>
      %dma_start3A_89 = arith.constant 0 : i32
      %dma_start3A_90 = arith.constant 0 : i32
      %dma_start3A_91 = tpu.memref_slice %arg6[%dma_start3A, %dma_start3A_89, %dma_start3A_90] : memref<3x256x64xf32, #tpu.memory_space<vmem>> -> memref<1x256x64xf32, #tpu.memory_space<vmem>>
      %dma_start3A_92 = tpu.memref_squeeze %dma_start3A_91 : memref<1x256x64xf32, #tpu.memory_space<vmem>> -> memref<256x64xf32, #tpu.memory_space<vmem>>
      tpu.enqueue_dma source(%dma_start3A_92 : memref<256x64xf32, #tpu.memory_space<vmem>>) target(%dma_start3A_88 : memref<256x64xf32, #tpu.memory_space<hbm>>) target_semaphore(%arg11 : memref<!tpu.dma_semaphore, #tpu.memory_space<semaphore_mem>>)
      %dma_start3A_93 = arith.constant 0 : i32
      %dma_start3A_94 = arith.constant 0 : i32
      %dma_start3A_95 = arith.constant 0 : i32
      %dma_start3A_96 = tpu.memref_slice %arg7[%dma_start3A_93, %dma_start3A_94, %dma_start3A_95] : memref<3x256x64xf32, #tpu.memory_space<vmem>> -> memref<1x256x64xf32, #tpu.memory_space<vmem>>
      %dma_start3A_97 = tpu.memref_squeeze %dma_start3A_96 : memref<1x256x64xf32, #tpu.memory_space<vmem>> -> memref<256x64xf32, #tpu.memory_space<vmem>>
      %dma_start3A_98 = arith.constant 64 : i32
      %dma_start3A_99 = tpu.memref_slice %arg4[%mul3A_57, %dma_start3A_98] : memref<11264x128xf32, #tpu.memory_space<hbm>> -> memref<256x64xf32, #tpu.memory_space<hbm>>
      %dma_start3A_100 = arith.constant 64 : i32
      %dma_start3A_101 = tpu.memref_slice %arg4[%mul3A_57, %dma_start3A_100] : memref<11264x128xf32, #tpu.memory_space<hbm>> -> memref<256x64xf32, #tpu.memory_space<hbm>>
      %dma_start3A_102 = arith.constant 0 : i32
      %dma_start3A_103 = arith.constant 0 : i32
      %dma_start3A_104 = tpu.memref_slice %arg7[%dma_start3A_93, %dma_start3A_102, %dma_start3A_103] : memref<3x256x64xf32, #tpu.memory_space<vmem>> -> memref<1x256x64xf32, #tpu.memory_space<vmem>>
      %dma_start3A_105 = tpu.memref_squeeze %dma_start3A_104 : memref<1x256x64xf32, #tpu.memory_space<vmem>> -> memref<256x64xf32, #tpu.memory_space<vmem>>
      tpu.enqueue_dma source(%dma_start3A_105 : memref<256x64xf32, #tpu.memory_space<vmem>>) target(%dma_start3A_101 : memref<256x64xf32, #tpu.memory_space<hbm>>) target_semaphore(%arg12 : memref<!tpu.dma_semaphore, #tpu.memory_space<semaphore_mem>>)
    } else {
    }
    %add3A_33 = arith.constant 0 : i32
    %add3A_34 = arith.addi %add3A, %add3A_33 : i32
    %lt3A_35 = arith.constant 44 : i32
    %lt3A_36 = arith.cmpi slt, %add3A_34, %lt3A_35 : i32
    %convert_element_type3A_37 = arith.extui %lt3A_36 : i1 to i32
    %cond3A_38 = arith.constant 0 : i32
    %cond3A_39 = arith.cmpi ne, %convert_element_type3A_37, %cond3A_38 : i32
    scf.if %cond3A_39 {
      %add3A_54 = arith.constant 0 : i32
      %add3A_55 = arith.addi %add3A, %add3A_54 : i32
      %mul3A_56 = arith.constant 256 : i32
      %mul3A_57 = arith.muli %add3A_55, %mul3A_56 : i32
      %dma_wait3A = arith.constant 0 : i32
      %dma_wait3A_58 = arith.constant 0 : i32
      %dma_wait3A_59 = arith.constant 0 : i32
      %dma_wait3A_60 = tpu.memref_slice %arg6[%dma_wait3A, %dma_wait3A_58, %dma_wait3A_59] : memref<3x256x64xf32, #tpu.memory_space<vmem>> -> memref<1x256x64xf32, #tpu.memory_space<vmem>>
      %dma_wait3A_61 = tpu.memref_squeeze %dma_wait3A_60 : memref<1x256x64xf32, #tpu.memory_space<vmem>> -> memref<256x64xf32, #tpu.memory_space<vmem>>
      %dma_wait3A_62 = arith.constant 0 : i32
      %dma_wait3A_63 = tpu.memref_slice %arg4[%mul3A_57, %dma_wait3A_62] : memref<11264x128xf32, #tpu.memory_space<hbm>> -> memref<256x64xf32, #tpu.memory_space<hbm>>
      %dma_wait3A_64 = arith.constant 0 : i32
      %dma_wait3A_65 = tpu.memref_slice %arg4[%mul3A_57, %dma_wait3A_64] : memref<11264x128xf32, #tpu.memory_space<hbm>> -> memref<256x64xf32, #tpu.memory_space<hbm>>
      %dma_wait3A_66 = arith.constant 0 : i32
      %dma_wait3A_67 = arith.constant 0 : i32
      %dma_wait3A_68 = tpu.memref_slice %arg6[%dma_wait3A, %dma_wait3A_66, %dma_wait3A_67] : memref<3x256x64xf32, #tpu.memory_space<vmem>> -> memref<1x256x64xf32, #tpu.memory_space<vmem>>
      %dma_wait3A_69 = tpu.memref_squeeze %dma_wait3A_68 : memref<1x256x64xf32, #tpu.memory_space<vmem>> -> memref<256x64xf32, #tpu.memory_space<vmem>>
      tpu.wait_dma2 semaphore(%arg11 : memref<!tpu.dma_semaphore, #tpu.memory_space<semaphore_mem>>) src(%dma_wait3A_69 : memref<256x64xf32, #tpu.memory_space<vmem>>) dst(%dma_wait3A_65 : memref<256x64xf32, #tpu.memory_space<hbm>>)
      %dma_wait3A_70 = arith.constant 0 : i32
      %dma_wait3A_71 = arith.constant 0 : i32
      %dma_wait3A_72 = arith.constant 0 : i32
      %dma_wait3A_73 = tpu.memref_slice %arg7[%dma_wait3A_70, %dma_wait3A_71, %dma_wait3A_72] : memref<3x256x64xf32, #tpu.memory_space<vmem>> -> memref<1x256x64xf32, #tpu.memory_space<vmem>>
      %dma_wait3A_74 = tpu.memref_squeeze %dma_wait3A_73 : memref<1x256x64xf32, #tpu.memory_space<vmem>> -> memref<256x64xf32, #tpu.memory_space<vmem>>
      %dma_wait3A_75 = arith.constant 64 : i32
      %dma_wait3A_76 = tpu.memref_slice %arg4[%mul3A_57, %dma_wait3A_75] : memref<11264x128xf32, #tpu.memory_space<hbm>> -> memref<256x64xf32, #tpu.memory_space<hbm>>
      %dma_wait3A_77 = arith.constant 64 : i32
      %dma_wait3A_78 = tpu.memref_slice %arg4[%mul3A_57, %dma_wait3A_77] : memref<11264x128xf32, #tpu.memory_space<hbm>> -> memref<256x64xf32, #tpu.memory_space<hbm>>
      %dma_wait3A_79 = arith.constant 0 : i32
      %dma_wait3A_80 = arith.constant 0 : i32
      %dma_wait3A_81 = tpu.memref_slice %arg7[%dma_wait3A_70, %dma_wait3A_79, %dma_wait3A_80] : memref<3x256x64xf32, #tpu.memory_space<vmem>> -> memref<1x256x64xf32, #tpu.memory_space<vmem>>
      %dma_wait3A_82 = tpu.memref_squeeze %dma_wait3A_81 : memref<1x256x64xf32, #tpu.memory_space<vmem>> -> memref<256x64xf32, #tpu.memory_space<vmem>>
      tpu.wait_dma2 semaphore(%arg12 : memref<!tpu.dma_semaphore, #tpu.memory_space<semaphore_mem>>) src(%dma_wait3A_82 : memref<256x64xf32, #tpu.memory_space<vmem>>) dst(%dma_wait3A_78 : memref<256x64xf32, #tpu.memory_space<hbm>>)
    } else {
    }
    %add3A_40 = arith.constant 32 : i32
    %add3A_41 = arith.addi %add3A, %add3A_40 : i32
    %lt3A_42 = arith.constant 44 : i32
    %lt3A_43 = arith.cmpi slt, %add3A_41, %lt3A_42 : i32
    %convert_element_type3A_44 = arith.extui %lt3A_43 : i1 to i32
    %cond3A_45 = arith.constant 0 : i32
    %cond3A_46 = arith.cmpi ne, %convert_element_type3A_44, %cond3A_45 : i32
    scf.if %cond3A_46 {
      %add3A_54 = arith.constant 32 : i32
      %add3A_55 = arith.addi %add3A, %add3A_54 : i32
      %mul3A_56 = arith.constant 256 : i32
      %mul3A_57 = arith.muli %add3A_55, %mul3A_56 : i32
      %dma_wait3A = arith.constant 1 : i32
      %dma_wait3A_58 = arith.constant 1 : i32
      %dma_wait3A_59 = arith.constant 0 : i32
      %dma_wait3A_60 = arith.constant 0 : i32
      %dma_wait3A_61 = tpu.memref_slice %arg6[%dma_wait3A_58, %dma_wait3A_59, %dma_wait3A_60] : memref<3x256x64xf32, #tpu.memory_space<vmem>> -> memref<1x256x64xf32, #tpu.memory_space<vmem>>
      %dma_wait3A_62 = tpu.memref_squeeze %dma_wait3A_61 : memref<1x256x64xf32, #tpu.memory_space<vmem>> -> memref<256x64xf32, #tpu.memory_space<vmem>>
      %dma_wait3A_63 = arith.constant 0 : i32
      %dma_wait3A_64 = tpu.memref_slice %arg5[%dma_wait3A, %dma_wait3A_63] : memref<3x512xi32, #tpu.memory_space<vmem>> -> memref<1x256xi32, #tpu.memory_space<vmem>>
      %dma_wait3A_65 = tpu.memref_squeeze %dma_wait3A_64 : memref<1x256xi32, #tpu.memory_space<vmem>> -> memref<256xi32, #tpu.memory_space<vmem>>
      %dma_wait3A_66 = arith.constant 0 : i32
      %dma_wait3A_67 = arith.constant 0 : i32
      %dma_wait3A_68 = tpu.memref_slice %arg3[%dma_wait3A_66, %dma_wait3A_67] : memref<1000x64xf32, #tpu.memory_space<hbm>> -> memref<1000x64xf32, #tpu.memory_space<hbm>>
      tpu.wait_indirect_dma semaphore(%arg14 : memref<!tpu.dma_semaphore, #tpu.memory_space<semaphore_mem>>) src(%dma_wait3A_68 : memref<1000x64xf32, #tpu.memory_space<hbm>>) dst(%dma_wait3A_62 : memref<256x64xf32, #tpu.memory_space<vmem>>)
      %dma_wait3A_69 = arith.constant 1 : i32
      %dma_wait3A_70 = arith.constant 1 : i32
      %dma_wait3A_71 = arith.constant 0 : i32
      %dma_wait3A_72 = arith.constant 0 : i32
      %dma_wait3A_73 = tpu.memref_slice %arg7[%dma_wait3A_70, %dma_wait3A_71, %dma_wait3A_72] : memref<3x256x64xf32, #tpu.memory_space<vmem>> -> memref<1x256x64xf32, #tpu.memory_space<vmem>>
      %dma_wait3A_74 = tpu.memref_squeeze %dma_wait3A_73 : memref<1x256x64xf32, #tpu.memory_space<vmem>> -> memref<256x64xf32, #tpu.memory_space<vmem>>
      %dma_wait3A_75 = arith.constant 256 : i32
      %dma_wait3A_76 = tpu.memref_slice %arg5[%dma_wait3A_69, %dma_wait3A_75] : memref<3x512xi32, #tpu.memory_space<vmem>> -> memref<1x256xi32, #tpu.memory_space<vmem>>
      %dma_wait3A_77 = tpu.memref_squeeze %dma_wait3A_76 : memref<1x256xi32, #tpu.memory_space<vmem>> -> memref<256xi32, #tpu.memory_space<vmem>>
      %dma_wait3A_78 = arith.constant 0 : i32
      %dma_wait3A_79 = arith.constant 0 : i32
      %dma_wait3A_80 = tpu.memref_slice %arg3[%dma_wait3A_78, %dma_wait3A_79] : memref<1000x64xf32, #tpu.memory_space<hbm>> -> memref<1000x64xf32, #tpu.memory_space<hbm>>
      tpu.wait_indirect_dma semaphore(%arg15 : memref<!tpu.dma_semaphore, #tpu.memory_space<semaphore_mem>>) src(%dma_wait3A_80 : memref<1000x64xf32, #tpu.memory_space<hbm>>) dst(%dma_wait3A_74 : memref<256x64xf32, #tpu.memory_space<vmem>>)
      %dma_start3A = arith.constant 1 : i32
      %dma_start3A_81 = arith.constant 0 : i32
      %dma_start3A_82 = arith.constant 0 : i32
      %dma_start3A_83 = tpu.memref_slice %arg6[%dma_start3A, %dma_start3A_81, %dma_start3A_82] : memref<3x256x64xf32, #tpu.memory_space<vmem>> -> memref<1x256x64xf32, #tpu.memory_space<vmem>>
      %dma_start3A_84 = tpu.memref_squeeze %dma_start3A_83 : memref<1x256x64xf32, #tpu.memory_space<vmem>> -> memref<256x64xf32, #tpu.memory_space<vmem>>
      %dma_start3A_85 = arith.constant 0 : i32
      %dma_start3A_86 = tpu.memref_slice %arg4[%mul3A_57, %dma_start3A_85] : memref<11264x128xf32, #tpu.memory_space<hbm>> -> memref<256x64xf32, #tpu.memory_space<hbm>>
      %dma_start3A_87 = arith.constant 0 : i32
      %dma_start3A_88 = tpu.memref_slice %arg4[%mul3A_57, %dma_start3A_87] : memref<11264x128xf32, #tpu.memory_space<hbm>> -> memref<256x64xf32, #tpu.memory_space<hbm>>
      %dma_start3A_89 = arith.constant 0 : i32
      %dma_start3A_90 = arith.constant 0 : i32
      %dma_start3A_91 = tpu.memref_slice %arg6[%dma_start3A, %dma_start3A_89, %dma_start3A_90] : memref<3x256x64xf32, #tpu.memory_space<vmem>> -> memref<1x256x64xf32, #tpu.memory_space<vmem>>
      %dma_start3A_92 = tpu.memref_squeeze %dma_start3A_91 : memref<1x256x64xf32, #tpu.memory_space<vmem>> -> memref<256x64xf32, #tpu.memory_space<vmem>>
      tpu.enqueue_dma source(%dma_start3A_92 : memref<256x64xf32, #tpu.memory_space<vmem>>) target(%dma_start3A_88 : memref<256x64xf32, #tpu.memory_space<hbm>>) target_semaphore(%arg16 : memref<!tpu.dma_semaphore, #tpu.memory_space<semaphore_mem>>)
      %dma_start3A_93 = arith.constant 1 : i32
      %dma_start3A_94 = arith.constant 0 : i32
      %dma_start3A_95 = arith.constant 0 : i32
      %dma_start3A_96 = tpu.memref_slice %arg7[%dma_start3A_93, %dma_start3A_94, %dma_start3A_95] : memref<3x256x64xf32, #tpu.memory_space<vmem>> -> memref<1x256x64xf32, #tpu.memory_space<vmem>>
      %dma_start3A_97 = tpu.memref_squeeze %dma_start3A_96 : memref<1x256x64xf32, #tpu.memory_space<vmem>> -> memref<256x64xf32, #tpu.memory_space<vmem>>
      %dma_start3A_98 = arith.constant 64 : i32
      %dma_start3A_99 = tpu.memref_slice %arg4[%mul3A_57, %dma_start3A_98] : memref<11264x128xf32, #tpu.memory_space<hbm>> -> memref<256x64xf32, #tpu.memory_space<hbm>>
      %dma_start3A_100 = arith.constant 64 : i32
      %dma_start3A_101 = tpu.memref_slice %arg4[%mul3A_57, %dma_start3A_100] : memref<11264x128xf32, #tpu.memory_space<hbm>> -> memref<256x64xf32, #tpu.memory_space<hbm>>
      %dma_start3A_102 = arith.constant 0 : i32
      %dma_start3A_103 = arith.constant 0 : i32
      %dma_start3A_104 = tpu.memref_slice %arg7[%dma_start3A_93, %dma_start3A_102, %dma_start3A_103] : memref<3x256x64xf32, #tpu.memory_space<vmem>> -> memref<1x256x64xf32, #tpu.memory_space<vmem>>
      %dma_start3A_105 = tpu.memref_squeeze %dma_start3A_104 : memref<1x256x64xf32, #tpu.memory_space<vmem>> -> memref<256x64xf32, #tpu.memory_space<vmem>>
      tpu.enqueue_dma source(%dma_start3A_105 : memref<256x64xf32, #tpu.memory_space<vmem>>) target(%dma_start3A_101 : memref<256x64xf32, #tpu.memory_space<hbm>>) target_semaphore(%arg17 : memref<!tpu.dma_semaphore, #tpu.memory_space<semaphore_mem>>)
    } else {
    }
    %add3A_47 = arith.constant 32 : i32
    %add3A_48 = arith.addi %add3A, %add3A_47 : i32
    %lt3A_49 = arith.constant 44 : i32
    %lt3A_50 = arith.cmpi slt, %add3A_48, %lt3A_49 : i32
    %convert_element_type3A_51 = arith.extui %lt3A_50 : i1 to i32
    %cond3A_52 = arith.constant 0 : i32
    %cond3A_53 = arith.cmpi ne, %convert_element_type3A_51, %cond3A_52 : i32
    scf.if %cond3A_53 {
      %add3A_54 = arith.constant 32 : i32
      %add3A_55 = arith.addi %add3A, %add3A_54 : i32
      %mul3A_56 = arith.constant 256 : i32
      %mul3A_57 = arith.muli %add3A_55, %mul3A_56 : i32
      %dma_wait3A = arith.constant 1 : i32
      %dma_wait3A_58 = arith.constant 0 : i32
      %dma_wait3A_59 = arith.constant 0 : i32
      %dma_wait3A_60 = tpu.memref_slice %arg6[%dma_wait3A, %dma_wait3A_58, %dma_wait3A_59] : memref<3x256x64xf32, #tpu.memory_space<vmem>> -> memref<1x256x64xf32, #tpu.memory_space<vmem>>
      %dma_wait3A_61 = tpu.memref_squeeze %dma_wait3A_60 : memref<1x256x64xf32, #tpu.memory_space<vmem>> -> memref<256x64xf32, #tpu.memory_space<vmem>>
      %dma_wait3A_62 = arith.constant 0 : i32
      %dma_wait3A_63 = tpu.memref_slice %arg4[%mul3A_57, %dma_wait3A_62] : memref<11264x128xf32, #tpu.memory_space<hbm>> -> memref<256x64xf32, #tpu.memory_space<hbm>>
      %dma_wait3A_64 = arith.constant 0 : i32
      %dma_wait3A_65 = tpu.memref_slice %arg4[%mul3A_57, %dma_wait3A_64] : memref<11264x128xf32, #tpu.memory_space<hbm>> -> memref<256x64xf32, #tpu.memory_space<hbm>>
      %dma_wait3A_66 = arith.constant 0 : i32
      %dma_wait3A_67 = arith.constant 0 : i32
      %dma_wait3A_68 = tpu.memref_slice %arg6[%dma_wait3A, %dma_wait3A_66, %dma_wait3A_67] : memref<3x256x64xf32, #tpu.memory_space<vmem>> -> memref<1x256x64xf32, #tpu.memory_space<vmem>>
      %dma_wait3A_69 = tpu.memref_squeeze %dma_wait3A_68 : memref<1x256x64xf32, #tpu.memory_space<vmem>> -> memref<256x64xf32, #tpu.memory_space<vmem>>
      tpu.wait_dma2 semaphore(%arg16 : memref<!tpu.dma_semaphore, #tpu.memory_space<semaphore_mem>>) src(%dma_wait3A_69 : memref<256x64xf32, #tpu.memory_space<vmem>>) dst(%dma_wait3A_65 : memref<256x64xf32, #tpu.memory_space<hbm>>)
      %dma_wait3A_70 = arith.constant 1 : i32
      %dma_wait3A_71 = arith.constant 0 : i32
      %dma_wait3A_72 = arith.constant 0 : i32
      %dma_wait3A_73 = tpu.memref_slice %arg7[%dma_wait3A_70, %dma_wait3A_71, %dma_wait3A_72] : memref<3x256x64xf32, #tpu.memory_space<vmem>> -> memref<1x256x64xf32, #tpu.memory_space<vmem>>
      %dma_wait3A_74 = tpu.memref_squeeze %dma_wait3A_73 : memref<1x256x64xf32, #tpu.memory_space<vmem>> -> memref<256x64xf32, #tpu.memory_space<vmem>>
      %dma_wait3A_75 = arith.constant 64 : i32
      %dma_wait3A_76 = tpu.memref_slice %arg4[%mul3A_57, %dma_wait3A_75] : memref<11264x128xf32, #tpu.memory_space<hbm>> -> memref<256x64xf32, #tpu.memory_space<hbm>>
      %dma_wait3A_77 = arith.constant 64 : i32
      %dma_wait3A_78 = tpu.memref_slice %arg4[%mul3A_57, %dma_wait3A_77] : memref<11264x128xf32, #tpu.memory_space<hbm>> -> memref<256x64xf32, #tpu.memory_space<hbm>>
      %dma_wait3A_79 = arith.constant 0 : i32
      %dma_wait3A_80 = arith.constant 0 : i32
      %dma_wait3A_81 = tpu.memref_slice %arg7[%dma_wait3A_70, %dma_wait3A_79, %dma_wait3A_80] : memref<3x256x64xf32, #tpu.memory_space<vmem>> -> memref<1x256x64xf32, #tpu.memory_space<vmem>>
      %dma_wait3A_82 = tpu.memref_squeeze %dma_wait3A_81 : memref<1x256x64xf32, #tpu.memory_space<vmem>> -> memref<256x64xf32, #tpu.memory_space<vmem>>
      tpu.wait_dma2 semaphore(%arg17 : memref<!tpu.dma_semaphore, #tpu.memory_space<semaphore_mem>>) src(%dma_wait3A_82 : memref<256x64xf32, #tpu.memory_space<vmem>>) dst(%dma_wait3A_78 : memref<256x64xf32, #tpu.memory_space<hbm>>)
    } else {
    }
    return
  }
}

#map = affine_map<(d0, d1) -> (0)>
#map1 = affine_map<(d0, d1) -> (0, 0)>
module attributes {stable_mosaic.version = 14 : i64} {
  func.func @_sc_gather_body(%arg0: i32, %arg1: i32, %arg2: memref<100352xi32, #tpu.memory_space<hbm>>, %arg3: memref<1000x64xf32, #tpu.memory_space<hbm>>, %arg4: memref<5120x128xf32, #tpu.memory_space<hbm>>, %arg5: memref<3x512xi32, #tpu.memory_space<vmem>>, %arg6: memref<3x256x64xf32, #tpu.memory_space<vmem>>, %arg7: memref<3x256x64xf32, #tpu.memory_space<vmem>>, %arg8: memref<!tpu.dma_semaphore, #tpu.memory_space<semaphore_mem>>, %arg9: memref<!tpu.dma_semaphore, #tpu.memory_space<semaphore_mem>>, %arg10: memref<!tpu.dma_semaphore, #tpu.memory_space<semaphore_mem>>, %arg11: memref<!tpu.dma_semaphore, #tpu.memory_space<semaphore_mem>>, %arg12: memref<!tpu.dma_semaphore, #tpu.memory_space<semaphore_mem>>, %arg13: memref<!tpu.dma_semaphore, #tpu.memory_space<semaphore_mem>>, %arg14: memref<!tpu.dma_semaphore, #tpu.memory_space<semaphore_mem>>, %arg15: memref<!tpu.dma_semaphore, #tpu.memory_space<semaphore_mem>>, %arg16: memref<!tpu.dma_semaphore, #tpu.memory_space<semaphore_mem>>, %arg17: memref<!tpu.dma_semaphore, #tpu.memory_space<semaphore_mem>>, %arg18: memref<!tpu.dma_semaphore, #tpu.memory_space<semaphore_mem>>, %arg19: memref<!tpu.dma_semaphore, #tpu.memory_space<semaphore_mem>>, %arg20: memref<!tpu.dma_semaphore, #tpu.memory_space<semaphore_mem>>, %arg21: memref<!tpu.dma_semaphore, #tpu.memory_space<semaphore_mem>>, %arg22: memref<!tpu.dma_semaphore, #tpu.memory_space<semaphore_mem>>) attributes {dimension_semantics = [#tpu.dimension_semantics<core_parallel>, #tpu.dimension_semantics<subcore_parallel>], iteration_bounds = array<i64: 2, 16>, scalar_prefetch = 0 : i64, scratch_operands = 18 : i64, tpu.core_type = #tpu.core_type<sc_vector_subcore>, window_params = [{transform_indices = #map}, {transform_indices = #map1}, {transform_indices = #map1}]} {
    %mul3A = arith.constant 2 : i32
    %mul3A_0 = arith.muli %arg1, %mul3A : i32
    %add3A = arith.addi %mul3A_0, %arg0 : i32
    %add3A_1 = arith.constant 0 : i32
    %add3A_2 = arith.addi %add3A, %add3A_1 : i32
    %lt3A = arith.constant 20 : i32
    %lt3A_3 = arith.cmpi slt, %add3A_2, %lt3A : i32
    %convert_element_type3A = arith.extui %lt3A_3 : i1 to i32
    %cond3A = arith.constant 0 : i32
    %cond3A_4 = arith.cmpi ne, %convert_element_type3A, %cond3A : i32
    scf.if %cond3A_4 {
      %add3A_26 = arith.constant 0 : i32
      %add3A_27 = arith.addi %add3A, %add3A_26 : i32
      %add3A_28 = arith.constant 0 : i32
      %add3A_29 = arith.addi %add3A_28, %add3A_27 : i32
      %jit3A = arith.constant 4 : i32
      %div3A = arith.divsi %add3A_29, %jit3A : i32
      %sign3A = arith.constant 0 : i32
      %sign3A_30 = arith.cmpi sgt, %add3A_29, %sign3A : i32
      %sign3A_31 = arith.extui %sign3A_30 : i1 to i32
      %sign3A_32 = arith.constant 0 : i32
      %sign3A_33 = arith.cmpi slt, %add3A_29, %sign3A_32 : i32
      %sign3A_34 = arith.extui %sign3A_33 : i1 to i32
      %sign3A_35 = arith.subi %sign3A_31, %sign3A_34 : i32
      %sign3A_36 = arith.constant 0 : i32
      %sign3A_37 = arith.cmpi sgt, %jit3A, %sign3A_36 : i32
      %sign3A_38 = arith.extui %sign3A_37 : i1 to i32
      %sign3A_39 = arith.constant 0 : i32
      %sign3A_40 = arith.cmpi slt, %jit3A, %sign3A_39 : i32
      %sign3A_41 = arith.extui %sign3A_40 : i1 to i32
      %sign3A_42 = arith.subi %sign3A_38, %sign3A_41 : i32
      %ne3A = arith.cmpi ne, %sign3A_35, %sign3A_42 : i32
      %rem3A = arith.remsi %add3A_29, %jit3A : i32
      %ne3A_43 = arith.constant 0 : i32
      %ne3A_44 = arith.cmpi ne, %rem3A, %ne3A_43 : i32
      %and3A = arith.andi %ne3A, %ne3A_44 : i1
      %sub3A = arith.constant 1 : i32
      %sub3A_45 = arith.subi %div3A, %sub3A : i32
      %select_n3A = arith.select %and3A, %sub3A_45, %div3A : i32
      %mul3A_46 = arith.constant 2048 : i32
      %mul3A_47 = arith.muli %select_n3A, %mul3A_46 : i32
      %jit3A_48 = arith.constant 4 : i32
      %eq3A = arith.constant 0 : i32
      %eq3A_49 = arith.cmpi eq, %jit3A_48, %eq3A : i32
      %jit3A_50 = arith.constant 1 : i32
      %select_n3A_51 = arith.select %eq3A_49, %jit3A_50, %jit3A_48 : i32
      %rem3A_52 = arith.remsi %add3A_29, %select_n3A_51 : i32
      %ne3A_53 = arith.constant 0 : i32
      %ne3A_54 = arith.cmpi ne, %rem3A_52, %ne3A_53 : i32
      %lt3A_55 = arith.constant 0 : i32
      %lt3A_56 = arith.cmpi slt, %rem3A_52, %lt3A_55 : i32
      %lt3A_57 = arith.constant 0 : i32
      %lt3A_58 = arith.cmpi slt, %select_n3A_51, %lt3A_57 : i32
      %ne3A_59 = arith.xori %lt3A_56, %lt3A_58 : i1
      %and3A_60 = arith.andi %ne3A_59, %ne3A_54 : i1
      %add3A_61 = arith.addi %rem3A_52, %select_n3A_51 : i32
      %select_n3A_62 = arith.select %and3A_60, %add3A_61, %rem3A_52 : i32
      %mul3A_63 = arith.constant 256 : i32
      %mul3A_64 = arith.muli %select_n3A_62, %mul3A_63 : i32
      %add3A_65 = arith.addi %mul3A_47, %mul3A_64 : i32
      %dma_start3A = arith.constant 0 : i32
      %dma_start3A_66 = arith.constant 0 : i32
      %dma_start3A_67 = tpu.memref_slice %arg5[%dma_start3A, %dma_start3A_66] : memref<3x512xi32, #tpu.memory_space<vmem>> -> memref<1x256xi32, #tpu.memory_space<vmem>>
      %dma_start3A_68 = tpu.memref_squeeze %dma_start3A_67 : memref<1x256xi32, #tpu.memory_space<vmem>> -> memref<256xi32, #tpu.memory_space<vmem>>
      %dma_start3A_69 = tpu.memref_slice %arg2[%add3A_65] : memref<100352xi32, #tpu.memory_space<hbm>> -> memref<256xi32, #tpu.memory_space<hbm>>
      %dma_start3A_70 = arith.constant 0 : i32
      %dma_start3A_71 = tpu.memref_slice %arg5[%dma_start3A, %dma_start3A_70] : memref<3x512xi32, #tpu.memory_space<vmem>> -> memref<1x256xi32, #tpu.memory_space<vmem>>
      %dma_start3A_72 = tpu.memref_squeeze %dma_start3A_71 : memref<1x256xi32, #tpu.memory_space<vmem>> -> memref<256xi32, #tpu.memory_space<vmem>>
      %dma_start3A_73 = tpu.memref_slice %arg2[%add3A_65] : memref<100352xi32, #tpu.memory_space<hbm>> -> memref<256xi32, #tpu.memory_space<hbm>>
      tpu.enqueue_dma source(%dma_start3A_73 : memref<256xi32, #tpu.memory_space<hbm>>) target(%dma_start3A_72 : memref<256xi32, #tpu.memory_space<vmem>>) target_semaphore(%arg8 : memref<!tpu.dma_semaphore, #tpu.memory_space<semaphore_mem>>)
      %add3A_74 = arith.constant 1024 : i32
      %add3A_75 = arith.addi %add3A_65, %add3A_74 : i32
      %dma_start3A_76 = arith.constant 0 : i32
      %dma_start3A_77 = arith.constant 256 : i32
      %dma_start3A_78 = tpu.memref_slice %arg5[%dma_start3A_76, %dma_start3A_77] : memref<3x512xi32, #tpu.memory_space<vmem>> -> memref<1x256xi32, #tpu.memory_space<vmem>>
      %dma_start3A_79 = tpu.memref_squeeze %dma_start3A_78 : memref<1x256xi32, #tpu.memory_space<vmem>> -> memref<256xi32, #tpu.memory_space<vmem>>
      %dma_start3A_80 = tpu.memref_slice %arg2[%add3A_75] : memref<100352xi32, #tpu.memory_space<hbm>> -> memref<256xi32, #tpu.memory_space<hbm>>
      %dma_start3A_81 = arith.constant 256 : i32
      %dma_start3A_82 = tpu.memref_slice %arg5[%dma_start3A_76, %dma_start3A_81] : memref<3x512xi32, #tpu.memory_space<vmem>> -> memref<1x256xi32, #tpu.memory_space<vmem>>
      %dma_start3A_83 = tpu.memref_squeeze %dma_start3A_82 : memref<1x256xi32, #tpu.memory_space<vmem>> -> memref<256xi32, #tpu.memory_space<vmem>>
      %dma_start3A_84 = tpu.memref_slice %arg2[%add3A_75] : memref<100352xi32, #tpu.memory_space<hbm>> -> memref<256xi32, #tpu.memory_space<hbm>>
      tpu.enqueue_dma source(%dma_start3A_84 : memref<256xi32, #tpu.memory_space<hbm>>) target(%dma_start3A_83 : memref<256xi32, #tpu.memory_space<vmem>>) target_semaphore(%arg8 : memref<!tpu.dma_semaphore, #tpu.memory_space<semaphore_mem>>)
    } else {
    }
    %add3A_5 = arith.constant 0 : i32
    %add3A_6 = arith.addi %add3A, %add3A_5 : i32
    %lt3A_7 = arith.constant 20 : i32
    %lt3A_8 = arith.cmpi slt, %add3A_6, %lt3A_7 : i32
    %convert_element_type3A_9 = arith.extui %lt3A_8 : i1 to i32
    %cond3A_10 = arith.constant 0 : i32
    %cond3A_11 = arith.cmpi ne, %convert_element_type3A_9, %cond3A_10 : i32
    scf.if %cond3A_11 {
      %add3A_26 = arith.constant 0 : i32
      %add3A_27 = arith.addi %add3A, %add3A_26 : i32
      %add3A_28 = arith.constant 0 : i32
      %add3A_29 = arith.addi %add3A_28, %add3A_27 : i32
      %jit3A = arith.constant 4 : i32
      %div3A = arith.divsi %add3A_29, %jit3A : i32
      %sign3A = arith.constant 0 : i32
      %sign3A_30 = arith.cmpi sgt, %add3A_29, %sign3A : i32
      %sign3A_31 = arith.extui %sign3A_30 : i1 to i32
      %sign3A_32 = arith.constant 0 : i32
      %sign3A_33 = arith.cmpi slt, %add3A_29, %sign3A_32 : i32
      %sign3A_34 = arith.extui %sign3A_33 : i1 to i32
      %sign3A_35 = arith.subi %sign3A_31, %sign3A_34 : i32
      %sign3A_36 = arith.constant 0 : i32
      %sign3A_37 = arith.cmpi sgt, %jit3A, %sign3A_36 : i32
      %sign3A_38 = arith.extui %sign3A_37 : i1 to i32
      %sign3A_39 = arith.constant 0 : i32
      %sign3A_40 = arith.cmpi slt, %jit3A, %sign3A_39 : i32
      %sign3A_41 = arith.extui %sign3A_40 : i1 to i32
      %sign3A_42 = arith.subi %sign3A_38, %sign3A_41 : i32
      %ne3A = arith.cmpi ne, %sign3A_35, %sign3A_42 : i32
      %rem3A = arith.remsi %add3A_29, %jit3A : i32
      %ne3A_43 = arith.constant 0 : i32
      %ne3A_44 = arith.cmpi ne, %rem3A, %ne3A_43 : i32
      %and3A = arith.andi %ne3A, %ne3A_44 : i1
      %sub3A = arith.constant 1 : i32
      %sub3A_45 = arith.subi %div3A, %sub3A : i32
      %select_n3A = arith.select %and3A, %sub3A_45, %div3A : i32
      %mul3A_46 = arith.constant 2048 : i32
      %mul3A_47 = arith.muli %select_n3A, %mul3A_46 : i32
      %jit3A_48 = arith.constant 4 : i32
      %eq3A = arith.constant 0 : i32
      %eq3A_49 = arith.cmpi eq, %jit3A_48, %eq3A : i32
      %jit3A_50 = arith.constant 1 : i32
      %select_n3A_51 = arith.select %eq3A_49, %jit3A_50, %jit3A_48 : i32
      %rem3A_52 = arith.remsi %add3A_29, %select_n3A_51 : i32
      %ne3A_53 = arith.constant 0 : i32
      %ne3A_54 = arith.cmpi ne, %rem3A_52, %ne3A_53 : i32
      %lt3A_55 = arith.constant 0 : i32
      %lt3A_56 = arith.cmpi slt, %rem3A_52, %lt3A_55 : i32
      %lt3A_57 = arith.constant 0 : i32
      %lt3A_58 = arith.cmpi slt, %select_n3A_51, %lt3A_57 : i32
      %ne3A_59 = arith.xori %lt3A_56, %lt3A_58 : i1
      %and3A_60 = arith.andi %ne3A_59, %ne3A_54 : i1
      %add3A_61 = arith.addi %rem3A_52, %select_n3A_51 : i32
      %select_n3A_62 = arith.select %and3A_60, %add3A_61, %rem3A_52 : i32
      %mul3A_63 = arith.constant 256 : i32
      %mul3A_64 = arith.muli %select_n3A_62, %mul3A_63 : i32
      %add3A_65 = arith.addi %mul3A_47, %mul3A_64 : i32
      %dma_wait3A = arith.constant 0 : i32
      %dma_wait3A_66 = arith.constant 0 : i32
      %dma_wait3A_67 = tpu.memref_slice %arg5[%dma_wait3A, %dma_wait3A_66] : memref<3x512xi32, #tpu.memory_space<vmem>> -> memref<1x256xi32, #tpu.memory_space<vmem>>
      %dma_wait3A_68 = tpu.memref_squeeze %dma_wait3A_67 : memref<1x256xi32, #tpu.memory_space<vmem>> -> memref<256xi32, #tpu.memory_space<vmem>>
      %dma_wait3A_69 = tpu.memref_slice %arg2[%add3A_65] : memref<100352xi32, #tpu.memory_space<hbm>> -> memref<256xi32, #tpu.memory_space<hbm>>
      %dma_wait3A_70 = arith.constant 0 : i32
      %dma_wait3A_71 = tpu.memref_slice %arg5[%dma_wait3A, %dma_wait3A_70] : memref<3x512xi32, #tpu.memory_space<vmem>> -> memref<1x256xi32, #tpu.memory_space<vmem>>
      %dma_wait3A_72 = tpu.memref_squeeze %dma_wait3A_71 : memref<1x256xi32, #tpu.memory_space<vmem>> -> memref<256xi32, #tpu.memory_space<vmem>>
      %dma_wait3A_73 = tpu.memref_slice %arg2[%add3A_65] : memref<100352xi32, #tpu.memory_space<hbm>> -> memref<256xi32, #tpu.memory_space<hbm>>
      tpu.wait_dma2 semaphore(%arg8 : memref<!tpu.dma_semaphore, #tpu.memory_space<semaphore_mem>>) src(%dma_wait3A_73 : memref<256xi32, #tpu.memory_space<hbm>>) dst(%dma_wait3A_72 : memref<256xi32, #tpu.memory_space<vmem>>)
      %add3A_74 = arith.constant 1024 : i32
      %add3A_75 = arith.addi %add3A_65, %add3A_74 : i32
      %dma_wait3A_76 = arith.constant 0 : i32
      %dma_wait3A_77 = arith.constant 256 : i32
      %dma_wait3A_78 = tpu.memref_slice %arg5[%dma_wait3A_76, %dma_wait3A_77] : memref<3x512xi32, #tpu.memory_space<vmem>> -> memref<1x256xi32, #tpu.memory_space<vmem>>
      %dma_wait3A_79 = tpu.memref_squeeze %dma_wait3A_78 : memref<1x256xi32, #tpu.memory_space<vmem>> -> memref<256xi32, #tpu.memory_space<vmem>>
      %dma_wait3A_80 = tpu.memref_slice %arg2[%add3A_75] : memref<100352xi32, #tpu.memory_space<hbm>> -> memref<256xi32, #tpu.memory_space<hbm>>
      %dma_wait3A_81 = arith.constant 256 : i32
      %dma_wait3A_82 = tpu.memref_slice %arg5[%dma_wait3A_76, %dma_wait3A_81] : memref<3x512xi32, #tpu.memory_space<vmem>> -> memref<1x256xi32, #tpu.memory_space<vmem>>
      %dma_wait3A_83 = tpu.memref_squeeze %dma_wait3A_82 : memref<1x256xi32, #tpu.memory_space<vmem>> -> memref<256xi32, #tpu.memory_space<vmem>>
      %dma_wait3A_84 = tpu.memref_slice %arg2[%add3A_75] : memref<100352xi32, #tpu.memory_space<hbm>> -> memref<256xi32, #tpu.memory_space<hbm>>
      tpu.wait_dma2 semaphore(%arg8 : memref<!tpu.dma_semaphore, #tpu.memory_space<semaphore_mem>>) src(%dma_wait3A_84 : memref<256xi32, #tpu.memory_space<hbm>>) dst(%dma_wait3A_83 : memref<256xi32, #tpu.memory_space<vmem>>)
      %dma_start3A = arith.constant 0 : i32
      %dma_start3A_85 = arith.constant 0 : i32
      %dma_start3A_86 = arith.constant 0 : i32
      %dma_start3A_87 = arith.constant 0 : i32
      %dma_start3A_88 = tpu.memref_slice %arg6[%dma_start3A_85, %dma_start3A_86, %dma_start3A_87] : memref<3x256x64xf32, #tpu.memory_space<vmem>> -> memref<1x256x64xf32, #tpu.memory_space<vmem>>
      %dma_start3A_89 = tpu.memref_squeeze %dma_start3A_88 : memref<1x256x64xf32, #tpu.memory_space<vmem>> -> memref<256x64xf32, #tpu.memory_space<vmem>>
      %dma_start3A_90 = arith.constant 0 : i32
      %dma_start3A_91 = tpu.memref_slice %arg5[%dma_start3A, %dma_start3A_90] : memref<3x512xi32, #tpu.memory_space<vmem>> -> memref<1x256xi32, #tpu.memory_space<vmem>>
      %dma_start3A_92 = tpu.memref_squeeze %dma_start3A_91 : memref<1x256xi32, #tpu.memory_space<vmem>> -> memref<256xi32, #tpu.memory_space<vmem>>
      %dma_start3A_93 = arith.constant 0 : i32
      %dma_start3A_94 = arith.constant 0 : i32
      %dma_start3A_95 = tpu.memref_slice %arg3[%dma_start3A_93, %dma_start3A_94] : memref<1000x64xf32, #tpu.memory_space<hbm>> -> memref<1000x64xf32, #tpu.memory_space<hbm>>
      tpu.enqueue_indirect_dma source(%dma_start3A_95 : memref<1000x64xf32, #tpu.memory_space<hbm>>) target(%dma_start3A_89 : memref<256x64xf32, #tpu.memory_space<vmem>>) offsets(%dma_start3A_92 : memref<256xi32, #tpu.memory_space<vmem>>) semaphore(%arg9 : memref<!tpu.dma_semaphore, #tpu.memory_space<semaphore_mem>>)
      %dma_start3A_96 = arith.constant 0 : i32
      %dma_start3A_97 = arith.constant 0 : i32
      %dma_start3A_98 = arith.constant 0 : i32
      %dma_start3A_99 = arith.constant 0 : i32
      %dma_start3A_100 = tpu.memref_slice %arg7[%dma_start3A_97, %dma_start3A_98, %dma_start3A_99] : memref<3x256x64xf32, #tpu.memory_space<vmem>> -> memref<1x256x64xf32, #tpu.memory_space<vmem>>
      %dma_start3A_101 = tpu.memref_squeeze %dma_start3A_100 : memref<1x256x64xf32, #tpu.memory_space<vmem>> -> memref<256x64xf32, #tpu.memory_space<vmem>>
      %dma_start3A_102 = arith.constant 256 : i32
      %dma_start3A_103 = tpu.memref_slice %arg5[%dma_start3A_96, %dma_start3A_102] : memref<3x512xi32, #tpu.memory_space<vmem>> -> memref<1x256xi32, #tpu.memory_space<vmem>>
      %dma_start3A_104 = tpu.memref_squeeze %dma_start3A_103 : memref<1x256xi32, #tpu.memory_space<vmem>> -> memref<256xi32, #tpu.memory_space<vmem>>
      %dma_start3A_105 = arith.constant 0 : i32
      %dma_start3A_106 = arith.constant 0 : i32
      %dma_start3A_107 = tpu.memref_slice %arg3[%dma_start3A_105, %dma_start3A_106] : memref<1000x64xf32, #tpu.memory_space<hbm>> -> memref<1000x64xf32, #tpu.memory_space<hbm>>
      tpu.enqueue_indirect_dma source(%dma_start3A_107 : memref<1000x64xf32, #tpu.memory_space<hbm>>) target(%dma_start3A_101 : memref<256x64xf32, #tpu.memory_space<vmem>>) offsets(%dma_start3A_104 : memref<256xi32, #tpu.memory_space<vmem>>) semaphore(%arg10 : memref<!tpu.dma_semaphore, #tpu.memory_space<semaphore_mem>>)
    } else {
    }
    %add3A_12 = arith.constant 0 : i32
    %add3A_13 = arith.addi %add3A, %add3A_12 : i32
    %lt3A_14 = arith.constant 20 : i32
    %lt3A_15 = arith.cmpi slt, %add3A_13, %lt3A_14 : i32
    %convert_element_type3A_16 = arith.extui %lt3A_15 : i1 to i32
    %cond3A_17 = arith.constant 0 : i32
    %cond3A_18 = arith.cmpi ne, %convert_element_type3A_16, %cond3A_17 : i32
    scf.if %cond3A_18 {
      %add3A_26 = arith.constant 0 : i32
      %add3A_27 = arith.addi %add3A, %add3A_26 : i32
      %mul3A_28 = arith.constant 256 : i32
      %mul3A_29 = arith.muli %add3A_27, %mul3A_28 : i32
      %dma_wait3A = arith.constant 0 : i32
      %dma_wait3A_30 = arith.constant 0 : i32
      %dma_wait3A_31 = arith.constant 0 : i32
      %dma_wait3A_32 = arith.constant 0 : i32
      %dma_wait3A_33 = tpu.memref_slice %arg6[%dma_wait3A_30, %dma_wait3A_31, %dma_wait3A_32] : memref<3x256x64xf32, #tpu.memory_space<vmem>> -> memref<1x256x64xf32, #tpu.memory_space<vmem>>
      %dma_wait3A_34 = tpu.memref_squeeze %dma_wait3A_33 : memref<1x256x64xf32, #tpu.memory_space<vmem>> -> memref<256x64xf32, #tpu.memory_space<vmem>>
      %dma_wait3A_35 = arith.constant 0 : i32
      %dma_wait3A_36 = tpu.memref_slice %arg5[%dma_wait3A, %dma_wait3A_35] : memref<3x512xi32, #tpu.memory_space<vmem>> -> memref<1x256xi32, #tpu.memory_space<vmem>>
      %dma_wait3A_37 = tpu.memref_squeeze %dma_wait3A_36 : memref<1x256xi32, #tpu.memory_space<vmem>> -> memref<256xi32, #tpu.memory_space<vmem>>
      %dma_wait3A_38 = arith.constant 0 : i32
      %dma_wait3A_39 = arith.constant 0 : i32
      %dma_wait3A_40 = tpu.memref_slice %arg3[%dma_wait3A_38, %dma_wait3A_39] : memref<1000x64xf32, #tpu.memory_space<hbm>> -> memref<1000x64xf32, #tpu.memory_space<hbm>>
      tpu.wait_indirect_dma semaphore(%arg9 : memref<!tpu.dma_semaphore, #tpu.memory_space<semaphore_mem>>) src(%dma_wait3A_40 : memref<1000x64xf32, #tpu.memory_space<hbm>>) dst(%dma_wait3A_34 : memref<256x64xf32, #tpu.memory_space<vmem>>)
      %dma_wait3A_41 = arith.constant 0 : i32
      %dma_wait3A_42 = arith.constant 0 : i32
      %dma_wait3A_43 = arith.constant 0 : i32
      %dma_wait3A_44 = arith.constant 0 : i32
      %dma_wait3A_45 = tpu.memref_slice %arg7[%dma_wait3A_42, %dma_wait3A_43, %dma_wait3A_44] : memref<3x256x64xf32, #tpu.memory_space<vmem>> -> memref<1x256x64xf32, #tpu.memory_space<vmem>>
      %dma_wait3A_46 = tpu.memref_squeeze %dma_wait3A_45 : memref<1x256x64xf32, #tpu.memory_space<vmem>> -> memref<256x64xf32, #tpu.memory_space<vmem>>
      %dma_wait3A_47 = arith.constant 256 : i32
      %dma_wait3A_48 = tpu.memref_slice %arg5[%dma_wait3A_41, %dma_wait3A_47] : memref<3x512xi32, #tpu.memory_space<vmem>> -> memref<1x256xi32, #tpu.memory_space<vmem>>
      %dma_wait3A_49 = tpu.memref_squeeze %dma_wait3A_48 : memref<1x256xi32, #tpu.memory_space<vmem>> -> memref<256xi32, #tpu.memory_space<vmem>>
      %dma_wait3A_50 = arith.constant 0 : i32
      %dma_wait3A_51 = arith.constant 0 : i32
      %dma_wait3A_52 = tpu.memref_slice %arg3[%dma_wait3A_50, %dma_wait3A_51] : memref<1000x64xf32, #tpu.memory_space<hbm>> -> memref<1000x64xf32, #tpu.memory_space<hbm>>
      tpu.wait_indirect_dma semaphore(%arg10 : memref<!tpu.dma_semaphore, #tpu.memory_space<semaphore_mem>>) src(%dma_wait3A_52 : memref<1000x64xf32, #tpu.memory_space<hbm>>) dst(%dma_wait3A_46 : memref<256x64xf32, #tpu.memory_space<vmem>>)
      %dma_start3A = arith.constant 0 : i32
      %dma_start3A_53 = arith.constant 0 : i32
      %dma_start3A_54 = arith.constant 0 : i32
      %dma_start3A_55 = tpu.memref_slice %arg6[%dma_start3A, %dma_start3A_53, %dma_start3A_54] : memref<3x256x64xf32, #tpu.memory_space<vmem>> -> memref<1x256x64xf32, #tpu.memory_space<vmem>>
      %dma_start3A_56 = tpu.memref_squeeze %dma_start3A_55 : memref<1x256x64xf32, #tpu.memory_space<vmem>> -> memref<256x64xf32, #tpu.memory_space<vmem>>
      %dma_start3A_57 = arith.constant 0 : i32
      %dma_start3A_58 = tpu.memref_slice %arg4[%mul3A_29, %dma_start3A_57] : memref<5120x128xf32, #tpu.memory_space<hbm>> -> memref<256x64xf32, #tpu.memory_space<hbm>>
      %dma_start3A_59 = arith.constant 0 : i32
      %dma_start3A_60 = tpu.memref_slice %arg4[%mul3A_29, %dma_start3A_59] : memref<5120x128xf32, #tpu.memory_space<hbm>> -> memref<256x64xf32, #tpu.memory_space<hbm>>
      %dma_start3A_61 = arith.constant 0 : i32
      %dma_start3A_62 = arith.constant 0 : i32
      %dma_start3A_63 = tpu.memref_slice %arg6[%dma_start3A, %dma_start3A_61, %dma_start3A_62] : memref<3x256x64xf32, #tpu.memory_space<vmem>> -> memref<1x256x64xf32, #tpu.memory_space<vmem>>
      %dma_start3A_64 = tpu.memref_squeeze %dma_start3A_63 : memref<1x256x64xf32, #tpu.memory_space<vmem>> -> memref<256x64xf32, #tpu.memory_space<vmem>>
      tpu.enqueue_dma source(%dma_start3A_64 : memref<256x64xf32, #tpu.memory_space<vmem>>) target(%dma_start3A_60 : memref<256x64xf32, #tpu.memory_space<hbm>>) target_semaphore(%arg11 : memref<!tpu.dma_semaphore, #tpu.memory_space<semaphore_mem>>)
      %dma_start3A_65 = arith.constant 0 : i32
      %dma_start3A_66 = arith.constant 0 : i32
      %dma_start3A_67 = arith.constant 0 : i32
      %dma_start3A_68 = tpu.memref_slice %arg7[%dma_start3A_65, %dma_start3A_66, %dma_start3A_67] : memref<3x256x64xf32, #tpu.memory_space<vmem>> -> memref<1x256x64xf32, #tpu.memory_space<vmem>>
      %dma_start3A_69 = tpu.memref_squeeze %dma_start3A_68 : memref<1x256x64xf32, #tpu.memory_space<vmem>> -> memref<256x64xf32, #tpu.memory_space<vmem>>
      %dma_start3A_70 = arith.constant 64 : i32
      %dma_start3A_71 = tpu.memref_slice %arg4[%mul3A_29, %dma_start3A_70] : memref<5120x128xf32, #tpu.memory_space<hbm>> -> memref<256x64xf32, #tpu.memory_space<hbm>>
      %dma_start3A_72 = arith.constant 64 : i32
      %dma_start3A_73 = tpu.memref_slice %arg4[%mul3A_29, %dma_start3A_72] : memref<5120x128xf32, #tpu.memory_space<hbm>> -> memref<256x64xf32, #tpu.memory_space<hbm>>
      %dma_start3A_74 = arith.constant 0 : i32
      %dma_start3A_75 = arith.constant 0 : i32
      %dma_start3A_76 = tpu.memref_slice %arg7[%dma_start3A_65, %dma_start3A_74, %dma_start3A_75] : memref<3x256x64xf32, #tpu.memory_space<vmem>> -> memref<1x256x64xf32, #tpu.memory_space<vmem>>
      %dma_start3A_77 = tpu.memref_squeeze %dma_start3A_76 : memref<1x256x64xf32, #tpu.memory_space<vmem>> -> memref<256x64xf32, #tpu.memory_space<vmem>>
      tpu.enqueue_dma source(%dma_start3A_77 : memref<256x64xf32, #tpu.memory_space<vmem>>) target(%dma_start3A_73 : memref<256x64xf32, #tpu.memory_space<hbm>>) target_semaphore(%arg12 : memref<!tpu.dma_semaphore, #tpu.memory_space<semaphore_mem>>)
    } else {
    }
    %add3A_19 = arith.constant 0 : i32
    %add3A_20 = arith.addi %add3A, %add3A_19 : i32
    %lt3A_21 = arith.constant 20 : i32
    %lt3A_22 = arith.cmpi slt, %add3A_20, %lt3A_21 : i32
    %convert_element_type3A_23 = arith.extui %lt3A_22 : i1 to i32
    %cond3A_24 = arith.constant 0 : i32
    %cond3A_25 = arith.cmpi ne, %convert_element_type3A_23, %cond3A_24 : i32
    scf.if %cond3A_25 {
      %add3A_26 = arith.constant 0 : i32
      %add3A_27 = arith.addi %add3A, %add3A_26 : i32
      %mul3A_28 = arith.constant 256 : i32
      %mul3A_29 = arith.muli %add3A_27, %mul3A_28 : i32
      %dma_wait3A = arith.constant 0 : i32
      %dma_wait3A_30 = arith.constant 0 : i32
      %dma_wait3A_31 = arith.constant 0 : i32
      %dma_wait3A_32 = tpu.memref_slice %arg6[%dma_wait3A, %dma_wait3A_30, %dma_wait3A_31] : memref<3x256x64xf32, #tpu.memory_space<vmem>> -> memref<1x256x64xf32, #tpu.memory_space<vmem>>
      %dma_wait3A_33 = tpu.memref_squeeze %dma_wait3A_32 : memref<1x256x64xf32, #tpu.memory_space<vmem>> -> memref<256x64xf32, #tpu.memory_space<vmem>>
      %dma_wait3A_34 = arith.constant 0 : i32
      %dma_wait3A_35 = tpu.memref_slice %arg4[%mul3A_29, %dma_wait3A_34] : memref<5120x128xf32, #tpu.memory_space<hbm>> -> memref<256x64xf32, #tpu.memory_space<hbm>>
      %dma_wait3A_36 = arith.constant 0 : i32
      %dma_wait3A_37 = tpu.memref_slice %arg4[%mul3A_29, %dma_wait3A_36] : memref<5120x128xf32, #tpu.memory_space<hbm>> -> memref<256x64xf32, #tpu.memory_space<hbm>>
      %dma_wait3A_38 = arith.constant 0 : i32
      %dma_wait3A_39 = arith.constant 0 : i32
      %dma_wait3A_40 = tpu.memref_slice %arg6[%dma_wait3A, %dma_wait3A_38, %dma_wait3A_39] : memref<3x256x64xf32, #tpu.memory_space<vmem>> -> memref<1x256x64xf32, #tpu.memory_space<vmem>>
      %dma_wait3A_41 = tpu.memref_squeeze %dma_wait3A_40 : memref<1x256x64xf32, #tpu.memory_space<vmem>> -> memref<256x64xf32, #tpu.memory_space<vmem>>
      tpu.wait_dma2 semaphore(%arg11 : memref<!tpu.dma_semaphore, #tpu.memory_space<semaphore_mem>>) src(%dma_wait3A_41 : memref<256x64xf32, #tpu.memory_space<vmem>>) dst(%dma_wait3A_37 : memref<256x64xf32, #tpu.memory_space<hbm>>)
      %dma_wait3A_42 = arith.constant 0 : i32
      %dma_wait3A_43 = arith.constant 0 : i32
      %dma_wait3A_44 = arith.constant 0 : i32
      %dma_wait3A_45 = tpu.memref_slice %arg7[%dma_wait3A_42, %dma_wait3A_43, %dma_wait3A_44] : memref<3x256x64xf32, #tpu.memory_space<vmem>> -> memref<1x256x64xf32, #tpu.memory_space<vmem>>
      %dma_wait3A_46 = tpu.memref_squeeze %dma_wait3A_45 : memref<1x256x64xf32, #tpu.memory_space<vmem>> -> memref<256x64xf32, #tpu.memory_space<vmem>>
      %dma_wait3A_47 = arith.constant 64 : i32
      %dma_wait3A_48 = tpu.memref_slice %arg4[%mul3A_29, %dma_wait3A_47] : memref<5120x128xf32, #tpu.memory_space<hbm>> -> memref<256x64xf32, #tpu.memory_space<hbm>>
      %dma_wait3A_49 = arith.constant 64 : i32
      %dma_wait3A_50 = tpu.memref_slice %arg4[%mul3A_29, %dma_wait3A_49] : memref<5120x128xf32, #tpu.memory_space<hbm>> -> memref<256x64xf32, #tpu.memory_space<hbm>>
      %dma_wait3A_51 = arith.constant 0 : i32
      %dma_wait3A_52 = arith.constant 0 : i32
      %dma_wait3A_53 = tpu.memref_slice %arg7[%dma_wait3A_42, %dma_wait3A_51, %dma_wait3A_52] : memref<3x256x64xf32, #tpu.memory_space<vmem>> -> memref<1x256x64xf32, #tpu.memory_space<vmem>>
      %dma_wait3A_54 = tpu.memref_squeeze %dma_wait3A_53 : memref<1x256x64xf32, #tpu.memory_space<vmem>> -> memref<256x64xf32, #tpu.memory_space<vmem>>
      tpu.wait_dma2 semaphore(%arg12 : memref<!tpu.dma_semaphore, #tpu.memory_space<semaphore_mem>>) src(%dma_wait3A_54 : memref<256x64xf32, #tpu.memory_space<vmem>>) dst(%dma_wait3A_50 : memref<256x64xf32, #tpu.memory_space<hbm>>)
    } else {
    }
    return
  }
}

#map = affine_map<(d0, d1) -> (0)>
#map1 = affine_map<(d0, d1) -> (0, 0)>
module attributes {stable_mosaic.version = 14 : i64} {
  func.func @_sc_gather_body(%arg0: i32, %arg1: i32, %arg2: memref<100352xi32, #tpu.memory_space<hbm>>, %arg3: memref<1000x64xf32, #tpu.memory_space<hbm>>, %arg4: memref<11264x128xf32, #tpu.memory_space<hbm>>, %arg5: memref<3x512xi32, #tpu.memory_space<vmem>>, %arg6: memref<3x256x64xf32, #tpu.memory_space<vmem>>, %arg7: memref<3x256x64xf32, #tpu.memory_space<vmem>>, %arg8: memref<!tpu.dma_semaphore, #tpu.memory_space<semaphore_mem>>, %arg9: memref<!tpu.dma_semaphore, #tpu.memory_space<semaphore_mem>>, %arg10: memref<!tpu.dma_semaphore, #tpu.memory_space<semaphore_mem>>, %arg11: memref<!tpu.dma_semaphore, #tpu.memory_space<semaphore_mem>>, %arg12: memref<!tpu.dma_semaphore, #tpu.memory_space<semaphore_mem>>, %arg13: memref<!tpu.dma_semaphore, #tpu.memory_space<semaphore_mem>>, %arg14: memref<!tpu.dma_semaphore, #tpu.memory_space<semaphore_mem>>, %arg15: memref<!tpu.dma_semaphore, #tpu.memory_space<semaphore_mem>>, %arg16: memref<!tpu.dma_semaphore, #tpu.memory_space<semaphore_mem>>, %arg17: memref<!tpu.dma_semaphore, #tpu.memory_space<semaphore_mem>>, %arg18: memref<!tpu.dma_semaphore, #tpu.memory_space<semaphore_mem>>, %arg19: memref<!tpu.dma_semaphore, #tpu.memory_space<semaphore_mem>>, %arg20: memref<!tpu.dma_semaphore, #tpu.memory_space<semaphore_mem>>, %arg21: memref<!tpu.dma_semaphore, #tpu.memory_space<semaphore_mem>>, %arg22: memref<!tpu.dma_semaphore, #tpu.memory_space<semaphore_mem>>) attributes {dimension_semantics = [#tpu.dimension_semantics<core_parallel>, #tpu.dimension_semantics<subcore_parallel>], iteration_bounds = array<i64: 2, 16>, scalar_prefetch = 0 : i64, scratch_operands = 18 : i64, tpu.core_type = #tpu.core_type<sc_vector_subcore>, window_params = [{transform_indices = #map}, {transform_indices = #map1}, {transform_indices = #map1}]} {
    %mul3A = arith.constant 2 : i32
    %mul3A_0 = arith.muli %arg1, %mul3A : i32
    %add3A = arith.addi %mul3A_0, %arg0 : i32
    %add3A_1 = arith.constant 0 : i32
    %add3A_2 = arith.addi %add3A, %add3A_1 : i32
    %lt3A = arith.constant 44 : i32
    %lt3A_3 = arith.cmpi slt, %add3A_2, %lt3A : i32
    %convert_element_type3A = arith.extui %lt3A_3 : i1 to i32
    %cond3A = arith.constant 0 : i32
    %cond3A_4 = arith.cmpi ne, %convert_element_type3A, %cond3A : i32
    scf.if %cond3A_4 {
      %add3A_54 = arith.constant 0 : i32
      %add3A_55 = arith.addi %add3A, %add3A_54 : i32
      %add3A_56 = arith.constant 152 : i32
      %add3A_57 = arith.addi %add3A_56, %add3A_55 : i32
      %jit3A = arith.constant 4 : i32
      %div3A = arith.divsi %add3A_57, %jit3A : i32
      %sign3A = arith.constant 0 : i32
      %sign3A_58 = arith.cmpi sgt, %add3A_57, %sign3A : i32
      %sign3A_59 = arith.extui %sign3A_58 : i1 to i32
      %sign3A_60 = arith.constant 0 : i32
      %sign3A_61 = arith.cmpi slt, %add3A_57, %sign3A_60 : i32
      %sign3A_62 = arith.extui %sign3A_61 : i1 to i32
      %sign3A_63 = arith.subi %sign3A_59, %sign3A_62 : i32
      %sign3A_64 = arith.constant 0 : i32
      %sign3A_65 = arith.cmpi sgt, %jit3A, %sign3A_64 : i32
      %sign3A_66 = arith.extui %sign3A_65 : i1 to i32
      %sign3A_67 = arith.constant 0 : i32
      %sign3A_68 = arith.cmpi slt, %jit3A, %sign3A_67 : i32
      %sign3A_69 = arith.extui %sign3A_68 : i1 to i32
      %sign3A_70 = arith.subi %sign3A_66, %sign3A_69 : i32
      %ne3A = arith.cmpi ne, %sign3A_63, %sign3A_70 : i32
      %rem3A = arith.remsi %add3A_57, %jit3A : i32
      %ne3A_71 = arith.constant 0 : i32
      %ne3A_72 = arith.cmpi ne, %rem3A, %ne3A_71 : i32
      %and3A = arith.andi %ne3A, %ne3A_72 : i1
      %sub3A = arith.constant 1 : i32
      %sub3A_73 = arith.subi %div3A, %sub3A : i32
      %select_n3A = arith.select %and3A, %sub3A_73, %div3A : i32
      %mul3A_74 = arith.constant 2048 : i32
      %mul3A_75 = arith.muli %select_n3A, %mul3A_74 : i32
      %jit3A_76 = arith.constant 4 : i32
      %eq3A = arith.constant 0 : i32
      %eq3A_77 = arith.cmpi eq, %jit3A_76, %eq3A : i32
      %jit3A_78 = arith.constant 1 : i32
      %select_n3A_79 = arith.select %eq3A_77, %jit3A_78, %jit3A_76 : i32
      %rem3A_80 = arith.remsi %add3A_57, %select_n3A_79 : i32
      %ne3A_81 = arith.constant 0 : i32
      %ne3A_82 = arith.cmpi ne, %rem3A_80, %ne3A_81 : i32
      %lt3A_83 = arith.constant 0 : i32
      %lt3A_84 = arith.cmpi slt, %rem3A_80, %lt3A_83 : i32
      %lt3A_85 = arith.constant 0 : i32
      %lt3A_86 = arith.cmpi slt, %select_n3A_79, %lt3A_85 : i32
      %ne3A_87 = arith.xori %lt3A_84, %lt3A_86 : i1
      %and3A_88 = arith.andi %ne3A_87, %ne3A_82 : i1
      %add3A_89 = arith.addi %rem3A_80, %select_n3A_79 : i32
      %select_n3A_90 = arith.select %and3A_88, %add3A_89, %rem3A_80 : i32
      %mul3A_91 = arith.constant 256 : i32
      %mul3A_92 = arith.muli %select_n3A_90, %mul3A_91 : i32
      %add3A_93 = arith.addi %mul3A_75, %mul3A_92 : i32
      %dma_start3A = arith.constant 0 : i32
      %dma_start3A_94 = arith.constant 0 : i32
      %dma_start3A_95 = tpu.memref_slice %arg5[%dma_start3A, %dma_start3A_94] : memref<3x512xi32, #tpu.memory_space<vmem>> -> memref<1x256xi32, #tpu.memory_space<vmem>>
      %dma_start3A_96 = tpu.memref_squeeze %dma_start3A_95 : memref<1x256xi32, #tpu.memory_space<vmem>> -> memref<256xi32, #tpu.memory_space<vmem>>
      %dma_start3A_97 = tpu.memref_slice %arg2[%add3A_93] : memref<100352xi32, #tpu.memory_space<hbm>> -> memref<256xi32, #tpu.memory_space<hbm>>
      %dma_start3A_98 = arith.constant 0 : i32
      %dma_start3A_99 = tpu.memref_slice %arg5[%dma_start3A, %dma_start3A_98] : memref<3x512xi32, #tpu.memory_space<vmem>> -> memref<1x256xi32, #tpu.memory_space<vmem>>
      %dma_start3A_100 = tpu.memref_squeeze %dma_start3A_99 : memref<1x256xi32, #tpu.memory_space<vmem>> -> memref<256xi32, #tpu.memory_space<vmem>>
      %dma_start3A_101 = tpu.memref_slice %arg2[%add3A_93] : memref<100352xi32, #tpu.memory_space<hbm>> -> memref<256xi32, #tpu.memory_space<hbm>>
      tpu.enqueue_dma source(%dma_start3A_101 : memref<256xi32, #tpu.memory_space<hbm>>) target(%dma_start3A_100 : memref<256xi32, #tpu.memory_space<vmem>>) target_semaphore(%arg8 : memref<!tpu.dma_semaphore, #tpu.memory_space<semaphore_mem>>)
      %add3A_102 = arith.constant 1024 : i32
      %add3A_103 = arith.addi %add3A_93, %add3A_102 : i32
      %dma_start3A_104 = arith.constant 0 : i32
      %dma_start3A_105 = arith.constant 256 : i32
      %dma_start3A_106 = tpu.memref_slice %arg5[%dma_start3A_104, %dma_start3A_105] : memref<3x512xi32, #tpu.memory_space<vmem>> -> memref<1x256xi32, #tpu.memory_space<vmem>>
      %dma_start3A_107 = tpu.memref_squeeze %dma_start3A_106 : memref<1x256xi32, #tpu.memory_space<vmem>> -> memref<256xi32, #tpu.memory_space<vmem>>
      %dma_start3A_108 = tpu.memref_slice %arg2[%add3A_103] : memref<100352xi32, #tpu.memory_space<hbm>> -> memref<256xi32, #tpu.memory_space<hbm>>
      %dma_start3A_109 = arith.constant 256 : i32
      %dma_start3A_110 = tpu.memref_slice %arg5[%dma_start3A_104, %dma_start3A_109] : memref<3x512xi32, #tpu.memory_space<vmem>> -> memref<1x256xi32, #tpu.memory_space<vmem>>
      %dma_start3A_111 = tpu.memref_squeeze %dma_start3A_110 : memref<1x256xi32, #tpu.memory_space<vmem>> -> memref<256xi32, #tpu.memory_space<vmem>>
      %dma_start3A_112 = tpu.memref_slice %arg2[%add3A_103] : memref<100352xi32, #tpu.memory_space<hbm>> -> memref<256xi32, #tpu.memory_space<hbm>>
      tpu.enqueue_dma source(%dma_start3A_112 : memref<256xi32, #tpu.memory_space<hbm>>) target(%dma_start3A_111 : memref<256xi32, #tpu.memory_space<vmem>>) target_semaphore(%arg8 : memref<!tpu.dma_semaphore, #tpu.memory_space<semaphore_mem>>)
    } else {
    }
    %add3A_5 = arith.constant 32 : i32
    %add3A_6 = arith.addi %add3A, %add3A_5 : i32
    %lt3A_7 = arith.constant 44 : i32
    %lt3A_8 = arith.cmpi slt, %add3A_6, %lt3A_7 : i32
    %convert_element_type3A_9 = arith.extui %lt3A_8 : i1 to i32
    %cond3A_10 = arith.constant 0 : i32
    %cond3A_11 = arith.cmpi ne, %convert_element_type3A_9, %cond3A_10 : i32
    scf.if %cond3A_11 {
      %add3A_54 = arith.constant 32 : i32
      %add3A_55 = arith.addi %add3A, %add3A_54 : i32
      %add3A_56 = arith.constant 152 : i32
      %add3A_57 = arith.addi %add3A_56, %add3A_55 : i32
      %jit3A = arith.constant 4 : i32
      %div3A = arith.divsi %add3A_57, %jit3A : i32
      %sign3A = arith.constant 0 : i32
      %sign3A_58 = arith.cmpi sgt, %add3A_57, %sign3A : i32
      %sign3A_59 = arith.extui %sign3A_58 : i1 to i32
      %sign3A_60 = arith.constant 0 : i32
      %sign3A_61 = arith.cmpi slt, %add3A_57, %sign3A_60 : i32
      %sign3A_62 = arith.extui %sign3A_61 : i1 to i32
      %sign3A_63 = arith.subi %sign3A_59, %sign3A_62 : i32
      %sign3A_64 = arith.constant 0 : i32
      %sign3A_65 = arith.cmpi sgt, %jit3A, %sign3A_64 : i32
      %sign3A_66 = arith.extui %sign3A_65 : i1 to i32
      %sign3A_67 = arith.constant 0 : i32
      %sign3A_68 = arith.cmpi slt, %jit3A, %sign3A_67 : i32
      %sign3A_69 = arith.extui %sign3A_68 : i1 to i32
      %sign3A_70 = arith.subi %sign3A_66, %sign3A_69 : i32
      %ne3A = arith.cmpi ne, %sign3A_63, %sign3A_70 : i32
      %rem3A = arith.remsi %add3A_57, %jit3A : i32
      %ne3A_71 = arith.constant 0 : i32
      %ne3A_72 = arith.cmpi ne, %rem3A, %ne3A_71 : i32
      %and3A = arith.andi %ne3A, %ne3A_72 : i1
      %sub3A = arith.constant 1 : i32
      %sub3A_73 = arith.subi %div3A, %sub3A : i32
      %select_n3A = arith.select %and3A, %sub3A_73, %div3A : i32
      %mul3A_74 = arith.constant 2048 : i32
      %mul3A_75 = arith.muli %select_n3A, %mul3A_74 : i32
      %jit3A_76 = arith.constant 4 : i32
      %eq3A = arith.constant 0 : i32
      %eq3A_77 = arith.cmpi eq, %jit3A_76, %eq3A : i32
      %jit3A_78 = arith.constant 1 : i32
      %select_n3A_79 = arith.select %eq3A_77, %jit3A_78, %jit3A_76 : i32
      %rem3A_80 = arith.remsi %add3A_57, %select_n3A_79 : i32
      %ne3A_81 = arith.constant 0 : i32
      %ne3A_82 = arith.cmpi ne, %rem3A_80, %ne3A_81 : i32
      %lt3A_83 = arith.constant 0 : i32
      %lt3A_84 = arith.cmpi slt, %rem3A_80, %lt3A_83 : i32
      %lt3A_85 = arith.constant 0 : i32
      %lt3A_86 = arith.cmpi slt, %select_n3A_79, %lt3A_85 : i32
      %ne3A_87 = arith.xori %lt3A_84, %lt3A_86 : i1
      %and3A_88 = arith.andi %ne3A_87, %ne3A_82 : i1
      %add3A_89 = arith.addi %rem3A_80, %select_n3A_79 : i32
      %select_n3A_90 = arith.select %and3A_88, %add3A_89, %rem3A_80 : i32
      %mul3A_91 = arith.constant 256 : i32
      %mul3A_92 = arith.muli %select_n3A_90, %mul3A_91 : i32
      %add3A_93 = arith.addi %mul3A_75, %mul3A_92 : i32
      %dma_start3A = arith.constant 1 : i32
      %dma_start3A_94 = arith.constant 0 : i32
      %dma_start3A_95 = tpu.memref_slice %arg5[%dma_start3A, %dma_start3A_94] : memref<3x512xi32, #tpu.memory_space<vmem>> -> memref<1x256xi32, #tpu.memory_space<vmem>>
      %dma_start3A_96 = tpu.memref_squeeze %dma_start3A_95 : memref<1x256xi32, #tpu.memory_space<vmem>> -> memref<256xi32, #tpu.memory_space<vmem>>
      %dma_start3A_97 = tpu.memref_slice %arg2[%add3A_93] : memref<100352xi32, #tpu.memory_space<hbm>> -> memref<256xi32, #tpu.memory_space<hbm>>
      %dma_start3A_98 = arith.constant 0 : i32
      %dma_start3A_99 = tpu.memref_slice %arg5[%dma_start3A, %dma_start3A_98] : memref<3x512xi32, #tpu.memory_space<vmem>> -> memref<1x256xi32, #tpu.memory_space<vmem>>
      %dma_start3A_100 = tpu.memref_squeeze %dma_start3A_99 : memref<1x256xi32, #tpu.memory_space<vmem>> -> memref<256xi32, #tpu.memory_space<vmem>>
      %dma_start3A_101 = tpu.memref_slice %arg2[%add3A_93] : memref<100352xi32, #tpu.memory_space<hbm>> -> memref<256xi32, #tpu.memory_space<hbm>>
      tpu.enqueue_dma source(%dma_start3A_101 : memref<256xi32, #tpu.memory_space<hbm>>) target(%dma_start3A_100 : memref<256xi32, #tpu.memory_space<vmem>>) target_semaphore(%arg13 : memref<!tpu.dma_semaphore, #tpu.memory_space<semaphore_mem>>)
      %add3A_102 = arith.constant 1024 : i32
      %add3A_103 = arith.addi %add3A_93, %add3A_102 : i32
      %dma_start3A_104 = arith.constant 1 : i32
      %dma_start3A_105 = arith.constant 256 : i32
      %dma_start3A_106 = tpu.memref_slice %arg5[%dma_start3A_104, %dma_start3A_105] : memref<3x512xi32, #tpu.memory_space<vmem>> -> memref<1x256xi32, #tpu.memory_space<vmem>>
      %dma_start3A_107 = tpu.memref_squeeze %dma_start3A_106 : memref<1x256xi32, #tpu.memory_space<vmem>> -> memref<256xi32, #tpu.memory_space<vmem>>
      %dma_start3A_108 = tpu.memref_slice %arg2[%add3A_103] : memref<100352xi32, #tpu.memory_space<hbm>> -> memref<256xi32, #tpu.memory_space<hbm>>
      %dma_start3A_109 = arith.constant 256 : i32
      %dma_start3A_110 = tpu.memref_slice %arg5[%dma_start3A_104, %dma_start3A_109] : memref<3x512xi32, #tpu.memory_space<vmem>> -> memref<1x256xi32, #tpu.memory_space<vmem>>
      %dma_start3A_111 = tpu.memref_squeeze %dma_start3A_110 : memref<1x256xi32, #tpu.memory_space<vmem>> -> memref<256xi32, #tpu.memory_space<vmem>>
      %dma_start3A_112 = tpu.memref_slice %arg2[%add3A_103] : memref<100352xi32, #tpu.memory_space<hbm>> -> memref<256xi32, #tpu.memory_space<hbm>>
      tpu.enqueue_dma source(%dma_start3A_112 : memref<256xi32, #tpu.memory_space<hbm>>) target(%dma_start3A_111 : memref<256xi32, #tpu.memory_space<vmem>>) target_semaphore(%arg13 : memref<!tpu.dma_semaphore, #tpu.memory_space<semaphore_mem>>)
    } else {
    }
    %add3A_12 = arith.constant 0 : i32
    %add3A_13 = arith.addi %add3A, %add3A_12 : i32
    %lt3A_14 = arith.constant 44 : i32
    %lt3A_15 = arith.cmpi slt, %add3A_13, %lt3A_14 : i32
    %convert_element_type3A_16 = arith.extui %lt3A_15 : i1 to i32
    %cond3A_17 = arith.constant 0 : i32
    %cond3A_18 = arith.cmpi ne, %convert_element_type3A_16, %cond3A_17 : i32
    scf.if %cond3A_18 {
      %add3A_54 = arith.constant 0 : i32
      %add3A_55 = arith.addi %add3A, %add3A_54 : i32
      %add3A_56 = arith.constant 152 : i32
      %add3A_57 = arith.addi %add3A_56, %add3A_55 : i32
      %jit3A = arith.constant 4 : i32
      %div3A = arith.divsi %add3A_57, %jit3A : i32
      %sign3A = arith.constant 0 : i32
      %sign3A_58 = arith.cmpi sgt, %add3A_57, %sign3A : i32
      %sign3A_59 = arith.extui %sign3A_58 : i1 to i32
      %sign3A_60 = arith.constant 0 : i32
      %sign3A_61 = arith.cmpi slt, %add3A_57, %sign3A_60 : i32
      %sign3A_62 = arith.extui %sign3A_61 : i1 to i32
      %sign3A_63 = arith.subi %sign3A_59, %sign3A_62 : i32
      %sign3A_64 = arith.constant 0 : i32
      %sign3A_65 = arith.cmpi sgt, %jit3A, %sign3A_64 : i32
      %sign3A_66 = arith.extui %sign3A_65 : i1 to i32
      %sign3A_67 = arith.constant 0 : i32
      %sign3A_68 = arith.cmpi slt, %jit3A, %sign3A_67 : i32
      %sign3A_69 = arith.extui %sign3A_68 : i1 to i32
      %sign3A_70 = arith.subi %sign3A_66, %sign3A_69 : i32
      %ne3A = arith.cmpi ne, %sign3A_63, %sign3A_70 : i32
      %rem3A = arith.remsi %add3A_57, %jit3A : i32
      %ne3A_71 = arith.constant 0 : i32
      %ne3A_72 = arith.cmpi ne, %rem3A, %ne3A_71 : i32
      %and3A = arith.andi %ne3A, %ne3A_72 : i1
      %sub3A = arith.constant 1 : i32
      %sub3A_73 = arith.subi %div3A, %sub3A : i32
      %select_n3A = arith.select %and3A, %sub3A_73, %div3A : i32
      %mul3A_74 = arith.constant 2048 : i32
      %mul3A_75 = arith.muli %select_n3A, %mul3A_74 : i32
      %jit3A_76 = arith.constant 4 : i32
      %eq3A = arith.constant 0 : i32
      %eq3A_77 = arith.cmpi eq, %jit3A_76, %eq3A : i32
      %jit3A_78 = arith.constant 1 : i32
      %select_n3A_79 = arith.select %eq3A_77, %jit3A_78, %jit3A_76 : i32
      %rem3A_80 = arith.remsi %add3A_57, %select_n3A_79 : i32
      %ne3A_81 = arith.constant 0 : i32
      %ne3A_82 = arith.cmpi ne, %rem3A_80, %ne3A_81 : i32
      %lt3A_83 = arith.constant 0 : i32
      %lt3A_84 = arith.cmpi slt, %rem3A_80, %lt3A_83 : i32
      %lt3A_85 = arith.constant 0 : i32
      %lt3A_86 = arith.cmpi slt, %select_n3A_79, %lt3A_85 : i32
      %ne3A_87 = arith.xori %lt3A_84, %lt3A_86 : i1
      %and3A_88 = arith.andi %ne3A_87, %ne3A_82 : i1
      %add3A_89 = arith.addi %rem3A_80, %select_n3A_79 : i32
      %select_n3A_90 = arith.select %and3A_88, %add3A_89, %rem3A_80 : i32
      %mul3A_91 = arith.constant 256 : i32
      %mul3A_92 = arith.muli %select_n3A_90, %mul3A_91 : i32
      %add3A_93 = arith.addi %mul3A_75, %mul3A_92 : i32
      %dma_wait3A = arith.constant 0 : i32
      %dma_wait3A_94 = arith.constant 0 : i32
      %dma_wait3A_95 = tpu.memref_slice %arg5[%dma_wait3A, %dma_wait3A_94] : memref<3x512xi32, #tpu.memory_space<vmem>> -> memref<1x256xi32, #tpu.memory_space<vmem>>
      %dma_wait3A_96 = tpu.memref_squeeze %dma_wait3A_95 : memref<1x256xi32, #tpu.memory_space<vmem>> -> memref<256xi32, #tpu.memory_space<vmem>>
      %dma_wait3A_97 = tpu.memref_slice %arg2[%add3A_93] : memref<100352xi32, #tpu.memory_space<hbm>> -> memref<256xi32, #tpu.memory_space<hbm>>
      %dma_wait3A_98 = arith.constant 0 : i32
      %dma_wait3A_99 = tpu.memref_slice %arg5[%dma_wait3A, %dma_wait3A_98] : memref<3x512xi32, #tpu.memory_space<vmem>> -> memref<1x256xi32, #tpu.memory_space<vmem>>
      %dma_wait3A_100 = tpu.memref_squeeze %dma_wait3A_99 : memref<1x256xi32, #tpu.memory_space<vmem>> -> memref<256xi32, #tpu.memory_space<vmem>>
      %dma_wait3A_101 = tpu.memref_slice %arg2[%add3A_93] : memref<100352xi32, #tpu.memory_space<hbm>> -> memref<256xi32, #tpu.memory_space<hbm>>
      tpu.wait_dma2 semaphore(%arg8 : memref<!tpu.dma_semaphore, #tpu.memory_space<semaphore_mem>>) src(%dma_wait3A_101 : memref<256xi32, #tpu.memory_space<hbm>>) dst(%dma_wait3A_100 : memref<256xi32, #tpu.memory_space<vmem>>)
      %add3A_102 = arith.constant 1024 : i32
      %add3A_103 = arith.addi %add3A_93, %add3A_102 : i32
      %dma_wait3A_104 = arith.constant 0 : i32
      %dma_wait3A_105 = arith.constant 256 : i32
      %dma_wait3A_106 = tpu.memref_slice %arg5[%dma_wait3A_104, %dma_wait3A_105] : memref<3x512xi32, #tpu.memory_space<vmem>> -> memref<1x256xi32, #tpu.memory_space<vmem>>
      %dma_wait3A_107 = tpu.memref_squeeze %dma_wait3A_106 : memref<1x256xi32, #tpu.memory_space<vmem>> -> memref<256xi32, #tpu.memory_space<vmem>>
      %dma_wait3A_108 = tpu.memref_slice %arg2[%add3A_103] : memref<100352xi32, #tpu.memory_space<hbm>> -> memref<256xi32, #tpu.memory_space<hbm>>
      %dma_wait3A_109 = arith.constant 256 : i32
      %dma_wait3A_110 = tpu.memref_slice %arg5[%dma_wait3A_104, %dma_wait3A_109] : memref<3x512xi32, #tpu.memory_space<vmem>> -> memref<1x256xi32, #tpu.memory_space<vmem>>
      %dma_wait3A_111 = tpu.memref_squeeze %dma_wait3A_110 : memref<1x256xi32, #tpu.memory_space<vmem>> -> memref<256xi32, #tpu.memory_space<vmem>>
      %dma_wait3A_112 = tpu.memref_slice %arg2[%add3A_103] : memref<100352xi32, #tpu.memory_space<hbm>> -> memref<256xi32, #tpu.memory_space<hbm>>
      tpu.wait_dma2 semaphore(%arg8 : memref<!tpu.dma_semaphore, #tpu.memory_space<semaphore_mem>>) src(%dma_wait3A_112 : memref<256xi32, #tpu.memory_space<hbm>>) dst(%dma_wait3A_111 : memref<256xi32, #tpu.memory_space<vmem>>)
      %dma_start3A = arith.constant 0 : i32
      %dma_start3A_113 = arith.constant 0 : i32
      %dma_start3A_114 = arith.constant 0 : i32
      %dma_start3A_115 = arith.constant 0 : i32
      %dma_start3A_116 = tpu.memref_slice %arg6[%dma_start3A_113, %dma_start3A_114, %dma_start3A_115] : memref<3x256x64xf32, #tpu.memory_space<vmem>> -> memref<1x256x64xf32, #tpu.memory_space<vmem>>
      %dma_start3A_117 = tpu.memref_squeeze %dma_start3A_116 : memref<1x256x64xf32, #tpu.memory_space<vmem>> -> memref<256x64xf32, #tpu.memory_space<vmem>>
      %dma_start3A_118 = arith.constant 0 : i32
      %dma_start3A_119 = tpu.memref_slice %arg5[%dma_start3A, %dma_start3A_118] : memref<3x512xi32, #tpu.memory_space<vmem>> -> memref<1x256xi32, #tpu.memory_space<vmem>>
      %dma_start3A_120 = tpu.memref_squeeze %dma_start3A_119 : memref<1x256xi32, #tpu.memory_space<vmem>> -> memref<256xi32, #tpu.memory_space<vmem>>
      %dma_start3A_121 = arith.constant 0 : i32
      %dma_start3A_122 = arith.constant 0 : i32
      %dma_start3A_123 = tpu.memref_slice %arg3[%dma_start3A_121, %dma_start3A_122] : memref<1000x64xf32, #tpu.memory_space<hbm>> -> memref<1000x64xf32, #tpu.memory_space<hbm>>
      tpu.enqueue_indirect_dma source(%dma_start3A_123 : memref<1000x64xf32, #tpu.memory_space<hbm>>) target(%dma_start3A_117 : memref<256x64xf32, #tpu.memory_space<vmem>>) offsets(%dma_start3A_120 : memref<256xi32, #tpu.memory_space<vmem>>) semaphore(%arg9 : memref<!tpu.dma_semaphore, #tpu.memory_space<semaphore_mem>>)
      %dma_start3A_124 = arith.constant 0 : i32
      %dma_start3A_125 = arith.constant 0 : i32
      %dma_start3A_126 = arith.constant 0 : i32
      %dma_start3A_127 = arith.constant 0 : i32
      %dma_start3A_128 = tpu.memref_slice %arg7[%dma_start3A_125, %dma_start3A_126, %dma_start3A_127] : memref<3x256x64xf32, #tpu.memory_space<vmem>> -> memref<1x256x64xf32, #tpu.memory_space<vmem>>
      %dma_start3A_129 = tpu.memref_squeeze %dma_start3A_128 : memref<1x256x64xf32, #tpu.memory_space<vmem>> -> memref<256x64xf32, #tpu.memory_space<vmem>>
      %dma_start3A_130 = arith.constant 256 : i32
      %dma_start3A_131 = tpu.memref_slice %arg5[%dma_start3A_124, %dma_start3A_130] : memref<3x512xi32, #tpu.memory_space<vmem>> -> memref<1x256xi32, #tpu.memory_space<vmem>>
      %dma_start3A_132 = tpu.memref_squeeze %dma_start3A_131 : memref<1x256xi32, #tpu.memory_space<vmem>> -> memref<256xi32, #tpu.memory_space<vmem>>
      %dma_start3A_133 = arith.constant 0 : i32
      %dma_start3A_134 = arith.constant 0 : i32
      %dma_start3A_135 = tpu.memref_slice %arg3[%dma_start3A_133, %dma_start3A_134] : memref<1000x64xf32, #tpu.memory_space<hbm>> -> memref<1000x64xf32, #tpu.memory_space<hbm>>
      tpu.enqueue_indirect_dma source(%dma_start3A_135 : memref<1000x64xf32, #tpu.memory_space<hbm>>) target(%dma_start3A_129 : memref<256x64xf32, #tpu.memory_space<vmem>>) offsets(%dma_start3A_132 : memref<256xi32, #tpu.memory_space<vmem>>) semaphore(%arg10 : memref<!tpu.dma_semaphore, #tpu.memory_space<semaphore_mem>>)
    } else {
    }
    %add3A_19 = arith.constant 32 : i32
    %add3A_20 = arith.addi %add3A, %add3A_19 : i32
    %lt3A_21 = arith.constant 44 : i32
    %lt3A_22 = arith.cmpi slt, %add3A_20, %lt3A_21 : i32
    %convert_element_type3A_23 = arith.extui %lt3A_22 : i1 to i32
    %cond3A_24 = arith.constant 0 : i32
    %cond3A_25 = arith.cmpi ne, %convert_element_type3A_23, %cond3A_24 : i32
    scf.if %cond3A_25 {
      %add3A_54 = arith.constant 32 : i32
      %add3A_55 = arith.addi %add3A, %add3A_54 : i32
      %add3A_56 = arith.constant 152 : i32
      %add3A_57 = arith.addi %add3A_56, %add3A_55 : i32
      %jit3A = arith.constant 4 : i32
      %div3A = arith.divsi %add3A_57, %jit3A : i32
      %sign3A = arith.constant 0 : i32
      %sign3A_58 = arith.cmpi sgt, %add3A_57, %sign3A : i32
      %sign3A_59 = arith.extui %sign3A_58 : i1 to i32
      %sign3A_60 = arith.constant 0 : i32
      %sign3A_61 = arith.cmpi slt, %add3A_57, %sign3A_60 : i32
      %sign3A_62 = arith.extui %sign3A_61 : i1 to i32
      %sign3A_63 = arith.subi %sign3A_59, %sign3A_62 : i32
      %sign3A_64 = arith.constant 0 : i32
      %sign3A_65 = arith.cmpi sgt, %jit3A, %sign3A_64 : i32
      %sign3A_66 = arith.extui %sign3A_65 : i1 to i32
      %sign3A_67 = arith.constant 0 : i32
      %sign3A_68 = arith.cmpi slt, %jit3A, %sign3A_67 : i32
      %sign3A_69 = arith.extui %sign3A_68 : i1 to i32
      %sign3A_70 = arith.subi %sign3A_66, %sign3A_69 : i32
      %ne3A = arith.cmpi ne, %sign3A_63, %sign3A_70 : i32
      %rem3A = arith.remsi %add3A_57, %jit3A : i32
      %ne3A_71 = arith.constant 0 : i32
      %ne3A_72 = arith.cmpi ne, %rem3A, %ne3A_71 : i32
      %and3A = arith.andi %ne3A, %ne3A_72 : i1
      %sub3A = arith.constant 1 : i32
      %sub3A_73 = arith.subi %div3A, %sub3A : i32
      %select_n3A = arith.select %and3A, %sub3A_73, %div3A : i32
      %mul3A_74 = arith.constant 2048 : i32
      %mul3A_75 = arith.muli %select_n3A, %mul3A_74 : i32
      %jit3A_76 = arith.constant 4 : i32
      %eq3A = arith.constant 0 : i32
      %eq3A_77 = arith.cmpi eq, %jit3A_76, %eq3A : i32
      %jit3A_78 = arith.constant 1 : i32
      %select_n3A_79 = arith.select %eq3A_77, %jit3A_78, %jit3A_76 : i32
      %rem3A_80 = arith.remsi %add3A_57, %select_n3A_79 : i32
      %ne3A_81 = arith.constant 0 : i32
      %ne3A_82 = arith.cmpi ne, %rem3A_80, %ne3A_81 : i32
      %lt3A_83 = arith.constant 0 : i32
      %lt3A_84 = arith.cmpi slt, %rem3A_80, %lt3A_83 : i32
      %lt3A_85 = arith.constant 0 : i32
      %lt3A_86 = arith.cmpi slt, %select_n3A_79, %lt3A_85 : i32
      %ne3A_87 = arith.xori %lt3A_84, %lt3A_86 : i1
      %and3A_88 = arith.andi %ne3A_87, %ne3A_82 : i1
      %add3A_89 = arith.addi %rem3A_80, %select_n3A_79 : i32
      %select_n3A_90 = arith.select %and3A_88, %add3A_89, %rem3A_80 : i32
      %mul3A_91 = arith.constant 256 : i32
      %mul3A_92 = arith.muli %select_n3A_90, %mul3A_91 : i32
      %add3A_93 = arith.addi %mul3A_75, %mul3A_92 : i32
      %dma_wait3A = arith.constant 1 : i32
      %dma_wait3A_94 = arith.constant 0 : i32
      %dma_wait3A_95 = tpu.memref_slice %arg5[%dma_wait3A, %dma_wait3A_94] : memref<3x512xi32, #tpu.memory_space<vmem>> -> memref<1x256xi32, #tpu.memory_space<vmem>>
      %dma_wait3A_96 = tpu.memref_squeeze %dma_wait3A_95 : memref<1x256xi32, #tpu.memory_space<vmem>> -> memref<256xi32, #tpu.memory_space<vmem>>
      %dma_wait3A_97 = tpu.memref_slice %arg2[%add3A_93] : memref<100352xi32, #tpu.memory_space<hbm>> -> memref<256xi32, #tpu.memory_space<hbm>>
      %dma_wait3A_98 = arith.constant 0 : i32
      %dma_wait3A_99 = tpu.memref_slice %arg5[%dma_wait3A, %dma_wait3A_98] : memref<3x512xi32, #tpu.memory_space<vmem>> -> memref<1x256xi32, #tpu.memory_space<vmem>>
      %dma_wait3A_100 = tpu.memref_squeeze %dma_wait3A_99 : memref<1x256xi32, #tpu.memory_space<vmem>> -> memref<256xi32, #tpu.memory_space<vmem>>
      %dma_wait3A_101 = tpu.memref_slice %arg2[%add3A_93] : memref<100352xi32, #tpu.memory_space<hbm>> -> memref<256xi32, #tpu.memory_space<hbm>>
      tpu.wait_dma2 semaphore(%arg13 : memref<!tpu.dma_semaphore, #tpu.memory_space<semaphore_mem>>) src(%dma_wait3A_101 : memref<256xi32, #tpu.memory_space<hbm>>) dst(%dma_wait3A_100 : memref<256xi32, #tpu.memory_space<vmem>>)
      %add3A_102 = arith.constant 1024 : i32
      %add3A_103 = arith.addi %add3A_93, %add3A_102 : i32
      %dma_wait3A_104 = arith.constant 1 : i32
      %dma_wait3A_105 = arith.constant 256 : i32
      %dma_wait3A_106 = tpu.memref_slice %arg5[%dma_wait3A_104, %dma_wait3A_105] : memref<3x512xi32, #tpu.memory_space<vmem>> -> memref<1x256xi32, #tpu.memory_space<vmem>>
      %dma_wait3A_107 = tpu.memref_squeeze %dma_wait3A_106 : memref<1x256xi32, #tpu.memory_space<vmem>> -> memref<256xi32, #tpu.memory_space<vmem>>
      %dma_wait3A_108 = tpu.memref_slice %arg2[%add3A_103] : memref<100352xi32, #tpu.memory_space<hbm>> -> memref<256xi32, #tpu.memory_space<hbm>>
      %dma_wait3A_109 = arith.constant 256 : i32
      %dma_wait3A_110 = tpu.memref_slice %arg5[%dma_wait3A_104, %dma_wait3A_109] : memref<3x512xi32, #tpu.memory_space<vmem>> -> memref<1x256xi32, #tpu.memory_space<vmem>>
      %dma_wait3A_111 = tpu.memref_squeeze %dma_wait3A_110 : memref<1x256xi32, #tpu.memory_space<vmem>> -> memref<256xi32, #tpu.memory_space<vmem>>
      %dma_wait3A_112 = tpu.memref_slice %arg2[%add3A_103] : memref<100352xi32, #tpu.memory_space<hbm>> -> memref<256xi32, #tpu.memory_space<hbm>>
      tpu.wait_dma2 semaphore(%arg13 : memref<!tpu.dma_semaphore, #tpu.memory_space<semaphore_mem>>) src(%dma_wait3A_112 : memref<256xi32, #tpu.memory_space<hbm>>) dst(%dma_wait3A_111 : memref<256xi32, #tpu.memory_space<vmem>>)
      %dma_start3A = arith.constant 1 : i32
      %dma_start3A_113 = arith.constant 1 : i32
      %dma_start3A_114 = arith.constant 0 : i32
      %dma_start3A_115 = arith.constant 0 : i32
      %dma_start3A_116 = tpu.memref_slice %arg6[%dma_start3A_113, %dma_start3A_114, %dma_start3A_115] : memref<3x256x64xf32, #tpu.memory_space<vmem>> -> memref<1x256x64xf32, #tpu.memory_space<vmem>>
      %dma_start3A_117 = tpu.memref_squeeze %dma_start3A_116 : memref<1x256x64xf32, #tpu.memory_space<vmem>> -> memref<256x64xf32, #tpu.memory_space<vmem>>
      %dma_start3A_118 = arith.constant 0 : i32
      %dma_start3A_119 = tpu.memref_slice %arg5[%dma_start3A, %dma_start3A_118] : memref<3x512xi32, #tpu.memory_space<vmem>> -> memref<1x256xi32, #tpu.memory_space<vmem>>
      %dma_start3A_120 = tpu.memref_squeeze %dma_start3A_119 : memref<1x256xi32, #tpu.memory_space<vmem>> -> memref<256xi32, #tpu.memory_space<vmem>>
      %dma_start3A_121 = arith.constant 0 : i32
      %dma_start3A_122 = arith.constant 0 : i32
      %dma_start3A_123 = tpu.memref_slice %arg3[%dma_start3A_121, %dma_start3A_122] : memref<1000x64xf32, #tpu.memory_space<hbm>> -> memref<1000x64xf32, #tpu.memory_space<hbm>>
      tpu.enqueue_indirect_dma source(%dma_start3A_123 : memref<1000x64xf32, #tpu.memory_space<hbm>>) target(%dma_start3A_117 : memref<256x64xf32, #tpu.memory_space<vmem>>) offsets(%dma_start3A_120 : memref<256xi32, #tpu.memory_space<vmem>>) semaphore(%arg14 : memref<!tpu.dma_semaphore, #tpu.memory_space<semaphore_mem>>)
      %dma_start3A_124 = arith.constant 1 : i32
      %dma_start3A_125 = arith.constant 1 : i32
      %dma_start3A_126 = arith.constant 0 : i32
      %dma_start3A_127 = arith.constant 0 : i32
      %dma_start3A_128 = tpu.memref_slice %arg7[%dma_start3A_125, %dma_start3A_126, %dma_start3A_127] : memref<3x256x64xf32, #tpu.memory_space<vmem>> -> memref<1x256x64xf32, #tpu.memory_space<vmem>>
      %dma_start3A_129 = tpu.memref_squeeze %dma_start3A_128 : memref<1x256x64xf32, #tpu.memory_space<vmem>> -> memref<256x64xf32, #tpu.memory_space<vmem>>
      %dma_start3A_130 = arith.constant 256 : i32
      %dma_start3A_131 = tpu.memref_slice %arg5[%dma_start3A_124, %dma_start3A_130] : memref<3x512xi32, #tpu.memory_space<vmem>> -> memref<1x256xi32, #tpu.memory_space<vmem>>
      %dma_start3A_132 = tpu.memref_squeeze %dma_start3A_131 : memref<1x256xi32, #tpu.memory_space<vmem>> -> memref<256xi32, #tpu.memory_space<vmem>>
      %dma_start3A_133 = arith.constant 0 : i32
      %dma_start3A_134 = arith.constant 0 : i32
      %dma_start3A_135 = tpu.memref_slice %arg3[%dma_start3A_133, %dma_start3A_134] : memref<1000x64xf32, #tpu.memory_space<hbm>> -> memref<1000x64xf32, #tpu.memory_space<hbm>>
      tpu.enqueue_indirect_dma source(%dma_start3A_135 : memref<1000x64xf32, #tpu.memory_space<hbm>>) target(%dma_start3A_129 : memref<256x64xf32, #tpu.memory_space<vmem>>) offsets(%dma_start3A_132 : memref<256xi32, #tpu.memory_space<vmem>>) semaphore(%arg15 : memref<!tpu.dma_semaphore, #tpu.memory_space<semaphore_mem>>)
    } else {
    }
    %add3A_26 = arith.constant 0 : i32
    %add3A_27 = arith.addi %add3A, %add3A_26 : i32
    %lt3A_28 = arith.constant 44 : i32
    %lt3A_29 = arith.cmpi slt, %add3A_27, %lt3A_28 : i32
    %convert_element_type3A_30 = arith.extui %lt3A_29 : i1 to i32
    %cond3A_31 = arith.constant 0 : i32
    %cond3A_32 = arith.cmpi ne, %convert_element_type3A_30, %cond3A_31 : i32
    scf.if %cond3A_32 {
      %add3A_54 = arith.constant 0 : i32
      %add3A_55 = arith.addi %add3A, %add3A_54 : i32
      %mul3A_56 = arith.constant 256 : i32
      %mul3A_57 = arith.muli %add3A_55, %mul3A_56 : i32
      %dma_wait3A = arith.constant 0 : i32
      %dma_wait3A_58 = arith.constant 0 : i32
      %dma_wait3A_59 = arith.constant 0 : i32
      %dma_wait3A_60 = arith.constant 0 : i32
      %dma_wait3A_61 = tpu.memref_slice %arg6[%dma_wait3A_58, %dma_wait3A_59, %dma_wait3A_60] : memref<3x256x64xf32, #tpu.memory_space<vmem>> -> memref<1x256x64xf32, #tpu.memory_space<vmem>>
      %dma_wait3A_62 = tpu.memref_squeeze %dma_wait3A_61 : memref<1x256x64xf32, #tpu.memory_space<vmem>> -> memref<256x64xf32, #tpu.memory_space<vmem>>
      %dma_wait3A_63 = arith.constant 0 : i32
      %dma_wait3A_64 = tpu.memref_slice %arg5[%dma_wait3A, %dma_wait3A_63] : memref<3x512xi32, #tpu.memory_space<vmem>> -> memref<1x256xi32, #tpu.memory_space<vmem>>
      %dma_wait3A_65 = tpu.memref_squeeze %dma_wait3A_64 : memref<1x256xi32, #tpu.memory_space<vmem>> -> memref<256xi32, #tpu.memory_space<vmem>>
      %dma_wait3A_66 = arith.constant 0 : i32
      %dma_wait3A_67 = arith.constant 0 : i32
      %dma_wait3A_68 = tpu.memref_slice %arg3[%dma_wait3A_66, %dma_wait3A_67] : memref<1000x64xf32, #tpu.memory_space<hbm>> -> memref<1000x64xf32, #tpu.memory_space<hbm>>
      tpu.wait_indirect_dma semaphore(%arg9 : memref<!tpu.dma_semaphore, #tpu.memory_space<semaphore_mem>>) src(%dma_wait3A_68 : memref<1000x64xf32, #tpu.memory_space<hbm>>) dst(%dma_wait3A_62 : memref<256x64xf32, #tpu.memory_space<vmem>>)
      %dma_wait3A_69 = arith.constant 0 : i32
      %dma_wait3A_70 = arith.constant 0 : i32
      %dma_wait3A_71 = arith.constant 0 : i32
      %dma_wait3A_72 = arith.constant 0 : i32
      %dma_wait3A_73 = tpu.memref_slice %arg7[%dma_wait3A_70, %dma_wait3A_71, %dma_wait3A_72] : memref<3x256x64xf32, #tpu.memory_space<vmem>> -> memref<1x256x64xf32, #tpu.memory_space<vmem>>
      %dma_wait3A_74 = tpu.memref_squeeze %dma_wait3A_73 : memref<1x256x64xf32, #tpu.memory_space<vmem>> -> memref<256x64xf32, #tpu.memory_space<vmem>>
      %dma_wait3A_75 = arith.constant 256 : i32
      %dma_wait3A_76 = tpu.memref_slice %arg5[%dma_wait3A_69, %dma_wait3A_75] : memref<3x512xi32, #tpu.memory_space<vmem>> -> memref<1x256xi32, #tpu.memory_space<vmem>>
      %dma_wait3A_77 = tpu.memref_squeeze %dma_wait3A_76 : memref<1x256xi32, #tpu.memory_space<vmem>> -> memref<256xi32, #tpu.memory_space<vmem>>
      %dma_wait3A_78 = arith.constant 0 : i32
      %dma_wait3A_79 = arith.constant 0 : i32
      %dma_wait3A_80 = tpu.memref_slice %arg3[%dma_wait3A_78, %dma_wait3A_79] : memref<1000x64xf32, #tpu.memory_space<hbm>> -> memref<1000x64xf32, #tpu.memory_space<hbm>>
      tpu.wait_indirect_dma semaphore(%arg10 : memref<!tpu.dma_semaphore, #tpu.memory_space<semaphore_mem>>) src(%dma_wait3A_80 : memref<1000x64xf32, #tpu.memory_space<hbm>>) dst(%dma_wait3A_74 : memref<256x64xf32, #tpu.memory_space<vmem>>)
      %dma_start3A = arith.constant 0 : i32
      %dma_start3A_81 = arith.constant 0 : i32
      %dma_start3A_82 = arith.constant 0 : i32
      %dma_start3A_83 = tpu.memref_slice %arg6[%dma_start3A, %dma_start3A_81, %dma_start3A_82] : memref<3x256x64xf32, #tpu.memory_space<vmem>> -> memref<1x256x64xf32, #tpu.memory_space<vmem>>
      %dma_start3A_84 = tpu.memref_squeeze %dma_start3A_83 : memref<1x256x64xf32, #tpu.memory_space<vmem>> -> memref<256x64xf32, #tpu.memory_space<vmem>>
      %dma_start3A_85 = arith.constant 0 : i32
      %dma_start3A_86 = tpu.memref_slice %arg4[%mul3A_57, %dma_start3A_85] : memref<11264x128xf32, #tpu.memory_space<hbm>> -> memref<256x64xf32, #tpu.memory_space<hbm>>
      %dma_start3A_87 = arith.constant 0 : i32
      %dma_start3A_88 = tpu.memref_slice %arg4[%mul3A_57, %dma_start3A_87] : memref<11264x128xf32, #tpu.memory_space<hbm>> -> memref<256x64xf32, #tpu.memory_space<hbm>>
      %dma_start3A_89 = arith.constant 0 : i32
      %dma_start3A_90 = arith.constant 0 : i32
      %dma_start3A_91 = tpu.memref_slice %arg6[%dma_start3A, %dma_start3A_89, %dma_start3A_90] : memref<3x256x64xf32, #tpu.memory_space<vmem>> -> memref<1x256x64xf32, #tpu.memory_space<vmem>>
      %dma_start3A_92 = tpu.memref_squeeze %dma_start3A_91 : memref<1x256x64xf32, #tpu.memory_space<vmem>> -> memref<256x64xf32, #tpu.memory_space<vmem>>
      tpu.enqueue_dma source(%dma_start3A_92 : memref<256x64xf32, #tpu.memory_space<vmem>>) target(%dma_start3A_88 : memref<256x64xf32, #tpu.memory_space<hbm>>) target_semaphore(%arg11 : memref<!tpu.dma_semaphore, #tpu.memory_space<semaphore_mem>>)
      %dma_start3A_93 = arith.constant 0 : i32
      %dma_start3A_94 = arith.constant 0 : i32
      %dma_start3A_95 = arith.constant 0 : i32
      %dma_start3A_96 = tpu.memref_slice %arg7[%dma_start3A_93, %dma_start3A_94, %dma_start3A_95] : memref<3x256x64xf32, #tpu.memory_space<vmem>> -> memref<1x256x64xf32, #tpu.memory_space<vmem>>
      %dma_start3A_97 = tpu.memref_squeeze %dma_start3A_96 : memref<1x256x64xf32, #tpu.memory_space<vmem>> -> memref<256x64xf32, #tpu.memory_space<vmem>>
      %dma_start3A_98 = arith.constant 64 : i32
      %dma_start3A_99 = tpu.memref_slice %arg4[%mul3A_57, %dma_start3A_98] : memref<11264x128xf32, #tpu.memory_space<hbm>> -> memref<256x64xf32, #tpu.memory_space<hbm>>
      %dma_start3A_100 = arith.constant 64 : i32
      %dma_start3A_101 = tpu.memref_slice %arg4[%mul3A_57, %dma_start3A_100] : memref<11264x128xf32, #tpu.memory_space<hbm>> -> memref<256x64xf32, #tpu.memory_space<hbm>>
      %dma_start3A_102 = arith.constant 0 : i32
      %dma_start3A_103 = arith.constant 0 : i32
      %dma_start3A_104 = tpu.memref_slice %arg7[%dma_start3A_93, %dma_start3A_102, %dma_start3A_103] : memref<3x256x64xf32, #tpu.memory_space<vmem>> -> memref<1x256x64xf32, #tpu.memory_space<vmem>>
      %dma_start3A_105 = tpu.memref_squeeze %dma_start3A_104 : memref<1x256x64xf32, #tpu.memory_space<vmem>> -> memref<256x64xf32, #tpu.memory_space<vmem>>
      tpu.enqueue_dma source(%dma_start3A_105 : memref<256x64xf32, #tpu.memory_space<vmem>>) target(%dma_start3A_101 : memref<256x64xf32, #tpu.memory_space<hbm>>) target_semaphore(%arg12 : memref<!tpu.dma_semaphore, #tpu.memory_space<semaphore_mem>>)
    } else {
    }
    %add3A_33 = arith.constant 0 : i32
    %add3A_34 = arith.addi %add3A, %add3A_33 : i32
    %lt3A_35 = arith.constant 44 : i32
    %lt3A_36 = arith.cmpi slt, %add3A_34, %lt3A_35 : i32
    %convert_element_type3A_37 = arith.extui %lt3A_36 : i1 to i32
    %cond3A_38 = arith.constant 0 : i32
    %cond3A_39 = arith.cmpi ne, %convert_element_type3A_37, %cond3A_38 : i32
    scf.if %cond3A_39 {
      %add3A_54 = arith.constant 0 : i32
      %add3A_55 = arith.addi %add3A, %add3A_54 : i32
      %mul3A_56 = arith.constant 256 : i32
      %mul3A_57 = arith.muli %add3A_55, %mul3A_56 : i32
      %dma_wait3A = arith.constant 0 : i32
      %dma_wait3A_58 = arith.constant 0 : i32
      %dma_wait3A_59 = arith.constant 0 : i32
      %dma_wait3A_60 = tpu.memref_slice %arg6[%dma_wait3A, %dma_wait3A_58, %dma_wait3A_59] : memref<3x256x64xf32, #tpu.memory_space<vmem>> -> memref<1x256x64xf32, #tpu.memory_space<vmem>>
      %dma_wait3A_61 = tpu.memref_squeeze %dma_wait3A_60 : memref<1x256x64xf32, #tpu.memory_space<vmem>> -> memref<256x64xf32, #tpu.memory_space<vmem>>
      %dma_wait3A_62 = arith.constant 0 : i32
      %dma_wait3A_63 = tpu.memref_slice %arg4[%mul3A_57, %dma_wait3A_62] : memref<11264x128xf32, #tpu.memory_space<hbm>> -> memref<256x64xf32, #tpu.memory_space<hbm>>
      %dma_wait3A_64 = arith.constant 0 : i32
      %dma_wait3A_65 = tpu.memref_slice %arg4[%mul3A_57, %dma_wait3A_64] : memref<11264x128xf32, #tpu.memory_space<hbm>> -> memref<256x64xf32, #tpu.memory_space<hbm>>
      %dma_wait3A_66 = arith.constant 0 : i32
      %dma_wait3A_67 = arith.constant 0 : i32
      %dma_wait3A_68 = tpu.memref_slice %arg6[%dma_wait3A, %dma_wait3A_66, %dma_wait3A_67] : memref<3x256x64xf32, #tpu.memory_space<vmem>> -> memref<1x256x64xf32, #tpu.memory_space<vmem>>
      %dma_wait3A_69 = tpu.memref_squeeze %dma_wait3A_68 : memref<1x256x64xf32, #tpu.memory_space<vmem>> -> memref<256x64xf32, #tpu.memory_space<vmem>>
      tpu.wait_dma2 semaphore(%arg11 : memref<!tpu.dma_semaphore, #tpu.memory_space<semaphore_mem>>) src(%dma_wait3A_69 : memref<256x64xf32, #tpu.memory_space<vmem>>) dst(%dma_wait3A_65 : memref<256x64xf32, #tpu.memory_space<hbm>>)
      %dma_wait3A_70 = arith.constant 0 : i32
      %dma_wait3A_71 = arith.constant 0 : i32
      %dma_wait3A_72 = arith.constant 0 : i32
      %dma_wait3A_73 = tpu.memref_slice %arg7[%dma_wait3A_70, %dma_wait3A_71, %dma_wait3A_72] : memref<3x256x64xf32, #tpu.memory_space<vmem>> -> memref<1x256x64xf32, #tpu.memory_space<vmem>>
      %dma_wait3A_74 = tpu.memref_squeeze %dma_wait3A_73 : memref<1x256x64xf32, #tpu.memory_space<vmem>> -> memref<256x64xf32, #tpu.memory_space<vmem>>
      %dma_wait3A_75 = arith.constant 64 : i32
      %dma_wait3A_76 = tpu.memref_slice %arg4[%mul3A_57, %dma_wait3A_75] : memref<11264x128xf32, #tpu.memory_space<hbm>> -> memref<256x64xf32, #tpu.memory_space<hbm>>
      %dma_wait3A_77 = arith.constant 64 : i32
      %dma_wait3A_78 = tpu.memref_slice %arg4[%mul3A_57, %dma_wait3A_77] : memref<11264x128xf32, #tpu.memory_space<hbm>> -> memref<256x64xf32, #tpu.memory_space<hbm>>
      %dma_wait3A_79 = arith.constant 0 : i32
      %dma_wait3A_80 = arith.constant 0 : i32
      %dma_wait3A_81 = tpu.memref_slice %arg7[%dma_wait3A_70, %dma_wait3A_79, %dma_wait3A_80] : memref<3x256x64xf32, #tpu.memory_space<vmem>> -> memref<1x256x64xf32, #tpu.memory_space<vmem>>
      %dma_wait3A_82 = tpu.memref_squeeze %dma_wait3A_81 : memref<1x256x64xf32, #tpu.memory_space<vmem>> -> memref<256x64xf32, #tpu.memory_space<vmem>>
      tpu.wait_dma2 semaphore(%arg12 : memref<!tpu.dma_semaphore, #tpu.memory_space<semaphore_mem>>) src(%dma_wait3A_82 : memref<256x64xf32, #tpu.memory_space<vmem>>) dst(%dma_wait3A_78 : memref<256x64xf32, #tpu.memory_space<hbm>>)
    } else {
    }
    %add3A_40 = arith.constant 32 : i32
    %add3A_41 = arith.addi %add3A, %add3A_40 : i32
    %lt3A_42 = arith.constant 44 : i32
    %lt3A_43 = arith.cmpi slt, %add3A_41, %lt3A_42 : i32
    %convert_element_type3A_44 = arith.extui %lt3A_43 : i1 to i32
    %cond3A_45 = arith.constant 0 : i32
    %cond3A_46 = arith.cmpi ne, %convert_element_type3A_44, %cond3A_45 : i32
    scf.if %cond3A_46 {
      %add3A_54 = arith.constant 32 : i32
      %add3A_55 = arith.addi %add3A, %add3A_54 : i32
      %mul3A_56 = arith.constant 256 : i32
      %mul3A_57 = arith.muli %add3A_55, %mul3A_56 : i32
      %dma_wait3A = arith.constant 1 : i32
      %dma_wait3A_58 = arith.constant 1 : i32
      %dma_wait3A_59 = arith.constant 0 : i32
      %dma_wait3A_60 = arith.constant 0 : i32
      %dma_wait3A_61 = tpu.memref_slice %arg6[%dma_wait3A_58, %dma_wait3A_59, %dma_wait3A_60] : memref<3x256x64xf32, #tpu.memory_space<vmem>> -> memref<1x256x64xf32, #tpu.memory_space<vmem>>
      %dma_wait3A_62 = tpu.memref_squeeze %dma_wait3A_61 : memref<1x256x64xf32, #tpu.memory_space<vmem>> -> memref<256x64xf32, #tpu.memory_space<vmem>>
      %dma_wait3A_63 = arith.constant 0 : i32
      %dma_wait3A_64 = tpu.memref_slice %arg5[%dma_wait3A, %dma_wait3A_63] : memref<3x512xi32, #tpu.memory_space<vmem>> -> memref<1x256xi32, #tpu.memory_space<vmem>>
      %dma_wait3A_65 = tpu.memref_squeeze %dma_wait3A_64 : memref<1x256xi32, #tpu.memory_space<vmem>> -> memref<256xi32, #tpu.memory_space<vmem>>
      %dma_wait3A_66 = arith.constant 0 : i32
      %dma_wait3A_67 = arith.constant 0 : i32
      %dma_wait3A_68 = tpu.memref_slice %arg3[%dma_wait3A_66, %dma_wait3A_67] : memref<1000x64xf32, #tpu.memory_space<hbm>> -> memref<1000x64xf32, #tpu.memory_space<hbm>>
      tpu.wait_indirect_dma semaphore(%arg14 : memref<!tpu.dma_semaphore, #tpu.memory_space<semaphore_mem>>) src(%dma_wait3A_68 : memref<1000x64xf32, #tpu.memory_space<hbm>>) dst(%dma_wait3A_62 : memref<256x64xf32, #tpu.memory_space<vmem>>)
      %dma_wait3A_69 = arith.constant 1 : i32
      %dma_wait3A_70 = arith.constant 1 : i32
      %dma_wait3A_71 = arith.constant 0 : i32
      %dma_wait3A_72 = arith.constant 0 : i32
      %dma_wait3A_73 = tpu.memref_slice %arg7[%dma_wait3A_70, %dma_wait3A_71, %dma_wait3A_72] : memref<3x256x64xf32, #tpu.memory_space<vmem>> -> memref<1x256x64xf32, #tpu.memory_space<vmem>>
      %dma_wait3A_74 = tpu.memref_squeeze %dma_wait3A_73 : memref<1x256x64xf32, #tpu.memory_space<vmem>> -> memref<256x64xf32, #tpu.memory_space<vmem>>
      %dma_wait3A_75 = arith.constant 256 : i32
      %dma_wait3A_76 = tpu.memref_slice %arg5[%dma_wait3A_69, %dma_wait3A_75] : memref<3x512xi32, #tpu.memory_space<vmem>> -> memref<1x256xi32, #tpu.memory_space<vmem>>
      %dma_wait3A_77 = tpu.memref_squeeze %dma_wait3A_76 : memref<1x256xi32, #tpu.memory_space<vmem>> -> memref<256xi32, #tpu.memory_space<vmem>>
      %dma_wait3A_78 = arith.constant 0 : i32
      %dma_wait3A_79 = arith.constant 0 : i32
      %dma_wait3A_80 = tpu.memref_slice %arg3[%dma_wait3A_78, %dma_wait3A_79] : memref<1000x64xf32, #tpu.memory_space<hbm>> -> memref<1000x64xf32, #tpu.memory_space<hbm>>
      tpu.wait_indirect_dma semaphore(%arg15 : memref<!tpu.dma_semaphore, #tpu.memory_space<semaphore_mem>>) src(%dma_wait3A_80 : memref<1000x64xf32, #tpu.memory_space<hbm>>) dst(%dma_wait3A_74 : memref<256x64xf32, #tpu.memory_space<vmem>>)
      %dma_start3A = arith.constant 1 : i32
      %dma_start3A_81 = arith.constant 0 : i32
      %dma_start3A_82 = arith.constant 0 : i32
      %dma_start3A_83 = tpu.memref_slice %arg6[%dma_start3A, %dma_start3A_81, %dma_start3A_82] : memref<3x256x64xf32, #tpu.memory_space<vmem>> -> memref<1x256x64xf32, #tpu.memory_space<vmem>>
      %dma_start3A_84 = tpu.memref_squeeze %dma_start3A_83 : memref<1x256x64xf32, #tpu.memory_space<vmem>> -> memref<256x64xf32, #tpu.memory_space<vmem>>
      %dma_start3A_85 = arith.constant 0 : i32
      %dma_start3A_86 = tpu.memref_slice %arg4[%mul3A_57, %dma_start3A_85] : memref<11264x128xf32, #tpu.memory_space<hbm>> -> memref<256x64xf32, #tpu.memory_space<hbm>>
      %dma_start3A_87 = arith.constant 0 : i32
      %dma_start3A_88 = tpu.memref_slice %arg4[%mul3A_57, %dma_start3A_87] : memref<11264x128xf32, #tpu.memory_space<hbm>> -> memref<256x64xf32, #tpu.memory_space<hbm>>
      %dma_start3A_89 = arith.constant 0 : i32
      %dma_start3A_90 = arith.constant 0 : i32
      %dma_start3A_91 = tpu.memref_slice %arg6[%dma_start3A, %dma_start3A_89, %dma_start3A_90] : memref<3x256x64xf32, #tpu.memory_space<vmem>> -> memref<1x256x64xf32, #tpu.memory_space<vmem>>
      %dma_start3A_92 = tpu.memref_squeeze %dma_start3A_91 : memref<1x256x64xf32, #tpu.memory_space<vmem>> -> memref<256x64xf32, #tpu.memory_space<vmem>>
      tpu.enqueue_dma source(%dma_start3A_92 : memref<256x64xf32, #tpu.memory_space<vmem>>) target(%dma_start3A_88 : memref<256x64xf32, #tpu.memory_space<hbm>>) target_semaphore(%arg16 : memref<!tpu.dma_semaphore, #tpu.memory_space<semaphore_mem>>)
      %dma_start3A_93 = arith.constant 1 : i32
      %dma_start3A_94 = arith.constant 0 : i32
      %dma_start3A_95 = arith.constant 0 : i32
      %dma_start3A_96 = tpu.memref_slice %arg7[%dma_start3A_93, %dma_start3A_94, %dma_start3A_95] : memref<3x256x64xf32, #tpu.memory_space<vmem>> -> memref<1x256x64xf32, #tpu.memory_space<vmem>>
      %dma_start3A_97 = tpu.memref_squeeze %dma_start3A_96 : memref<1x256x64xf32, #tpu.memory_space<vmem>> -> memref<256x64xf32, #tpu.memory_space<vmem>>
      %dma_start3A_98 = arith.constant 64 : i32
      %dma_start3A_99 = tpu.memref_slice %arg4[%mul3A_57, %dma_start3A_98] : memref<11264x128xf32, #tpu.memory_space<hbm>> -> memref<256x64xf32, #tpu.memory_space<hbm>>
      %dma_start3A_100 = arith.constant 64 : i32
      %dma_start3A_101 = tpu.memref_slice %arg4[%mul3A_57, %dma_start3A_100] : memref<11264x128xf32, #tpu.memory_space<hbm>> -> memref<256x64xf32, #tpu.memory_space<hbm>>
      %dma_start3A_102 = arith.constant 0 : i32
      %dma_start3A_103 = arith.constant 0 : i32
      %dma_start3A_104 = tpu.memref_slice %arg7[%dma_start3A_93, %dma_start3A_102, %dma_start3A_103] : memref<3x256x64xf32, #tpu.memory_space<vmem>> -> memref<1x256x64xf32, #tpu.memory_space<vmem>>
      %dma_start3A_105 = tpu.memref_squeeze %dma_start3A_104 : memref<1x256x64xf32, #tpu.memory_space<vmem>> -> memref<256x64xf32, #tpu.memory_space<vmem>>
      tpu.enqueue_dma source(%dma_start3A_105 : memref<256x64xf32, #tpu.memory_space<vmem>>) target(%dma_start3A_101 : memref<256x64xf32, #tpu.memory_space<hbm>>) target_semaphore(%arg17 : memref<!tpu.dma_semaphore, #tpu.memory_space<semaphore_mem>>)
    } else {
    }
    %add3A_47 = arith.constant 32 : i32
    %add3A_48 = arith.addi %add3A, %add3A_47 : i32
    %lt3A_49 = arith.constant 44 : i32
    %lt3A_50 = arith.cmpi slt, %add3A_48, %lt3A_49 : i32
    %convert_element_type3A_51 = arith.extui %lt3A_50 : i1 to i32
    %cond3A_52 = arith.constant 0 : i32
    %cond3A_53 = arith.cmpi ne, %convert_element_type3A_51, %cond3A_52 : i32
    scf.if %cond3A_53 {
      %add3A_54 = arith.constant 32 : i32
      %add3A_55 = arith.addi %add3A, %add3A_54 : i32
      %mul3A_56 = arith.constant 256 : i32
      %mul3A_57 = arith.muli %add3A_55, %mul3A_56 : i32
      %dma_wait3A = arith.constant 1 : i32
      %dma_wait3A_58 = arith.constant 0 : i32
      %dma_wait3A_59 = arith.constant 0 : i32
      %dma_wait3A_60 = tpu.memref_slice %arg6[%dma_wait3A, %dma_wait3A_58, %dma_wait3A_59] : memref<3x256x64xf32, #tpu.memory_space<vmem>> -> memref<1x256x64xf32, #tpu.memory_space<vmem>>
      %dma_wait3A_61 = tpu.memref_squeeze %dma_wait3A_60 : memref<1x256x64xf32, #tpu.memory_space<vmem>> -> memref<256x64xf32, #tpu.memory_space<vmem>>
      %dma_wait3A_62 = arith.constant 0 : i32
      %dma_wait3A_63 = tpu.memref_slice %arg4[%mul3A_57, %dma_wait3A_62] : memref<11264x128xf32, #tpu.memory_space<hbm>> -> memref<256x64xf32, #tpu.memory_space<hbm>>
      %dma_wait3A_64 = arith.constant 0 : i32
      %dma_wait3A_65 = tpu.memref_slice %arg4[%mul3A_57, %dma_wait3A_64] : memref<11264x128xf32, #tpu.memory_space<hbm>> -> memref<256x64xf32, #tpu.memory_space<hbm>>
      %dma_wait3A_66 = arith.constant 0 : i32
      %dma_wait3A_67 = arith.constant 0 : i32
      %dma_wait3A_68 = tpu.memref_slice %arg6[%dma_wait3A, %dma_wait3A_66, %dma_wait3A_67] : memref<3x256x64xf32, #tpu.memory_space<vmem>> -> memref<1x256x64xf32, #tpu.memory_space<vmem>>
      %dma_wait3A_69 = tpu.memref_squeeze %dma_wait3A_68 : memref<1x256x64xf32, #tpu.memory_space<vmem>> -> memref<256x64xf32, #tpu.memory_space<vmem>>
      tpu.wait_dma2 semaphore(%arg16 : memref<!tpu.dma_semaphore, #tpu.memory_space<semaphore_mem>>) src(%dma_wait3A_69 : memref<256x64xf32, #tpu.memory_space<vmem>>) dst(%dma_wait3A_65 : memref<256x64xf32, #tpu.memory_space<hbm>>)
      %dma_wait3A_70 = arith.constant 1 : i32
      %dma_wait3A_71 = arith.constant 0 : i32
      %dma_wait3A_72 = arith.constant 0 : i32
      %dma_wait3A_73 = tpu.memref_slice %arg7[%dma_wait3A_70, %dma_wait3A_71, %dma_wait3A_72] : memref<3x256x64xf32, #tpu.memory_space<vmem>> -> memref<1x256x64xf32, #tpu.memory_space<vmem>>
      %dma_wait3A_74 = tpu.memref_squeeze %dma_wait3A_73 : memref<1x256x64xf32, #tpu.memory_space<vmem>> -> memref<256x64xf32, #tpu.memory_space<vmem>>
      %dma_wait3A_75 = arith.constant 64 : i32
      %dma_wait3A_76 = tpu.memref_slice %arg4[%mul3A_57, %dma_wait3A_75] : memref<11264x128xf32, #tpu.memory_space<hbm>> -> memref<256x64xf32, #tpu.memory_space<hbm>>
      %dma_wait3A_77 = arith.constant 64 : i32
      %dma_wait3A_78 = tpu.memref_slice %arg4[%mul3A_57, %dma_wait3A_77] : memref<11264x128xf32, #tpu.memory_space<hbm>> -> memref<256x64xf32, #tpu.memory_space<hbm>>
      %dma_wait3A_79 = arith.constant 0 : i32
      %dma_wait3A_80 = arith.constant 0 : i32
      %dma_wait3A_81 = tpu.memref_slice %arg7[%dma_wait3A_70, %dma_wait3A_79, %dma_wait3A_80] : memref<3x256x64xf32, #tpu.memory_space<vmem>> -> memref<1x256x64xf32, #tpu.memory_space<vmem>>
      %dma_wait3A_82 = tpu.memref_squeeze %dma_wait3A_81 : memref<1x256x64xf32, #tpu.memory_space<vmem>> -> memref<256x64xf32, #tpu.memory_space<vmem>>
      tpu.wait_dma2 semaphore(%arg17 : memref<!tpu.dma_semaphore, #tpu.memory_space<semaphore_mem>>) src(%dma_wait3A_82 : memref<256x64xf32, #tpu.memory_space<vmem>>) dst(%dma_wait3A_78 : memref<256x64xf32, #tpu.memory_space<hbm>>)
    } else {
    }
    return
  }
}

module attributes {stable_mosaic.version = 14 : i64} {
  func.func @_tc_concat_body(%arg0: i32, %arg1: memref<1024x128xf32, #tpu.memory_space<vmem>>, %arg2: memref<2048x128xf32, #tpu.memory_space<vmem>>, %arg3: memref<192x2048xf32, #tpu.memory_space<vmem>>) attributes {dimension_semantics = [#tpu.dimension_semantics<arbitrary>], iteration_bounds = array<i64: 5>, scalar_prefetch = 0 : i64, scratch_operands = 0 : i64, tpu.core_type = #tpu.core_type<tc>, window_params = [{transform_indices = @transform_0, window_bounds = array<i64: 1024, 128>}, {transform_indices = @transform_1, window_bounds = array<i64: 2048, 128>}, {transform_indices = @transform_2, window_bounds = array<i64: 192, 2048>}]} {
    %get3A = arith.constant 0 : index
    %get3A_0 = arith.constant 0 : index
    %get3A_1 = vector.load %arg1[%get3A, %get3A_0] : memref<1024x128xf32, #tpu.memory_space<vmem>>, vector<1024x128xf32>
    %get3A_2 = arith.constant 0 : index
    %get3A_3 = arith.constant 0 : index
    %get3A_4 = vector.load %arg2[%get3A_2, %get3A_3] : memref<2048x128xf32, #tpu.memory_space<vmem>>, vector<2048x128xf32>
    %transpose3A = tpu.transpose %get3A_1, [1, 0] : vector<1024x128xf32> -> vector<128x1024xf32>
    %slice3A = vector.extract_strided_slice %transpose3A {offsets = [0, 0], sizes = [64, 1024], strides = [1, 1]} : vector<128x1024xf32> to vector<64x1024xf32>
    %slice3A_5 = vector.extract_strided_slice %transpose3A {offsets = [64, 0], sizes = [64, 1024], strides = [1, 1]} : vector<128x1024xf32> to vector<64x1024xf32>
    %concatenate3A = tpu.concatenate %slice3A, %slice3A_5 in 1 : vector<64x1024xf32>, vector<64x1024xf32> -> vector<64x2048xf32>
    %transpose3A_6 = tpu.transpose %get3A_4, [1, 0] : vector<2048x128xf32> -> vector<128x2048xf32>
    %concatenate3A_7 = tpu.concatenate %concatenate3A, %transpose3A_6 in 0 : vector<64x2048xf32>, vector<128x2048xf32> -> vector<192x2048xf32>
    %swap3A = arith.constant 0 : index
    %swap3A_8 = arith.constant 0 : index
    %swap3A_9 = vector.load %arg3[%swap3A, %swap3A_8] : memref<192x2048xf32, #tpu.memory_space<vmem>>, vector<192x2048xf32>
    tpu.vector_store %arg3[%swap3A, %swap3A_8], %concatenate3A_7 {strides = array<i32>} : memref<192x2048xf32, #tpu.memory_space<vmem>>, vector<192x2048xf32>,
    return
  }
  func.func @transform_0(%arg0: i32) -> (i32, i32) {
    %c0_i32 = arith.constant 0 : i32
    %c0_i32_0 = arith.constant 0 : i32
    return %arg0, %c0_i32 : i32, i32
  }
  func.func @transform_1(%arg0: i32) -> (i32, i32) {
    %add3A = arith.constant 0 : i32
    %add3A_0 = arith.addi %add3A, %arg0 : i32
    %c0_i32 = arith.constant 0 : i32
    %c0_i32_1 = arith.constant 0 : i32
    return %add3A_0, %c0_i32 : i32, i32
  }
  func.func @transform_2(%arg0: i32) -> (i32, i32) {
    %add3A = arith.constant 0 : i32
    %add3A_0 = arith.addi %add3A, %arg0 : i32
    %c0_i32 = arith.constant 0 : i32
    %c0_i32_1 = arith.constant 0 : i32
    return %c0_i32, %add3A_0 : i32, i32
  }
}

module attributes {stable_mosaic.version = 14 : i64} {
  func.func @_tc_concat_body(%arg0: i32, %arg1: memref<1024x128xf32, #tpu.memory_space<vmem>>, %arg2: memref<2048x128xf32, #tpu.memory_space<vmem>>, %arg3: memref<192x100000xf32, #tpu.memory_space<any>>, %arg4: memref<192x2048xf32, #tpu.memory_space<vmem>>) attributes {dimension_semantics = [#tpu.dimension_semantics<arbitrary>], iteration_bounds = array<i64: 11>, scalar_prefetch = 0 : i64, scratch_operands = 0 : i64, tpu.core_type = #tpu.core_type<tc>, window_params = [{transform_indices = @transform_0, window_bounds = array<i64: 1024, 128>}, {transform_indices = @transform_1, window_bounds = array<i64: 2048, 128>}, {}, {transform_indices = @transform_3, window_bounds = array<i64: 192, 2048>}]} {
    %get3A = arith.constant 0 : index
    %get3A_0 = arith.constant 0 : index
    %get3A_1 = vector.load %arg1[%get3A, %get3A_0] : memref<1024x128xf32, #tpu.memory_space<vmem>>, vector<1024x128xf32>
    %get3A_2 = arith.constant 0 : index
    %get3A_3 = arith.constant 0 : index
    %get3A_4 = vector.load %arg2[%get3A_2, %get3A_3] : memref<2048x128xf32, #tpu.memory_space<vmem>>, vector<2048x128xf32>
    %transpose3A = tpu.transpose %get3A_1, [1, 0] : vector<1024x128xf32> -> vector<128x1024xf32>
    %slice3A = vector.extract_strided_slice %transpose3A {offsets = [0, 0], sizes = [64, 1024], strides = [1, 1]} : vector<128x1024xf32> to vector<64x1024xf32>
    %slice3A_5 = vector.extract_strided_slice %transpose3A {offsets = [64, 0], sizes = [64, 1024], strides = [1, 1]} : vector<128x1024xf32> to vector<64x1024xf32>
    %concatenate3A = tpu.concatenate %slice3A, %slice3A_5 in 1 : vector<64x1024xf32>, vector<64x1024xf32> -> vector<64x2048xf32>
    %transpose3A_6 = tpu.transpose %get3A_4, [1, 0] : vector<2048x128xf32> -> vector<128x2048xf32>
    %concatenate3A_7 = tpu.concatenate %concatenate3A, %transpose3A_6 in 0 : vector<64x2048xf32>, vector<128x2048xf32> -> vector<192x2048xf32>
    %swap3A = arith.constant 0 : index
    %swap3A_8 = arith.constant 0 : index
    %swap3A_9 = vector.load %arg4[%swap3A, %swap3A_8] : memref<192x2048xf32, #tpu.memory_space<vmem>>, vector<192x2048xf32>
    tpu.vector_store %arg4[%swap3A, %swap3A_8], %concatenate3A_7 {strides = array<i32>} : memref<192x2048xf32, #tpu.memory_space<vmem>>, vector<192x2048xf32>,
    return
  }
  func.func @transform_0(%arg0: i32) -> (i32, i32) {
    %c0_i32 = arith.constant 0 : i32
    %c0_i32_0 = arith.constant 0 : i32
    return %arg0, %c0_i32 : i32, i32
  }
  func.func @transform_1(%arg0: i32) -> (i32, i32) {
    %add3A = arith.constant 16 : i32
    %add3A_0 = arith.addi %add3A, %arg0 : i32
    %c0_i32 = arith.constant 0 : i32
    %c0_i32_1 = arith.constant 0 : i32
    return %add3A_0, %c0_i32 : i32, i32
  }
  func.func @transform_3(%arg0: i32) -> (i32, i32) {
    %add3A = arith.constant 16 : i32
    %add3A_0 = arith.addi %add3A, %arg0 : i32
    %c0_i32 = arith.constant 0 : i32
    %c0_i32_1 = arith.constant 0 : i32
    return %c0_i32, %add3A_0 : i32, i32
  }
}

module attributes {stable_mosaic.version = 14 : i64} {
  func.func @_tc_concat_body(%arg0: i32, %arg1: memref<1024x128xf32, #tpu.memory_space<vmem>>, %arg2: memref<2048x128xf32, #tpu.memory_space<vmem>>, %arg3: memref<192x100000xf32, #tpu.memory_space<any>>, %arg4: memref<192x2048xf32, #tpu.memory_space<vmem>>) attributes {dimension_semantics = [#tpu.dimension_semantics<arbitrary>], iteration_bounds = array<i64: 11>, scalar_prefetch = 0 : i64, scratch_operands = 0 : i64, tpu.core_type = #tpu.core_type<tc>, window_params = [{transform_indices = @transform_0, window_bounds = array<i64: 1024, 128>}, {transform_indices = @transform_1, window_bounds = array<i64: 2048, 128>}, {}, {transform_indices = @transform_3, window_bounds = array<i64: 192, 2048>}]} {
    %get3A = arith.constant 0 : index
    %get3A_0 = arith.constant 0 : index
    %get3A_1 = vector.load %arg1[%get3A, %get3A_0] : memref<1024x128xf32, #tpu.memory_space<vmem>>, vector<1024x128xf32>
    %get3A_2 = arith.constant 0 : index
    %get3A_3 = arith.constant 0 : index
    %get3A_4 = vector.load %arg2[%get3A_2, %get3A_3] : memref<2048x128xf32, #tpu.memory_space<vmem>>, vector<2048x128xf32>
    %transpose3A = tpu.transpose %get3A_1, [1, 0] : vector<1024x128xf32> -> vector<128x1024xf32>
    %slice3A = vector.extract_strided_slice %transpose3A {offsets = [0, 0], sizes = [64, 1024], strides = [1, 1]} : vector<128x1024xf32> to vector<64x1024xf32>
    %slice3A_5 = vector.extract_strided_slice %transpose3A {offsets = [64, 0], sizes = [64, 1024], strides = [1, 1]} : vector<128x1024xf32> to vector<64x1024xf32>
    %concatenate3A = tpu.concatenate %slice3A, %slice3A_5 in 1 : vector<64x1024xf32>, vector<64x1024xf32> -> vector<64x2048xf32>
    %transpose3A_6 = tpu.transpose %get3A_4, [1, 0] : vector<2048x128xf32> -> vector<128x2048xf32>
    %concatenate3A_7 = tpu.concatenate %concatenate3A, %transpose3A_6 in 0 : vector<64x2048xf32>, vector<128x2048xf32> -> vector<192x2048xf32>
    %swap3A = arith.constant 0 : index
    %swap3A_8 = arith.constant 0 : index
    %swap3A_9 = vector.load %arg4[%swap3A, %swap3A_8] : memref<192x2048xf32, #tpu.memory_space<vmem>>, vector<192x2048xf32>
    tpu.vector_store %arg4[%swap3A, %swap3A_8], %concatenate3A_7 {strides = array<i32>} : memref<192x2048xf32, #tpu.memory_space<vmem>>, vector<192x2048xf32>,
    return
  }
  func.func @transform_0(%arg0: i32) -> (i32, i32) {
    %c0_i32 = arith.constant 0 : i32
    %c0_i32_0 = arith.constant 0 : i32
    return %arg0, %c0_i32 : i32, i32
  }
  func.func @transform_1(%arg0: i32) -> (i32, i32) {
    %add3A = arith.constant 5 : i32
    %add3A_0 = arith.addi %add3A, %arg0 : i32
    %c0_i32 = arith.constant 0 : i32
    %c0_i32_1 = arith.constant 0 : i32
    return %add3A_0, %c0_i32 : i32, i32
  }
  func.func @transform_3(%arg0: i32) -> (i32, i32) {
    %add3A = arith.constant 5 : i32
    %add3A_0 = arith.addi %add3A, %arg0 : i32
    %c0_i32 = arith.constant 0 : i32
    %c0_i32_1 = arith.constant 0 : i32
    return %c0_i32, %add3A_0 : i32, i32
  }
}

module attributes {stable_mosaic.version = 14 : i64} {
  func.func @_tc_concat_body(%arg0: i32, %arg1: memref<1024x128xf32, #tpu.memory_space<vmem>>, %arg2: memref<2048x128xf32, #tpu.memory_space<vmem>>, %arg3: memref<192x100000xf32, #tpu.memory_space<any>>, %arg4: memref<192x2048xf32, #tpu.memory_space<vmem>>) attributes {dimension_semantics = [#tpu.dimension_semantics<arbitrary>], iteration_bounds = array<i64: 11>, scalar_prefetch = 0 : i64, scratch_operands = 0 : i64, tpu.core_type = #tpu.core_type<tc>, window_params = [{transform_indices = @transform_0, window_bounds = array<i64: 1024, 128>}, {transform_indices = @transform_1, window_bounds = array<i64: 2048, 128>}, {}, {transform_indices = @transform_3, window_bounds = array<i64: 192, 2048>}]} {
    %get3A = arith.constant 0 : index
    %get3A_0 = arith.constant 0 : index
    %get3A_1 = vector.load %arg1[%get3A, %get3A_0] : memref<1024x128xf32, #tpu.memory_space<vmem>>, vector<1024x128xf32>
    %get3A_2 = arith.constant 0 : index
    %get3A_3 = arith.constant 0 : index
    %get3A_4 = vector.load %arg2[%get3A_2, %get3A_3] : memref<2048x128xf32, #tpu.memory_space<vmem>>, vector<2048x128xf32>
    %transpose3A = tpu.transpose %get3A_1, [1, 0] : vector<1024x128xf32> -> vector<128x1024xf32>
    %slice3A = vector.extract_strided_slice %transpose3A {offsets = [0, 0], sizes = [64, 1024], strides = [1, 1]} : vector<128x1024xf32> to vector<64x1024xf32>
    %slice3A_5 = vector.extract_strided_slice %transpose3A {offsets = [64, 0], sizes = [64, 1024], strides = [1, 1]} : vector<128x1024xf32> to vector<64x1024xf32>
    %concatenate3A = tpu.concatenate %slice3A, %slice3A_5 in 1 : vector<64x1024xf32>, vector<64x1024xf32> -> vector<64x2048xf32>
    %transpose3A_6 = tpu.transpose %get3A_4, [1, 0] : vector<2048x128xf32> -> vector<128x2048xf32>
    %concatenate3A_7 = tpu.concatenate %concatenate3A, %transpose3A_6 in 0 : vector<64x2048xf32>, vector<128x2048xf32> -> vector<192x2048xf32>
    %swap3A = arith.constant 0 : index
    %swap3A_8 = arith.constant 0 : index
    %swap3A_9 = vector.load %arg4[%swap3A, %swap3A_8] : memref<192x2048xf32, #tpu.memory_space<vmem>>, vector<192x2048xf32>
    tpu.vector_store %arg4[%swap3A, %swap3A_8], %concatenate3A_7 {strides = array<i32>} : memref<192x2048xf32, #tpu.memory_space<vmem>>, vector<192x2048xf32>,
    return
  }
  func.func @transform_0(%arg0: i32) -> (i32, i32) {
    %c0_i32 = arith.constant 0 : i32
    %c0_i32_0 = arith.constant 0 : i32
    return %arg0, %c0_i32 : i32, i32
  }
  func.func @transform_1(%arg0: i32) -> (i32, i32) {
    %add3A = arith.constant 27 : i32
    %add3A_0 = arith.addi %add3A, %arg0 : i32
    %c0_i32 = arith.constant 0 : i32
    %c0_i32_1 = arith.constant 0 : i32
    return %add3A_0, %c0_i32 : i32, i32
  }
  func.func @transform_3(%arg0: i32) -> (i32, i32) {
    %add3A = arith.constant 27 : i32
    %add3A_0 = arith.addi %add3A, %arg0 : i32
    %c0_i32 = arith.constant 0 : i32
    %c0_i32_1 = arith.constant 0 : i32
    return %c0_i32, %add3A_0 : i32, i32
  }
}

module attributes {stable_mosaic.version = 14 : i64} {
  func.func @_tc_concat_body(%arg0: i32, %arg1: memref<1024x128xf32, #tpu.memory_space<vmem>>, %arg2: memref<2048x128xf32, #tpu.memory_space<vmem>>, %arg3: memref<192x100000xf32, #tpu.memory_space<any>>, %arg4: memref<192x2048xf32, #tpu.memory_space<vmem>>) attributes {dimension_semantics = [#tpu.dimension_semantics<arbitrary>], iteration_bounds = array<i64: 11>, scalar_prefetch = 0 : i64, scratch_operands = 0 : i64, tpu.core_type = #tpu.core_type<tc>, window_params = [{transform_indices = @transform_0, window_bounds = array<i64: 1024, 128>}, {transform_indices = @transform_1, window_bounds = array<i64: 2048, 128>}, {}, {transform_indices = @transform_3, window_bounds = array<i64: 192, 2048>}]} {
    %get3A = arith.constant 0 : index
    %get3A_0 = arith.constant 0 : index
    %get3A_1 = vector.load %arg1[%get3A, %get3A_0] : memref<1024x128xf32, #tpu.memory_space<vmem>>, vector<1024x128xf32>
    %get3A_2 = arith.constant 0 : index
    %get3A_3 = arith.constant 0 : index
    %get3A_4 = vector.load %arg2[%get3A_2, %get3A_3] : memref<2048x128xf32, #tpu.memory_space<vmem>>, vector<2048x128xf32>
    %transpose3A = tpu.transpose %get3A_1, [1, 0] : vector<1024x128xf32> -> vector<128x1024xf32>
    %slice3A = vector.extract_strided_slice %transpose3A {offsets = [0, 0], sizes = [64, 1024], strides = [1, 1]} : vector<128x1024xf32> to vector<64x1024xf32>
    %slice3A_5 = vector.extract_strided_slice %transpose3A {offsets = [64, 0], sizes = [64, 1024], strides = [1, 1]} : vector<128x1024xf32> to vector<64x1024xf32>
    %concatenate3A = tpu.concatenate %slice3A, %slice3A_5 in 1 : vector<64x1024xf32>, vector<64x1024xf32> -> vector<64x2048xf32>
    %transpose3A_6 = tpu.transpose %get3A_4, [1, 0] : vector<2048x128xf32> -> vector<128x2048xf32>
    %concatenate3A_7 = tpu.concatenate %concatenate3A, %transpose3A_6 in 0 : vector<64x2048xf32>, vector<128x2048xf32> -> vector<192x2048xf32>
    %swap3A = arith.constant 0 : index
    %swap3A_8 = arith.constant 0 : index
    %swap3A_9 = vector.load %arg4[%swap3A, %swap3A_8] : memref<192x2048xf32, #tpu.memory_space<vmem>>, vector<192x2048xf32>
    tpu.vector_store %arg4[%swap3A, %swap3A_8], %concatenate3A_7 {strides = array<i32>} : memref<192x2048xf32, #tpu.memory_space<vmem>>, vector<192x2048xf32>,
    return
  }
  func.func @transform_0(%arg0: i32) -> (i32, i32) {
    %c0_i32 = arith.constant 0 : i32
    %c0_i32_0 = arith.constant 0 : i32
    return %arg0, %c0_i32 : i32, i32
  }
  func.func @transform_1(%arg0: i32) -> (i32, i32) {
    %add3A = arith.constant 38 : i32
    %add3A_0 = arith.addi %add3A, %arg0 : i32
    %c0_i32 = arith.constant 0 : i32
    %c0_i32_1 = arith.constant 0 : i32
    return %add3A_0, %c0_i32 : i32, i32
  }
  func.func @transform_3(%arg0: i32) -> (i32, i32) {
    %add3A = arith.constant 38 : i32
    %add3A_0 = arith.addi %add3A, %arg0 : i32
    %c0_i32 = arith.constant 0 : i32
    %c0_i32_1 = arith.constant 0 : i32
    return %c0_i32, %add3A_0 : i32, i32
  }
}

</mosaic_0001>

<sc_bundles>
// kernel: _feature_prep.12.cloned.1.call-start
scs
__scs_entry_jumppad:
0x0: {  	(pc) =	sbr.rel $0x88, $3  }
0x1: {  	(tag) =	ssettag $0x0;
	lr =	simm.s32 $0x1  }
0x2: {  	[smem:$0x3F9E] =	sst lr;
	_ =	strace $0xD0000000  }
0x3: {  	_ = 	snop  }
0x4: {  	_ = 	snop  }
0x5: {  	_ = 	snop  }
0x6: {  	_ = 	snop  }
0x7: {  	_ = 	snop  }
__scs_overlays_trampoline_lowered:
0x8: {  	[smem:$0x3FAD] =	sst s0  }
0x9: {  	[smem:$0x3FAE] =	sst s1  }
0xa: {  	[smem:$0x3FAF] =	sst s2  }
0xb: {  	[smem:$0x3FB0] =	sst s3  }
0xc: {  	[smem:$0x3FB1] =	sst s4  }
0xd: {  	[smem:$0x3FB2] =	sst s5  }
0xe: {  	[smem:$0x3FB3] =	sst s6  }
0xf: {  	[smem:$0x3FB4] =	sst s7  }
0x10: {  	[smem:$0x3FB5] =	sst s8  }
0x11: {  	[smem:$0x3FB6] =	sst s9;
	s0 =	simm.s32 @!p0 $0x0  }
0x12: {  	s1 =	sld [smem:$0x3F9C];
	s0 =	simm.s32 @p0 $0x1  }
0x13: {  	[smem:$0x3FB7] =	sst s0;
	s0 =	simm.s32 @!p1 $0x0  }
0x14: {  	s2 =	sld [smem:$0x3F9B];
	s0 =	simm.s32 @p1 $0x1  }
0x15: {  	[smem:$0x3FB8] =	sst s0;
	s0 =	simm.s32 @!p2 $0x0  }
0x16: {  	s3 =	sld [smem:$0x3FDB];
	s0 =	simm.s32 @p2 $0x1  }
0x17: {  	s4 =	simm.s32 $0x1BF5;
	[smem:$0x3FBA] =	sst s0  }
0x18: {  	s0 =	sld [smem:$0x3F9D];
	_ =	swait.ge [sflag:s4], $0x0  }
0x19: {  	s7 =	sld [smem:$0x3F9E]  }
0x1a: {  	s8 =	sadd.s32 $0xFFFFE003, lr  }
0x1b: {  	s9 =	sadd.s32 $0xFFFFFEF7, lr;
	s5 =	simm.s32 $0xFFFFFFFF;
	p2 =	slt.u32 s8, $0xFFFFF086  }
0x1c: {  	p1 =	slt.u32 s9, $0xF7A;
	s5 =	simm.s32 @!p2 $0x0  }
0x1d: {  	s5 =	simm.s32 @p1 $0x1;
	p0 =	seq.s32 s7, s2  }
0x1e: {  	s7 =	smul.u32 @!p0 $0xF7A, s2;
	p2 =	seq.s32 @!p0 s5, $0x0  }
0x1f: {  	s9 =	smul.u32 $0xF7A, s1;
	s8 =	simm.s32 @!p0 $0x1BF5;
	p2 =	por !p2, p0  }
0x20: {  	[sflag:s8] =	ssyncset.s32 @!p0 $0xFFFFF086;
	s6 =	sadd.s32 @!p0 s3, s7;
	s7 =	simm.s32 @!p0 $0x108  }
0x21: {  	s3 =	sadd.s32 s3, s9;
	s6 =	sadd.s32 @!p0 $0x88, s6;
	s7 =	simm.s32 @p2 $0x1082  }
0x22: {  	[simem:s7], [sflag:s8] =	dma.local @!p0 [hbm:s6], $0xF7A  }
0x23: {  	s9 =	sor.u32 $0xD0000000, s2;
	s6 =	simm.s32 $0x108;
	_ =	swait.ge @!p0 [sflag:s8], $0x0  }
0x24: {  	s3 =	sadd.s32 $0x88, s3;
	s6 =	simm.s32 @!p1 $0x1082;
	[sflag:s4] =	ssyncset.s32 $0xFFFFF086  }
0x25: {  	[simem:s6], [sflag:s4] =	dma.local [hbm:s3], $0xF7A  }
0x26: {  	[smem:$0x3F9E] =	sst s1;
	(tag) =	ssettag s2;
	_ =	strace s9  }
0x27: {  	s1 =	sld [smem:$0x3FAE]  }
0x28: {  	s2 =	sld [smem:$0x3FAF]  }
0x29: {  	s4 =	sld [smem:$0x3FB1]  }
0x2a: {  	p0 =	seq.s32 s5, $0x0;
	s5 =	sld [smem:$0x3FB2]  }
0x2b: {  	s6 =	sld [smem:$0x3FB3]  }
0x2c: {  	s7 =	sld [smem:$0x3FB4]  }
0x2d: {  	s3 =	simm.s32 $0x108;
	s8 =	sld [smem:$0x3FB5]  }
0x2e: {  	s3 =	simm.s32 @!p0 $0x1082;
	s9 =	sld [smem:$0x3FB6]  }
0x2f: {  	lr =	sadd.s32 s0, s3;
	s0 =	sld [smem:$0x3FAD]  }
0x30: {  	s3 =	sld [smem:$0x3FB0]  }
0x31: {  	[smem:$0x3FB9] =	sst s10  }
0x32: {  	s10 =	sld [smem:$0x3FB7];
	_ =	sdelay $0x3  }
0x33: {  	p0 =	seq.s32 s10, $0x1;
	s10 =	sld [smem:$0x3FB9];
	_ =	sdelay $0x3  }
0x34: {  	[smem:$0x3FB9] =	sst s10  }
0x35: {  	s10 =	sld [smem:$0x3FB8];
	_ =	sdelay $0x3  }
0x36: {  	p1 =	seq.s32 s10, $0x1;
	s10 =	sld [smem:$0x3FB9];
	_ =	sdelay $0x3  }
0x37: {  	[smem:$0x3FB9] =	sst s10  }
0x38: {  	s10 =	sld [smem:$0x3FBA]  }
0x39: {  	_ = 	snop;
	(pc) =	sbr.ind lr, $3  }
0x3a: {  	_ = 	snop  }
0x3b: {  	_ = 	snop  }
0x3c: {  	p2 =	seq.s32 s10, $0x1;
	s10 =	sld [smem:$0x3FB9]  }
0x3d: {  	_ =	shalt  }
0x3e: {  	_ =	shalt  }
0x3f: {  	_ =	shalt  }
0x40: {  	_ =	shalt  }
0x41: {  	_ =	shalt  }
0x42: {  	_ =	shalt  }
0x43: {  	_ =	shalt  }
0x44: {  	_ =	shalt  }
0x45: {  	_ =	shalt  }
0x46: {  	_ =	shalt  }
0x47: {  	_ =	shalt  }
0x48: {  	_ =	shalt  }
0x49: {  	_ =	shalt  }
0x4a: {  	_ =	shalt  }
0x4b: {  	_ =	shalt  }
0x4c: {  	_ =	shalt  }
0x4d: {  	_ =	shalt  }
0x4e: {  	_ =	shalt  }
0x4f: {  	_ =	shalt  }
0x50: {  	_ =	shalt  }
0x51: {  	_ =	shalt  }
0x52: {  	_ =	shalt  }
0x53: {  	_ =	shalt  }
0x54: {  	_ =	shalt  }
0x55: {  	_ =	shalt  }
0x56: {  	_ =	shalt  }
0x57: {  	_ =	shalt  }
0x58: {  	_ =	shalt  }
0x59: {  	_ =	shalt  }
0x5a: {  	_ =	shalt  }
0x5b: {  	_ =	shalt  }
0x5c: {  	_ =	shalt  }
0x5d: {  	_ =	shalt  }
0x5e: {  	_ =	shalt  }
0x5f: {  	_ =	shalt  }
0x60: {  	_ =	shalt  }
0x61: {  	_ =	shalt  }
0x62: {  	_ =	shalt  }
0x63: {  	_ =	shalt  }
0x64: {  	_ =	shalt  }
0x65: {  	_ =	shalt  }
0x66: {  	_ =	shalt  }
0x67: {  	_ =	shalt  }
0x68: {  	_ =	shalt  }
0x69: {  	_ =	shalt  }
0x6a: {  	_ =	shalt  }
0x6b: {  	_ =	shalt  }
0x6c: {  	_ =	shalt  }
0x6d: {  	_ =	shalt  }
0x6e: {  	_ =	shalt  }
0x6f: {  	_ =	shalt  }
0x70: {  	_ =	shalt  }
0x71: {  	_ =	shalt  }
0x72: {  	_ =	shalt  }
0x73: {  	_ =	shalt  }
0x74: {  	_ =	shalt  }
0x75: {  	_ =	shalt  }
0x76: {  	_ =	shalt  }
0x77: {  	_ =	shalt  }
0x78: {  	_ =	shalt  }
0x79: {  	_ =	shalt  }
0x7a: {  	_ =	shalt  }
0x7b: {  	_ =	shalt  }
0x7c: {  	_ =	shalt  }
0x7d: {  	_ =	shalt  }
0x7e: {  	_ =	shalt  }
0x7f: {  	_ =	shalt  }
0x80: {  	_ =	shalt  }
0x81: {  	_ =	shalt  }
0x82: {  	_ =	shalt  }
0x83: {  	_ =	shalt  }
0x84: {  	_ =	shalt  }
0x85: {  	_ =	shalt  }
0x86: {  	_ =	shalt  }
0x87: {  	_ =	shalt  }
.Lfunc_end0:
.L_simem_size_0:
called_computation_lowered:
.L_overlay_start_0:
0x88: {  	s2 =	sld [smem:$0x3FD9]  }
0x89: {  	s3 =	sld [smem:$0x3FFE];
	_ =	sdelay $0x1  }
0x8a: {  	s1 =	srdreg.scid  }
0x8b: {  	s0 =	sand.u32 $0x1, s1  }
0x8c: {  	s17 =	sshll.u32 s0, $0xA;
	s2 =	sadd.s32 s3, s2  }
0x8d: {  	s2 =	sadd.s32 s2, s17  }
0x8e: {  	[smem:$0x3FC5] =	sst s2  }
0x8f: {  	_ = 	snop  }
0x90: {  	s2 =	sld [smem:$0x3FD0];
	(tm) =	ssettm $0x1  }
0x91: {  	s18 =	sld [smem:$0x3FFB];
	_ =	sdelay $0x3  }
0x92: {  	_ =	strace s18  }
0x93: {  	s3 =	sld [smem:$0x3FFC];
	_ =	sdelay $0x3  }
0x94: {  	_ =	strace s3  }
0x95: {  	s3 =	sld [smem:$0x3FFD];
	_ =	sdelay $0x3  }
0x96: {  	_ =	strace s3  }
0x97: {  	_ =	strace $0x8FFFFFFF  }
0x98: {  	s19 =	sld [smem:$0x3FDB];
	_ =	sdelay $0x1  }
0x99: {  	s4 =	simm.s32 $_scs_section_size  }
0x9a: {  	s5 =	simm.s32 $_size__tile_overlayer_lowered;
	s6 =	simm.s32 $_tile_overlayer_lowered  }
0x9b: {  	s22 =	simm.s32 $0x1BFF;
	s21 =	sshll.u32 s6, $0x1;
	s3 =	sadd.s32 s4, s19  }
0x9c: {  	s7 =	simm.s32 $0x0;
	s20 =	sshll.u32 s5, $0x1;
	s5 =	sadd.s32 s21, s3  }
0x9d: {  	[timem:s7], [sflag:s22] =	dma.local [hbm:s5], s20  }
0x9e: {  	_ =	swait.ge [sflag:s22], s20  }
0x9f: {  	s4 =	ssub.s32 $0x0, s20;
	[sflag:s22] =	ssyncset.done $0x0  }
0xa0: {  	[sflag:s22] =	ssyncadd.s32 s4;
	_ =	sdelay $0x1  }
0xa1: {  	s23 =	simm.s32 $0x1B8B  }
0xa2: {  	_ =	swait.ge [sflag:s23], $0x1  }
0xa3: {  	[sflag:s23] =	ssyncset.done $0x0  }
0xa4: {  	s25 =	simm.s32 $0x1B8E;
	s24 =	sld [smem:$0x3FFE];
	[sflag:s23] =	ssyncadd.s32 $0xFFFFFFFF  }
0xa5: {  	s26 =	simm.s32 $execute0_lowered;
	[smem:$0x3FD2] =	sst s25  }
0xa6: {  	s5 =	sshll.u32 s26, $0x1;
	_ =	strace $0x80000046;
	[dreg:$0x1] =	wrdreg $0xFFFFFFFF  }
0xa7: {  	s28 =	simm.s32 $_size_execute0_lowered;
	s3 =	sadd.s32 s3, s5;
	[dreg:$0x0] =	wrdreg $0x0  }
0xa8: {  	s5 =	sshll.u32 s28, $0x1;
	[dreg:$0x2] =	wrdreg s3  }
0xa9: {  	[dreg:$0x3] =	wrdreg s5  }
0xaa: {  	[dreg:$0x4] =	wrdreg $0xC0  }
0xab: {  	_ =	task [dreg:s7], $0x5FFFF  }
0xac: {  	[dreg:$0x1] =	wrdreg $0xFFFFFFFF  }
0xad: {  	[dreg:$0x0] =	wrdreg $0x60  }
0xae: {  	[dreg:$0x2] =	wrdreg s24  }
0xaf: {  	[dreg:$0x3] =	wrdreg s2  }
0xb0: {  	[dreg:$0x4] =	wrdreg $0x9  }
0xb1: {  	_ =	task.clear_ibuf [dreg:s7], $0x5FFFF;
	_ =	strace $0x90000046  }
0xb2: {  	s29 =	simm.s32 $0x9;
	_ =	strace $0x80000048  }
0xb3: {  	_ =	swait.ge [sflag:s29], $0x1  }
0xb4: {  	[sflag:s29] =	ssyncadd.s32 $0xFFFFFFFF  }
0xb5: {  	_ =	strace $0x90000048  }
0xb6: {  	_ =	sfence  }
0xb7: {  	s30 =	sld [smem:$0x0];
	_ =	sdelay $0x2  }
0xb8: {  	s31 =	sshll.u32 s1, $0xD;
	s1 =	sshrl.u32 s1, $0x2  }
0xb9: {  	s3 =	sand.u32 $0x4000, s31;
	s1 =	sadd.s32 s1, s30  }
0xba: {  	s0 =	sor.u32 s3, s0;
	s1 =	sshll.u32 s1, $0x11  }
0xbb: {  	s0 =	sor.u32 s1, s0  }
0xbc: {  	s0 =	sadd.s32 $0x8F2B, s0  }
0xbd: {  	[sflag:s0] =	ssyncadd.remote.s32 $0x1  }
0xbe: {  	_ =	sfence.sel $0xFFFF  }
0xbf: {  	[dreg:$0x0] =	wrdreg $0xFFFFFFFF;
	(pc) =	sbr.abs _section_cstart, $3  }
0xc0: {  	[dreg:$0x1] =	wrdreg $0xFFFFFFFF  }
0xc1: {  	_ =	task.clear_ibuf [dreg:s7], $0x2FFFF;
	_ =	strace $0x9FFFFFFF  }
0xc2: {  	(tm) =	ssettm $0x7FFFFFFF  }
0xc3: {  	_ =	shalt  }
tec
execute0_lowered:
.L_overlay_start_1:
0x0: {  	(tag) =	ssettag $0x1  }
0x1: {  	s1 =	stileid.u32  }
0x2: {  	p0 =	sgt.u32 s1, $0x9  }
.Ltmp0:
0x3: {  	_ = 	snop;
	(pc) =	sbr.rel @p0 .LBB2_4-.Ltmp0, $4  }
0x4: {  	s7 =	rddreg [dreg:$0x0]  }
0x5: {  	s12 =	rddreg [dreg:$0x1];
	s2 =	simm.s32 $0x0  }
0x6: {  	[smem:$0x7FF] =	sst s2  }
0x7: {  	s0 =	rddreg [dreg:$0x2];
	_ =	strace $0x80000047  }
0x8: {  	s3 =	srdreg.scid  }
0x9: {  	s31 =	sshll.u32 s1, $0x1;
	s16 =	sand.u32 $0x1, s3  }
0xa: {  	s13 =	sor.u32 s16, s31  }
0xb: {  	s4 =	sshll.u32 s1, $0x7;
	s3 =	sshll.u32 s13, $0x5  }
0xc: {  	s4 =	sand.u32 $0x700, s4;
	s3 =	sand.u32 $0x60, s3  }
0xd: {  	s5 =	sadd.s32 $0x3E00, s7;
	s3 =	sor.u32 s4, s3  }
0xe: {  	s3 =	sadd.s32 s5, s3  }
0xf: {  	[tilespmem:s2], [sflag:$0x1] =	stream.linear.gather [hbm4b:s3+s2], $0x100, $0x38;
	[tilespmem:$0x18600] =	vst v63  }
0x10: {  	s6 =	simm.s32 $0x1;
	s5 =	simm.s32 $0x100;
	s4 =	sadd.s32 $0x80, s3  }
0x11: {  	[tilespmem:s5], [sflag:$0x1] =	stream.linear.gather [hbm4b:s4+s2], $0x100, $0x38;
	[tilespmem:$0x18600] =	vst v63  }
0x12: {  	_ =	swait.ge [sflag:s6], $0x100  }
0x13: {  	[sflag:s6] =	ssyncset.done $0x0  }
0x14: {  	[sflag:s6] =	ssyncadd.s32 $0xFFFFFF00  }
0x15: {  	_ =	swait.ge [sflag:s6], $0x100  }
0x16: {  	[sflag:s6] =	ssyncset.done $0x0  }
0x17: {  	s7 =	sadd.s32 $0x1E00, s7;
	s8 =	simm.s32 $0x600;
	[sflag:s6] =	ssyncadd.s32 $0xFFFFFF00  }
0x18: {  	[tilespmem:s8], [sflag:$0x2] =	stream.indirect.gather [hbm4b:s7+s5], $0x40, s2, s5, $0xb8;
	[tilespmem:$0x18600] =	vst v63  }
0x19: {  	s9 =	simm.s32 $0xC600;
	s10 =	simm.s32 $0x2  }
0x1a: {  	[tilespmem:s9], [sflag:$0x3] =	stream.indirect.gather [hbm4b:s7+s5], $0x40, s5, s5, $0xb8;
	[tilespmem:$0x18600] =	vst v63  }
0x1b: {  	_ =	swait.ge [sflag:s10], $0x4000  }
0x1c: {  	s11 =	simm.s32 $0x3;
	[sflag:s10] =	ssyncset.done $0x0  }
0x1d: {  	s14 =	simm.s32 $0x80;
	s17 =	ssub.s32 $0x2, s16;
	[sflag:s10] =	ssyncadd.s32 $0xFFFFC000  }
0x1e: {  	s13 =	sshll.u32 s13, $0xC;
	s18 =	sshrl.u32 s17, $0x1;
	_ =	swait.ge [sflag:s11], $0x4000  }
0x1f: {  	s12 =	sadd.s32 s12, s13;
	s17 =	ssub.s32 s17, s18;
	[sflag:s11] =	ssyncset.done $0x0  }
0x20: {  	s13 =	simm.s32 $0x40;
	s18 =	smax.u32 s17, $0x1;
	[sflag:s11] =	ssyncadd.s32 $0xFFFFC000  }
0x21: {  	[hbm4b:s12+s13] =	stream.strided.scatter [tilespmem:s8], [sflag:$0x4], $0x4000, s14, s13, $0x38;
	[tilespmem:$0x18600] =	vst v63  }
0x22: {  	s16 =	simm.s32 $0x4;
	s15 =	sadd.s32 $0x8, s12;
	p0 =	sne.s32 s18, $0x1  }
0x23: {  	[hbm4b:s15+s13] =	stream.strided.scatter [tilespmem:s9], [sflag:$0x5], $0x4000, s14, s13, $0x38;
	[tilespmem:$0x18600] =	vst v63  }
.Ltmp1:
0x24: {  	_ =	swait.ge [sflag:s16], $0x4000;
	(pc) =	sbr.rel @!p0 .LBB2_3-.Ltmp1, $4  }
0x25: {  	[sflag:s16] =	ssyncset.done $0x0  }
0x26: {  	s17 =	simm.s32 $0x5;
	[sflag:s16] =	ssyncadd.s32 $0xFFFFC000  }
0x27: {  	_ =	swait.ge [sflag:s17], $0x4000  }
0x28: {  	s18 =	sadd.s32 $0xFFFFFFFF, s18;
	[sflag:s17] =	ssyncset.done $0x0  }
.LBB2_2:
0x29: {  	p0 =	sne.s32 s18, $0x1;
	s18 =	sadd.s32 $0xFFFFFFFF, s18;
	[sflag:s17] =	ssyncadd.s32 $0xFFFFC000  }
0x2a: {  	[tilespmem:s2], [sflag:$0x1] =	stream.linear.gather [hbm4b:s3+s2], $0x100, $0x38;
	[tilespmem:$0x18600] =	vst v63  }
0x2b: {  	_ = 	snop  }
0x2c: {  	[tilespmem:s5], [sflag:$0x1] =	stream.linear.gather [hbm4b:s4+s2], $0x100, $0x38;
	[tilespmem:$0x18600] =	vst v63  }
0x2d: {  	_ =	swait.ge [sflag:s6], $0x100  }
0x2e: {  	[sflag:s6] =	ssyncset.done $0x0  }
0x2f: {  	[sflag:s6] =	ssyncadd.s32 $0xFFFFFF00  }
0x30: {  	_ =	swait.ge [sflag:s6], $0x100  }
0x31: {  	[sflag:s6] =	ssyncset.done $0x0  }
0x32: {  	[sflag:s6] =	ssyncadd.s32 $0xFFFFFF00  }
0x33: {  	[tilespmem:s8], [sflag:$0x2] =	stream.indirect.gather [hbm4b:s7+s5], $0x40, s2, s5, $0xb8;
	[tilespmem:$0x18600] =	vst v63  }
0x34: {  	_ = 	snop  }
0x35: {  	[tilespmem:s9], [sflag:$0x3] =	stream.indirect.gather [hbm4b:s7+s5], $0x40, s5, s5, $0xb8;
	[tilespmem:$0x18600] =	vst v63  }
0x36: {  	_ =	swait.ge [sflag:s10], $0x4000  }
0x37: {  	[sflag:s10] =	ssyncset.done $0x0  }
0x38: {  	[sflag:s10] =	ssyncadd.s32 $0xFFFFC000  }
0x39: {  	_ =	swait.ge [sflag:s11], $0x4000  }
0x3a: {  	[sflag:s11] =	ssyncset.done $0x0  }
0x3b: {  	[sflag:s11] =	ssyncadd.s32 $0xFFFFC000  }
0x3c: {  	[hbm4b:s12+s13] =	stream.strided.scatter [tilespmem:s8], [sflag:$0x4], $0x4000, s14, s13, $0x38;
	[tilespmem:$0x18600] =	vst v63  }
0x3d: {  	_ = 	snop  }
0x3e: {  	[hbm4b:s15+s13] =	stream.strided.scatter [tilespmem:s9], [sflag:$0x5], $0x4000, s14, s13, $0x38;
	[tilespmem:$0x18600] =	vst v63  }
.Ltmp2:
0x3f: {  	_ =	swait.ge [sflag:s16], $0x4000;
	(pc) =	sbr.rel @p0 .LBB2_2-.Ltmp2, $4  }
0x40: {  	[sflag:s16] =	ssyncset.done $0x0  }
0x41: {  	[sflag:s16] =	ssyncadd.s32 $0xFFFFC000  }
0x42: {  	_ =	swait.ge [sflag:s17], $0x4000  }
0x43: {  	[sflag:s17] =	ssyncset.done $0x0  }
.LBB2_3:
0x44: {  	[sflag:s17] =	ssyncadd.s32 $0xFFFFC000  }
.LBB2_4:
0x45: {  	_ =	sfence.sel $0x180000  }
0x46: {  	[bflag:$0x0] =	sbarrier.arrive $0xFFFF  }
0x47: {  	p0 =	sne.s32 s1, $0x0;
	_ =	strace $0x90000047  }
0x48: {  	s0 =	sadd.s32 @!p0 $0x100000, s0;
	[bflag:$0x2] =	sbarrier.arrive $0xFFFF  }
0x49: {  	[sflag:s0] =	ssyncadd.tile.s32 @!p0 $0x1;
	_ =	shalt  }
.Lfunc_end2:
_tile_overlayer_lowered:
.L_overlay_start_2:
0x4a: {  	(tag) =	ssettag $0x2  }
0x4b: {  	s0 =	rddreg [dreg:$0x0];
	s2 =	stileid.u32  }
0x4c: {  	s1 =	rddreg [dreg:$0x1];
	p0 =	sne.s32 s2, $0x0  }
0x4d: {  	s3 =	rddreg [dreg:$0x2];
	[bflag:$0x3] =	sbarrier.arrive $0xFFFF;
	s2 =	simm.s32 @!p0 $0x1C06  }
0x4e: {  	[timem:s3], [sflag:s2] =	dma.local @!p0 [hbm:s0], s1  }
0x4f: {  	s0 =	simm.s32 @!p0 $0x6  }
0x50: {  	_ =	swait.ge @!p0 [sflag:s0], s1  }
0x51: {  	s1 =	ssub.s32 @!p0 $0x0, s1;
	[sflag:s0] =	ssyncset.done @!p0 $0x0  }
0x52: {  	[sflag:s0] =	ssyncadd.s32 @!p0 s1  }
0x53: {  	[bflag:$0x3] =	sbarrier.arrive $0xFFFF  }
0x54: {  	_ =	shalt  }

// kernel: _feature_prep.15.cloned.1.call-start
scs
__scs_entry_jumppad:
0x0: {  	(pc) =	sbr.rel $0x88, $3  }
0x1: {  	(tag) =	ssettag $0x0;
	lr =	simm.s32 $0x1  }
0x2: {  	[smem:$0x3F9E] =	sst lr;
	_ =	strace $0xD0000000  }
0x3: {  	_ = 	snop  }
0x4: {  	_ = 	snop  }
0x5: {  	_ = 	snop  }
0x6: {  	_ = 	snop  }
0x7: {  	_ = 	snop  }
__scs_overlays_trampoline_lowered:
0x8: {  	[smem:$0x3FAD] =	sst s0  }
0x9: {  	[smem:$0x3FAE] =	sst s1  }
0xa: {  	[smem:$0x3FAF] =	sst s2  }
0xb: {  	[smem:$0x3FB0] =	sst s3  }
0xc: {  	[smem:$0x3FB1] =	sst s4  }
0xd: {  	[smem:$0x3FB2] =	sst s5  }
0xe: {  	[smem:$0x3FB3] =	sst s6  }
0xf: {  	[smem:$0x3FB4] =	sst s7  }
0x10: {  	[smem:$0x3FB5] =	sst s8  }
0x11: {  	[smem:$0x3FB6] =	sst s9;
	s0 =	simm.s32 @!p0 $0x0  }
0x12: {  	s1 =	sld [smem:$0x3F9C];
	s0 =	simm.s32 @p0 $0x1  }
0x13: {  	[smem:$0x3FB7] =	sst s0;
	s0 =	simm.s32 @!p1 $0x0  }
0x14: {  	s2 =	sld [smem:$0x3F9B];
	s0 =	simm.s32 @p1 $0x1  }
0x15: {  	[smem:$0x3FB8] =	sst s0;
	s0 =	simm.s32 @!p2 $0x0  }
0x16: {  	s3 =	sld [smem:$0x3FDB];
	s0 =	simm.s32 @p2 $0x1  }
0x17: {  	s4 =	simm.s32 $0x1BF5;
	[smem:$0x3FBA] =	sst s0  }
0x18: {  	s0 =	sld [smem:$0x3F9D];
	_ =	swait.ge [sflag:s4], $0x0  }
0x19: {  	s7 =	sld [smem:$0x3F9E]  }
0x1a: {  	s8 =	sadd.s32 $0xFFFFE003, lr  }
0x1b: {  	s9 =	sadd.s32 $0xFFFFFEF7, lr;
	s5 =	simm.s32 $0xFFFFFFFF;
	p2 =	slt.u32 s8, $0xFFFFF086  }
0x1c: {  	p1 =	slt.u32 s9, $0xF7A;
	s5 =	simm.s32 @!p2 $0x0  }
0x1d: {  	s5 =	simm.s32 @p1 $0x1;
	p0 =	seq.s32 s7, s2  }
0x1e: {  	s7 =	smul.u32 @!p0 $0xF7A, s2;
	p2 =	seq.s32 @!p0 s5, $0x0  }
0x1f: {  	s9 =	smul.u32 $0xF7A, s1;
	s8 =	simm.s32 @!p0 $0x1BF5;
	p2 =	por !p2, p0  }
0x20: {  	[sflag:s8] =	ssyncset.s32 @!p0 $0xFFFFF086;
	s6 =	sadd.s32 @!p0 s3, s7;
	s7 =	simm.s32 @!p0 $0x108  }
0x21: {  	s3 =	sadd.s32 s3, s9;
	s6 =	sadd.s32 @!p0 $0x88, s6;
	s7 =	simm.s32 @p2 $0x1082  }
0x22: {  	[simem:s7], [sflag:s8] =	dma.local @!p0 [hbm:s6], $0xF7A  }
0x23: {  	s9 =	sor.u32 $0xD0000000, s2;
	s6 =	simm.s32 $0x108;
	_ =	swait.ge @!p0 [sflag:s8], $0x0  }
0x24: {  	s3 =	sadd.s32 $0x88, s3;
	s6 =	simm.s32 @!p1 $0x1082;
	[sflag:s4] =	ssyncset.s32 $0xFFFFF086  }
0x25: {  	[simem:s6], [sflag:s4] =	dma.local [hbm:s3], $0xF7A  }
0x26: {  	[smem:$0x3F9E] =	sst s1;
	(tag) =	ssettag s2;
	_ =	strace s9  }
0x27: {  	s1 =	sld [smem:$0x3FAE]  }
0x28: {  	s2 =	sld [smem:$0x3FAF]  }
0x29: {  	s4 =	sld [smem:$0x3FB1]  }
0x2a: {  	p0 =	seq.s32 s5, $0x0;
	s5 =	sld [smem:$0x3FB2]  }
0x2b: {  	s6 =	sld [smem:$0x3FB3]  }
0x2c: {  	s7 =	sld [smem:$0x3FB4]  }
0x2d: {  	s3 =	simm.s32 $0x108;
	s8 =	sld [smem:$0x3FB5]  }
0x2e: {  	s3 =	simm.s32 @!p0 $0x1082;
	s9 =	sld [smem:$0x3FB6]  }
0x2f: {  	lr =	sadd.s32 s0, s3;
	s0 =	sld [smem:$0x3FAD]  }
0x30: {  	s3 =	sld [smem:$0x3FB0]  }
0x31: {  	[smem:$0x3FB9] =	sst s10  }
0x32: {  	s10 =	sld [smem:$0x3FB7];
	_ =	sdelay $0x3  }
0x33: {  	p0 =	seq.s32 s10, $0x1;
	s10 =	sld [smem:$0x3FB9];
	_ =	sdelay $0x3  }
0x34: {  	[smem:$0x3FB9] =	sst s10  }
0x35: {  	s10 =	sld [smem:$0x3FB8];
	_ =	sdelay $0x3  }
0x36: {  	p1 =	seq.s32 s10, $0x1;
	s10 =	sld [smem:$0x3FB9];
	_ =	sdelay $0x3  }
0x37: {  	[smem:$0x3FB9] =	sst s10  }
0x38: {  	s10 =	sld [smem:$0x3FBA]  }
0x39: {  	_ = 	snop;
	(pc) =	sbr.ind lr, $3  }
0x3a: {  	_ = 	snop  }
0x3b: {  	_ = 	snop  }
0x3c: {  	p2 =	seq.s32 s10, $0x1;
	s10 =	sld [smem:$0x3FB9]  }
0x3d: {  	_ =	shalt  }
0x3e: {  	_ =	shalt  }
0x3f: {  	_ =	shalt  }
0x40: {  	_ =	shalt  }
0x41: {  	_ =	shalt  }
0x42: {  	_ =	shalt  }
0x43: {  	_ =	shalt  }
0x44: {  	_ =	shalt  }
0x45: {  	_ =	shalt  }
0x46: {  	_ =	shalt  }
0x47: {  	_ =	shalt  }
0x48: {  	_ =	shalt  }
0x49: {  	_ =	shalt  }
0x4a: {  	_ =	shalt  }
0x4b: {  	_ =	shalt  }
0x4c: {  	_ =	shalt  }
0x4d: {  	_ =	shalt  }
0x4e: {  	_ =	shalt  }
0x4f: {  	_ =	shalt  }
0x50: {  	_ =	shalt  }
0x51: {  	_ =	shalt  }
0x52: {  	_ =	shalt  }
0x53: {  	_ =	shalt  }
0x54: {  	_ =	shalt  }
0x55: {  	_ =	shalt  }
0x56: {  	_ =	shalt  }
0x57: {  	_ =	shalt  }
0x58: {  	_ =	shalt  }
0x59: {  	_ =	shalt  }
0x5a: {  	_ =	shalt  }
0x5b: {  	_ =	shalt  }
0x5c: {  	_ =	shalt  }
0x5d: {  	_ =	shalt  }
0x5e: {  	_ =	shalt  }
0x5f: {  	_ =	shalt  }
0x60: {  	_ =	shalt  }
0x61: {  	_ =	shalt  }
0x62: {  	_ =	shalt  }
0x63: {  	_ =	shalt  }
0x64: {  	_ =	shalt  }
0x65: {  	_ =	shalt  }
0x66: {  	_ =	shalt  }
0x67: {  	_ =	shalt  }
0x68: {  	_ =	shalt  }
0x69: {  	_ =	shalt  }
0x6a: {  	_ =	shalt  }
0x6b: {  	_ =	shalt  }
0x6c: {  	_ =	shalt  }
0x6d: {  	_ =	shalt  }
0x6e: {  	_ =	shalt  }
0x6f: {  	_ =	shalt  }
0x70: {  	_ =	shalt  }
0x71: {  	_ =	shalt  }
0x72: {  	_ =	shalt  }
0x73: {  	_ =	shalt  }
0x74: {  	_ =	shalt  }
0x75: {  	_ =	shalt  }
0x76: {  	_ =	shalt  }
0x77: {  	_ =	shalt  }
0x78: {  	_ =	shalt  }
0x79: {  	_ =	shalt  }
0x7a: {  	_ =	shalt  }
0x7b: {  	_ =	shalt  }
0x7c: {  	_ =	shalt  }
0x7d: {  	_ =	shalt  }
0x7e: {  	_ =	shalt  }
0x7f: {  	_ =	shalt  }
0x80: {  	_ =	shalt  }
0x81: {  	_ =	shalt  }
0x82: {  	_ =	shalt  }
0x83: {  	_ =	shalt  }
0x84: {  	_ =	shalt  }
0x85: {  	_ =	shalt  }
0x86: {  	_ =	shalt  }
0x87: {  	_ =	shalt  }
.Lfunc_end0:
.L_simem_size_0:
called_computation.1_lowered:
.L_overlay_start_0:
0x88: {  	s2 =	sld [smem:$0x3FD9]  }
0x89: {  	s3 =	sld [smem:$0x3FFE];
	_ =	sdelay $0x1  }
0x8a: {  	s1 =	srdreg.scid  }
0x8b: {  	s0 =	sand.u32 $0x1, s1  }
0x8c: {  	s17 =	sshll.u32 s0, $0xA;
	s2 =	sadd.s32 s3, s2  }
0x8d: {  	s2 =	sadd.s32 s2, s17  }
0x8e: {  	[smem:$0x3FC5] =	sst s2  }
0x8f: {  	_ = 	snop  }
0x90: {  	(tm) =	ssettm $0x1  }
0x91: {  	s18 =	sld [smem:$0x3FFB];
	_ =	sdelay $0x3  }
0x92: {  	_ =	strace s18  }
0x93: {  	s2 =	sld [smem:$0x3FFC];
	_ =	sdelay $0x3  }
0x94: {  	_ =	strace s2  }
0x95: {  	s2 =	sld [smem:$0x3FFD];
	_ =	sdelay $0x3  }
0x96: {  	_ =	strace s2  }
0x97: {  	_ =	strace $0x8FFFFFFF  }
0x98: {  	s19 =	sld [smem:$0x3FDB];
	_ =	sdelay $0x1  }
0x99: {  	s20 =	simm.s32 $_scs_section_size  }
0x9a: {  	s4 =	simm.s32 $_size__tile_overlayer_lowered;
	s5 =	simm.s32 $_tile_overlayer_lowered  }
0x9b: {  	s6 =	simm.s32 $0x1BFF;
	s21 =	sshll.u32 s5, $0x1;
	s3 =	sadd.s32 s20, s19  }
0x9c: {  	s22 =	simm.s32 $0x0;
	s4 =	sshll.u32 s4, $0x1;
	s5 =	sadd.s32 s21, s3  }
0x9d: {  	[timem:s22], [sflag:s6] =	dma.local [hbm:s5], s4  }
0x9e: {  	_ =	swait.ge [sflag:s6], s4  }
0x9f: {  	s4 =	ssub.s32 $0x0, s4;
	[sflag:s6] =	ssyncset.done $0x0  }
0xa0: {  	[sflag:s6] =	ssyncadd.s32 s4;
	_ =	sdelay $0x1  }
0xa1: {  	s23 =	simm.s32 $0x1B8B  }
0xa2: {  	_ =	swait.ge [sflag:s23], $0x1  }
0xa3: {  	[sflag:s23] =	ssyncset.done $0x0  }
0xa4: {  	[sflag:s23] =	ssyncadd.s32 $0xFFFFFFFF  }
0xa5: {  	s4 =	sld [smem:$0x0]  }
0xa6: {  	s5 =	sand.u32 $0xFFFFFFFE, s1  }
0xa7: {  	p0 =	sne.s32 s1, s5  }
0xa8: {  	s5 =	sshll.u32 @p0 s5, $0xE  }
0xa9: {  	s5 =	sadd.s32 @p0 $0x11B8D, s5;
	s6 =	sshll.u32 @p0 s4, $0x11  }
0xaa: {  	s5 =	sor.u32 @p0 s6, s5  }
0xab: {  	[sflag:s5] =	ssyncadd.remote.s32 @p0 $0x1;
	_ =	sdelay $0x1  }
0xac: {  	s5 =	simm.s32 @p0 $0x1B8D  }
0xad: {  	_ =	swait.eq @p0 [sflag:s5], $0x1  }
0xae: {  	[sflag:s5] =	ssyncadd.s32 @p0 $0xFFFFFFFF  }
0xaf: {  	s6 =	sshll.u32 @!p0 s1, $0xE  }
0xb0: {  	s6 =	sor.u32 @!p0 $0x4000, s6;
	s5 =	simm.s32 @!p0 $0x1B8D  }
0xb1: {  	s4 =	sshll.u32 @!p0 s4, $0x11;
	s6 =	sadd.s32 @!p0 $0x11B8D, s6;
	_ =	swait.eq @!p0 [sflag:s5], $0x1  }
0xb2: {  	s4 =	sor.u32 @!p0 s4, s6;
	[sflag:s5] =	ssyncadd.s32 @!p0 $0xFFFFFFFF  }
0xb3: {  	s25 =	simm.s32 $0x1B8E;
	s24 =	sld [smem:$0x3FFE];
	[sflag:s4] =	ssyncadd.remote.s32 @!p0 $0x1  }
0xb4: {  	s26 =	simm.s32 $execute0_lowered;
	[smem:$0x3FD2] =	sst s25  }
0xb5: {  	s5 =	sshll.u32 s26, $0x1;
	_ =	strace $0x80000049;
	[dreg:$0x1] =	wrdreg $0xFFFFFFFF  }
0xb6: {  	s28 =	simm.s32 $_size_execute0_lowered;
	s3 =	sadd.s32 s3, s5;
	[dreg:$0x0] =	wrdreg $0x0  }
0xb7: {  	s5 =	sshll.u32 s28, $0x1;
	[dreg:$0x2] =	wrdreg s3  }
0xb8: {  	[dreg:$0x3] =	wrdreg s5  }
0xb9: {  	[dreg:$0x4] =	wrdreg $0xC0  }
0xba: {  	_ =	task [dreg:s22], $0x5FFFF  }
0xbb: {  	[dreg:$0x1] =	wrdreg $0xFFFFFFFF  }
0xbc: {  	[dreg:$0x0] =	wrdreg $0x60  }
0xbd: {  	[dreg:$0x2] =	wrdreg s24  }
0xbe: {  	[dreg:$0x3] =	wrdreg $0xA  }
0xbf: {  	_ =	task.clear_ibuf [dreg:s22], $0x4FFFF;
	_ =	strace $0x90000049  }
0xc0: {  	s29 =	simm.s32 $0xA;
	_ =	strace $0x8000004B  }
0xc1: {  	_ =	swait.ge [sflag:s29], $0x1  }
0xc2: {  	[sflag:s29] =	ssyncadd.s32 $0xFFFFFFFF  }
0xc3: {  	_ =	strace $0x9000004B  }
0xc4: {  	_ =	sfence  }
0xc5: {  	s30 =	sld [smem:$0x0];
	_ =	sdelay $0x2  }
0xc6: {  	s31 =	sshll.u32 s1, $0xD;
	s1 =	sshrl.u32 s1, $0x2  }
0xc7: {  	s4 =	sand.u32 $0x4000, s31;
	s1 =	sadd.s32 s1, s30  }
0xc8: {  	s0 =	sor.u32 s4, s0;
	s1 =	sshll.u32 s1, $0x11  }
0xc9: {  	s0 =	sor.u32 s1, s0  }
0xca: {  	s0 =	sadd.s32 $0x8F2B, s0  }
0xcb: {  	[sflag:s0] =	ssyncadd.remote.s32 $0x1  }
0xcc: {  	_ =	sfence.sel $0xFFFF  }
0xcd: {  	[dreg:$0x0] =	wrdreg $0xFFFFFFFF;
	(pc) =	sbr.abs _section_cstart, $3  }
0xce: {  	[dreg:$0x1] =	wrdreg $0xFFFFFFFF  }
0xcf: {  	_ =	task.clear_ibuf [dreg:s22], $0x2FFFF;
	_ =	strace $0x9FFFFFFF  }
0xd0: {  	(tm) =	ssettm $0x7FFFFFFF  }
0xd1: {  	_ =	shalt  }
tec
execute0_lowered:
.L_overlay_start_1:
0x0: {  	(tag) =	ssettag $0x1  }
0x1: {  	s0 =	srdreg.scid;
	s4 =	rddreg [dreg:$0x0]  }
0x2: {  	s13 =	stileid.u32;
	s14 =	rddreg [dreg:$0x1]  }
0x3: {  	s12 =	simm.s32 $0x0;
	s10 =	simm.s32 $0x100;
	s11 =	simm.s32 $0x2  }
0x4: {  	s17 =	simm.s32 $0x600;
	s18 =	simm.s32 $0xC600;
	s8 =	simm.s32 $0x4  }
0x5: {  	p1 =	por $0x0, $0x0;
	s0 =	sand.u32 $0x1, s0;
	s1 =	sshll.u32 s13, $0x1  }
0x6: {  	s2 =	sshll.u32 s13, $0xA;
	[smem:$0x7FF] =	sst s12;
	s5 =	sadd.s32 $0x3E00, s4  }
0x7: {  	s7 =	sadd.s32 $0x3E80, s4;
	p0 =	sgt.u32 s13, $0x5;
	s1 =	sor.u32 s0, s1  }
0x8: {  	s2 =	sand.u32 $0x3800, s2;
	_ =	strace $0x8000004A;
	s0 =	ssub.s32 $0x2, s0  }
0x9: {  	s3 =	sshll.u32 s1, $0x8;
	s1 =	sshll.u32 s1, $0xC;
	s30 =	sshrl.u32 s0, $0x1  }
0xa: {  	s3 =	sand.u32 $0x300, s3;
	s1 =	sadd.s32 s1, s4;
	s0 =	ssub.s32 s0, s30  }
0xb: {  	s2 =	sor.u32 s3, s2;
	s28 =	sadd.s32 $0x7000, s1;
	s29 =	sadd.s32 $0x7008, s1  }
0xc: {  	s31 =	sadd.s32 $0x27000, s1;
	s0 =	smax.u32 s0, $0x1;
	[dreg:$0x6] =	wrdreg s28  }
0xd: {  	s3 =	sadd.s32 $0x2800, s2;
	s2 =	sadd.s32 $0x6800, s2;
	[dreg:$0x7] =	wrdreg s29  }
0xe: {  	[dreg:$0x8] =	wrdreg s31;
	s9 =	sadd.s32 $0xFFFFFFFF, s0;
	s3 =	sshrl.u32 s3, $0x3  }
0xf: {  	s2 =	sshrl.u32 s2, $0x3;
	p2 =	sne.s32 s9, $0x0;
	s6 =	sadd.s32 s5, s3  }
.Ltmp0:
0x10: {  	s3 =	sadd.s32 s3, s7;
	[dreg:$0x2] =	wrdreg s6;
	(pc) =	sbr.rel @!p2 .LBB2_1-.Ltmp0, $4  }
0x11: {  	s26 =	sadd.s32 s5, s2;
	s2 =	sadd.s32 s2, s7;
	[dreg:$0x3] =	wrdreg s3  }
0x12: {  	s7 =	simm.s32 $0x3;
	s5 =	simm.s32 $0x80;
	[dreg:$0x4] =	wrdreg s26  }
0x13: {  	s3 =	sadd.s32 $0x1E00, s4;
	[dreg:$0x5] =	wrdreg s2;
	s2 =	sadd.s32 $0x27008, s1  }
0x14: {  	s4 =	simm.s32 $0x40;
	s6 =	simm.s32 $0x5;
	s15 =	rddreg [dreg:$0x2]  }
0x15: {  	[tilespmem:s12], [sflag:$0x1] =	stream.linear.gather [hbm4b:s15+s12], $0x100, $0x38;
	[tilespmem:$0x18600] =	vst v63  }
0x16: {  	s0 =	rddreg [dreg:$0x3];
	s14 =	simm.s32 @p0 $0x1  }
0x17: {  	[tilespmem:s10], [sflag:$0x1] =	stream.linear.gather [hbm4b:s0+s12], $0x100, $0x38;
	[tilespmem:$0x18600] =	vst v63  }
0x18: {  	_ =	swait.ge @p0 [sflag:s14], $0x100  }
0x19: {  	[sflag:s14] =	ssyncset.done @p0 $0x0  }
0x1a: {  	[sflag:s14] =	ssyncadd.s32 @p0 $0xFFFFFF00  }
0x1b: {  	_ =	swait.ge @p0 [sflag:s14], $0x100  }
0x1c: {  	s16 =	simm.s32 @p0 $0x100;
	[sflag:s14] =	ssyncset.done @p0 $0x0  }
0x1d: {  	s1 =	simm.s32 @p0 $0x0;
	s0 =	simm.s32 @p0 $0x600;
	[sflag:s14] =	ssyncadd.s32 @p0 $0xFFFFFF00  }
0x1e: {  	[tilespmem:s0], [sflag:$0x2] =	stream.indirect.gather @p0 [hbm4b:s3+s16], $0x40, s1, s16, $0xb8;
	[tilespmem:$0x18600] =	vst v63  }
0x1f: {  	s1 =	simm.s32 @p0 $0xC600  }
0x20: {  	[tilespmem:s1], [sflag:$0x3] =	stream.indirect.gather @p0 [hbm4b:s3+s16], $0x40, s16, s16, $0xb8;
	[tilespmem:$0x18600] =	vst v63  }
0x21: {  	s19 =	simm.s32 @!p0 $0x0;
	s20 =	simm.s32 @!p0 $0x200;
	s0 =	rddreg [dreg:$0x4]  }
0x22: {  	[tilespmem:s20], [sflag:$0x6] =	stream.linear.gather @!p0 [hbm4b:s0+s19], $0x100, $0x38;
	[tilespmem:$0x18600] =	vst v63  }
0x23: {  	s21 =	simm.s32 @!p0 $0x300;
	s22 =	simm.s32 @!p0 $0x1;
	s1 =	rddreg [dreg:$0x5]  }
0x24: {  	[tilespmem:s21], [sflag:$0x6] =	stream.linear.gather @!p0 [hbm4b:s1+s19], $0x100, $0x38;
	[tilespmem:$0x18600] =	vst v63  }
0x25: {  	_ =	swait.ge @!p0 [sflag:s22], $0x100  }
0x26: {  	[sflag:s22] =	ssyncset.done @!p0 $0x0  }
0x27: {  	[sflag:s22] =	ssyncadd.s32 @!p0 $0xFFFFFF00  }
0x28: {  	_ =	swait.ge @!p0 [sflag:s22], $0x100  }
0x29: {  	[sflag:s22] =	ssyncset.done @!p0 $0x0  }
0x2a: {  	s23 =	simm.s32 @!p0 $0x100;
	s0 =	simm.s32 @!p0 $0x600;
	[sflag:s22] =	ssyncadd.s32 @!p0 $0xFFFFFF00  }
0x2b: {  	[tilespmem:s0], [sflag:$0x2] =	stream.indirect.gather @!p0 [hbm4b:s3+s23], $0x40, s19, s23, $0xb8;
	[tilespmem:$0x18600] =	vst v63  }
0x2c: {  	s26 =	simm.s32 @!p0 $0x6;
	s0 =	simm.s32 @!p0 $0xC600  }
0x2d: {  	[tilespmem:s0], [sflag:$0x3] =	stream.indirect.gather @!p0 [hbm4b:s3+s23], $0x40, s23, s23, $0xb8;
	[tilespmem:$0x18600] =	vst v63  }
0x2e: {  	_ =	swait.ge @!p0 [sflag:s26], $0x100  }
0x2f: {  	[sflag:s26] =	ssyncset.done @!p0 $0x0  }
0x30: {  	[sflag:s26] =	ssyncadd.s32 @!p0 $0xFFFFFF00  }
0x31: {  	_ =	swait.ge @!p0 [sflag:s26], $0x100  }
0x32: {  	[sflag:s26] =	ssyncset.done @!p0 $0x0  }
0x33: {  	s28 =	simm.s32 @!p0 $0x4600;
	[sflag:s26] =	ssyncadd.s32 @!p0 $0xFFFFFF00  }
0x34: {  	[tilespmem:s28], [sflag:$0x7] =	stream.indirect.gather @!p0 [hbm4b:s3+s23], $0x40, s20, s23, $0xb8;
	[tilespmem:$0x18600] =	vst v63  }
0x35: {  	s29 =	simm.s32 @!p0 $0x10600  }
0x36: {  	[tilespmem:s29], [sflag:$0x8] =	stream.indirect.gather @!p0 [hbm4b:s3+s23], $0x40, s21, s23, $0xb8;
	[tilespmem:$0x18600] =	vst v63  }
0x37: {  	_ =	swait.ge [sflag:s11], $0x4000  }
0x38: {  	[sflag:s11] =	ssyncset.done $0x0  }
0x39: {  	[sflag:s11] =	ssyncadd.s32 $0xFFFFC000  }
0x3a: {  	_ =	swait.ge [sflag:s7], $0x4000  }
0x3b: {  	[sflag:s7] =	ssyncset.done $0x0  }
0x3c: {  	s24 =	rddreg [dreg:$0x6];
	[sflag:s7] =	ssyncadd.s32 $0xFFFFC000  }
0x3d: {  	[hbm4b:s24+s4] =	stream.strided.scatter [tilespmem:s17], [sflag:$0x4], $0x4000, s5, s4, $0x38;
	[tilespmem:$0x18600] =	vst v63  }
0x3e: {  	s25 =	rddreg [dreg:$0x7]  }
0x3f: {  	[hbm4b:s25+s4] =	stream.strided.scatter [tilespmem:s18], [sflag:$0x5], $0x4000, s5, s4, $0x38;
	[tilespmem:$0x18600] =	vst v63  }
0x40: {  	_ =	swait.ge [sflag:s8], $0x4000  }
0x41: {  	[sflag:s8] =	ssyncset.done $0x0  }
0x42: {  	[sflag:s8] =	ssyncadd.s32 $0xFFFFC000  }
0x43: {  	_ =	swait.ge [sflag:s6], $0x4000  }
0x44: {  	[sflag:s6] =	ssyncset.done $0x0  }
0x45: {  	s30 =	simm.s32 @!p0 $0x7;
	[sflag:s6] =	ssyncadd.s32 $0xFFFFC000  }
0x46: {  	_ =	swait.ge @!p0 [sflag:s30], $0x4000  }
0x47: {  	[sflag:s30] =	ssyncset.done @!p0 $0x0  }
0x48: {  	s31 =	simm.s32 @!p0 $0x8;
	[sflag:s30] =	ssyncadd.s32 @!p0 $0xFFFFC000  }
0x49: {  	_ =	swait.ge @!p0 [sflag:s31], $0x4000  }
0x4a: {  	s13 =	sadd.s32 $0xFFFFFFFF, s9;
	s1 =	simm.s32 @!p0 $0x40;
	[sflag:s31] =	ssyncset.done @!p0 $0x0  }
0x4b: {  	s0 =	simm.s32 @!p0 $0x80;
	s10 =	rddreg [dreg:$0x8];
	[sflag:s31] =	ssyncadd.s32 @!p0 $0xFFFFC000  }
0x4c: {  	[hbm4b:s10+s1] =	stream.strided.scatter @!p0 [tilespmem:s28], [sflag:$0x9], $0x4000, s0, s1, $0x38;
	[tilespmem:$0x18600] =	vst v63  }
0x4d: {  	p2 =	sne.s32 s13, $0x0;
	s10 =	simm.s32 @!p0 $0x9  }
0x4e: {  	[hbm4b:s2+s1] =	stream.strided.scatter @!p0 [tilespmem:s29], [sflag:$0xA], $0x4000, s0, s1, $0x38;
	[tilespmem:$0x18600] =	vst v63  }
.Ltmp1:
0x4f: {  	_ =	swait.ge @!p0 [sflag:s10], $0x4000;
	(pc) =	sbr.rel @!p2 .LBB2_3-.Ltmp1, $4  }
0x50: {  	[sflag:s10] =	ssyncset.done @!p0 $0x0  }
0x51: {  	s9 =	simm.s32 @!p0 $0xA;
	p1 =	por $0x1, $0x1;
	[sflag:s10] =	ssyncadd.s32 @!p0 $0xFFFFC000  }
0x52: {  	s24 =	simm.s32 $0xC600;
	s25 =	simm.s32 $0x100;
	_ =	swait.ge @!p0 [sflag:s9], $0x4000  }
0x53: {  	s18 =	simm.s32 $0x600;
	s15 =	rddreg [dreg:$0x2];
	[sflag:s9] =	ssyncset.done @!p0 $0x0  }
.LBB2_4:
0x54: {  	[sflag:s9] =	ssyncadd.s32 @!p0 $0xFFFFC000  }
0x55: {  	[tilespmem:s12], [sflag:$0x1] =	stream.linear.gather [hbm4b:s15+s12], $0x100, $0x38;
	[tilespmem:$0x18600] =	vst v63  }
0x56: {  	s17 =	rddreg [dreg:$0x3]  }
0x57: {  	[tilespmem:s25], [sflag:$0x1] =	stream.linear.gather [hbm4b:s17+s12], $0x100, $0x38;
	[tilespmem:$0x18600] =	vst v63  }
0x58: {  	_ =	swait.ge @p0 [sflag:s14], $0x100  }
0x59: {  	[sflag:s14] =	ssyncset.done @p0 $0x0  }
0x5a: {  	[sflag:s14] =	ssyncadd.s32 @p0 $0xFFFFFF00  }
0x5b: {  	_ =	swait.ge @p0 [sflag:s14], $0x100  }
0x5c: {  	[sflag:s14] =	ssyncset.done @p0 $0x0  }
0x5d: {  	s15 =	simm.s32 @p0 $0x600;
	s17 =	simm.s32 @p0 $0x0;
	[sflag:s14] =	ssyncadd.s32 @p0 $0xFFFFFF00  }
0x5e: {  	[tilespmem:s15], [sflag:$0x2] =	stream.indirect.gather @p0 [hbm4b:s3+s16], $0x40, s17, s16, $0xb8;
	[tilespmem:$0x18600] =	vst v63  }
0x5f: {  	s17 =	simm.s32 @p0 $0xC600  }
0x60: {  	[tilespmem:s17], [sflag:$0x3] =	stream.indirect.gather @p0 [hbm4b:s3+s16], $0x40, s16, s16, $0xb8;
	[tilespmem:$0x18600] =	vst v63  }
0x61: {  	s15 =	rddreg [dreg:$0x4]  }
0x62: {  	[tilespmem:s20], [sflag:$0x6] =	stream.linear.gather @!p0 [hbm4b:s15+s19], $0x100, $0x38;
	[tilespmem:$0x18600] =	vst v63  }
0x63: {  	s17 =	rddreg [dreg:$0x5]  }
0x64: {  	[tilespmem:s21], [sflag:$0x6] =	stream.linear.gather @!p0 [hbm4b:s17+s19], $0x100, $0x38;
	[tilespmem:$0x18600] =	vst v63  }
0x65: {  	_ =	swait.ge @!p0 [sflag:s22], $0x100  }
0x66: {  	[sflag:s22] =	ssyncset.done @!p0 $0x0  }
0x67: {  	[sflag:s22] =	ssyncadd.s32 @!p0 $0xFFFFFF00  }
0x68: {  	_ =	swait.ge @!p0 [sflag:s22], $0x100  }
0x69: {  	[sflag:s22] =	ssyncset.done @!p0 $0x0  }
0x6a: {  	s15 =	simm.s32 @!p0 $0x600;
	[sflag:s22] =	ssyncadd.s32 @!p0 $0xFFFFFF00  }
0x6b: {  	[tilespmem:s15], [sflag:$0x2] =	stream.indirect.gather @!p0 [hbm4b:s3+s23], $0x40, s19, s23, $0xb8;
	[tilespmem:$0x18600] =	vst v63  }
0x6c: {  	s15 =	simm.s32 @!p0 $0xC600  }
0x6d: {  	[tilespmem:s15], [sflag:$0x3] =	stream.indirect.gather @!p0 [hbm4b:s3+s23], $0x40, s23, s23, $0xb8;
	[tilespmem:$0x18600] =	vst v63  }
0x6e: {  	_ =	swait.ge @!p0 [sflag:s26], $0x100  }
0x6f: {  	[sflag:s26] =	ssyncset.done @!p0 $0x0  }
0x70: {  	[sflag:s26] =	ssyncadd.s32 @!p0 $0xFFFFFF00  }
0x71: {  	_ =	swait.ge @!p0 [sflag:s26], $0x100  }
0x72: {  	[sflag:s26] =	ssyncset.done @!p0 $0x0  }
0x73: {  	[sflag:s26] =	ssyncadd.s32 @!p0 $0xFFFFFF00  }
0x74: {  	[tilespmem:s28], [sflag:$0x7] =	stream.indirect.gather @!p0 [hbm4b:s3+s23], $0x40, s20, s23, $0xb8;
	[tilespmem:$0x18600] =	vst v63  }
0x75: {  	_ = 	snop  }
0x76: {  	[tilespmem:s29], [sflag:$0x8] =	stream.indirect.gather @!p0 [hbm4b:s3+s23], $0x40, s21, s23, $0xb8;
	[tilespmem:$0x18600] =	vst v63  }
0x77: {  	_ =	swait.ge [sflag:s11], $0x4000  }
0x78: {  	[sflag:s11] =	ssyncset.done $0x0  }
0x79: {  	[sflag:s11] =	ssyncadd.s32 $0xFFFFC000  }
0x7a: {  	_ =	swait.ge [sflag:s7], $0x4000  }
0x7b: {  	[sflag:s7] =	ssyncset.done $0x0  }
0x7c: {  	s15 =	rddreg [dreg:$0x6];
	[sflag:s7] =	ssyncadd.s32 $0xFFFFC000  }
0x7d: {  	[hbm4b:s15+s4] =	stream.strided.scatter [tilespmem:s18], [sflag:$0x4], $0x4000, s5, s4, $0x38;
	[tilespmem:$0x18600] =	vst v63  }
0x7e: {  	s17 =	rddreg [dreg:$0x7]  }
0x7f: {  	[hbm4b:s17+s4] =	stream.strided.scatter [tilespmem:s24], [sflag:$0x5], $0x4000, s5, s4, $0x38;
	[tilespmem:$0x18600] =	vst v63  }
0x80: {  	_ =	swait.ge [sflag:s8], $0x4000  }
0x81: {  	[sflag:s8] =	ssyncset.done $0x0  }
0x82: {  	[sflag:s8] =	ssyncadd.s32 $0xFFFFC000  }
0x83: {  	_ =	swait.ge [sflag:s6], $0x4000  }
0x84: {  	[sflag:s6] =	ssyncset.done $0x0  }
0x85: {  	[sflag:s6] =	ssyncadd.s32 $0xFFFFC000  }
0x86: {  	_ =	swait.ge @!p0 [sflag:s30], $0x4000  }
0x87: {  	[sflag:s30] =	ssyncset.done @!p0 $0x0  }
0x88: {  	[sflag:s30] =	ssyncadd.s32 @!p0 $0xFFFFC000  }
0x89: {  	_ =	swait.ge @!p0 [sflag:s31], $0x4000  }
0x8a: {  	[sflag:s31] =	ssyncset.done @!p0 $0x0  }
0x8b: {  	s13 =	sadd.s32 $0xFFFFFFFF, s13;
	s15 =	rddreg [dreg:$0x8];
	[sflag:s31] =	ssyncadd.s32 @!p0 $0xFFFFC000  }
0x8c: {  	[hbm4b:s15+s1] =	stream.strided.scatter @!p0 [tilespmem:s28], [sflag:$0x9], $0x4000, s0, s1, $0x38;
	[tilespmem:$0x18600] =	vst v63  }
0x8d: {  	p2 =	sne.s32 s13, $0x0  }
0x8e: {  	[hbm4b:s2+s1] =	stream.strided.scatter @!p0 [tilespmem:s29], [sflag:$0xA], $0x4000, s0, s1, $0x38;
	[tilespmem:$0x18600] =	vst v63  }
.Ltmp2:
0x8f: {  	_ =	swait.ge @!p0 [sflag:s10], $0x4000;
	(pc) =	sbr.rel @p2 .LBB2_4-.Ltmp2, $4  }
0x90: {  	[sflag:s10] =	ssyncset.done @!p0 $0x0  }
0x91: {  	[sflag:s10] =	ssyncadd.s32 @!p0 $0xFFFFC000  }
0x92: {  	_ =	swait.ge @!p0 [sflag:s9], $0x4000  }
0x93: {  	s15 =	rddreg [dreg:$0x2];
	[sflag:s9] =	ssyncset.done @!p0 $0x0  }
0x94: {  	s13 =	stileid.u32;
	s14 =	rddreg [dreg:$0x1]  }
0x95: {  	s17 =	simm.s32 $0x600;
	s18 =	simm.s32 $0xC600;
	s10 =	simm.s32 $0x100  }
.LBB2_6:
0x96: {  	p1 =	por p0, !p1  }
0x97: {  	[sflag:s9] =	ssyncadd.s32 @!p1 $0xFFFFC000  }
0x98: {  	[tilespmem:s12], [sflag:$0x1] =	stream.linear.gather [hbm4b:s15+s12], $0x100, $0x38;
	[tilespmem:$0x18600] =	vst v63  }
0x99: {  	s0 =	rddreg [dreg:$0x3];
	s1 =	simm.s32 @p0 $0x1  }
0x9a: {  	[tilespmem:s10], [sflag:$0x1] =	stream.linear.gather [hbm4b:s0+s12], $0x100, $0x38;
	[tilespmem:$0x18600] =	vst v63  }
0x9b: {  	_ =	swait.ge @p0 [sflag:s1], $0x100  }
0x9c: {  	[sflag:s1] =	ssyncset.done @p0 $0x0  }
0x9d: {  	[sflag:s1] =	ssyncadd.s32 @p0 $0xFFFFFF00  }
0x9e: {  	_ =	swait.ge @p0 [sflag:s1], $0x100  }
0x9f: {  	s9 =	simm.s32 @p0 $0x0;
	[sflag:s1] =	ssyncset.done @p0 $0x0  }
0xa0: {  	s0 =	simm.s32 @p0 $0x600;
	[sflag:s1] =	ssyncadd.s32 @p0 $0xFFFFFF00;
	s1 =	simm.s32 @p0 $0x100  }
0xa1: {  	[tilespmem:s0], [sflag:$0x2] =	stream.indirect.gather @p0 [hbm4b:s3+s1], $0x40, s9, s1, $0xb8;
	[tilespmem:$0x18600] =	vst v63  }
0xa2: {  	s0 =	simm.s32 @p0 $0xC600  }
0xa3: {  	[tilespmem:s0], [sflag:$0x3] =	stream.indirect.gather @p0 [hbm4b:s3+s1], $0x40, s1, s1, $0xb8;
	[tilespmem:$0x18600] =	vst v63  }
0xa4: {  	s9 =	rddreg [dreg:$0x4];
	s0 =	simm.s32 @!p0 $0x0;
	s1 =	simm.s32 @!p0 $0x200  }
0xa5: {  	[tilespmem:s1], [sflag:$0x6] =	stream.linear.gather @!p0 [hbm4b:s9+s0], $0x100, $0x38;
	[tilespmem:$0x18600] =	vst v63  }
0xa6: {  	s12 =	simm.s32 @!p0 $0x1;
	s10 =	rddreg [dreg:$0x5];
	s9 =	simm.s32 @!p0 $0x300  }
0xa7: {  	[tilespmem:s9], [sflag:$0x6] =	stream.linear.gather @!p0 [hbm4b:s10+s0], $0x100, $0x38;
	[tilespmem:$0x18600] =	vst v63  }
0xa8: {  	_ =	swait.ge @!p0 [sflag:s12], $0x100  }
0xa9: {  	[sflag:s12] =	ssyncset.done @!p0 $0x0  }
0xaa: {  	[sflag:s12] =	ssyncadd.s32 @!p0 $0xFFFFFF00  }
0xab: {  	_ =	swait.ge @!p0 [sflag:s12], $0x100  }
0xac: {  	[sflag:s12] =	ssyncset.done @!p0 $0x0  }
0xad: {  	s10 =	simm.s32 @!p0 $0x100;
	[sflag:s12] =	ssyncadd.s32 @!p0 $0xFFFFFF00;
	s12 =	simm.s32 @!p0 $0x600  }
0xae: {  	[tilespmem:s12], [sflag:$0x2] =	stream.indirect.gather @!p0 [hbm4b:s3+s10], $0x40, s0, s10, $0xb8;
	[tilespmem:$0x18600] =	vst v63  }
0xaf: {  	s0 =	simm.s32 @!p0 $0xC600;
	s12 =	simm.s32 @!p0 $0x6  }
0xb0: {  	[tilespmem:s0], [sflag:$0x3] =	stream.indirect.gather @!p0 [hbm4b:s3+s10], $0x40, s10, s10, $0xb8;
	[tilespmem:$0x18600] =	vst v63  }
0xb1: {  	_ =	swait.ge @!p0 [sflag:s12], $0x100  }
0xb2: {  	[sflag:s12] =	ssyncset.done @!p0 $0x0  }
0xb3: {  	[sflag:s12] =	ssyncadd.s32 @!p0 $0xFFFFFF00  }
0xb4: {  	_ =	swait.ge @!p0 [sflag:s12], $0x100  }
0xb5: {  	[sflag:s12] =	ssyncset.done @!p0 $0x0  }
0xb6: {  	s0 =	simm.s32 @!p0 $0x4600;
	[sflag:s12] =	ssyncadd.s32 @!p0 $0xFFFFFF00  }
0xb7: {  	[tilespmem:s0], [sflag:$0x7] =	stream.indirect.gather @!p0 [hbm4b:s3+s10], $0x40, s1, s10, $0xb8;
	[tilespmem:$0x18600] =	vst v63  }
0xb8: {  	s1 =	simm.s32 @!p0 $0x10600  }
0xb9: {  	[tilespmem:s1], [sflag:$0x8] =	stream.indirect.gather @!p0 [hbm4b:s3+s10], $0x40, s9, s10, $0xb8;
	[tilespmem:$0x18600] =	vst v63  }
0xba: {  	_ =	swait.ge [sflag:s11], $0x4000  }
0xbb: {  	[sflag:s11] =	ssyncset.done $0x0  }
0xbc: {  	[sflag:s11] =	ssyncadd.s32 $0xFFFFC000  }
0xbd: {  	_ =	swait.ge [sflag:s7], $0x4000  }
0xbe: {  	[sflag:s7] =	ssyncset.done $0x0  }
0xbf: {  	s30 =	rddreg [dreg:$0x6];
	[sflag:s7] =	ssyncadd.s32 $0xFFFFC000  }
0xc0: {  	[hbm4b:s30+s4] =	stream.strided.scatter [tilespmem:s17], [sflag:$0x4], $0x4000, s5, s4, $0x38;
	[tilespmem:$0x18600] =	vst v63  }
0xc1: {  	s31 =	rddreg [dreg:$0x7]  }
0xc2: {  	[hbm4b:s31+s4] =	stream.strided.scatter [tilespmem:s18], [sflag:$0x5], $0x4000, s5, s4, $0x38;
	[tilespmem:$0x18600] =	vst v63  }
0xc3: {  	_ =	swait.ge [sflag:s8], $0x4000  }
0xc4: {  	[sflag:s8] =	ssyncset.done $0x0  }
0xc5: {  	[sflag:s8] =	ssyncadd.s32 $0xFFFFC000  }
0xc6: {  	_ =	swait.ge [sflag:s6], $0x4000  }
0xc7: {  	[sflag:s6] =	ssyncset.done $0x0  }
0xc8: {  	s3 =	simm.s32 @!p0 $0x7;
	[sflag:s6] =	ssyncadd.s32 $0xFFFFC000  }
0xc9: {  	_ =	swait.ge @!p0 [sflag:s3], $0x4000  }
0xca: {  	[sflag:s3] =	ssyncset.done @!p0 $0x0  }
0xcb: {  	[sflag:s3] =	ssyncadd.s32 @!p0 $0xFFFFC000;
	s3 =	simm.s32 @!p0 $0x8  }
0xcc: {  	_ =	swait.ge @!p0 [sflag:s3], $0x4000  }
0xcd: {  	s5 =	simm.s32 @!p0 $0x80;
	[sflag:s3] =	ssyncset.done @!p0 $0x0  }
0xce: {  	s4 =	rddreg [dreg:$0x8];
	[sflag:s3] =	ssyncadd.s32 @!p0 $0xFFFFC000;
	s3 =	simm.s32 @!p0 $0x40  }
0xcf: {  	[hbm4b:s4+s3] =	stream.strided.scatter @!p0 [tilespmem:s0], [sflag:$0x9], $0x4000, s5, s3, $0x38;
	[tilespmem:$0x18600] =	vst v63  }
0xd0: {  	s0 =	simm.s32 @!p0 $0x9  }
0xd1: {  	[hbm4b:s2+s3] =	stream.strided.scatter @!p0 [tilespmem:s1], [sflag:$0xA], $0x4000, s5, s3, $0x38;
	[tilespmem:$0x18600] =	vst v63  }
0xd2: {  	_ =	swait.ge @!p0 [sflag:s0], $0x4000  }
0xd3: {  	[sflag:s0] =	ssyncset.done @!p0 $0x0  }
0xd4: {  	[sflag:s0] =	ssyncadd.s32 @!p0 $0xFFFFC000;
	s0 =	simm.s32 @!p0 $0xA  }
0xd5: {  	_ =	swait.ge @!p0 [sflag:s0], $0x4000  }
0xd6: {  	[sflag:s0] =	ssyncset.done @!p0 $0x0  }
0xd7: {  	[sflag:s0] =	ssyncadd.s32 @!p0 $0xFFFFC000  }
0xd8: {  	_ =	sfence.sel $0x180000  }
0xd9: {  	[bflag:$0x0] =	sbarrier.arrive $0xFFFF  }
0xda: {  	p0 =	sne.s32 s13, $0x0;
	_ =	strace $0x9000004A  }
0xdb: {  	s0 =	sadd.s32 @!p0 $0x100000, s14;
	[bflag:$0x2] =	sbarrier.arrive $0xFFFF  }
0xdc: {  	[sflag:s0] =	ssyncadd.tile.s32 @!p0 $0x1;
	_ =	shalt  }
.LBB2_1:
.Ltmp3:
0xdd: {  	(pc) =	sbr.rel .LBB2_6-.Ltmp3, $2  }
0xde: {  	_ =	sdelay $0x2  }
0xdf: {  	_ = 	snop  }
.LBB2_3:
.Ltmp4:
0xe0: {  	(pc) =	sbr.rel .LBB2_6-.Ltmp4, $3  }
0xe1: {  	_ =	sdelay $0x1  }
0xe2: {  	s13 =	stileid.u32;
	s14 =	rddreg [dreg:$0x1]  }
0xe3: {  	s17 =	simm.s32 $0x600;
	s18 =	simm.s32 $0xC600;
	s10 =	simm.s32 $0x100  }
.Lfunc_end2:
_tile_overlayer_lowered:
.L_overlay_start_2:
0xe4: {  	(tag) =	ssettag $0x2  }
0xe5: {  	s0 =	rddreg [dreg:$0x0];
	s2 =	stileid.u32  }
0xe6: {  	s1 =	rddreg [dreg:$0x1];
	p0 =	sne.s32 s2, $0x0  }
0xe7: {  	s3 =	rddreg [dreg:$0x2];
	[bflag:$0x3] =	sbarrier.arrive $0xFFFF;
	s2 =	simm.s32 @!p0 $0x1C0B  }
0xe8: {  	[timem:s3], [sflag:s2] =	dma.local @!p0 [hbm:s0], s1  }
0xe9: {  	s0 =	simm.s32 @!p0 $0xB  }
0xea: {  	_ =	swait.ge @!p0 [sflag:s0], s1  }
0xeb: {  	s1 =	ssub.s32 @!p0 $0x0, s1;
	[sflag:s0] =	ssyncset.done @!p0 $0x0  }
0xec: {  	[sflag:s0] =	ssyncadd.s32 @!p0 s1  }
0xed: {  	[bflag:$0x3] =	sbarrier.arrive $0xFFFF  }
0xee: {  	_ =	shalt  }

// kernel: _feature_prep.18.cloned.1.call-start
scs
__scs_entry_jumppad:
0x0: {  	(pc) =	sbr.rel $0x88, $3  }
0x1: {  	(tag) =	ssettag $0x0;
	lr =	simm.s32 $0x1  }
0x2: {  	[smem:$0x3F9E] =	sst lr;
	_ =	strace $0xD0000000  }
0x3: {  	_ = 	snop  }
0x4: {  	_ = 	snop  }
0x5: {  	_ = 	snop  }
0x6: {  	_ = 	snop  }
0x7: {  	_ = 	snop  }
__scs_overlays_trampoline_lowered:
0x8: {  	[smem:$0x3FAD] =	sst s0  }
0x9: {  	[smem:$0x3FAE] =	sst s1  }
0xa: {  	[smem:$0x3FAF] =	sst s2  }
0xb: {  	[smem:$0x3FB0] =	sst s3  }
0xc: {  	[smem:$0x3FB1] =	sst s4  }
0xd: {  	[smem:$0x3FB2] =	sst s5  }
0xe: {  	[smem:$0x3FB3] =	sst s6  }
0xf: {  	[smem:$0x3FB4] =	sst s7  }
0x10: {  	[smem:$0x3FB5] =	sst s8  }
0x11: {  	[smem:$0x3FB6] =	sst s9;
	s0 =	simm.s32 @!p0 $0x0  }
0x12: {  	s1 =	sld [smem:$0x3F9C];
	s0 =	simm.s32 @p0 $0x1  }
0x13: {  	[smem:$0x3FB7] =	sst s0;
	s0 =	simm.s32 @!p1 $0x0  }
0x14: {  	s2 =	sld [smem:$0x3F9B];
	s0 =	simm.s32 @p1 $0x1  }
0x15: {  	[smem:$0x3FB8] =	sst s0;
	s0 =	simm.s32 @!p2 $0x0  }
0x16: {  	s3 =	sld [smem:$0x3FDB];
	s0 =	simm.s32 @p2 $0x1  }
0x17: {  	s4 =	simm.s32 $0x1BF5;
	[smem:$0x3FBA] =	sst s0  }
0x18: {  	s0 =	sld [smem:$0x3F9D];
	_ =	swait.ge [sflag:s4], $0x0  }
0x19: {  	s7 =	sld [smem:$0x3F9E]  }
0x1a: {  	s8 =	sadd.s32 $0xFFFFE003, lr  }
0x1b: {  	s9 =	sadd.s32 $0xFFFFFEF7, lr;
	s5 =	simm.s32 $0xFFFFFFFF;
	p2 =	slt.u32 s8, $0xFFFFF086  }
0x1c: {  	p1 =	slt.u32 s9, $0xF7A;
	s5 =	simm.s32 @!p2 $0x0  }
0x1d: {  	s5 =	simm.s32 @p1 $0x1;
	p0 =	seq.s32 s7, s2  }
0x1e: {  	s7 =	smul.u32 @!p0 $0xF7A, s2;
	p2 =	seq.s32 @!p0 s5, $0x0  }
0x1f: {  	s9 =	smul.u32 $0xF7A, s1;
	s8 =	simm.s32 @!p0 $0x1BF5;
	p2 =	por !p2, p0  }
0x20: {  	[sflag:s8] =	ssyncset.s32 @!p0 $0xFFFFF086;
	s6 =	sadd.s32 @!p0 s3, s7;
	s7 =	simm.s32 @!p0 $0x108  }
0x21: {  	s3 =	sadd.s32 s3, s9;
	s6 =	sadd.s32 @!p0 $0x88, s6;
	s7 =	simm.s32 @p2 $0x1082  }
0x22: {  	[simem:s7], [sflag:s8] =	dma.local @!p0 [hbm:s6], $0xF7A  }
0x23: {  	s9 =	sor.u32 $0xD0000000, s2;
	s6 =	simm.s32 $0x108;
	_ =	swait.ge @!p0 [sflag:s8], $0x0  }
0x24: {  	s3 =	sadd.s32 $0x88, s3;
	s6 =	simm.s32 @!p1 $0x1082;
	[sflag:s4] =	ssyncset.s32 $0xFFFFF086  }
0x25: {  	[simem:s6], [sflag:s4] =	dma.local [hbm:s3], $0xF7A  }
0x26: {  	[smem:$0x3F9E] =	sst s1;
	(tag) =	ssettag s2;
	_ =	strace s9  }
0x27: {  	s1 =	sld [smem:$0x3FAE]  }
0x28: {  	s2 =	sld [smem:$0x3FAF]  }
0x29: {  	s4 =	sld [smem:$0x3FB1]  }
0x2a: {  	p0 =	seq.s32 s5, $0x0;
	s5 =	sld [smem:$0x3FB2]  }
0x2b: {  	s6 =	sld [smem:$0x3FB3]  }
0x2c: {  	s7 =	sld [smem:$0x3FB4]  }
0x2d: {  	s3 =	simm.s32 $0x108;
	s8 =	sld [smem:$0x3FB5]  }
0x2e: {  	s3 =	simm.s32 @!p0 $0x1082;
	s9 =	sld [smem:$0x3FB6]  }
0x2f: {  	lr =	sadd.s32 s0, s3;
	s0 =	sld [smem:$0x3FAD]  }
0x30: {  	s3 =	sld [smem:$0x3FB0]  }
0x31: {  	[smem:$0x3FB9] =	sst s10  }
0x32: {  	s10 =	sld [smem:$0x3FB7];
	_ =	sdelay $0x3  }
0x33: {  	p0 =	seq.s32 s10, $0x1;
	s10 =	sld [smem:$0x3FB9];
	_ =	sdelay $0x3  }
0x34: {  	[smem:$0x3FB9] =	sst s10  }
0x35: {  	s10 =	sld [smem:$0x3FB8];
	_ =	sdelay $0x3  }
0x36: {  	p1 =	seq.s32 s10, $0x1;
	s10 =	sld [smem:$0x3FB9];
	_ =	sdelay $0x3  }
0x37: {  	[smem:$0x3FB9] =	sst s10  }
0x38: {  	s10 =	sld [smem:$0x3FBA]  }
0x39: {  	_ = 	snop;
	(pc) =	sbr.ind lr, $3  }
0x3a: {  	_ = 	snop  }
0x3b: {  	_ = 	snop  }
0x3c: {  	p2 =	seq.s32 s10, $0x1;
	s10 =	sld [smem:$0x3FB9]  }
0x3d: {  	_ =	shalt  }
0x3e: {  	_ =	shalt  }
0x3f: {  	_ =	shalt  }
0x40: {  	_ =	shalt  }
0x41: {  	_ =	shalt  }
0x42: {  	_ =	shalt  }
0x43: {  	_ =	shalt  }
0x44: {  	_ =	shalt  }
0x45: {  	_ =	shalt  }
0x46: {  	_ =	shalt  }
0x47: {  	_ =	shalt  }
0x48: {  	_ =	shalt  }
0x49: {  	_ =	shalt  }
0x4a: {  	_ =	shalt  }
0x4b: {  	_ =	shalt  }
0x4c: {  	_ =	shalt  }
0x4d: {  	_ =	shalt  }
0x4e: {  	_ =	shalt  }
0x4f: {  	_ =	shalt  }
0x50: {  	_ =	shalt  }
0x51: {  	_ =	shalt  }
0x52: {  	_ =	shalt  }
0x53: {  	_ =	shalt  }
0x54: {  	_ =	shalt  }
0x55: {  	_ =	shalt  }
0x56: {  	_ =	shalt  }
0x57: {  	_ =	shalt  }
0x58: {  	_ =	shalt  }
0x59: {  	_ =	shalt  }
0x5a: {  	_ =	shalt  }
0x5b: {  	_ =	shalt  }
0x5c: {  	_ =	shalt  }
0x5d: {  	_ =	shalt  }
0x5e: {  	_ =	shalt  }
0x5f: {  	_ =	shalt  }
0x60: {  	_ =	shalt  }
0x61: {  	_ =	shalt  }
0x62: {  	_ =	shalt  }
0x63: {  	_ =	shalt  }
0x64: {  	_ =	shalt  }
0x65: {  	_ =	shalt  }
0x66: {  	_ =	shalt  }
0x67: {  	_ =	shalt  }
0x68: {  	_ =	shalt  }
0x69: {  	_ =	shalt  }
0x6a: {  	_ =	shalt  }
0x6b: {  	_ =	shalt  }
0x6c: {  	_ =	shalt  }
0x6d: {  	_ =	shalt  }
0x6e: {  	_ =	shalt  }
0x6f: {  	_ =	shalt  }
0x70: {  	_ =	shalt  }
0x71: {  	_ =	shalt  }
0x72: {  	_ =	shalt  }
0x73: {  	_ =	shalt  }
0x74: {  	_ =	shalt  }
0x75: {  	_ =	shalt  }
0x76: {  	_ =	shalt  }
0x77: {  	_ =	shalt  }
0x78: {  	_ =	shalt  }
0x79: {  	_ =	shalt  }
0x7a: {  	_ =	shalt  }
0x7b: {  	_ =	shalt  }
0x7c: {  	_ =	shalt  }
0x7d: {  	_ =	shalt  }
0x7e: {  	_ =	shalt  }
0x7f: {  	_ =	shalt  }
0x80: {  	_ =	shalt  }
0x81: {  	_ =	shalt  }
0x82: {  	_ =	shalt  }
0x83: {  	_ =	shalt  }
0x84: {  	_ =	shalt  }
0x85: {  	_ =	shalt  }
0x86: {  	_ =	shalt  }
0x87: {  	_ =	shalt  }
.Lfunc_end0:
.L_simem_size_0:
called_computation.2_lowered:
.L_overlay_start_0:
0x88: {  	s2 =	sld [smem:$0x3FD9]  }
0x89: {  	s3 =	sld [smem:$0x3FFE];
	_ =	sdelay $0x1  }
0x8a: {  	s1 =	srdreg.scid  }
0x8b: {  	s0 =	sand.u32 $0x1, s1  }
0x8c: {  	s17 =	sshll.u32 s0, $0xA;
	s2 =	sadd.s32 s3, s2  }
0x8d: {  	s2 =	sadd.s32 s2, s17  }
0x8e: {  	[smem:$0x3FC5] =	sst s2  }
0x8f: {  	_ = 	snop  }
0x90: {  	(tm) =	ssettm $0x1  }
0x91: {  	s18 =	sld [smem:$0x3FFB];
	_ =	sdelay $0x3  }
0x92: {  	_ =	strace s18  }
0x93: {  	s2 =	sld [smem:$0x3FFC];
	_ =	sdelay $0x3  }
0x94: {  	_ =	strace s2  }
0x95: {  	s2 =	sld [smem:$0x3FFD];
	_ =	sdelay $0x3  }
0x96: {  	_ =	strace s2  }
0x97: {  	_ =	strace $0x8FFFFFFF  }
0x98: {  	s19 =	sld [smem:$0x3FDB];
	_ =	sdelay $0x1  }
0x99: {  	s20 =	simm.s32 $_scs_section_size  }
0x9a: {  	s4 =	simm.s32 $_size__tile_overlayer_lowered;
	s5 =	simm.s32 $_tile_overlayer_lowered  }
0x9b: {  	s6 =	simm.s32 $0x1BFF;
	s21 =	sshll.u32 s5, $0x1;
	s3 =	sadd.s32 s20, s19  }
0x9c: {  	s22 =	simm.s32 $0x0;
	s4 =	sshll.u32 s4, $0x1;
	s5 =	sadd.s32 s21, s3  }
0x9d: {  	[timem:s22], [sflag:s6] =	dma.local [hbm:s5], s4  }
0x9e: {  	_ =	swait.ge [sflag:s6], s4  }
0x9f: {  	s4 =	ssub.s32 $0x0, s4;
	[sflag:s6] =	ssyncset.done $0x0  }
0xa0: {  	[sflag:s6] =	ssyncadd.s32 s4;
	_ =	sdelay $0x1  }
0xa1: {  	s23 =	simm.s32 $0x1B8B  }
0xa2: {  	_ =	swait.ge [sflag:s23], $0x1  }
0xa3: {  	[sflag:s23] =	ssyncset.done $0x0  }
0xa4: {  	[sflag:s23] =	ssyncadd.s32 $0xFFFFFFFF  }
0xa5: {  	s4 =	sld [smem:$0x0]  }
0xa6: {  	s5 =	sand.u32 $0xFFFFFFFE, s1  }
0xa7: {  	p0 =	sne.s32 s1, s5  }
0xa8: {  	s5 =	sshll.u32 @p0 s5, $0xE  }
0xa9: {  	s5 =	sadd.s32 @p0 $0x11B8D, s5;
	s6 =	sshll.u32 @p0 s4, $0x11  }
0xaa: {  	s5 =	sor.u32 @p0 s6, s5  }
0xab: {  	[sflag:s5] =	ssyncadd.remote.s32 @p0 $0x1;
	_ =	sdelay $0x1  }
0xac: {  	s5 =	simm.s32 @p0 $0x1B8D  }
0xad: {  	_ =	swait.eq @p0 [sflag:s5], $0x1  }
0xae: {  	[sflag:s5] =	ssyncadd.s32 @p0 $0xFFFFFFFF  }
0xaf: {  	s6 =	sshll.u32 @!p0 s1, $0xE  }
0xb0: {  	s6 =	sor.u32 @!p0 $0x4000, s6;
	s5 =	simm.s32 @!p0 $0x1B8D  }
0xb1: {  	s4 =	sshll.u32 @!p0 s4, $0x11;
	s6 =	sadd.s32 @!p0 $0x11B8D, s6;
	_ =	swait.eq @!p0 [sflag:s5], $0x1  }
0xb2: {  	s4 =	sor.u32 @!p0 s4, s6;
	[sflag:s5] =	ssyncadd.s32 @!p0 $0xFFFFFFFF  }
0xb3: {  	s25 =	simm.s32 $0x1B8E;
	s24 =	sld [smem:$0x3FFE];
	[sflag:s4] =	ssyncadd.remote.s32 @!p0 $0x1  }
0xb4: {  	s26 =	simm.s32 $execute0_lowered;
	[smem:$0x3FD2] =	sst s25  }
0xb5: {  	s5 =	sshll.u32 s26, $0x1;
	_ =	strace $0x8000004C;
	[dreg:$0x1] =	wrdreg $0xFFFFFFFF  }
0xb6: {  	s28 =	simm.s32 $_size_execute0_lowered;
	s3 =	sadd.s32 s3, s5;
	[dreg:$0x0] =	wrdreg $0x0  }
0xb7: {  	s5 =	sshll.u32 s28, $0x1;
	[dreg:$0x2] =	wrdreg s3  }
0xb8: {  	[dreg:$0x3] =	wrdreg s5  }
0xb9: {  	[dreg:$0x4] =	wrdreg $0xC0  }
0xba: {  	_ =	task [dreg:s22], $0x5FFFF  }
0xbb: {  	[dreg:$0x1] =	wrdreg $0xFFFFFFFF  }
0xbc: {  	[dreg:$0x0] =	wrdreg $0x60  }
0xbd: {  	[dreg:$0x2] =	wrdreg s24  }
0xbe: {  	[dreg:$0x3] =	wrdreg $0xB  }
0xbf: {  	_ =	task.clear_ibuf [dreg:s22], $0x4FFFF;
	_ =	strace $0x9000004C  }
0xc0: {  	s29 =	simm.s32 $0xB;
	_ =	strace $0x8000004E  }
0xc1: {  	_ =	swait.ge [sflag:s29], $0x1  }
0xc2: {  	[sflag:s29] =	ssyncadd.s32 $0xFFFFFFFF  }
0xc3: {  	_ =	strace $0x9000004E  }
0xc4: {  	_ =	sfence  }
0xc5: {  	s30 =	sld [smem:$0x0];
	_ =	sdelay $0x2  }
0xc6: {  	s31 =	sshll.u32 s1, $0xD;
	s1 =	sshrl.u32 s1, $0x2  }
0xc7: {  	s4 =	sand.u32 $0x4000, s31;
	s1 =	sadd.s32 s1, s30  }
0xc8: {  	s0 =	sor.u32 s4, s0;
	s1 =	sshll.u32 s1, $0x11  }
0xc9: {  	s0 =	sor.u32 s1, s0  }
0xca: {  	s0 =	sadd.s32 $0x8F2B, s0  }
0xcb: {  	[sflag:s0] =	ssyncadd.remote.s32 $0x1  }
0xcc: {  	_ =	sfence.sel $0xFFFF  }
0xcd: {  	[dreg:$0x0] =	wrdreg $0xFFFFFFFF;
	(pc) =	sbr.abs _section_cstart, $3  }
0xce: {  	[dreg:$0x1] =	wrdreg $0xFFFFFFFF  }
0xcf: {  	_ =	task.clear_ibuf [dreg:s22], $0x2FFFF;
	_ =	strace $0x9FFFFFFF  }
0xd0: {  	(tm) =	ssettm $0x7FFFFFFF  }
0xd1: {  	_ =	shalt  }
tec
execute0_lowered:
.L_overlay_start_1:
0x0: {  	(tag) =	ssettag $0x1  }
0x1: {  	s0 =	srdreg.scid;
	s4 =	rddreg [dreg:$0x0]  }
0x2: {  	s13 =	stileid.u32;
	s14 =	rddreg [dreg:$0x1];
	s12 =	simm.s32 $0x0  }
0x3: {  	s10 =	simm.s32 $0x100;
	s11 =	simm.s32 $0x2;
	s7 =	simm.s32 $0x3  }
0x4: {  	s5 =	simm.s32 $0x80;
	s17 =	simm.s32 $0x600;
	s18 =	simm.s32 $0xC600  }
0x5: {  	s8 =	simm.s32 $0x4;
	s0 =	sand.u32 $0x1, s0;
	s1 =	sshll.u32 s13, $0x1  }
0x6: {  	s2 =	sshll.u32 s13, $0x7;
	[smem:$0x7FF] =	sst s12;
	s1 =	sor.u32 s0, s1  }
0x7: {  	s2 =	sand.u32 $0x700, s2;
	_ =	strace $0x8000004D;
	s0 =	ssub.s32 $0x2, s0  }
0x8: {  	s3 =	sshll.u32 s1, $0x5;
	s1 =	sshll.u32 s1, $0xC;
	s30 =	sshrl.u32 s0, $0x1  }
0x9: {  	s3 =	sand.u32 $0x60, s3;
	s1 =	sadd.s32 s1, s4;
	s0 =	ssub.s32 s0, s30  }
0xa: {  	s2 =	sor.u32 s2, s3;
	s28 =	sadd.s32 $0x33000, s1;
	s29 =	sadd.s32 $0x33008, s1  }
0xb: {  	s31 =	sadd.s32 $0x53000, s1;
	s0 =	smax.u32 s0, $0x1;
	[dreg:$0x6] =	wrdreg s28  }
0xc: {  	s2 =	sadd.s32 s2, s4;
	[dreg:$0x7] =	wrdreg s29;
	s9 =	sadd.s32 $0xFFFFFFFF, s0  }
0xd: {  	[dreg:$0x8] =	wrdreg s31;
	s24 =	sadd.s32 $0x4E00, s2;
	p2 =	sne.s32 s9, $0x0  }
.Ltmp0:
0xe: {  	s25 =	sadd.s32 $0x4E80, s2;
	[dreg:$0x2] =	wrdreg s24;
	(pc) =	sbr.rel @!p2 .LBB2_1-.Ltmp0, $4  }
0xf: {  	s6 =	simm.s32 $0x5;
	s26 =	sadd.s32 $0x5600, s2;
	[dreg:$0x3] =	wrdreg s25  }
0x10: {  	p1 =	por $0x0, $0x0;
	s2 =	sadd.s32 $0x5680, s2;
	[dreg:$0x4] =	wrdreg s26  }
0x11: {  	p0 =	sgt.u32 s13, $0x5;
	s3 =	sadd.s32 $0x1E00, s4;
	[dreg:$0x5] =	wrdreg s2  }
0x12: {  	s4 =	simm.s32 $0x40;
	s2 =	sadd.s32 $0x53008, s1;
	s15 =	rddreg [dreg:$0x2]  }
0x13: {  	[tilespmem:s12], [sflag:$0x1] =	stream.linear.gather [hbm4b:s15+s12], $0x100, $0x38;
	[tilespmem:$0x18600] =	vst v63  }
0x14: {  	s0 =	rddreg [dreg:$0x3];
	s14 =	simm.s32 @p0 $0x1  }
0x15: {  	[tilespmem:s10], [sflag:$0x1] =	stream.linear.gather [hbm4b:s0+s12], $0x100, $0x38;
	[tilespmem:$0x18600] =	vst v63  }
0x16: {  	_ =	swait.ge @p0 [sflag:s14], $0x100  }
0x17: {  	[sflag:s14] =	ssyncset.done @p0 $0x0  }
0x18: {  	[sflag:s14] =	ssyncadd.s32 @p0 $0xFFFFFF00  }
0x19: {  	_ =	swait.ge @p0 [sflag:s14], $0x100  }
0x1a: {  	s16 =	simm.s32 @p0 $0x100;
	[sflag:s14] =	ssyncset.done @p0 $0x0  }
0x1b: {  	s1 =	simm.s32 @p0 $0x0;
	s0 =	simm.s32 @p0 $0x600;
	[sflag:s14] =	ssyncadd.s32 @p0 $0xFFFFFF00  }
0x1c: {  	[tilespmem:s0], [sflag:$0x2] =	stream.indirect.gather @p0 [hbm4b:s3+s16], $0x40, s1, s16, $0xb8;
	[tilespmem:$0x18600] =	vst v63  }
0x1d: {  	s1 =	simm.s32 @p0 $0xC600  }
0x1e: {  	[tilespmem:s1], [sflag:$0x3] =	stream.indirect.gather @p0 [hbm4b:s3+s16], $0x40, s16, s16, $0xb8;
	[tilespmem:$0x18600] =	vst v63  }
0x1f: {  	s19 =	simm.s32 @!p0 $0x0;
	s20 =	simm.s32 @!p0 $0x200;
	s0 =	rddreg [dreg:$0x4]  }
0x20: {  	[tilespmem:s20], [sflag:$0x6] =	stream.linear.gather @!p0 [hbm4b:s0+s19], $0x100, $0x38;
	[tilespmem:$0x18600] =	vst v63  }
0x21: {  	s21 =	simm.s32 @!p0 $0x300;
	s22 =	simm.s32 @!p0 $0x1;
	s1 =	rddreg [dreg:$0x5]  }
0x22: {  	[tilespmem:s21], [sflag:$0x6] =	stream.linear.gather @!p0 [hbm4b:s1+s19], $0x100, $0x38;
	[tilespmem:$0x18600] =	vst v63  }
0x23: {  	_ =	swait.ge @!p0 [sflag:s22], $0x100  }
0x24: {  	[sflag:s22] =	ssyncset.done @!p0 $0x0  }
0x25: {  	[sflag:s22] =	ssyncadd.s32 @!p0 $0xFFFFFF00  }
0x26: {  	_ =	swait.ge @!p0 [sflag:s22], $0x100  }
0x27: {  	[sflag:s22] =	ssyncset.done @!p0 $0x0  }
0x28: {  	s23 =	simm.s32 @!p0 $0x100;
	s0 =	simm.s32 @!p0 $0x600;
	[sflag:s22] =	ssyncadd.s32 @!p0 $0xFFFFFF00  }
0x29: {  	[tilespmem:s0], [sflag:$0x2] =	stream.indirect.gather @!p0 [hbm4b:s3+s23], $0x40, s19, s23, $0xb8;
	[tilespmem:$0x18600] =	vst v63  }
0x2a: {  	s26 =	simm.s32 @!p0 $0x6;
	s0 =	simm.s32 @!p0 $0xC600  }
0x2b: {  	[tilespmem:s0], [sflag:$0x3] =	stream.indirect.gather @!p0 [hbm4b:s3+s23], $0x40, s23, s23, $0xb8;
	[tilespmem:$0x18600] =	vst v63  }
0x2c: {  	_ =	swait.ge @!p0 [sflag:s26], $0x100  }
0x2d: {  	[sflag:s26] =	ssyncset.done @!p0 $0x0  }
0x2e: {  	[sflag:s26] =	ssyncadd.s32 @!p0 $0xFFFFFF00  }
0x2f: {  	_ =	swait.ge @!p0 [sflag:s26], $0x100  }
0x30: {  	[sflag:s26] =	ssyncset.done @!p0 $0x0  }
0x31: {  	s28 =	simm.s32 @!p0 $0x4600;
	[sflag:s26] =	ssyncadd.s32 @!p0 $0xFFFFFF00  }
0x32: {  	[tilespmem:s28], [sflag:$0x7] =	stream.indirect.gather @!p0 [hbm4b:s3+s23], $0x40, s20, s23, $0xb8;
	[tilespmem:$0x18600] =	vst v63  }
0x33: {  	s29 =	simm.s32 @!p0 $0x10600  }
0x34: {  	[tilespmem:s29], [sflag:$0x8] =	stream.indirect.gather @!p0 [hbm4b:s3+s23], $0x40, s21, s23, $0xb8;
	[tilespmem:$0x18600] =	vst v63  }
0x35: {  	_ =	swait.ge [sflag:s11], $0x4000  }
0x36: {  	[sflag:s11] =	ssyncset.done $0x0  }
0x37: {  	[sflag:s11] =	ssyncadd.s32 $0xFFFFC000  }
0x38: {  	_ =	swait.ge [sflag:s7], $0x4000  }
0x39: {  	[sflag:s7] =	ssyncset.done $0x0  }
0x3a: {  	s24 =	rddreg [dreg:$0x6];
	[sflag:s7] =	ssyncadd.s32 $0xFFFFC000  }
0x3b: {  	[hbm4b:s24+s4] =	stream.strided.scatter [tilespmem:s17], [sflag:$0x4], $0x4000, s5, s4, $0x38;
	[tilespmem:$0x18600] =	vst v63  }
0x3c: {  	s25 =	rddreg [dreg:$0x7]  }
0x3d: {  	[hbm4b:s25+s4] =	stream.strided.scatter [tilespmem:s18], [sflag:$0x5], $0x4000, s5, s4, $0x38;
	[tilespmem:$0x18600] =	vst v63  }
0x3e: {  	_ =	swait.ge [sflag:s8], $0x4000  }
0x3f: {  	[sflag:s8] =	ssyncset.done $0x0  }
0x40: {  	[sflag:s8] =	ssyncadd.s32 $0xFFFFC000  }
0x41: {  	_ =	swait.ge [sflag:s6], $0x4000  }
0x42: {  	[sflag:s6] =	ssyncset.done $0x0  }
0x43: {  	s30 =	simm.s32 @!p0 $0x7;
	[sflag:s6] =	ssyncadd.s32 $0xFFFFC000  }
0x44: {  	_ =	swait.ge @!p0 [sflag:s30], $0x4000  }
0x45: {  	[sflag:s30] =	ssyncset.done @!p0 $0x0  }
0x46: {  	s31 =	simm.s32 @!p0 $0x8;
	[sflag:s30] =	ssyncadd.s32 @!p0 $0xFFFFC000  }
0x47: {  	_ =	swait.ge @!p0 [sflag:s31], $0x4000  }
0x48: {  	s13 =	sadd.s32 $0xFFFFFFFF, s9;
	s1 =	simm.s32 @!p0 $0x40;
	[sflag:s31] =	ssyncset.done @!p0 $0x0  }
0x49: {  	s0 =	simm.s32 @!p0 $0x80;
	s10 =	rddreg [dreg:$0x8];
	[sflag:s31] =	ssyncadd.s32 @!p0 $0xFFFFC000  }
0x4a: {  	[hbm4b:s10+s1] =	stream.strided.scatter @!p0 [tilespmem:s28], [sflag:$0x9], $0x4000, s0, s1, $0x38;
	[tilespmem:$0x18600] =	vst v63  }
0x4b: {  	p2 =	sne.s32 s13, $0x0;
	s10 =	simm.s32 @!p0 $0x9  }
0x4c: {  	[hbm4b:s2+s1] =	stream.strided.scatter @!p0 [tilespmem:s29], [sflag:$0xA], $0x4000, s0, s1, $0x38;
	[tilespmem:$0x18600] =	vst v63  }
.Ltmp1:
0x4d: {  	_ =	swait.ge @!p0 [sflag:s10], $0x4000;
	(pc) =	sbr.rel @!p2 .LBB2_3-.Ltmp1, $4  }
0x4e: {  	[sflag:s10] =	ssyncset.done @!p0 $0x0  }
0x4f: {  	s9 =	simm.s32 @!p0 $0xA;
	p1 =	por $0x1, $0x1;
	[sflag:s10] =	ssyncadd.s32 @!p0 $0xFFFFC000  }
0x50: {  	s24 =	simm.s32 $0xC600;
	s25 =	simm.s32 $0x100;
	_ =	swait.ge @!p0 [sflag:s9], $0x4000  }
0x51: {  	s18 =	simm.s32 $0x600;
	s15 =	rddreg [dreg:$0x2];
	[sflag:s9] =	ssyncset.done @!p0 $0x0  }
.LBB2_4:
0x52: {  	[sflag:s9] =	ssyncadd.s32 @!p0 $0xFFFFC000  }
0x53: {  	[tilespmem:s12], [sflag:$0x1] =	stream.linear.gather [hbm4b:s15+s12], $0x100, $0x38;
	[tilespmem:$0x18600] =	vst v63  }
0x54: {  	s17 =	rddreg [dreg:$0x3]  }
0x55: {  	[tilespmem:s25], [sflag:$0x1] =	stream.linear.gather [hbm4b:s17+s12], $0x100, $0x38;
	[tilespmem:$0x18600] =	vst v63  }
0x56: {  	_ =	swait.ge @p0 [sflag:s14], $0x100  }
0x57: {  	[sflag:s14] =	ssyncset.done @p0 $0x0  }
0x58: {  	[sflag:s14] =	ssyncadd.s32 @p0 $0xFFFFFF00  }
0x59: {  	_ =	swait.ge @p0 [sflag:s14], $0x100  }
0x5a: {  	[sflag:s14] =	ssyncset.done @p0 $0x0  }
0x5b: {  	s15 =	simm.s32 @p0 $0x600;
	s17 =	simm.s32 @p0 $0x0;
	[sflag:s14] =	ssyncadd.s32 @p0 $0xFFFFFF00  }
0x5c: {  	[tilespmem:s15], [sflag:$0x2] =	stream.indirect.gather @p0 [hbm4b:s3+s16], $0x40, s17, s16, $0xb8;
	[tilespmem:$0x18600] =	vst v63  }
0x5d: {  	s17 =	simm.s32 @p0 $0xC600  }
0x5e: {  	[tilespmem:s17], [sflag:$0x3] =	stream.indirect.gather @p0 [hbm4b:s3+s16], $0x40, s16, s16, $0xb8;
	[tilespmem:$0x18600] =	vst v63  }
0x5f: {  	s15 =	rddreg [dreg:$0x4]  }
0x60: {  	[tilespmem:s20], [sflag:$0x6] =	stream.linear.gather @!p0 [hbm4b:s15+s19], $0x100, $0x38;
	[tilespmem:$0x18600] =	vst v63  }
0x61: {  	s17 =	rddreg [dreg:$0x5]  }
0x62: {  	[tilespmem:s21], [sflag:$0x6] =	stream.linear.gather @!p0 [hbm4b:s17+s19], $0x100, $0x38;
	[tilespmem:$0x18600] =	vst v63  }
0x63: {  	_ =	swait.ge @!p0 [sflag:s22], $0x100  }
0x64: {  	[sflag:s22] =	ssyncset.done @!p0 $0x0  }
0x65: {  	[sflag:s22] =	ssyncadd.s32 @!p0 $0xFFFFFF00  }
0x66: {  	_ =	swait.ge @!p0 [sflag:s22], $0x100  }
0x67: {  	[sflag:s22] =	ssyncset.done @!p0 $0x0  }
0x68: {  	s15 =	simm.s32 @!p0 $0x600;
	[sflag:s22] =	ssyncadd.s32 @!p0 $0xFFFFFF00  }
0x69: {  	[tilespmem:s15], [sflag:$0x2] =	stream.indirect.gather @!p0 [hbm4b:s3+s23], $0x40, s19, s23, $0xb8;
	[tilespmem:$0x18600] =	vst v63  }
0x6a: {  	s15 =	simm.s32 @!p0 $0xC600  }
0x6b: {  	[tilespmem:s15], [sflag:$0x3] =	stream.indirect.gather @!p0 [hbm4b:s3+s23], $0x40, s23, s23, $0xb8;
	[tilespmem:$0x18600] =	vst v63  }
0x6c: {  	_ =	swait.ge @!p0 [sflag:s26], $0x100  }
0x6d: {  	[sflag:s26] =	ssyncset.done @!p0 $0x0  }
0x6e: {  	[sflag:s26] =	ssyncadd.s32 @!p0 $0xFFFFFF00  }
0x6f: {  	_ =	swait.ge @!p0 [sflag:s26], $0x100  }
0x70: {  	[sflag:s26] =	ssyncset.done @!p0 $0x0  }
0x71: {  	[sflag:s26] =	ssyncadd.s32 @!p0 $0xFFFFFF00  }
0x72: {  	[tilespmem:s28], [sflag:$0x7] =	stream.indirect.gather @!p0 [hbm4b:s3+s23], $0x40, s20, s23, $0xb8;
	[tilespmem:$0x18600] =	vst v63  }
0x73: {  	_ = 	snop  }
0x74: {  	[tilespmem:s29], [sflag:$0x8] =	stream.indirect.gather @!p0 [hbm4b:s3+s23], $0x40, s21, s23, $0xb8;
	[tilespmem:$0x18600] =	vst v63  }
0x75: {  	_ =	swait.ge [sflag:s11], $0x4000  }
0x76: {  	[sflag:s11] =	ssyncset.done $0x0  }
0x77: {  	[sflag:s11] =	ssyncadd.s32 $0xFFFFC000  }
0x78: {  	_ =	swait.ge [sflag:s7], $0x4000  }
0x79: {  	[sflag:s7] =	ssyncset.done $0x0  }
0x7a: {  	s15 =	rddreg [dreg:$0x6];
	[sflag:s7] =	ssyncadd.s32 $0xFFFFC000  }
0x7b: {  	[hbm4b:s15+s4] =	stream.strided.scatter [tilespmem:s18], [sflag:$0x4], $0x4000, s5, s4, $0x38;
	[tilespmem:$0x18600] =	vst v63  }
0x7c: {  	s17 =	rddreg [dreg:$0x7]  }
0x7d: {  	[hbm4b:s17+s4] =	stream.strided.scatter [tilespmem:s24], [sflag:$0x5], $0x4000, s5, s4, $0x38;
	[tilespmem:$0x18600] =	vst v63  }
0x7e: {  	_ =	swait.ge [sflag:s8], $0x4000  }
0x7f: {  	[sflag:s8] =	ssyncset.done $0x0  }
0x80: {  	[sflag:s8] =	ssyncadd.s32 $0xFFFFC000  }
0x81: {  	_ =	swait.ge [sflag:s6], $0x4000  }
0x82: {  	[sflag:s6] =	ssyncset.done $0x0  }
0x83: {  	[sflag:s6] =	ssyncadd.s32 $0xFFFFC000  }
0x84: {  	_ =	swait.ge @!p0 [sflag:s30], $0x4000  }
0x85: {  	[sflag:s30] =	ssyncset.done @!p0 $0x0  }
0x86: {  	[sflag:s30] =	ssyncadd.s32 @!p0 $0xFFFFC000  }
0x87: {  	_ =	swait.ge @!p0 [sflag:s31], $0x4000  }
0x88: {  	[sflag:s31] =	ssyncset.done @!p0 $0x0  }
0x89: {  	s13 =	sadd.s32 $0xFFFFFFFF, s13;
	s15 =	rddreg [dreg:$0x8];
	[sflag:s31] =	ssyncadd.s32 @!p0 $0xFFFFC000  }
0x8a: {  	[hbm4b:s15+s1] =	stream.strided.scatter @!p0 [tilespmem:s28], [sflag:$0x9], $0x4000, s0, s1, $0x38;
	[tilespmem:$0x18600] =	vst v63  }
0x8b: {  	p2 =	sne.s32 s13, $0x0  }
0x8c: {  	[hbm4b:s2+s1] =	stream.strided.scatter @!p0 [tilespmem:s29], [sflag:$0xA], $0x4000, s0, s1, $0x38;
	[tilespmem:$0x18600] =	vst v63  }
.Ltmp2:
0x8d: {  	_ =	swait.ge @!p0 [sflag:s10], $0x4000;
	(pc) =	sbr.rel @p2 .LBB2_4-.Ltmp2, $4  }
0x8e: {  	[sflag:s10] =	ssyncset.done @!p0 $0x0  }
0x8f: {  	[sflag:s10] =	ssyncadd.s32 @!p0 $0xFFFFC000  }
0x90: {  	_ =	swait.ge @!p0 [sflag:s9], $0x4000  }
0x91: {  	s15 =	rddreg [dreg:$0x2];
	[sflag:s9] =	ssyncset.done @!p0 $0x0  }
0x92: {  	s13 =	stileid.u32;
	s14 =	rddreg [dreg:$0x1]  }
0x93: {  	s17 =	simm.s32 $0x600;
	s18 =	simm.s32 $0xC600;
	s10 =	simm.s32 $0x100  }
.LBB2_6:
0x94: {  	p1 =	por p0, !p1  }
0x95: {  	[sflag:s9] =	ssyncadd.s32 @!p1 $0xFFFFC000  }
0x96: {  	[tilespmem:s12], [sflag:$0x1] =	stream.linear.gather [hbm4b:s15+s12], $0x100, $0x38;
	[tilespmem:$0x18600] =	vst v63  }
0x97: {  	s0 =	rddreg [dreg:$0x3];
	s1 =	simm.s32 @p0 $0x1  }
0x98: {  	[tilespmem:s10], [sflag:$0x1] =	stream.linear.gather [hbm4b:s0+s12], $0x100, $0x38;
	[tilespmem:$0x18600] =	vst v63  }
0x99: {  	_ =	swait.ge @p0 [sflag:s1], $0x100  }
0x9a: {  	[sflag:s1] =	ssyncset.done @p0 $0x0  }
0x9b: {  	[sflag:s1] =	ssyncadd.s32 @p0 $0xFFFFFF00  }
0x9c: {  	_ =	swait.ge @p0 [sflag:s1], $0x100  }
0x9d: {  	s9 =	simm.s32 @p0 $0x0;
	[sflag:s1] =	ssyncset.done @p0 $0x0  }
0x9e: {  	s0 =	simm.s32 @p0 $0x600;
	[sflag:s1] =	ssyncadd.s32 @p0 $0xFFFFFF00;
	s1 =	simm.s32 @p0 $0x100  }
0x9f: {  	[tilespmem:s0], [sflag:$0x2] =	stream.indirect.gather @p0 [hbm4b:s3+s1], $0x40, s9, s1, $0xb8;
	[tilespmem:$0x18600] =	vst v63  }
0xa0: {  	s0 =	simm.s32 @p0 $0xC600  }
0xa1: {  	[tilespmem:s0], [sflag:$0x3] =	stream.indirect.gather @p0 [hbm4b:s3+s1], $0x40, s1, s1, $0xb8;
	[tilespmem:$0x18600] =	vst v63  }
0xa2: {  	s9 =	rddreg [dreg:$0x4];
	s0 =	simm.s32 @!p0 $0x0;
	s1 =	simm.s32 @!p0 $0x200  }
0xa3: {  	[tilespmem:s1], [sflag:$0x6] =	stream.linear.gather @!p0 [hbm4b:s9+s0], $0x100, $0x38;
	[tilespmem:$0x18600] =	vst v63  }
0xa4: {  	s12 =	simm.s32 @!p0 $0x1;
	s10 =	rddreg [dreg:$0x5];
	s9 =	simm.s32 @!p0 $0x300  }
0xa5: {  	[tilespmem:s9], [sflag:$0x6] =	stream.linear.gather @!p0 [hbm4b:s10+s0], $0x100, $0x38;
	[tilespmem:$0x18600] =	vst v63  }
0xa6: {  	_ =	swait.ge @!p0 [sflag:s12], $0x100  }
0xa7: {  	[sflag:s12] =	ssyncset.done @!p0 $0x0  }
0xa8: {  	[sflag:s12] =	ssyncadd.s32 @!p0 $0xFFFFFF00  }
0xa9: {  	_ =	swait.ge @!p0 [sflag:s12], $0x100  }
0xaa: {  	[sflag:s12] =	ssyncset.done @!p0 $0x0  }
0xab: {  	s10 =	simm.s32 @!p0 $0x100;
	[sflag:s12] =	ssyncadd.s32 @!p0 $0xFFFFFF00;
	s12 =	simm.s32 @!p0 $0x600  }
0xac: {  	[tilespmem:s12], [sflag:$0x2] =	stream.indirect.gather @!p0 [hbm4b:s3+s10], $0x40, s0, s10, $0xb8;
	[tilespmem:$0x18600] =	vst v63  }
0xad: {  	s0 =	simm.s32 @!p0 $0xC600;
	s12 =	simm.s32 @!p0 $0x6  }
0xae: {  	[tilespmem:s0], [sflag:$0x3] =	stream.indirect.gather @!p0 [hbm4b:s3+s10], $0x40, s10, s10, $0xb8;
	[tilespmem:$0x18600] =	vst v63  }
0xaf: {  	_ =	swait.ge @!p0 [sflag:s12], $0x100  }
0xb0: {  	[sflag:s12] =	ssyncset.done @!p0 $0x0  }
0xb1: {  	[sflag:s12] =	ssyncadd.s32 @!p0 $0xFFFFFF00  }
0xb2: {  	_ =	swait.ge @!p0 [sflag:s12], $0x100  }
0xb3: {  	[sflag:s12] =	ssyncset.done @!p0 $0x0  }
0xb4: {  	s0 =	simm.s32 @!p0 $0x4600;
	[sflag:s12] =	ssyncadd.s32 @!p0 $0xFFFFFF00  }
0xb5: {  	[tilespmem:s0], [sflag:$0x7] =	stream.indirect.gather @!p0 [hbm4b:s3+s10], $0x40, s1, s10, $0xb8;
	[tilespmem:$0x18600] =	vst v63  }
0xb6: {  	s1 =	simm.s32 @!p0 $0x10600  }
0xb7: {  	[tilespmem:s1], [sflag:$0x8] =	stream.indirect.gather @!p0 [hbm4b:s3+s10], $0x40, s9, s10, $0xb8;
	[tilespmem:$0x18600] =	vst v63  }
0xb8: {  	_ =	swait.ge [sflag:s11], $0x4000  }
0xb9: {  	[sflag:s11] =	ssyncset.done $0x0  }
0xba: {  	[sflag:s11] =	ssyncadd.s32 $0xFFFFC000  }
0xbb: {  	_ =	swait.ge [sflag:s7], $0x4000  }
0xbc: {  	[sflag:s7] =	ssyncset.done $0x0  }
0xbd: {  	s30 =	rddreg [dreg:$0x6];
	[sflag:s7] =	ssyncadd.s32 $0xFFFFC000  }
0xbe: {  	[hbm4b:s30+s4] =	stream.strided.scatter [tilespmem:s17], [sflag:$0x4], $0x4000, s5, s4, $0x38;
	[tilespmem:$0x18600] =	vst v63  }
0xbf: {  	s31 =	rddreg [dreg:$0x7]  }
0xc0: {  	[hbm4b:s31+s4] =	stream.strided.scatter [tilespmem:s18], [sflag:$0x5], $0x4000, s5, s4, $0x38;
	[tilespmem:$0x18600] =	vst v63  }
0xc1: {  	_ =	swait.ge [sflag:s8], $0x4000  }
0xc2: {  	[sflag:s8] =	ssyncset.done $0x0  }
0xc3: {  	[sflag:s8] =	ssyncadd.s32 $0xFFFFC000  }
0xc4: {  	_ =	swait.ge [sflag:s6], $0x4000  }
0xc5: {  	[sflag:s6] =	ssyncset.done $0x0  }
0xc6: {  	s3 =	simm.s32 @!p0 $0x7;
	[sflag:s6] =	ssyncadd.s32 $0xFFFFC000  }
0xc7: {  	_ =	swait.ge @!p0 [sflag:s3], $0x4000  }
0xc8: {  	[sflag:s3] =	ssyncset.done @!p0 $0x0  }
0xc9: {  	[sflag:s3] =	ssyncadd.s32 @!p0 $0xFFFFC000;
	s3 =	simm.s32 @!p0 $0x8  }
0xca: {  	_ =	swait.ge @!p0 [sflag:s3], $0x4000  }
0xcb: {  	s5 =	simm.s32 @!p0 $0x80;
	[sflag:s3] =	ssyncset.done @!p0 $0x0  }
0xcc: {  	s4 =	rddreg [dreg:$0x8];
	[sflag:s3] =	ssyncadd.s32 @!p0 $0xFFFFC000;
	s3 =	simm.s32 @!p0 $0x40  }
0xcd: {  	[hbm4b:s4+s3] =	stream.strided.scatter @!p0 [tilespmem:s0], [sflag:$0x9], $0x4000, s5, s3, $0x38;
	[tilespmem:$0x18600] =	vst v63  }
0xce: {  	s0 =	simm.s32 @!p0 $0x9  }
0xcf: {  	[hbm4b:s2+s3] =	stream.strided.scatter @!p0 [tilespmem:s1], [sflag:$0xA], $0x4000, s5, s3, $0x38;
	[tilespmem:$0x18600] =	vst v63  }
0xd0: {  	_ =	swait.ge @!p0 [sflag:s0], $0x4000  }
0xd1: {  	[sflag:s0] =	ssyncset.done @!p0 $0x0  }
0xd2: {  	[sflag:s0] =	ssyncadd.s32 @!p0 $0xFFFFC000;
	s0 =	simm.s32 @!p0 $0xA  }
0xd3: {  	_ =	swait.ge @!p0 [sflag:s0], $0x4000  }
0xd4: {  	[sflag:s0] =	ssyncset.done @!p0 $0x0  }
0xd5: {  	[sflag:s0] =	ssyncadd.s32 @!p0 $0xFFFFC000  }
0xd6: {  	_ =	sfence.sel $0x180000  }
0xd7: {  	[bflag:$0x0] =	sbarrier.arrive $0xFFFF  }
0xd8: {  	p0 =	sne.s32 s13, $0x0;
	_ =	strace $0x9000004D  }
0xd9: {  	s0 =	sadd.s32 @!p0 $0x100000, s14;
	[bflag:$0x2] =	sbarrier.arrive $0xFFFF  }
0xda: {  	[sflag:s0] =	ssyncadd.tile.s32 @!p0 $0x1;
	_ =	shalt  }
.LBB2_1:
.Ltmp3:
0xdb: {  	(pc) =	sbr.rel .LBB2_6-.Ltmp3, $2  }
0xdc: {  	_ =	sdelay $0x2  }
0xdd: {  	_ = 	snop  }
.LBB2_3:
.Ltmp4:
0xde: {  	(pc) =	sbr.rel .LBB2_6-.Ltmp4, $3  }
0xdf: {  	_ =	sdelay $0x1  }
0xe0: {  	s13 =	stileid.u32;
	s14 =	rddreg [dreg:$0x1]  }
0xe1: {  	s17 =	simm.s32 $0x600;
	s18 =	simm.s32 $0xC600;
	s10 =	simm.s32 $0x100  }
.Lfunc_end2:
_tile_overlayer_lowered:
.L_overlay_start_2:
0xe2: {  	(tag) =	ssettag $0x2  }
0xe3: {  	s0 =	rddreg [dreg:$0x0];
	s2 =	stileid.u32  }
0xe4: {  	s1 =	rddreg [dreg:$0x1];
	p0 =	sne.s32 s2, $0x0  }
0xe5: {  	s3 =	rddreg [dreg:$0x2];
	[bflag:$0x3] =	sbarrier.arrive $0xFFFF;
	s2 =	simm.s32 @!p0 $0x1C0B  }
0xe6: {  	[timem:s3], [sflag:s2] =	dma.local @!p0 [hbm:s0], s1  }
0xe7: {  	s0 =	simm.s32 @!p0 $0xB  }
0xe8: {  	_ =	swait.ge @!p0 [sflag:s0], s1  }
0xe9: {  	s1 =	ssub.s32 @!p0 $0x0, s1;
	[sflag:s0] =	ssyncset.done @!p0 $0x0  }
0xea: {  	[sflag:s0] =	ssyncadd.s32 @!p0 s1  }
0xeb: {  	[bflag:$0x3] =	sbarrier.arrive $0xFFFF  }
0xec: {  	_ =	shalt  }

// kernel: _feature_prep.21.cloned.1.call-start
scs
__scs_entry_jumppad:
0x0: {  	(pc) =	sbr.rel $0x88, $3  }
0x1: {  	(tag) =	ssettag $0x0;
	lr =	simm.s32 $0x1  }
0x2: {  	[smem:$0x3F9E] =	sst lr;
	_ =	strace $0xD0000000  }
0x3: {  	_ = 	snop  }
0x4: {  	_ = 	snop  }
0x5: {  	_ = 	snop  }
0x6: {  	_ = 	snop  }
0x7: {  	_ = 	snop  }
__scs_overlays_trampoline_lowered:
0x8: {  	[smem:$0x3FAD] =	sst s0  }
0x9: {  	[smem:$0x3FAE] =	sst s1  }
0xa: {  	[smem:$0x3FAF] =	sst s2  }
0xb: {  	[smem:$0x3FB0] =	sst s3  }
0xc: {  	[smem:$0x3FB1] =	sst s4  }
0xd: {  	[smem:$0x3FB2] =	sst s5  }
0xe: {  	[smem:$0x3FB3] =	sst s6  }
0xf: {  	[smem:$0x3FB4] =	sst s7  }
0x10: {  	[smem:$0x3FB5] =	sst s8  }
0x11: {  	[smem:$0x3FB6] =	sst s9;
	s0 =	simm.s32 @!p0 $0x0  }
0x12: {  	s1 =	sld [smem:$0x3F9C];
	s0 =	simm.s32 @p0 $0x1  }
0x13: {  	[smem:$0x3FB7] =	sst s0;
	s0 =	simm.s32 @!p1 $0x0  }
0x14: {  	s2 =	sld [smem:$0x3F9B];
	s0 =	simm.s32 @p1 $0x1  }
0x15: {  	[smem:$0x3FB8] =	sst s0;
	s0 =	simm.s32 @!p2 $0x0  }
0x16: {  	s3 =	sld [smem:$0x3FDB];
	s0 =	simm.s32 @p2 $0x1  }
0x17: {  	s4 =	simm.s32 $0x1BF5;
	[smem:$0x3FBA] =	sst s0  }
0x18: {  	s0 =	sld [smem:$0x3F9D];
	_ =	swait.ge [sflag:s4], $0x0  }
0x19: {  	s7 =	sld [smem:$0x3F9E]  }
0x1a: {  	s8 =	sadd.s32 $0xFFFFE003, lr  }
0x1b: {  	s9 =	sadd.s32 $0xFFFFFEF7, lr;
	s5 =	simm.s32 $0xFFFFFFFF;
	p2 =	slt.u32 s8, $0xFFFFF086  }
0x1c: {  	p1 =	slt.u32 s9, $0xF7A;
	s5 =	simm.s32 @!p2 $0x0  }
0x1d: {  	s5 =	simm.s32 @p1 $0x1;
	p0 =	seq.s32 s7, s2  }
0x1e: {  	s7 =	smul.u32 @!p0 $0xF7A, s2;
	p2 =	seq.s32 @!p0 s5, $0x0  }
0x1f: {  	s9 =	smul.u32 $0xF7A, s1;
	s8 =	simm.s32 @!p0 $0x1BF5;
	p2 =	por !p2, p0  }
0x20: {  	[sflag:s8] =	ssyncset.s32 @!p0 $0xFFFFF086;
	s6 =	sadd.s32 @!p0 s3, s7;
	s7 =	simm.s32 @!p0 $0x108  }
0x21: {  	s3 =	sadd.s32 s3, s9;
	s6 =	sadd.s32 @!p0 $0x88, s6;
	s7 =	simm.s32 @p2 $0x1082  }
0x22: {  	[simem:s7], [sflag:s8] =	dma.local @!p0 [hbm:s6], $0xF7A  }
0x23: {  	s9 =	sor.u32 $0xD0000000, s2;
	s6 =	simm.s32 $0x108;
	_ =	swait.ge @!p0 [sflag:s8], $0x0  }
0x24: {  	s3 =	sadd.s32 $0x88, s3;
	s6 =	simm.s32 @!p1 $0x1082;
	[sflag:s4] =	ssyncset.s32 $0xFFFFF086  }
0x25: {  	[simem:s6], [sflag:s4] =	dma.local [hbm:s3], $0xF7A  }
0x26: {  	[smem:$0x3F9E] =	sst s1;
	(tag) =	ssettag s2;
	_ =	strace s9  }
0x27: {  	s1 =	sld [smem:$0x3FAE]  }
0x28: {  	s2 =	sld [smem:$0x3FAF]  }
0x29: {  	s4 =	sld [smem:$0x3FB1]  }
0x2a: {  	p0 =	seq.s32 s5, $0x0;
	s5 =	sld [smem:$0x3FB2]  }
0x2b: {  	s6 =	sld [smem:$0x3FB3]  }
0x2c: {  	s7 =	sld [smem:$0x3FB4]  }
0x2d: {  	s3 =	simm.s32 $0x108;
	s8 =	sld [smem:$0x3FB5]  }
0x2e: {  	s3 =	simm.s32 @!p0 $0x1082;
	s9 =	sld [smem:$0x3FB6]  }
0x2f: {  	lr =	sadd.s32 s0, s3;
	s0 =	sld [smem:$0x3FAD]  }
0x30: {  	s3 =	sld [smem:$0x3FB0]  }
0x31: {  	[smem:$0x3FB9] =	sst s10  }
0x32: {  	s10 =	sld [smem:$0x3FB7];
	_ =	sdelay $0x3  }
0x33: {  	p0 =	seq.s32 s10, $0x1;
	s10 =	sld [smem:$0x3FB9];
	_ =	sdelay $0x3  }
0x34: {  	[smem:$0x3FB9] =	sst s10  }
0x35: {  	s10 =	sld [smem:$0x3FB8];
	_ =	sdelay $0x3  }
0x36: {  	p1 =	seq.s32 s10, $0x1;
	s10 =	sld [smem:$0x3FB9];
	_ =	sdelay $0x3  }
0x37: {  	[smem:$0x3FB9] =	sst s10  }
0x38: {  	s10 =	sld [smem:$0x3FBA]  }
0x39: {  	_ = 	snop;
	(pc) =	sbr.ind lr, $3  }
0x3a: {  	_ = 	snop  }
0x3b: {  	_ = 	snop  }
0x3c: {  	p2 =	seq.s32 s10, $0x1;
	s10 =	sld [smem:$0x3FB9]  }
0x3d: {  	_ =	shalt  }
0x3e: {  	_ =	shalt  }
0x3f: {  	_ =	shalt  }
0x40: {  	_ =	shalt  }
0x41: {  	_ =	shalt  }
0x42: {  	_ =	shalt  }
0x43: {  	_ =	shalt  }
0x44: {  	_ =	shalt  }
0x45: {  	_ =	shalt  }
0x46: {  	_ =	shalt  }
0x47: {  	_ =	shalt  }
0x48: {  	_ =	shalt  }
0x49: {  	_ =	shalt  }
0x4a: {  	_ =	shalt  }
0x4b: {  	_ =	shalt  }
0x4c: {  	_ =	shalt  }
0x4d: {  	_ =	shalt  }
0x4e: {  	_ =	shalt  }
0x4f: {  	_ =	shalt  }
0x50: {  	_ =	shalt  }
0x51: {  	_ =	shalt  }
0x52: {  	_ =	shalt  }
0x53: {  	_ =	shalt  }
0x54: {  	_ =	shalt  }
0x55: {  	_ =	shalt  }
0x56: {  	_ =	shalt  }
0x57: {  	_ =	shalt  }
0x58: {  	_ =	shalt  }
0x59: {  	_ =	shalt  }
0x5a: {  	_ =	shalt  }
0x5b: {  	_ =	shalt  }
0x5c: {  	_ =	shalt  }
0x5d: {  	_ =	shalt  }
0x5e: {  	_ =	shalt  }
0x5f: {  	_ =	shalt  }
0x60: {  	_ =	shalt  }
0x61: {  	_ =	shalt  }
0x62: {  	_ =	shalt  }
0x63: {  	_ =	shalt  }
0x64: {  	_ =	shalt  }
0x65: {  	_ =	shalt  }
0x66: {  	_ =	shalt  }
0x67: {  	_ =	shalt  }
0x68: {  	_ =	shalt  }
0x69: {  	_ =	shalt  }
0x6a: {  	_ =	shalt  }
0x6b: {  	_ =	shalt  }
0x6c: {  	_ =	shalt  }
0x6d: {  	_ =	shalt  }
0x6e: {  	_ =	shalt  }
0x6f: {  	_ =	shalt  }
0x70: {  	_ =	shalt  }
0x71: {  	_ =	shalt  }
0x72: {  	_ =	shalt  }
0x73: {  	_ =	shalt  }
0x74: {  	_ =	shalt  }
0x75: {  	_ =	shalt  }
0x76: {  	_ =	shalt  }
0x77: {  	_ =	shalt  }
0x78: {  	_ =	shalt  }
0x79: {  	_ =	shalt  }
0x7a: {  	_ =	shalt  }
0x7b: {  	_ =	shalt  }
0x7c: {  	_ =	shalt  }
0x7d: {  	_ =	shalt  }
0x7e: {  	_ =	shalt  }
0x7f: {  	_ =	shalt  }
0x80: {  	_ =	shalt  }
0x81: {  	_ =	shalt  }
0x82: {  	_ =	shalt  }
0x83: {  	_ =	shalt  }
0x84: {  	_ =	shalt  }
0x85: {  	_ =	shalt  }
0x86: {  	_ =	shalt  }
0x87: {  	_ =	shalt  }
.Lfunc_end0:
.L_simem_size_0:
called_computation.3_lowered:
.L_overlay_start_0:
0x88: {  	s2 =	sld [smem:$0x3FD9]  }
0x89: {  	s3 =	sld [smem:$0x3FFE];
	_ =	sdelay $0x1  }
0x8a: {  	s1 =	srdreg.scid  }
0x8b: {  	s0 =	sand.u32 $0x1, s1  }
0x8c: {  	s17 =	sshll.u32 s0, $0xA;
	s2 =	sadd.s32 s3, s2  }
0x8d: {  	s2 =	sadd.s32 s2, s17  }
0x8e: {  	[smem:$0x3FC5] =	sst s2  }
0x8f: {  	_ = 	snop  }
0x90: {  	(tm) =	ssettm $0x1  }
0x91: {  	s18 =	sld [smem:$0x3FFB];
	_ =	sdelay $0x3  }
0x92: {  	_ =	strace s18  }
0x93: {  	s2 =	sld [smem:$0x3FFC];
	_ =	sdelay $0x3  }
0x94: {  	_ =	strace s2  }
0x95: {  	s2 =	sld [smem:$0x3FFD];
	_ =	sdelay $0x3  }
0x96: {  	_ =	strace s2  }
0x97: {  	_ =	strace $0x8FFFFFFF  }
0x98: {  	s19 =	sld [smem:$0x3FDB];
	_ =	sdelay $0x1  }
0x99: {  	s20 =	simm.s32 $_scs_section_size  }
0x9a: {  	s4 =	simm.s32 $_size__tile_overlayer_lowered;
	s5 =	simm.s32 $_tile_overlayer_lowered  }
0x9b: {  	s6 =	simm.s32 $0x1BFF;
	s21 =	sshll.u32 s5, $0x1;
	s3 =	sadd.s32 s20, s19  }
0x9c: {  	s22 =	simm.s32 $0x0;
	s4 =	sshll.u32 s4, $0x1;
	s5 =	sadd.s32 s21, s3  }
0x9d: {  	[timem:s22], [sflag:s6] =	dma.local [hbm:s5], s4  }
0x9e: {  	_ =	swait.ge [sflag:s6], s4  }
0x9f: {  	s4 =	ssub.s32 $0x0, s4;
	[sflag:s6] =	ssyncset.done $0x0  }
0xa0: {  	[sflag:s6] =	ssyncadd.s32 s4;
	_ =	sdelay $0x1  }
0xa1: {  	s23 =	simm.s32 $0x1B8B  }
0xa2: {  	_ =	swait.ge [sflag:s23], $0x1  }
0xa3: {  	[sflag:s23] =	ssyncset.done $0x0  }
0xa4: {  	[sflag:s23] =	ssyncadd.s32 $0xFFFFFFFF  }
0xa5: {  	s4 =	sld [smem:$0x0]  }
0xa6: {  	s5 =	sand.u32 $0xFFFFFFFE, s1  }
0xa7: {  	p0 =	sne.s32 s1, s5  }
0xa8: {  	s5 =	sshll.u32 @p0 s5, $0xE  }
0xa9: {  	s5 =	sadd.s32 @p0 $0x11B8D, s5;
	s6 =	sshll.u32 @p0 s4, $0x11  }
0xaa: {  	s5 =	sor.u32 @p0 s6, s5  }
0xab: {  	[sflag:s5] =	ssyncadd.remote.s32 @p0 $0x1;
	_ =	sdelay $0x1  }
0xac: {  	s5 =	simm.s32 @p0 $0x1B8D  }
0xad: {  	_ =	swait.eq @p0 [sflag:s5], $0x1  }
0xae: {  	[sflag:s5] =	ssyncadd.s32 @p0 $0xFFFFFFFF  }
0xaf: {  	s6 =	sshll.u32 @!p0 s1, $0xE  }
0xb0: {  	s6 =	sor.u32 @!p0 $0x4000, s6;
	s5 =	simm.s32 @!p0 $0x1B8D  }
0xb1: {  	s4 =	sshll.u32 @!p0 s4, $0x11;
	s6 =	sadd.s32 @!p0 $0x11B8D, s6;
	_ =	swait.eq @!p0 [sflag:s5], $0x1  }
0xb2: {  	s4 =	sor.u32 @!p0 s4, s6;
	[sflag:s5] =	ssyncadd.s32 @!p0 $0xFFFFFFFF  }
0xb3: {  	s25 =	simm.s32 $0x1B8E;
	s24 =	sld [smem:$0x3FFE];
	[sflag:s4] =	ssyncadd.remote.s32 @!p0 $0x1  }
0xb4: {  	s26 =	simm.s32 $execute0_lowered;
	[smem:$0x3FD2] =	sst s25  }
0xb5: {  	s5 =	sshll.u32 s26, $0x1;
	_ =	strace $0x8000004F;
	[dreg:$0x1] =	wrdreg $0xFFFFFFFF  }
0xb6: {  	s28 =	simm.s32 $_size_execute0_lowered;
	s3 =	sadd.s32 s3, s5;
	[dreg:$0x0] =	wrdreg $0x0  }
0xb7: {  	s5 =	sshll.u32 s28, $0x1;
	[dreg:$0x2] =	wrdreg s3  }
0xb8: {  	[dreg:$0x3] =	wrdreg s5  }
0xb9: {  	[dreg:$0x4] =	wrdreg $0xC0  }
0xba: {  	_ =	task [dreg:s22], $0x5FFFF  }
0xbb: {  	[dreg:$0x1] =	wrdreg $0xFFFFFFFF  }
0xbc: {  	[dreg:$0x0] =	wrdreg $0x60  }
0xbd: {  	[dreg:$0x2] =	wrdreg s24  }
0xbe: {  	[dreg:$0x3] =	wrdreg $0xC  }
0xbf: {  	_ =	task.clear_ibuf [dreg:s22], $0x4FFFF;
	_ =	strace $0x9000004F  }
0xc0: {  	s29 =	simm.s32 $0xC;
	_ =	strace $0x80000051  }
0xc1: {  	_ =	swait.ge [sflag:s29], $0x1  }
0xc2: {  	[sflag:s29] =	ssyncadd.s32 $0xFFFFFFFF  }
0xc3: {  	_ =	strace $0x90000051  }
0xc4: {  	_ =	sfence  }
0xc5: {  	s30 =	sld [smem:$0x0];
	_ =	sdelay $0x2  }
0xc6: {  	s31 =	sshll.u32 s1, $0xD;
	s1 =	sshrl.u32 s1, $0x2  }
0xc7: {  	s4 =	sand.u32 $0x4000, s31;
	s1 =	sadd.s32 s1, s30  }
0xc8: {  	s0 =	sor.u32 s4, s0;
	s1 =	sshll.u32 s1, $0x11  }
0xc9: {  	s0 =	sor.u32 s1, s0  }
0xca: {  	s0 =	sadd.s32 $0x8F2B, s0  }
0xcb: {  	[sflag:s0] =	ssyncadd.remote.s32 $0x1  }
0xcc: {  	_ =	sfence.sel $0xFFFF  }
0xcd: {  	[dreg:$0x0] =	wrdreg $0xFFFFFFFF;
	(pc) =	sbr.abs _section_cstart, $3  }
0xce: {  	[dreg:$0x1] =	wrdreg $0xFFFFFFFF  }
0xcf: {  	_ =	task.clear_ibuf [dreg:s22], $0x2FFFF;
	_ =	strace $0x9FFFFFFF  }
0xd0: {  	(tm) =	ssettm $0x7FFFFFFF  }
0xd1: {  	_ =	shalt  }
tec
execute0_lowered:
.L_overlay_start_1:
0x0: {  	(tag) =	ssettag $0x1  }
0x1: {  	s0 =	srdreg.scid;
	s4 =	rddreg [dreg:$0x0]  }
0x2: {  	s13 =	stileid.u32;
	s14 =	rddreg [dreg:$0x1]  }
0x3: {  	s12 =	simm.s32 $0x0;
	s10 =	simm.s32 $0x100;
	s11 =	simm.s32 $0x2  }
0x4: {  	s17 =	simm.s32 $0x600;
	s18 =	simm.s32 $0xC600;
	s8 =	simm.s32 $0x4  }
0x5: {  	p1 =	por $0x0, $0x0;
	s0 =	sand.u32 $0x1, s0;
	s1 =	sshll.u32 s13, $0x1  }
0x6: {  	s2 =	sshll.u32 s13, $0xA;
	[smem:$0x7FF] =	sst s12;
	s5 =	sadd.s32 $0x3E00, s4  }
0x7: {  	s7 =	sadd.s32 $0x3E80, s4;
	p0 =	sgt.u32 s13, $0x5;
	s1 =	sor.u32 s0, s1  }
0x8: {  	s2 =	sand.u32 $0x3800, s2;
	_ =	strace $0x80000050;
	s0 =	ssub.s32 $0x2, s0  }
0x9: {  	s3 =	sshll.u32 s1, $0x8;
	s1 =	sshll.u32 s1, $0xC;
	s30 =	sshrl.u32 s0, $0x1  }
0xa: {  	s3 =	sand.u32 $0x300, s3;
	s1 =	sadd.s32 s1, s4;
	s0 =	ssub.s32 s0, s30  }
0xb: {  	s2 =	sor.u32 s3, s2;
	s28 =	sadd.s32 $0x5F000, s1;
	s29 =	sadd.s32 $0x5F008, s1  }
0xc: {  	s31 =	sadd.s32 $0x7F000, s1;
	s0 =	smax.u32 s0, $0x1;
	[dreg:$0x6] =	wrdreg s28  }
0xd: {  	s3 =	sadd.s32 $0xD800, s2;
	s2 =	sadd.s32 $0x11800, s2;
	[dreg:$0x7] =	wrdreg s29  }
0xe: {  	[dreg:$0x8] =	wrdreg s31;
	s9 =	sadd.s32 $0xFFFFFFFF, s0;
	s3 =	sshrl.u32 s3, $0x3  }
0xf: {  	s2 =	sshrl.u32 s2, $0x3;
	p2 =	sne.s32 s9, $0x0;
	s6 =	sadd.s32 s5, s3  }
.Ltmp0:
0x10: {  	s3 =	sadd.s32 s3, s7;
	[dreg:$0x2] =	wrdreg s6;
	(pc) =	sbr.rel @!p2 .LBB2_1-.Ltmp0, $4  }
0x11: {  	s26 =	sadd.s32 s5, s2;
	s2 =	sadd.s32 s2, s7;
	[dreg:$0x3] =	wrdreg s3  }
0x12: {  	s7 =	simm.s32 $0x3;
	s5 =	simm.s32 $0x80;
	[dreg:$0x4] =	wrdreg s26  }
0x13: {  	s3 =	sadd.s32 $0x1E00, s4;
	[dreg:$0x5] =	wrdreg s2;
	s2 =	sadd.s32 $0x7F008, s1  }
0x14: {  	s4 =	simm.s32 $0x40;
	s6 =	simm.s32 $0x5;
	s15 =	rddreg [dreg:$0x2]  }
0x15: {  	[tilespmem:s12], [sflag:$0x1] =	stream.linear.gather [hbm4b:s15+s12], $0x100, $0x38;
	[tilespmem:$0x18600] =	vst v63  }
0x16: {  	s0 =	rddreg [dreg:$0x3];
	s14 =	simm.s32 @p0 $0x1  }
0x17: {  	[tilespmem:s10], [sflag:$0x1] =	stream.linear.gather [hbm4b:s0+s12], $0x100, $0x38;
	[tilespmem:$0x18600] =	vst v63  }
0x18: {  	_ =	swait.ge @p0 [sflag:s14], $0x100  }
0x19: {  	[sflag:s14] =	ssyncset.done @p0 $0x0  }
0x1a: {  	[sflag:s14] =	ssyncadd.s32 @p0 $0xFFFFFF00  }
0x1b: {  	_ =	swait.ge @p0 [sflag:s14], $0x100  }
0x1c: {  	s16 =	simm.s32 @p0 $0x100;
	[sflag:s14] =	ssyncset.done @p0 $0x0  }
0x1d: {  	s1 =	simm.s32 @p0 $0x0;
	s0 =	simm.s32 @p0 $0x600;
	[sflag:s14] =	ssyncadd.s32 @p0 $0xFFFFFF00  }
0x1e: {  	[tilespmem:s0], [sflag:$0x2] =	stream.indirect.gather @p0 [hbm4b:s3+s16], $0x40, s1, s16, $0xb8;
	[tilespmem:$0x18600] =	vst v63  }
0x1f: {  	s1 =	simm.s32 @p0 $0xC600  }
0x20: {  	[tilespmem:s1], [sflag:$0x3] =	stream.indirect.gather @p0 [hbm4b:s3+s16], $0x40, s16, s16, $0xb8;
	[tilespmem:$0x18600] =	vst v63  }
0x21: {  	s19 =	simm.s32 @!p0 $0x0;
	s20 =	simm.s32 @!p0 $0x200;
	s0 =	rddreg [dreg:$0x4]  }
0x22: {  	[tilespmem:s20], [sflag:$0x6] =	stream.linear.gather @!p0 [hbm4b:s0+s19], $0x100, $0x38;
	[tilespmem:$0x18600] =	vst v63  }
0x23: {  	s21 =	simm.s32 @!p0 $0x300;
	s22 =	simm.s32 @!p0 $0x1;
	s1 =	rddreg [dreg:$0x5]  }
0x24: {  	[tilespmem:s21], [sflag:$0x6] =	stream.linear.gather @!p0 [hbm4b:s1+s19], $0x100, $0x38;
	[tilespmem:$0x18600] =	vst v63  }
0x25: {  	_ =	swait.ge @!p0 [sflag:s22], $0x100  }
0x26: {  	[sflag:s22] =	ssyncset.done @!p0 $0x0  }
0x27: {  	[sflag:s22] =	ssyncadd.s32 @!p0 $0xFFFFFF00  }
0x28: {  	_ =	swait.ge @!p0 [sflag:s22], $0x100  }
0x29: {  	[sflag:s22] =	ssyncset.done @!p0 $0x0  }
0x2a: {  	s23 =	simm.s32 @!p0 $0x100;
	s0 =	simm.s32 @!p0 $0x600;
	[sflag:s22] =	ssyncadd.s32 @!p0 $0xFFFFFF00  }
0x2b: {  	[tilespmem:s0], [sflag:$0x2] =	stream.indirect.gather @!p0 [hbm4b:s3+s23], $0x40, s19, s23, $0xb8;
	[tilespmem:$0x18600] =	vst v63  }
0x2c: {  	s26 =	simm.s32 @!p0 $0x6;
	s0 =	simm.s32 @!p0 $0xC600  }
0x2d: {  	[tilespmem:s0], [sflag:$0x3] =	stream.indirect.gather @!p0 [hbm4b:s3+s23], $0x40, s23, s23, $0xb8;
	[tilespmem:$0x18600] =	vst v63  }
0x2e: {  	_ =	swait.ge @!p0 [sflag:s26], $0x100  }
0x2f: {  	[sflag:s26] =	ssyncset.done @!p0 $0x0  }
0x30: {  	[sflag:s26] =	ssyncadd.s32 @!p0 $0xFFFFFF00  }
0x31: {  	_ =	swait.ge @!p0 [sflag:s26], $0x100  }
0x32: {  	[sflag:s26] =	ssyncset.done @!p0 $0x0  }
0x33: {  	s28 =	simm.s32 @!p0 $0x4600;
	[sflag:s26] =	ssyncadd.s32 @!p0 $0xFFFFFF00  }
0x34: {  	[tilespmem:s28], [sflag:$0x7] =	stream.indirect.gather @!p0 [hbm4b:s3+s23], $0x40, s20, s23, $0xb8;
	[tilespmem:$0x18600] =	vst v63  }
0x35: {  	s29 =	simm.s32 @!p0 $0x10600  }
0x36: {  	[tilespmem:s29], [sflag:$0x8] =	stream.indirect.gather @!p0 [hbm4b:s3+s23], $0x40, s21, s23, $0xb8;
	[tilespmem:$0x18600] =	vst v63  }
0x37: {  	_ =	swait.ge [sflag:s11], $0x4000  }
0x38: {  	[sflag:s11] =	ssyncset.done $0x0  }
0x39: {  	[sflag:s11] =	ssyncadd.s32 $0xFFFFC000  }
0x3a: {  	_ =	swait.ge [sflag:s7], $0x4000  }
0x3b: {  	[sflag:s7] =	ssyncset.done $0x0  }
0x3c: {  	s24 =	rddreg [dreg:$0x6];
	[sflag:s7] =	ssyncadd.s32 $0xFFFFC000  }
0x3d: {  	[hbm4b:s24+s4] =	stream.strided.scatter [tilespmem:s17], [sflag:$0x4], $0x4000, s5, s4, $0x38;
	[tilespmem:$0x18600] =	vst v63  }
0x3e: {  	s25 =	rddreg [dreg:$0x7]  }
0x3f: {  	[hbm4b:s25+s4] =	stream.strided.scatter [tilespmem:s18], [sflag:$0x5], $0x4000, s5, s4, $0x38;
	[tilespmem:$0x18600] =	vst v63  }
0x40: {  	_ =	swait.ge [sflag:s8], $0x4000  }
0x41: {  	[sflag:s8] =	ssyncset.done $0x0  }
0x42: {  	[sflag:s8] =	ssyncadd.s32 $0xFFFFC000  }
0x43: {  	_ =	swait.ge [sflag:s6], $0x4000  }
0x44: {  	[sflag:s6] =	ssyncset.done $0x0  }
0x45: {  	s30 =	simm.s32 @!p0 $0x7;
	[sflag:s6] =	ssyncadd.s32 $0xFFFFC000  }
0x46: {  	_ =	swait.ge @!p0 [sflag:s30], $0x4000  }
0x47: {  	[sflag:s30] =	ssyncset.done @!p0 $0x0  }
0x48: {  	s31 =	simm.s32 @!p0 $0x8;
	[sflag:s30] =	ssyncadd.s32 @!p0 $0xFFFFC000  }
0x49: {  	_ =	swait.ge @!p0 [sflag:s31], $0x4000  }
0x4a: {  	s13 =	sadd.s32 $0xFFFFFFFF, s9;
	s1 =	simm.s32 @!p0 $0x40;
	[sflag:s31] =	ssyncset.done @!p0 $0x0  }
0x4b: {  	s0 =	simm.s32 @!p0 $0x80;
	s10 =	rddreg [dreg:$0x8];
	[sflag:s31] =	ssyncadd.s32 @!p0 $0xFFFFC000  }
0x4c: {  	[hbm4b:s10+s1] =	stream.strided.scatter @!p0 [tilespmem:s28], [sflag:$0x9], $0x4000, s0, s1, $0x38;
	[tilespmem:$0x18600] =	vst v63  }
0x4d: {  	p2 =	sne.s32 s13, $0x0;
	s10 =	simm.s32 @!p0 $0x9  }
0x4e: {  	[hbm4b:s2+s1] =	stream.strided.scatter @!p0 [tilespmem:s29], [sflag:$0xA], $0x4000, s0, s1, $0x38;
	[tilespmem:$0x18600] =	vst v63  }
.Ltmp1:
0x4f: {  	_ =	swait.ge @!p0 [sflag:s10], $0x4000;
	(pc) =	sbr.rel @!p2 .LBB2_3-.Ltmp1, $4  }
0x50: {  	[sflag:s10] =	ssyncset.done @!p0 $0x0  }
0x51: {  	s9 =	simm.s32 @!p0 $0xA;
	p1 =	por $0x1, $0x1;
	[sflag:s10] =	ssyncadd.s32 @!p0 $0xFFFFC000  }
0x52: {  	s24 =	simm.s32 $0xC600;
	s25 =	simm.s32 $0x100;
	_ =	swait.ge @!p0 [sflag:s9], $0x4000  }
0x53: {  	s18 =	simm.s32 $0x600;
	s15 =	rddreg [dreg:$0x2];
	[sflag:s9] =	ssyncset.done @!p0 $0x0  }
.LBB2_4:
0x54: {  	[sflag:s9] =	ssyncadd.s32 @!p0 $0xFFFFC000  }
0x55: {  	[tilespmem:s12], [sflag:$0x1] =	stream.linear.gather [hbm4b:s15+s12], $0x100, $0x38;
	[tilespmem:$0x18600] =	vst v63  }
0x56: {  	s17 =	rddreg [dreg:$0x3]  }
0x57: {  	[tilespmem:s25], [sflag:$0x1] =	stream.linear.gather [hbm4b:s17+s12], $0x100, $0x38;
	[tilespmem:$0x18600] =	vst v63  }
0x58: {  	_ =	swait.ge @p0 [sflag:s14], $0x100  }
0x59: {  	[sflag:s14] =	ssyncset.done @p0 $0x0  }
0x5a: {  	[sflag:s14] =	ssyncadd.s32 @p0 $0xFFFFFF00  }
0x5b: {  	_ =	swait.ge @p0 [sflag:s14], $0x100  }
0x5c: {  	[sflag:s14] =	ssyncset.done @p0 $0x0  }
0x5d: {  	s15 =	simm.s32 @p0 $0x600;
	s17 =	simm.s32 @p0 $0x0;
	[sflag:s14] =	ssyncadd.s32 @p0 $0xFFFFFF00  }
0x5e: {  	[tilespmem:s15], [sflag:$0x2] =	stream.indirect.gather @p0 [hbm4b:s3+s16], $0x40, s17, s16, $0xb8;
	[tilespmem:$0x18600] =	vst v63  }
0x5f: {  	s17 =	simm.s32 @p0 $0xC600  }
0x60: {  	[tilespmem:s17], [sflag:$0x3] =	stream.indirect.gather @p0 [hbm4b:s3+s16], $0x40, s16, s16, $0xb8;
	[tilespmem:$0x18600] =	vst v63  }
0x61: {  	s15 =	rddreg [dreg:$0x4]  }
0x62: {  	[tilespmem:s20], [sflag:$0x6] =	stream.linear.gather @!p0 [hbm4b:s15+s19], $0x100, $0x38;
	[tilespmem:$0x18600] =	vst v63  }
0x63: {  	s17 =	rddreg [dreg:$0x5]  }
0x64: {  	[tilespmem:s21], [sflag:$0x6] =	stream.linear.gather @!p0 [hbm4b:s17+s19], $0x100, $0x38;
	[tilespmem:$0x18600] =	vst v63  }
0x65: {  	_ =	swait.ge @!p0 [sflag:s22], $0x100  }
0x66: {  	[sflag:s22] =	ssyncset.done @!p0 $0x0  }
0x67: {  	[sflag:s22] =	ssyncadd.s32 @!p0 $0xFFFFFF00  }
0x68: {  	_ =	swait.ge @!p0 [sflag:s22], $0x100  }
0x69: {  	[sflag:s22] =	ssyncset.done @!p0 $0x0  }
0x6a: {  	s15 =	simm.s32 @!p0 $0x600;
	[sflag:s22] =	ssyncadd.s32 @!p0 $0xFFFFFF00  }
0x6b: {  	[tilespmem:s15], [sflag:$0x2] =	stream.indirect.gather @!p0 [hbm4b:s3+s23], $0x40, s19, s23, $0xb8;
	[tilespmem:$0x18600] =	vst v63  }
0x6c: {  	s15 =	simm.s32 @!p0 $0xC600  }
0x6d: {  	[tilespmem:s15], [sflag:$0x3] =	stream.indirect.gather @!p0 [hbm4b:s3+s23], $0x40, s23, s23, $0xb8;
	[tilespmem:$0x18600] =	vst v63  }
0x6e: {  	_ =	swait.ge @!p0 [sflag:s26], $0x100  }
0x6f: {  	[sflag:s26] =	ssyncset.done @!p0 $0x0  }
0x70: {  	[sflag:s26] =	ssyncadd.s32 @!p0 $0xFFFFFF00  }
0x71: {  	_ =	swait.ge @!p0 [sflag:s26], $0x100  }
0x72: {  	[sflag:s26] =	ssyncset.done @!p0 $0x0  }
0x73: {  	[sflag:s26] =	ssyncadd.s32 @!p0 $0xFFFFFF00  }
0x74: {  	[tilespmem:s28], [sflag:$0x7] =	stream.indirect.gather @!p0 [hbm4b:s3+s23], $0x40, s20, s23, $0xb8;
	[tilespmem:$0x18600] =	vst v63  }
0x75: {  	_ = 	snop  }
0x76: {  	[tilespmem:s29], [sflag:$0x8] =	stream.indirect.gather @!p0 [hbm4b:s3+s23], $0x40, s21, s23, $0xb8;
	[tilespmem:$0x18600] =	vst v63  }
0x77: {  	_ =	swait.ge [sflag:s11], $0x4000  }
0x78: {  	[sflag:s11] =	ssyncset.done $0x0  }
0x79: {  	[sflag:s11] =	ssyncadd.s32 $0xFFFFC000  }
0x7a: {  	_ =	swait.ge [sflag:s7], $0x4000  }
0x7b: {  	[sflag:s7] =	ssyncset.done $0x0  }
0x7c: {  	s15 =	rddreg [dreg:$0x6];
	[sflag:s7] =	ssyncadd.s32 $0xFFFFC000  }
0x7d: {  	[hbm4b:s15+s4] =	stream.strided.scatter [tilespmem:s18], [sflag:$0x4], $0x4000, s5, s4, $0x38;
	[tilespmem:$0x18600] =	vst v63  }
0x7e: {  	s17 =	rddreg [dreg:$0x7]  }
0x7f: {  	[hbm4b:s17+s4] =	stream.strided.scatter [tilespmem:s24], [sflag:$0x5], $0x4000, s5, s4, $0x38;
	[tilespmem:$0x18600] =	vst v63  }
0x80: {  	_ =	swait.ge [sflag:s8], $0x4000  }
0x81: {  	[sflag:s8] =	ssyncset.done $0x0  }
0x82: {  	[sflag:s8] =	ssyncadd.s32 $0xFFFFC000  }
0x83: {  	_ =	swait.ge [sflag:s6], $0x4000  }
0x84: {  	[sflag:s6] =	ssyncset.done $0x0  }
0x85: {  	[sflag:s6] =	ssyncadd.s32 $0xFFFFC000  }
0x86: {  	_ =	swait.ge @!p0 [sflag:s30], $0x4000  }
0x87: {  	[sflag:s30] =	ssyncset.done @!p0 $0x0  }
0x88: {  	[sflag:s30] =	ssyncadd.s32 @!p0 $0xFFFFC000  }
0x89: {  	_ =	swait.ge @!p0 [sflag:s31], $0x4000  }
0x8a: {  	[sflag:s31] =	ssyncset.done @!p0 $0x0  }
0x8b: {  	s13 =	sadd.s32 $0xFFFFFFFF, s13;
	s15 =	rddreg [dreg:$0x8];
	[sflag:s31] =	ssyncadd.s32 @!p0 $0xFFFFC000  }
0x8c: {  	[hbm4b:s15+s1] =	stream.strided.scatter @!p0 [tilespmem:s28], [sflag:$0x9], $0x4000, s0, s1, $0x38;
	[tilespmem:$0x18600] =	vst v63  }
0x8d: {  	p2 =	sne.s32 s13, $0x0  }
0x8e: {  	[hbm4b:s2+s1] =	stream.strided.scatter @!p0 [tilespmem:s29], [sflag:$0xA], $0x4000, s0, s1, $0x38;
	[tilespmem:$0x18600] =	vst v63  }
.Ltmp2:
0x8f: {  	_ =	swait.ge @!p0 [sflag:s10], $0x4000;
	(pc) =	sbr.rel @p2 .LBB2_4-.Ltmp2, $4  }
0x90: {  	[sflag:s10] =	ssyncset.done @!p0 $0x0  }
0x91: {  	[sflag:s10] =	ssyncadd.s32 @!p0 $0xFFFFC000  }
0x92: {  	_ =	swait.ge @!p0 [sflag:s9], $0x4000  }
0x93: {  	s15 =	rddreg [dreg:$0x2];
	[sflag:s9] =	ssyncset.done @!p0 $0x0  }
0x94: {  	s13 =	stileid.u32;
	s14 =	rddreg [dreg:$0x1]  }
0x95: {  	s17 =	simm.s32 $0x600;
	s18 =	simm.s32 $0xC600;
	s10 =	simm.s32 $0x100  }
.LBB2_6:
0x96: {  	p1 =	por p0, !p1  }
0x97: {  	[sflag:s9] =	ssyncadd.s32 @!p1 $0xFFFFC000  }
0x98: {  	[tilespmem:s12], [sflag:$0x1] =	stream.linear.gather [hbm4b:s15+s12], $0x100, $0x38;
	[tilespmem:$0x18600] =	vst v63  }
0x99: {  	s0 =	rddreg [dreg:$0x3];
	s1 =	simm.s32 @p0 $0x1  }
0x9a: {  	[tilespmem:s10], [sflag:$0x1] =	stream.linear.gather [hbm4b:s0+s12], $0x100, $0x38;
	[tilespmem:$0x18600] =	vst v63  }
0x9b: {  	_ =	swait.ge @p0 [sflag:s1], $0x100  }
0x9c: {  	[sflag:s1] =	ssyncset.done @p0 $0x0  }
0x9d: {  	[sflag:s1] =	ssyncadd.s32 @p0 $0xFFFFFF00  }
0x9e: {  	_ =	swait.ge @p0 [sflag:s1], $0x100  }
0x9f: {  	s9 =	simm.s32 @p0 $0x0;
	[sflag:s1] =	ssyncset.done @p0 $0x0  }
0xa0: {  	s0 =	simm.s32 @p0 $0x600;
	[sflag:s1] =	ssyncadd.s32 @p0 $0xFFFFFF00;
	s1 =	simm.s32 @p0 $0x100  }
0xa1: {  	[tilespmem:s0], [sflag:$0x2] =	stream.indirect.gather @p0 [hbm4b:s3+s1], $0x40, s9, s1, $0xb8;
	[tilespmem:$0x18600] =	vst v63  }
0xa2: {  	s0 =	simm.s32 @p0 $0xC600  }
0xa3: {  	[tilespmem:s0], [sflag:$0x3] =	stream.indirect.gather @p0 [hbm4b:s3+s1], $0x40, s1, s1, $0xb8;
	[tilespmem:$0x18600] =	vst v63  }
0xa4: {  	s9 =	rddreg [dreg:$0x4];
	s0 =	simm.s32 @!p0 $0x0;
	s1 =	simm.s32 @!p0 $0x200  }
0xa5: {  	[tilespmem:s1], [sflag:$0x6] =	stream.linear.gather @!p0 [hbm4b:s9+s0], $0x100, $0x38;
	[tilespmem:$0x18600] =	vst v63  }
0xa6: {  	s12 =	simm.s32 @!p0 $0x1;
	s10 =	rddreg [dreg:$0x5];
	s9 =	simm.s32 @!p0 $0x300  }
0xa7: {  	[tilespmem:s9], [sflag:$0x6] =	stream.linear.gather @!p0 [hbm4b:s10+s0], $0x100, $0x38;
	[tilespmem:$0x18600] =	vst v63  }
0xa8: {  	_ =	swait.ge @!p0 [sflag:s12], $0x100  }
0xa9: {  	[sflag:s12] =	ssyncset.done @!p0 $0x0  }
0xaa: {  	[sflag:s12] =	ssyncadd.s32 @!p0 $0xFFFFFF00  }
0xab: {  	_ =	swait.ge @!p0 [sflag:s12], $0x100  }
0xac: {  	[sflag:s12] =	ssyncset.done @!p0 $0x0  }
0xad: {  	s10 =	simm.s32 @!p0 $0x100;
	[sflag:s12] =	ssyncadd.s32 @!p0 $0xFFFFFF00;
	s12 =	simm.s32 @!p0 $0x600  }
0xae: {  	[tilespmem:s12], [sflag:$0x2] =	stream.indirect.gather @!p0 [hbm4b:s3+s10], $0x40, s0, s10, $0xb8;
	[tilespmem:$0x18600] =	vst v63  }
0xaf: {  	s0 =	simm.s32 @!p0 $0xC600;
	s12 =	simm.s32 @!p0 $0x6  }
0xb0: {  	[tilespmem:s0], [sflag:$0x3] =	stream.indirect.gather @!p0 [hbm4b:s3+s10], $0x40, s10, s10, $0xb8;
	[tilespmem:$0x18600] =	vst v63  }
0xb1: {  	_ =	swait.ge @!p0 [sflag:s12], $0x100  }
0xb2: {  	[sflag:s12] =	ssyncset.done @!p0 $0x0  }
0xb3: {  	[sflag:s12] =	ssyncadd.s32 @!p0 $0xFFFFFF00  }
0xb4: {  	_ =	swait.ge @!p0 [sflag:s12], $0x100  }
0xb5: {  	[sflag:s12] =	ssyncset.done @!p0 $0x0  }
0xb6: {  	s0 =	simm.s32 @!p0 $0x4600;
	[sflag:s12] =	ssyncadd.s32 @!p0 $0xFFFFFF00  }
0xb7: {  	[tilespmem:s0], [sflag:$0x7] =	stream.indirect.gather @!p0 [hbm4b:s3+s10], $0x40, s1, s10, $0xb8;
	[tilespmem:$0x18600] =	vst v63  }
0xb8: {  	s1 =	simm.s32 @!p0 $0x10600  }
0xb9: {  	[tilespmem:s1], [sflag:$0x8] =	stream.indirect.gather @!p0 [hbm4b:s3+s10], $0x40, s9, s10, $0xb8;
	[tilespmem:$0x18600] =	vst v63  }
0xba: {  	_ =	swait.ge [sflag:s11], $0x4000  }
0xbb: {  	[sflag:s11] =	ssyncset.done $0x0  }
0xbc: {  	[sflag:s11] =	ssyncadd.s32 $0xFFFFC000  }
0xbd: {  	_ =	swait.ge [sflag:s7], $0x4000  }
0xbe: {  	[sflag:s7] =	ssyncset.done $0x0  }
0xbf: {  	s30 =	rddreg [dreg:$0x6];
	[sflag:s7] =	ssyncadd.s32 $0xFFFFC000  }
0xc0: {  	[hbm4b:s30+s4] =	stream.strided.scatter [tilespmem:s17], [sflag:$0x4], $0x4000, s5, s4, $0x38;
	[tilespmem:$0x18600] =	vst v63  }
0xc1: {  	s31 =	rddreg [dreg:$0x7]  }
0xc2: {  	[hbm4b:s31+s4] =	stream.strided.scatter [tilespmem:s18], [sflag:$0x5], $0x4000, s5, s4, $0x38;
	[tilespmem:$0x18600] =	vst v63  }
0xc3: {  	_ =	swait.ge [sflag:s8], $0x4000  }
0xc4: {  	[sflag:s8] =	ssyncset.done $0x0  }
0xc5: {  	[sflag:s8] =	ssyncadd.s32 $0xFFFFC000  }
0xc6: {  	_ =	swait.ge [sflag:s6], $0x4000  }
0xc7: {  	[sflag:s6] =	ssyncset.done $0x0  }
0xc8: {  	s3 =	simm.s32 @!p0 $0x7;
	[sflag:s6] =	ssyncadd.s32 $0xFFFFC000  }
0xc9: {  	_ =	swait.ge @!p0 [sflag:s3], $0x4000  }
0xca: {  	[sflag:s3] =	ssyncset.done @!p0 $0x0  }
0xcb: {  	[sflag:s3] =	ssyncadd.s32 @!p0 $0xFFFFC000;
	s3 =	simm.s32 @!p0 $0x8  }
0xcc: {  	_ =	swait.ge @!p0 [sflag:s3], $0x4000  }
0xcd: {  	s5 =	simm.s32 @!p0 $0x80;
	[sflag:s3] =	ssyncset.done @!p0 $0x0  }
0xce: {  	s4 =	rddreg [dreg:$0x8];
	[sflag:s3] =	ssyncadd.s32 @!p0 $0xFFFFC000;
	s3 =	simm.s32 @!p0 $0x40  }
0xcf: {  	[hbm4b:s4+s3] =	stream.strided.scatter @!p0 [tilespmem:s0], [sflag:$0x9], $0x4000, s5, s3, $0x38;
	[tilespmem:$0x18600] =	vst v63  }
0xd0: {  	s0 =	simm.s32 @!p0 $0x9  }
0xd1: {  	[hbm4b:s2+s3] =	stream.strided.scatter @!p0 [tilespmem:s1], [sflag:$0xA], $0x4000, s5, s3, $0x38;
	[tilespmem:$0x18600] =	vst v63  }
0xd2: {  	_ =	swait.ge @!p0 [sflag:s0], $0x4000  }
0xd3: {  	[sflag:s0] =	ssyncset.done @!p0 $0x0  }
0xd4: {  	[sflag:s0] =	ssyncadd.s32 @!p0 $0xFFFFC000;
	s0 =	simm.s32 @!p0 $0xA  }
0xd5: {  	_ =	swait.ge @!p0 [sflag:s0], $0x4000  }
0xd6: {  	[sflag:s0] =	ssyncset.done @!p0 $0x0  }
0xd7: {  	[sflag:s0] =	ssyncadd.s32 @!p0 $0xFFFFC000  }
0xd8: {  	_ =	sfence.sel $0x180000  }
0xd9: {  	[bflag:$0x0] =	sbarrier.arrive $0xFFFF  }
0xda: {  	p0 =	sne.s32 s13, $0x0;
	_ =	strace $0x90000050  }
0xdb: {  	s0 =	sadd.s32 @!p0 $0x100000, s14;
	[bflag:$0x2] =	sbarrier.arrive $0xFFFF  }
0xdc: {  	[sflag:s0] =	ssyncadd.tile.s32 @!p0 $0x1;
	_ =	shalt  }
.LBB2_1:
.Ltmp3:
0xdd: {  	(pc) =	sbr.rel .LBB2_6-.Ltmp3, $2  }
0xde: {  	_ =	sdelay $0x2  }
0xdf: {  	_ = 	snop  }
.LBB2_3:
.Ltmp4:
0xe0: {  	(pc) =	sbr.rel .LBB2_6-.Ltmp4, $3  }
0xe1: {  	_ =	sdelay $0x1  }
0xe2: {  	s13 =	stileid.u32;
	s14 =	rddreg [dreg:$0x1]  }
0xe3: {  	s17 =	simm.s32 $0x600;
	s18 =	simm.s32 $0xC600;
	s10 =	simm.s32 $0x100  }
.Lfunc_end2:
_tile_overlayer_lowered:
.L_overlay_start_2:
0xe4: {  	(tag) =	ssettag $0x2  }
0xe5: {  	s0 =	rddreg [dreg:$0x0];
	s2 =	stileid.u32  }
0xe6: {  	s1 =	rddreg [dreg:$0x1];
	p0 =	sne.s32 s2, $0x0  }
0xe7: {  	s3 =	rddreg [dreg:$0x2];
	[bflag:$0x3] =	sbarrier.arrive $0xFFFF;
	s2 =	simm.s32 @!p0 $0x1C0B  }
0xe8: {  	[timem:s3], [sflag:s2] =	dma.local @!p0 [hbm:s0], s1  }
0xe9: {  	s0 =	simm.s32 @!p0 $0xB  }
0xea: {  	_ =	swait.ge @!p0 [sflag:s0], s1  }
0xeb: {  	s1 =	ssub.s32 @!p0 $0x0, s1;
	[sflag:s0] =	ssyncset.done @!p0 $0x0  }
0xec: {  	[sflag:s0] =	ssyncadd.s32 @!p0 s1  }
0xed: {  	[bflag:$0x3] =	sbarrier.arrive $0xFFFF  }
0xee: {  	_ =	shalt  }

// kernel: _feature_prep.24.cloned.1.call-start
scs
__scs_entry_jumppad:
0x0: {  	(pc) =	sbr.rel $0x88, $3  }
0x1: {  	(tag) =	ssettag $0x0;
	lr =	simm.s32 $0x1  }
0x2: {  	[smem:$0x3F9E] =	sst lr;
	_ =	strace $0xD0000000  }
0x3: {  	_ = 	snop  }
0x4: {  	_ = 	snop  }
0x5: {  	_ = 	snop  }
0x6: {  	_ = 	snop  }
0x7: {  	_ = 	snop  }
__scs_overlays_trampoline_lowered:
0x8: {  	[smem:$0x3FAD] =	sst s0  }
0x9: {  	[smem:$0x3FAE] =	sst s1  }
0xa: {  	[smem:$0x3FAF] =	sst s2  }
0xb: {  	[smem:$0x3FB0] =	sst s3  }
0xc: {  	[smem:$0x3FB1] =	sst s4  }
0xd: {  	[smem:$0x3FB2] =	sst s5  }
0xe: {  	[smem:$0x3FB3] =	sst s6  }
0xf: {  	[smem:$0x3FB4] =	sst s7  }
0x10: {  	[smem:$0x3FB5] =	sst s8  }
0x11: {  	[smem:$0x3FB6] =	sst s9;
	s0 =	simm.s32 @!p0 $0x0  }
0x12: {  	s1 =	sld [smem:$0x3F9C];
	s0 =	simm.s32 @p0 $0x1  }
0x13: {  	[smem:$0x3FB7] =	sst s0;
	s0 =	simm.s32 @!p1 $0x0  }
0x14: {  	s2 =	sld [smem:$0x3F9B];
	s0 =	simm.s32 @p1 $0x1  }
0x15: {  	[smem:$0x3FB8] =	sst s0;
	s0 =	simm.s32 @!p2 $0x0  }
0x16: {  	s3 =	sld [smem:$0x3FDB];
	s0 =	simm.s32 @p2 $0x1  }
0x17: {  	s4 =	simm.s32 $0x1BF5;
	[smem:$0x3FBA] =	sst s0  }
0x18: {  	s0 =	sld [smem:$0x3F9D];
	_ =	swait.ge [sflag:s4], $0x0  }
0x19: {  	s7 =	sld [smem:$0x3F9E]  }
0x1a: {  	s8 =	sadd.s32 $0xFFFFE003, lr  }
0x1b: {  	s9 =	sadd.s32 $0xFFFFFEF7, lr;
	s5 =	simm.s32 $0xFFFFFFFF;
	p2 =	slt.u32 s8, $0xFFFFF086  }
0x1c: {  	p1 =	slt.u32 s9, $0xF7A;
	s5 =	simm.s32 @!p2 $0x0  }
0x1d: {  	s5 =	simm.s32 @p1 $0x1;
	p0 =	seq.s32 s7, s2  }
0x1e: {  	s7 =	smul.u32 @!p0 $0xF7A, s2;
	p2 =	seq.s32 @!p0 s5, $0x0  }
0x1f: {  	s9 =	smul.u32 $0xF7A, s1;
	s8 =	simm.s32 @!p0 $0x1BF5;
	p2 =	por !p2, p0  }
0x20: {  	[sflag:s8] =	ssyncset.s32 @!p0 $0xFFFFF086;
	s6 =	sadd.s32 @!p0 s3, s7;
	s7 =	simm.s32 @!p0 $0x108  }
0x21: {  	s3 =	sadd.s32 s3, s9;
	s6 =	sadd.s32 @!p0 $0x88, s6;
	s7 =	simm.s32 @p2 $0x1082  }
0x22: {  	[simem:s7], [sflag:s8] =	dma.local @!p0 [hbm:s6], $0xF7A  }
0x23: {  	s9 =	sor.u32 $0xD0000000, s2;
	s6 =	simm.s32 $0x108;
	_ =	swait.ge @!p0 [sflag:s8], $0x0  }
0x24: {  	s3 =	sadd.s32 $0x88, s3;
	s6 =	simm.s32 @!p1 $0x1082;
	[sflag:s4] =	ssyncset.s32 $0xFFFFF086  }
0x25: {  	[simem:s6], [sflag:s4] =	dma.local [hbm:s3], $0xF7A  }
0x26: {  	[smem:$0x3F9E] =	sst s1;
	(tag) =	ssettag s2;
	_ =	strace s9  }
0x27: {  	s1 =	sld [smem:$0x3FAE]  }
0x28: {  	s2 =	sld [smem:$0x3FAF]  }
0x29: {  	s4 =	sld [smem:$0x3FB1]  }
0x2a: {  	p0 =	seq.s32 s5, $0x0;
	s5 =	sld [smem:$0x3FB2]  }
0x2b: {  	s6 =	sld [smem:$0x3FB3]  }
0x2c: {  	s7 =	sld [smem:$0x3FB4]  }
0x2d: {  	s3 =	simm.s32 $0x108;
	s8 =	sld [smem:$0x3FB5]  }
0x2e: {  	s3 =	simm.s32 @!p0 $0x1082;
	s9 =	sld [smem:$0x3FB6]  }
0x2f: {  	lr =	sadd.s32 s0, s3;
	s0 =	sld [smem:$0x3FAD]  }
0x30: {  	s3 =	sld [smem:$0x3FB0]  }
0x31: {  	[smem:$0x3FB9] =	sst s10  }
0x32: {  	s10 =	sld [smem:$0x3FB7];
	_ =	sdelay $0x3  }
0x33: {  	p0 =	seq.s32 s10, $0x1;
	s10 =	sld [smem:$0x3FB9];
	_ =	sdelay $0x3  }
0x34: {  	[smem:$0x3FB9] =	sst s10  }
0x35: {  	s10 =	sld [smem:$0x3FB8];
	_ =	sdelay $0x3  }
0x36: {  	p1 =	seq.s32 s10, $0x1;
	s10 =	sld [smem:$0x3FB9];
	_ =	sdelay $0x3  }
0x37: {  	[smem:$0x3FB9] =	sst s10  }
0x38: {  	s10 =	sld [smem:$0x3FBA]  }
0x39: {  	_ = 	snop;
	(pc) =	sbr.ind lr, $3  }
0x3a: {  	_ = 	snop  }
0x3b: {  	_ = 	snop  }
0x3c: {  	p2 =	seq.s32 s10, $0x1;
	s10 =	sld [smem:$0x3FB9]  }
0x3d: {  	_ =	shalt  }
0x3e: {  	_ =	shalt  }
0x3f: {  	_ =	shalt  }
0x40: {  	_ =	shalt  }
0x41: {  	_ =	shalt  }
0x42: {  	_ =	shalt  }
0x43: {  	_ =	shalt  }
0x44: {  	_ =	shalt  }
0x45: {  	_ =	shalt  }
0x46: {  	_ =	shalt  }
0x47: {  	_ =	shalt  }
0x48: {  	_ =	shalt  }
0x49: {  	_ =	shalt  }
0x4a: {  	_ =	shalt  }
0x4b: {  	_ =	shalt  }
0x4c: {  	_ =	shalt  }
0x4d: {  	_ =	shalt  }
0x4e: {  	_ =	shalt  }
0x4f: {  	_ =	shalt  }
0x50: {  	_ =	shalt  }
0x51: {  	_ =	shalt  }
0x52: {  	_ =	shalt  }
0x53: {  	_ =	shalt  }
0x54: {  	_ =	shalt  }
0x55: {  	_ =	shalt  }
0x56: {  	_ =	shalt  }
0x57: {  	_ =	shalt  }
0x58: {  	_ =	shalt  }
0x59: {  	_ =	shalt  }
0x5a: {  	_ =	shalt  }
0x5b: {  	_ =	shalt  }
0x5c: {  	_ =	shalt  }
0x5d: {  	_ =	shalt  }
0x5e: {  	_ =	shalt  }
0x5f: {  	_ =	shalt  }
0x60: {  	_ =	shalt  }
0x61: {  	_ =	shalt  }
0x62: {  	_ =	shalt  }
0x63: {  	_ =	shalt  }
0x64: {  	_ =	shalt  }
0x65: {  	_ =	shalt  }
0x66: {  	_ =	shalt  }
0x67: {  	_ =	shalt  }
0x68: {  	_ =	shalt  }
0x69: {  	_ =	shalt  }
0x6a: {  	_ =	shalt  }
0x6b: {  	_ =	shalt  }
0x6c: {  	_ =	shalt  }
0x6d: {  	_ =	shalt  }
0x6e: {  	_ =	shalt  }
0x6f: {  	_ =	shalt  }
0x70: {  	_ =	shalt  }
0x71: {  	_ =	shalt  }
0x72: {  	_ =	shalt  }
0x73: {  	_ =	shalt  }
0x74: {  	_ =	shalt  }
0x75: {  	_ =	shalt  }
0x76: {  	_ =	shalt  }
0x77: {  	_ =	shalt  }
0x78: {  	_ =	shalt  }
0x79: {  	_ =	shalt  }
0x7a: {  	_ =	shalt  }
0x7b: {  	_ =	shalt  }
0x7c: {  	_ =	shalt  }
0x7d: {  	_ =	shalt  }
0x7e: {  	_ =	shalt  }
0x7f: {  	_ =	shalt  }
0x80: {  	_ =	shalt  }
0x81: {  	_ =	shalt  }
0x82: {  	_ =	shalt  }
0x83: {  	_ =	shalt  }
0x84: {  	_ =	shalt  }
0x85: {  	_ =	shalt  }
0x86: {  	_ =	shalt  }
0x87: {  	_ =	shalt  }
.Lfunc_end0:
.L_simem_size_0:
called_computation.4_lowered:
.L_overlay_start_0:
0x88: {  	s2 =	sld [smem:$0x3FD9]  }
0x89: {  	s3 =	sld [smem:$0x3FFE];
	_ =	sdelay $0x1  }
0x8a: {  	s1 =	srdreg.scid  }
0x8b: {  	s0 =	sand.u32 $0x1, s1  }
0x8c: {  	s17 =	sshll.u32 s0, $0xA;
	s2 =	sadd.s32 s3, s2  }
0x8d: {  	s2 =	sadd.s32 s2, s17  }
0x8e: {  	[smem:$0x3FC5] =	sst s2  }
0x8f: {  	_ = 	snop  }
0x90: {  	(tm) =	ssettm $0x1  }
0x91: {  	s18 =	sld [smem:$0x3FFB];
	_ =	sdelay $0x3  }
0x92: {  	_ =	strace s18  }
0x93: {  	s2 =	sld [smem:$0x3FFC];
	_ =	sdelay $0x3  }
0x94: {  	_ =	strace s2  }
0x95: {  	s2 =	sld [smem:$0x3FFD];
	_ =	sdelay $0x3  }
0x96: {  	_ =	strace s2  }
0x97: {  	_ =	strace $0x8FFFFFFF  }
0x98: {  	s19 =	sld [smem:$0x3FDB];
	_ =	sdelay $0x1  }
0x99: {  	s20 =	simm.s32 $_scs_section_size  }
0x9a: {  	s4 =	simm.s32 $_size__tile_overlayer_lowered;
	s5 =	simm.s32 $_tile_overlayer_lowered  }
0x9b: {  	s6 =	simm.s32 $0x1BFF;
	s21 =	sshll.u32 s5, $0x1;
	s3 =	sadd.s32 s20, s19  }
0x9c: {  	s22 =	simm.s32 $0x0;
	s4 =	sshll.u32 s4, $0x1;
	s5 =	sadd.s32 s21, s3  }
0x9d: {  	[timem:s22], [sflag:s6] =	dma.local [hbm:s5], s4  }
0x9e: {  	_ =	swait.ge [sflag:s6], s4  }
0x9f: {  	s4 =	ssub.s32 $0x0, s4;
	[sflag:s6] =	ssyncset.done $0x0  }
0xa0: {  	[sflag:s6] =	ssyncadd.s32 s4;
	_ =	sdelay $0x1  }
0xa1: {  	s23 =	simm.s32 $0x1B8B  }
0xa2: {  	_ =	swait.ge [sflag:s23], $0x1  }
0xa3: {  	[sflag:s23] =	ssyncset.done $0x0  }
0xa4: {  	[sflag:s23] =	ssyncadd.s32 $0xFFFFFFFF  }
0xa5: {  	s4 =	sld [smem:$0x0]  }
0xa6: {  	s5 =	sand.u32 $0xFFFFFFFE, s1  }
0xa7: {  	p0 =	sne.s32 s1, s5  }
0xa8: {  	s5 =	sshll.u32 @p0 s5, $0xE  }
0xa9: {  	s5 =	sadd.s32 @p0 $0x11B8D, s5;
	s6 =	sshll.u32 @p0 s4, $0x11  }
0xaa: {  	s5 =	sor.u32 @p0 s6, s5  }
0xab: {  	[sflag:s5] =	ssyncadd.remote.s32 @p0 $0x1;
	_ =	sdelay $0x1  }
0xac: {  	s5 =	simm.s32 @p0 $0x1B8D  }
0xad: {  	_ =	swait.eq @p0 [sflag:s5], $0x1  }
0xae: {  	[sflag:s5] =	ssyncadd.s32 @p0 $0xFFFFFFFF  }
0xaf: {  	s6 =	sshll.u32 @!p0 s1, $0xE  }
0xb0: {  	s6 =	sor.u32 @!p0 $0x4000, s6;
	s5 =	simm.s32 @!p0 $0x1B8D  }
0xb1: {  	s4 =	sshll.u32 @!p0 s4, $0x11;
	s6 =	sadd.s32 @!p0 $0x11B8D, s6;
	_ =	swait.eq @!p0 [sflag:s5], $0x1  }
0xb2: {  	s4 =	sor.u32 @!p0 s4, s6;
	[sflag:s5] =	ssyncadd.s32 @!p0 $0xFFFFFFFF  }
0xb3: {  	s25 =	simm.s32 $0x1B8E;
	s24 =	sld [smem:$0x3FFE];
	[sflag:s4] =	ssyncadd.remote.s32 @!p0 $0x1  }
0xb4: {  	s26 =	simm.s32 $execute0_lowered;
	[smem:$0x3FD2] =	sst s25  }
0xb5: {  	s5 =	sshll.u32 s26, $0x1;
	_ =	strace $0x80000052;
	[dreg:$0x1] =	wrdreg $0xFFFFFFFF  }
0xb6: {  	s28 =	simm.s32 $_size_execute0_lowered;
	s3 =	sadd.s32 s3, s5;
	[dreg:$0x0] =	wrdreg $0x0  }
0xb7: {  	s5 =	sshll.u32 s28, $0x1;
	[dreg:$0x2] =	wrdreg s3  }
0xb8: {  	[dreg:$0x3] =	wrdreg s5  }
0xb9: {  	[dreg:$0x4] =	wrdreg $0xC0  }
0xba: {  	_ =	task [dreg:s22], $0x5FFFF  }
0xbb: {  	[dreg:$0x1] =	wrdreg $0xFFFFFFFF  }
0xbc: {  	[dreg:$0x0] =	wrdreg $0x60  }
0xbd: {  	[dreg:$0x2] =	wrdreg s24  }
0xbe: {  	[dreg:$0x3] =	wrdreg $0xD  }
0xbf: {  	_ =	task.clear_ibuf [dreg:s22], $0x4FFFF;
	_ =	strace $0x90000052  }
0xc0: {  	s29 =	simm.s32 $0xD;
	_ =	strace $0x80000054  }
0xc1: {  	_ =	swait.ge [sflag:s29], $0x1  }
0xc2: {  	[sflag:s29] =	ssyncadd.s32 $0xFFFFFFFF  }
0xc3: {  	_ =	strace $0x90000054  }
0xc4: {  	_ =	sfence  }
0xc5: {  	s30 =	sld [smem:$0x0];
	_ =	sdelay $0x2  }
0xc6: {  	s31 =	sshll.u32 s1, $0xD;
	s1 =	sshrl.u32 s1, $0x2  }
0xc7: {  	s4 =	sand.u32 $0x4000, s31;
	s1 =	sadd.s32 s1, s30  }
0xc8: {  	s0 =	sor.u32 s4, s0;
	s1 =	sshll.u32 s1, $0x11  }
0xc9: {  	s0 =	sor.u32 s1, s0  }
0xca: {  	s0 =	sadd.s32 $0x8F2B, s0  }
0xcb: {  	[sflag:s0] =	ssyncadd.remote.s32 $0x1  }
0xcc: {  	_ =	sfence.sel $0xFFFF  }
0xcd: {  	[dreg:$0x0] =	wrdreg $0xFFFFFFFF;
	(pc) =	sbr.abs _section_cstart, $3  }
0xce: {  	[dreg:$0x1] =	wrdreg $0xFFFFFFFF  }
0xcf: {  	_ =	task.clear_ibuf [dreg:s22], $0x2FFFF;
	_ =	strace $0x9FFFFFFF  }
0xd0: {  	(tm) =	ssettm $0x7FFFFFFF  }
0xd1: {  	_ =	shalt  }
tec
execute0_lowered:
.L_overlay_start_1:
0x0: {  	(tag) =	ssettag $0x1  }
0x1: {  	s0 =	srdreg.scid;
	s4 =	rddreg [dreg:$0x0]  }
0x2: {  	s13 =	stileid.u32;
	s14 =	rddreg [dreg:$0x1]  }
0x3: {  	s12 =	simm.s32 $0x0;
	s10 =	simm.s32 $0x100;
	s11 =	simm.s32 $0x2  }
0x4: {  	s17 =	simm.s32 $0x600;
	s18 =	simm.s32 $0xC600;
	s8 =	simm.s32 $0x4  }
0x5: {  	p1 =	por $0x0, $0x0;
	s0 =	sand.u32 $0x1, s0;
	s1 =	sshll.u32 s13, $0x1  }
0x6: {  	s2 =	sshll.u32 s13, $0xA;
	[smem:$0x7FF] =	sst s12;
	s5 =	sadd.s32 $0x3E00, s4  }
0x7: {  	s7 =	sadd.s32 $0x3E80, s4;
	p0 =	sgt.u32 s13, $0x5;
	s1 =	sor.u32 s0, s1  }
0x8: {  	s2 =	sand.u32 $0x3800, s2;
	_ =	strace $0x80000053;
	s0 =	ssub.s32 $0x2, s0  }
0x9: {  	s3 =	sshll.u32 s1, $0x8;
	s1 =	sshll.u32 s1, $0xC;
	s30 =	sshrl.u32 s0, $0x1  }
0xa: {  	s3 =	sand.u32 $0x300, s3;
	s1 =	sadd.s32 s1, s4;
	s0 =	ssub.s32 s0, s30  }
0xb: {  	s2 =	sor.u32 s3, s2;
	s28 =	sadd.s32 $0x8B000, s1;
	s29 =	sadd.s32 $0x8B008, s1  }
0xc: {  	s31 =	sadd.s32 $0xAB000, s1;
	s0 =	smax.u32 s0, $0x1;
	[dreg:$0x6] =	wrdreg s28  }
0xd: {  	s3 =	sadd.s32 $0x13000, s2;
	s2 =	sadd.s32 $0x17000, s2;
	[dreg:$0x7] =	wrdreg s29  }
0xe: {  	[dreg:$0x8] =	wrdreg s31;
	s9 =	sadd.s32 $0xFFFFFFFF, s0;
	s3 =	sshrl.u32 s3, $0x3  }
0xf: {  	s2 =	sshrl.u32 s2, $0x3;
	p2 =	sne.s32 s9, $0x0;
	s6 =	sadd.s32 s5, s3  }
.Ltmp0:
0x10: {  	s3 =	sadd.s32 s3, s7;
	[dreg:$0x2] =	wrdreg s6;
	(pc) =	sbr.rel @!p2 .LBB2_1-.Ltmp0, $4  }
0x11: {  	s26 =	sadd.s32 s5, s2;
	s2 =	sadd.s32 s2, s7;
	[dreg:$0x3] =	wrdreg s3  }
0x12: {  	s7 =	simm.s32 $0x3;
	s5 =	simm.s32 $0x80;
	[dreg:$0x4] =	wrdreg s26  }
0x13: {  	s3 =	sadd.s32 $0x1E00, s4;
	[dreg:$0x5] =	wrdreg s2;
	s2 =	sadd.s32 $0xAB008, s1  }
0x14: {  	s4 =	simm.s32 $0x40;
	s6 =	simm.s32 $0x5;
	s15 =	rddreg [dreg:$0x2]  }
0x15: {  	[tilespmem:s12], [sflag:$0x1] =	stream.linear.gather [hbm4b:s15+s12], $0x100, $0x38;
	[tilespmem:$0x18600] =	vst v63  }
0x16: {  	s0 =	rddreg [dreg:$0x3];
	s14 =	simm.s32 @p0 $0x1  }
0x17: {  	[tilespmem:s10], [sflag:$0x1] =	stream.linear.gather [hbm4b:s0+s12], $0x100, $0x38;
	[tilespmem:$0x18600] =	vst v63  }
0x18: {  	_ =	swait.ge @p0 [sflag:s14], $0x100  }
0x19: {  	[sflag:s14] =	ssyncset.done @p0 $0x0  }
0x1a: {  	[sflag:s14] =	ssyncadd.s32 @p0 $0xFFFFFF00  }
0x1b: {  	_ =	swait.ge @p0 [sflag:s14], $0x100  }
0x1c: {  	s16 =	simm.s32 @p0 $0x100;
	[sflag:s14] =	ssyncset.done @p0 $0x0  }
0x1d: {  	s1 =	simm.s32 @p0 $0x0;
	s0 =	simm.s32 @p0 $0x600;
	[sflag:s14] =	ssyncadd.s32 @p0 $0xFFFFFF00  }
0x1e: {  	[tilespmem:s0], [sflag:$0x2] =	stream.indirect.gather @p0 [hbm4b:s3+s16], $0x40, s1, s16, $0xb8;
	[tilespmem:$0x18600] =	vst v63  }
0x1f: {  	s1 =	simm.s32 @p0 $0xC600  }
0x20: {  	[tilespmem:s1], [sflag:$0x3] =	stream.indirect.gather @p0 [hbm4b:s3+s16], $0x40, s16, s16, $0xb8;
	[tilespmem:$0x18600] =	vst v63  }
0x21: {  	s19 =	simm.s32 @!p0 $0x0;
	s20 =	simm.s32 @!p0 $0x200;
	s0 =	rddreg [dreg:$0x4]  }
0x22: {  	[tilespmem:s20], [sflag:$0x6] =	stream.linear.gather @!p0 [hbm4b:s0+s19], $0x100, $0x38;
	[tilespmem:$0x18600] =	vst v63  }
0x23: {  	s21 =	simm.s32 @!p0 $0x300;
	s22 =	simm.s32 @!p0 $0x1;
	s1 =	rddreg [dreg:$0x5]  }
0x24: {  	[tilespmem:s21], [sflag:$0x6] =	stream.linear.gather @!p0 [hbm4b:s1+s19], $0x100, $0x38;
	[tilespmem:$0x18600] =	vst v63  }
0x25: {  	_ =	swait.ge @!p0 [sflag:s22], $0x100  }
0x26: {  	[sflag:s22] =	ssyncset.done @!p0 $0x0  }
0x27: {  	[sflag:s22] =	ssyncadd.s32 @!p0 $0xFFFFFF00  }
0x28: {  	_ =	swait.ge @!p0 [sflag:s22], $0x100  }
0x29: {  	[sflag:s22] =	ssyncset.done @!p0 $0x0  }
0x2a: {  	s23 =	simm.s32 @!p0 $0x100;
	s0 =	simm.s32 @!p0 $0x600;
	[sflag:s22] =	ssyncadd.s32 @!p0 $0xFFFFFF00  }
0x2b: {  	[tilespmem:s0], [sflag:$0x2] =	stream.indirect.gather @!p0 [hbm4b:s3+s23], $0x40, s19, s23, $0xb8;
	[tilespmem:$0x18600] =	vst v63  }
0x2c: {  	s26 =	simm.s32 @!p0 $0x6;
	s0 =	simm.s32 @!p0 $0xC600  }
0x2d: {  	[tilespmem:s0], [sflag:$0x3] =	stream.indirect.gather @!p0 [hbm4b:s3+s23], $0x40, s23, s23, $0xb8;
	[tilespmem:$0x18600] =	vst v63  }
0x2e: {  	_ =	swait.ge @!p0 [sflag:s26], $0x100  }
0x2f: {  	[sflag:s26] =	ssyncset.done @!p0 $0x0  }
0x30: {  	[sflag:s26] =	ssyncadd.s32 @!p0 $0xFFFFFF00  }
0x31: {  	_ =	swait.ge @!p0 [sflag:s26], $0x100  }
0x32: {  	[sflag:s26] =	ssyncset.done @!p0 $0x0  }
0x33: {  	s28 =	simm.s32 @!p0 $0x4600;
	[sflag:s26] =	ssyncadd.s32 @!p0 $0xFFFFFF00  }
0x34: {  	[tilespmem:s28], [sflag:$0x7] =	stream.indirect.gather @!p0 [hbm4b:s3+s23], $0x40, s20, s23, $0xb8;
	[tilespmem:$0x18600] =	vst v63  }
0x35: {  	s29 =	simm.s32 @!p0 $0x10600  }
0x36: {  	[tilespmem:s29], [sflag:$0x8] =	stream.indirect.gather @!p0 [hbm4b:s3+s23], $0x40, s21, s23, $0xb8;
	[tilespmem:$0x18600] =	vst v63  }
0x37: {  	_ =	swait.ge [sflag:s11], $0x4000  }
0x38: {  	[sflag:s11] =	ssyncset.done $0x0  }
0x39: {  	[sflag:s11] =	ssyncadd.s32 $0xFFFFC000  }
0x3a: {  	_ =	swait.ge [sflag:s7], $0x4000  }
0x3b: {  	[sflag:s7] =	ssyncset.done $0x0  }
0x3c: {  	s24 =	rddreg [dreg:$0x6];
	[sflag:s7] =	ssyncadd.s32 $0xFFFFC000  }
0x3d: {  	[hbm4b:s24+s4] =	stream.strided.scatter [tilespmem:s17], [sflag:$0x4], $0x4000, s5, s4, $0x38;
	[tilespmem:$0x18600] =	vst v63  }
0x3e: {  	s25 =	rddreg [dreg:$0x7]  }
0x3f: {  	[hbm4b:s25+s4] =	stream.strided.scatter [tilespmem:s18], [sflag:$0x5], $0x4000, s5, s4, $0x38;
	[tilespmem:$0x18600] =	vst v63  }
0x40: {  	_ =	swait.ge [sflag:s8], $0x4000  }
0x41: {  	[sflag:s8] =	ssyncset.done $0x0  }
0x42: {  	[sflag:s8] =	ssyncadd.s32 $0xFFFFC000  }
0x43: {  	_ =	swait.ge [sflag:s6], $0x4000  }
0x44: {  	[sflag:s6] =	ssyncset.done $0x0  }
0x45: {  	s30 =	simm.s32 @!p0 $0x7;
	[sflag:s6] =	ssyncadd.s32 $0xFFFFC000  }
0x46: {  	_ =	swait.ge @!p0 [sflag:s30], $0x4000  }
0x47: {  	[sflag:s30] =	ssyncset.done @!p0 $0x0  }
0x48: {  	s31 =	simm.s32 @!p0 $0x8;
	[sflag:s30] =	ssyncadd.s32 @!p0 $0xFFFFC000  }
0x49: {  	_ =	swait.ge @!p0 [sflag:s31], $0x4000  }
0x4a: {  	s13 =	sadd.s32 $0xFFFFFFFF, s9;
	s1 =	simm.s32 @!p0 $0x40;
	[sflag:s31] =	ssyncset.done @!p0 $0x0  }
0x4b: {  	s0 =	simm.s32 @!p0 $0x80;
	s10 =	rddreg [dreg:$0x8];
	[sflag:s31] =	ssyncadd.s32 @!p0 $0xFFFFC000  }
0x4c: {  	[hbm4b:s10+s1] =	stream.strided.scatter @!p0 [tilespmem:s28], [sflag:$0x9], $0x4000, s0, s1, $0x38;
	[tilespmem:$0x18600] =	vst v63  }
0x4d: {  	p2 =	sne.s32 s13, $0x0;
	s10 =	simm.s32 @!p0 $0x9  }
0x4e: {  	[hbm4b:s2+s1] =	stream.strided.scatter @!p0 [tilespmem:s29], [sflag:$0xA], $0x4000, s0, s1, $0x38;
	[tilespmem:$0x18600] =	vst v63  }
.Ltmp1:
0x4f: {  	_ =	swait.ge @!p0 [sflag:s10], $0x4000;
	(pc) =	sbr.rel @!p2 .LBB2_3-.Ltmp1, $4  }
0x50: {  	[sflag:s10] =	ssyncset.done @!p0 $0x0  }
0x51: {  	s9 =	simm.s32 @!p0 $0xA;
	p1 =	por $0x1, $0x1;
	[sflag:s10] =	ssyncadd.s32 @!p0 $0xFFFFC000  }
0x52: {  	s24 =	simm.s32 $0xC600;
	s25 =	simm.s32 $0x100;
	_ =	swait.ge @!p0 [sflag:s9], $0x4000  }
0x53: {  	s18 =	simm.s32 $0x600;
	s15 =	rddreg [dreg:$0x2];
	[sflag:s9] =	ssyncset.done @!p0 $0x0  }
.LBB2_4:
0x54: {  	[sflag:s9] =	ssyncadd.s32 @!p0 $0xFFFFC000  }
0x55: {  	[tilespmem:s12], [sflag:$0x1] =	stream.linear.gather [hbm4b:s15+s12], $0x100, $0x38;
	[tilespmem:$0x18600] =	vst v63  }
0x56: {  	s17 =	rddreg [dreg:$0x3]  }
0x57: {  	[tilespmem:s25], [sflag:$0x1] =	stream.linear.gather [hbm4b:s17+s12], $0x100, $0x38;
	[tilespmem:$0x18600] =	vst v63  }
0x58: {  	_ =	swait.ge @p0 [sflag:s14], $0x100  }
0x59: {  	[sflag:s14] =	ssyncset.done @p0 $0x0  }
0x5a: {  	[sflag:s14] =	ssyncadd.s32 @p0 $0xFFFFFF00  }
0x5b: {  	_ =	swait.ge @p0 [sflag:s14], $0x100  }
0x5c: {  	[sflag:s14] =	ssyncset.done @p0 $0x0  }
0x5d: {  	s15 =	simm.s32 @p0 $0x600;
	s17 =	simm.s32 @p0 $0x0;
	[sflag:s14] =	ssyncadd.s32 @p0 $0xFFFFFF00  }
0x5e: {  	[tilespmem:s15], [sflag:$0x2] =	stream.indirect.gather @p0 [hbm4b:s3+s16], $0x40, s17, s16, $0xb8;
	[tilespmem:$0x18600] =	vst v63  }
0x5f: {  	s17 =	simm.s32 @p0 $0xC600  }
0x60: {  	[tilespmem:s17], [sflag:$0x3] =	stream.indirect.gather @p0 [hbm4b:s3+s16], $0x40, s16, s16, $0xb8;
	[tilespmem:$0x18600] =	vst v63  }
0x61: {  	s15 =	rddreg [dreg:$0x4]  }
0x62: {  	[tilespmem:s20], [sflag:$0x6] =	stream.linear.gather @!p0 [hbm4b:s15+s19], $0x100, $0x38;
	[tilespmem:$0x18600] =	vst v63  }
0x63: {  	s17 =	rddreg [dreg:$0x5]  }
0x64: {  	[tilespmem:s21], [sflag:$0x6] =	stream.linear.gather @!p0 [hbm4b:s17+s19], $0x100, $0x38;
	[tilespmem:$0x18600] =	vst v63  }
0x65: {  	_ =	swait.ge @!p0 [sflag:s22], $0x100  }
0x66: {  	[sflag:s22] =	ssyncset.done @!p0 $0x0  }
0x67: {  	[sflag:s22] =	ssyncadd.s32 @!p0 $0xFFFFFF00  }
0x68: {  	_ =	swait.ge @!p0 [sflag:s22], $0x100  }
0x69: {  	[sflag:s22] =	ssyncset.done @!p0 $0x0  }
0x6a: {  	s15 =	simm.s32 @!p0 $0x600;
	[sflag:s22] =	ssyncadd.s32 @!p0 $0xFFFFFF00  }
0x6b: {  	[tilespmem:s15], [sflag:$0x2] =	stream.indirect.gather @!p0 [hbm4b:s3+s23], $0x40, s19, s23, $0xb8;
	[tilespmem:$0x18600] =	vst v63  }
0x6c: {  	s15 =	simm.s32 @!p0 $0xC600  }
0x6d: {  	[tilespmem:s15], [sflag:$0x3] =	stream.indirect.gather @!p0 [hbm4b:s3+s23], $0x40, s23, s23, $0xb8;
	[tilespmem:$0x18600] =	vst v63  }
0x6e: {  	_ =	swait.ge @!p0 [sflag:s26], $0x100  }
0x6f: {  	[sflag:s26] =	ssyncset.done @!p0 $0x0  }
0x70: {  	[sflag:s26] =	ssyncadd.s32 @!p0 $0xFFFFFF00  }
0x71: {  	_ =	swait.ge @!p0 [sflag:s26], $0x100  }
0x72: {  	[sflag:s26] =	ssyncset.done @!p0 $0x0  }
0x73: {  	[sflag:s26] =	ssyncadd.s32 @!p0 $0xFFFFFF00  }
0x74: {  	[tilespmem:s28], [sflag:$0x7] =	stream.indirect.gather @!p0 [hbm4b:s3+s23], $0x40, s20, s23, $0xb8;
	[tilespmem:$0x18600] =	vst v63  }
0x75: {  	_ = 	snop  }
0x76: {  	[tilespmem:s29], [sflag:$0x8] =	stream.indirect.gather @!p0 [hbm4b:s3+s23], $0x40, s21, s23, $0xb8;
	[tilespmem:$0x18600] =	vst v63  }
0x77: {  	_ =	swait.ge [sflag:s11], $0x4000  }
0x78: {  	[sflag:s11] =	ssyncset.done $0x0  }
0x79: {  	[sflag:s11] =	ssyncadd.s32 $0xFFFFC000  }
0x7a: {  	_ =	swait.ge [sflag:s7], $0x4000  }
0x7b: {  	[sflag:s7] =	ssyncset.done $0x0  }
0x7c: {  	s15 =	rddreg [dreg:$0x6];
	[sflag:s7] =	ssyncadd.s32 $0xFFFFC000  }
0x7d: {  	[hbm4b:s15+s4] =	stream.strided.scatter [tilespmem:s18], [sflag:$0x4], $0x4000, s5, s4, $0x38;
	[tilespmem:$0x18600] =	vst v63  }
0x7e: {  	s17 =	rddreg [dreg:$0x7]  }
0x7f: {  	[hbm4b:s17+s4] =	stream.strided.scatter [tilespmem:s24], [sflag:$0x5], $0x4000, s5, s4, $0x38;
	[tilespmem:$0x18600] =	vst v63  }
0x80: {  	_ =	swait.ge [sflag:s8], $0x4000  }
0x81: {  	[sflag:s8] =	ssyncset.done $0x0  }
0x82: {  	[sflag:s8] =	ssyncadd.s32 $0xFFFFC000  }
0x83: {  	_ =	swait.ge [sflag:s6], $0x4000  }
0x84: {  	[sflag:s6] =	ssyncset.done $0x0  }
0x85: {  	[sflag:s6] =	ssyncadd.s32 $0xFFFFC000  }
0x86: {  	_ =	swait.ge @!p0 [sflag:s30], $0x4000  }
0x87: {  	[sflag:s30] =	ssyncset.done @!p0 $0x0  }
0x88: {  	[sflag:s30] =	ssyncadd.s32 @!p0 $0xFFFFC000  }
0x89: {  	_ =	swait.ge @!p0 [sflag:s31], $0x4000  }
0x8a: {  	[sflag:s31] =	ssyncset.done @!p0 $0x0  }
0x8b: {  	s13 =	sadd.s32 $0xFFFFFFFF, s13;
	s15 =	rddreg [dreg:$0x8];
	[sflag:s31] =	ssyncadd.s32 @!p0 $0xFFFFC000  }
0x8c: {  	[hbm4b:s15+s1] =	stream.strided.scatter @!p0 [tilespmem:s28], [sflag:$0x9], $0x4000, s0, s1, $0x38;
	[tilespmem:$0x18600] =	vst v63  }
0x8d: {  	p2 =	sne.s32 s13, $0x0  }
0x8e: {  	[hbm4b:s2+s1] =	stream.strided.scatter @!p0 [tilespmem:s29], [sflag:$0xA], $0x4000, s0, s1, $0x38;
	[tilespmem:$0x18600] =	vst v63  }
.Ltmp2:
0x8f: {  	_ =	swait.ge @!p0 [sflag:s10], $0x4000;
	(pc) =	sbr.rel @p2 .LBB2_4-.Ltmp2, $4  }
0x90: {  	[sflag:s10] =	ssyncset.done @!p0 $0x0  }
0x91: {  	[sflag:s10] =	ssyncadd.s32 @!p0 $0xFFFFC000  }
0x92: {  	_ =	swait.ge @!p0 [sflag:s9], $0x4000  }
0x93: {  	s15 =	rddreg [dreg:$0x2];
	[sflag:s9] =	ssyncset.done @!p0 $0x0  }
0x94: {  	s13 =	stileid.u32;
	s14 =	rddreg [dreg:$0x1]  }
0x95: {  	s17 =	simm.s32 $0x600;
	s18 =	simm.s32 $0xC600;
	s10 =	simm.s32 $0x100  }
.LBB2_6:
0x96: {  	p1 =	por p0, !p1  }
0x97: {  	[sflag:s9] =	ssyncadd.s32 @!p1 $0xFFFFC000  }
0x98: {  	[tilespmem:s12], [sflag:$0x1] =	stream.linear.gather [hbm4b:s15+s12], $0x100, $0x38;
	[tilespmem:$0x18600] =	vst v63  }
0x99: {  	s0 =	rddreg [dreg:$0x3];
	s1 =	simm.s32 @p0 $0x1  }
0x9a: {  	[tilespmem:s10], [sflag:$0x1] =	stream.linear.gather [hbm4b:s0+s12], $0x100, $0x38;
	[tilespmem:$0x18600] =	vst v63  }
0x9b: {  	_ =	swait.ge @p0 [sflag:s1], $0x100  }
0x9c: {  	[sflag:s1] =	ssyncset.done @p0 $0x0  }
0x9d: {  	[sflag:s1] =	ssyncadd.s32 @p0 $0xFFFFFF00  }
0x9e: {  	_ =	swait.ge @p0 [sflag:s1], $0x100  }
0x9f: {  	s9 =	simm.s32 @p0 $0x0;
	[sflag:s1] =	ssyncset.done @p0 $0x0  }
0xa0: {  	s0 =	simm.s32 @p0 $0x600;
	[sflag:s1] =	ssyncadd.s32 @p0 $0xFFFFFF00;
	s1 =	simm.s32 @p0 $0x100  }
0xa1: {  	[tilespmem:s0], [sflag:$0x2] =	stream.indirect.gather @p0 [hbm4b:s3+s1], $0x40, s9, s1, $0xb8;
	[tilespmem:$0x18600] =	vst v63  }
0xa2: {  	s0 =	simm.s32 @p0 $0xC600  }
0xa3: {  	[tilespmem:s0], [sflag:$0x3] =	stream.indirect.gather @p0 [hbm4b:s3+s1], $0x40, s1, s1, $0xb8;
	[tilespmem:$0x18600] =	vst v63  }
0xa4: {  	s9 =	rddreg [dreg:$0x4];
	s0 =	simm.s32 @!p0 $0x0;
	s1 =	simm.s32 @!p0 $0x200  }
0xa5: {  	[tilespmem:s1], [sflag:$0x6] =	stream.linear.gather @!p0 [hbm4b:s9+s0], $0x100, $0x38;
	[tilespmem:$0x18600] =	vst v63  }
0xa6: {  	s12 =	simm.s32 @!p0 $0x1;
	s10 =	rddreg [dreg:$0x5];
	s9 =	simm.s32 @!p0 $0x300  }
0xa7: {  	[tilespmem:s9], [sflag:$0x6] =	stream.linear.gather @!p0 [hbm4b:s10+s0], $0x100, $0x38;
	[tilespmem:$0x18600] =	vst v63  }
0xa8: {  	_ =	swait.ge @!p0 [sflag:s12], $0x100  }
0xa9: {  	[sflag:s12] =	ssyncset.done @!p0 $0x0  }
0xaa: {  	[sflag:s12] =	ssyncadd.s32 @!p0 $0xFFFFFF00  }
0xab: {  	_ =	swait.ge @!p0 [sflag:s12], $0x100  }
0xac: {  	[sflag:s12] =	ssyncset.done @!p0 $0x0  }
0xad: {  	s10 =	simm.s32 @!p0 $0x100;
	[sflag:s12] =	ssyncadd.s32 @!p0 $0xFFFFFF00;
	s12 =	simm.s32 @!p0 $0x600  }
0xae: {  	[tilespmem:s12], [sflag:$0x2] =	stream.indirect.gather @!p0 [hbm4b:s3+s10], $0x40, s0, s10, $0xb8;
	[tilespmem:$0x18600] =	vst v63  }
0xaf: {  	s0 =	simm.s32 @!p0 $0xC600;
	s12 =	simm.s32 @!p0 $0x6  }
0xb0: {  	[tilespmem:s0], [sflag:$0x3] =	stream.indirect.gather @!p0 [hbm4b:s3+s10], $0x40, s10, s10, $0xb8;
	[tilespmem:$0x18600] =	vst v63  }
0xb1: {  	_ =	swait.ge @!p0 [sflag:s12], $0x100  }
0xb2: {  	[sflag:s12] =	ssyncset.done @!p0 $0x0  }
0xb3: {  	[sflag:s12] =	ssyncadd.s32 @!p0 $0xFFFFFF00  }
0xb4: {  	_ =	swait.ge @!p0 [sflag:s12], $0x100  }
0xb5: {  	[sflag:s12] =	ssyncset.done @!p0 $0x0  }
0xb6: {  	s0 =	simm.s32 @!p0 $0x4600;
	[sflag:s12] =	ssyncadd.s32 @!p0 $0xFFFFFF00  }
0xb7: {  	[tilespmem:s0], [sflag:$0x7] =	stream.indirect.gather @!p0 [hbm4b:s3+s10], $0x40, s1, s10, $0xb8;
	[tilespmem:$0x18600] =	vst v63  }
0xb8: {  	s1 =	simm.s32 @!p0 $0x10600  }
0xb9: {  	[tilespmem:s1], [sflag:$0x8] =	stream.indirect.gather @!p0 [hbm4b:s3+s10], $0x40, s9, s10, $0xb8;
	[tilespmem:$0x18600] =	vst v63  }
0xba: {  	_ =	swait.ge [sflag:s11], $0x4000  }
0xbb: {  	[sflag:s11] =	ssyncset.done $0x0  }
0xbc: {  	[sflag:s11] =	ssyncadd.s32 $0xFFFFC000  }
0xbd: {  	_ =	swait.ge [sflag:s7], $0x4000  }
0xbe: {  	[sflag:s7] =	ssyncset.done $0x0  }
0xbf: {  	s30 =	rddreg [dreg:$0x6];
	[sflag:s7] =	ssyncadd.s32 $0xFFFFC000  }
0xc0: {  	[hbm4b:s30+s4] =	stream.strided.scatter [tilespmem:s17], [sflag:$0x4], $0x4000, s5, s4, $0x38;
	[tilespmem:$0x18600] =	vst v63  }
0xc1: {  	s31 =	rddreg [dreg:$0x7]  }
0xc2: {  	[hbm4b:s31+s4] =	stream.strided.scatter [tilespmem:s18], [sflag:$0x5], $0x4000, s5, s4, $0x38;
	[tilespmem:$0x18600] =	vst v63  }
0xc3: {  	_ =	swait.ge [sflag:s8], $0x4000  }
0xc4: {  	[sflag:s8] =	ssyncset.done $0x0  }
0xc5: {  	[sflag:s8] =	ssyncadd.s32 $0xFFFFC000  }
0xc6: {  	_ =	swait.ge [sflag:s6], $0x4000  }
0xc7: {  	[sflag:s6] =	ssyncset.done $0x0  }
0xc8: {  	s3 =	simm.s32 @!p0 $0x7;
	[sflag:s6] =	ssyncadd.s32 $0xFFFFC000  }
0xc9: {  	_ =	swait.ge @!p0 [sflag:s3], $0x4000  }
0xca: {  	[sflag:s3] =	ssyncset.done @!p0 $0x0  }
0xcb: {  	[sflag:s3] =	ssyncadd.s32 @!p0 $0xFFFFC000;
	s3 =	simm.s32 @!p0 $0x8  }
0xcc: {  	_ =	swait.ge @!p0 [sflag:s3], $0x4000  }
0xcd: {  	s5 =	simm.s32 @!p0 $0x80;
	[sflag:s3] =	ssyncset.done @!p0 $0x0  }
0xce: {  	s4 =	rddreg [dreg:$0x8];
	[sflag:s3] =	ssyncadd.s32 @!p0 $0xFFFFC000;
	s3 =	simm.s32 @!p0 $0x40  }
0xcf: {  	[hbm4b:s4+s3] =	stream.strided.scatter @!p0 [tilespmem:s0], [sflag:$0x9], $0x4000, s5, s3, $0x38;
	[tilespmem:$0x18600] =	vst v63  }
0xd0: {  	s0 =	simm.s32 @!p0 $0x9  }
0xd1: {  	[hbm4b:s2+s3] =	stream.strided.scatter @!p0 [tilespmem:s1], [sflag:$0xA], $0x4000, s5, s3, $0x38;
	[tilespmem:$0x18600] =	vst v63  }
0xd2: {  	_ =	swait.ge @!p0 [sflag:s0], $0x4000  }
0xd3: {  	[sflag:s0] =	ssyncset.done @!p0 $0x0  }
0xd4: {  	[sflag:s0] =	ssyncadd.s32 @!p0 $0xFFFFC000;
	s0 =	simm.s32 @!p0 $0xA  }
0xd5: {  	_ =	swait.ge @!p0 [sflag:s0], $0x4000  }
0xd6: {  	[sflag:s0] =	ssyncset.done @!p0 $0x0  }
0xd7: {  	[sflag:s0] =	ssyncadd.s32 @!p0 $0xFFFFC000  }
0xd8: {  	_ =	sfence.sel $0x180000  }
0xd9: {  	[bflag:$0x0] =	sbarrier.arrive $0xFFFF  }
0xda: {  	p0 =	sne.s32 s13, $0x0;
	_ =	strace $0x90000053  }
0xdb: {  	s0 =	sadd.s32 @!p0 $0x100000, s14;
	[bflag:$0x2] =	sbarrier.arrive $0xFFFF  }
0xdc: {  	[sflag:s0] =	ssyncadd.tile.s32 @!p0 $0x1;
	_ =	shalt  }
.LBB2_1:
.Ltmp3:
0xdd: {  	(pc) =	sbr.rel .LBB2_6-.Ltmp3, $2  }
0xde: {  	_ =	sdelay $0x2  }
0xdf: {  	_ = 	snop  }
.LBB2_3:
.Ltmp4:
0xe0: {  	(pc) =	sbr.rel .LBB2_6-.Ltmp4, $3  }
0xe1: {  	_ =	sdelay $0x1  }
0xe2: {  	s13 =	stileid.u32;
	s14 =	rddreg [dreg:$0x1]  }
0xe3: {  	s17 =	simm.s32 $0x600;
	s18 =	simm.s32 $0xC600;
	s10 =	simm.s32 $0x100  }
.Lfunc_end2:
_tile_overlayer_lowered:
.L_overlay_start_2:
0xe4: {  	(tag) =	ssettag $0x2  }
0xe5: {  	s0 =	rddreg [dreg:$0x0];
	s2 =	stileid.u32  }
0xe6: {  	s1 =	rddreg [dreg:$0x1];
	p0 =	sne.s32 s2, $0x0  }
0xe7: {  	s3 =	rddreg [dreg:$0x2];
	[bflag:$0x3] =	sbarrier.arrive $0xFFFF;
	s2 =	simm.s32 @!p0 $0x1C0B  }
0xe8: {  	[timem:s3], [sflag:s2] =	dma.local @!p0 [hbm:s0], s1  }
0xe9: {  	s0 =	simm.s32 @!p0 $0xB  }
0xea: {  	_ =	swait.ge @!p0 [sflag:s0], s1  }
0xeb: {  	s1 =	ssub.s32 @!p0 $0x0, s1;
	[sflag:s0] =	ssyncset.done @!p0 $0x0  }
0xec: {  	[sflag:s0] =	ssyncadd.s32 @!p0 s1  }
0xed: {  	[bflag:$0x3] =	sbarrier.arrive $0xFFFF  }
0xee: {  	_ =	shalt  }

</sc_bundles>
